<compile_context>
chip_gen: v7x
topology: tpu7x:2x2x1
jax: 0.10.2.dev20260603
libtpu: 0.0.44.dev20260713+nightly
codegen_flags: <defaults>
</compile_context>

<pallas_src>
import functools
import math

import jax
import jax.numpy as jnp
from jax import lax
from jax.experimental import pallas as pl
from jax.experimental.pallas import tpu as pltpu
from jax.experimental.pallas import tpu_sc as plsc

N = 100000
N_PAD = 100352
E = 1600000
E_PAD = 1638400
CH = 800
CHA = 3200
NSUB = 16
ROWS_PW = N_PAD // NSUB
RB = 2048
INT_MIN = -(2 ** 31)



def _sc_deg(a, srcp, dstp, za):
    mesh = plsc.VectorSubcoreMesh(core_axis_name="c", subcore_axis_name="s")

    @functools.partial(
        pl.kernel,
        out_type=jax.ShapeDtypeStruct((2 * N_PAD,), jnp.float32),
        mesh=mesh,
        scratch_types=[
            pltpu.VMEM((CHA,), jnp.int32),
            pltpu.VMEM((CHA,), jnp.int32),
            pltpu.VMEM((CHA,), jnp.float32),
            pltpu.VMEM((CHA,), jnp.int32),
            pltpu.VMEM((CHA,), jnp.int32),
            pltpu.VMEM((CHA,), jnp.float32),
            pltpu.VMEM_SHARED((N_PAD,), jnp.float32),
            pltpu.SemaphoreType.DMA,
            pltpu.SemaphoreType.DMA,
        ],
        compiler_params=pltpu.CompilerParams(use_tc_tiling_on_sc=False),
    )
    def body(a_hbm, src_hbm, dst_hbm, za_hbm, out_hbm,
             sidx0, didx0, av0, sidx1, didx1, av1, acc, sem0, sem1):
        c = lax.axis_index("c")
        s = lax.axis_index("s")
        pltpu.sync_copy(za_hbm, acc.at[pl.ds(s * ROWS_PW, ROWS_PW)])
        plsc.subcore_barrier()
        w = c * NSUB + s
        ebase = w * (E_PAD // 32)
        n_chunks = E_PAD // 32 // CHA
        bufs = ((sidx0, didx0, av0, sem0), (sidx1, didx1, av1, sem1))

        for b in range(2):
            sidx, didx, av, sem = bufs[b]
            pltpu.sync_copy(src_hbm.at[pl.ds(ebase + b * CHA, CHA)], sidx)
            pltpu.sync_copy(dst_hbm.at[pl.ds(ebase + b * CHA, CHA)], didx)
            pltpu.async_copy(a_hbm.at[sidx], av, sem)

        def step(g, carry):
            for b in range(2):
                sidx, didx, av, sem = bufs[b]
                pltpu.make_async_copy(a_hbm.at[sidx], av, sem).wait()
                pltpu.sync_copy(av, acc.at[didx], add=True)
                base = ebase + (2 * g + b + 2) * CHA
                pltpu.sync_copy(src_hbm.at[pl.ds(base, CHA)], sidx)
                pltpu.sync_copy(dst_hbm.at[pl.ds(base, CHA)], didx)
                pltpu.async_copy(a_hbm.at[sidx], av, sem)
            return carry

        lax.fori_loop(0, (n_chunks - 2) // 2, step, 0)
        for b in range(2):
            sidx, didx, av, sem = bufs[b]
            pltpu.make_async_copy(a_hbm.at[sidx], av, sem).wait()
            pltpu.sync_copy(av, acc.at[didx], add=True)
        plsc.subcore_barrier()
        pltpu.sync_copy(acc.at[pl.ds(s * ROWS_PW, ROWS_PW)],
                        out_hbm.at[pl.ds(c * N_PAD + s * ROWS_PW, ROWS_PW)])

    return body(a, srcp, dstp, za)


def _sc_gather_add(y2, src2, dstp, zb):
    mesh = plsc.VectorSubcoreMesh(core_axis_name="c", subcore_axis_name="s")

    @functools.partial(
        pl.kernel,
        out_type=jax.ShapeDtypeStruct((2 * N_PAD, 16), jnp.float32),
        mesh=mesh,
        scratch_types=[
            pltpu.VMEM((CH,), jnp.int32),
            pltpu.VMEM((CH,), jnp.int32),
            pltpu.VMEM((CH, 16), jnp.float32),
            pltpu.VMEM((CH,), jnp.int32),
            pltpu.VMEM((CH,), jnp.int32),
            pltpu.VMEM((CH, 16), jnp.float32),
            pltpu.VMEM_SHARED((N_PAD, 16), jnp.float32),
            pltpu.SemaphoreType.DMA,
            pltpu.SemaphoreType.DMA,
        ],
        compiler_params=pltpu.CompilerParams(use_tc_tiling_on_sc=False),
    )
    def body(y2_hbm, src_hbm, dst_hbm, zb_hbm, out_hbm,
             sidx0, didx0, rows0, sidx1, didx1, rows1, acc, sem0, sem1):
        c = lax.axis_index("c")
        s = lax.axis_index("s")
        pltpu.sync_copy(zb_hbm, acc.at[pl.ds(s * ROWS_PW, ROWS_PW)])
        plsc.subcore_barrier()
        ebase = s * (E_PAD // NSUB)
        n_chunks = E_PAD // NSUB // CH
        bufs = ((sidx0, didx0, rows0, sem0), (sidx1, didx1, rows1, sem1))

        for b in range(2):
            sidx, didx, rows, sem = bufs[b]
            pltpu.sync_copy(src_hbm.at[pl.ds(c * E_PAD + ebase + b * CH, CH)],
                            sidx)
            pltpu.sync_copy(dst_hbm.at[pl.ds(ebase + b * CH, CH)], didx)
            pltpu.async_copy(y2_hbm.at[sidx], rows, sem)

        def step(g, carry):
            for b in range(2):
                sidx, didx, rows, sem = bufs[b]
                pltpu.make_async_copy(y2_hbm.at[sidx], rows, sem).wait()
                pltpu.sync_copy(rows, acc.at[didx], add=True)
                base = ebase + (2 * g + b + 2) * CH
                pltpu.sync_copy(src_hbm.at[pl.ds(c * E_PAD + base, CH)], sidx)
                pltpu.sync_copy(dst_hbm.at[pl.ds(base, CH)], didx)
                pltpu.async_copy(y2_hbm.at[sidx], rows, sem)
            return carry

        lax.fori_loop(0, (n_chunks - 2) // 2, step, 0)
        for b in range(2):
            sidx, didx, rows, sem = bufs[b]
            pltpu.make_async_copy(y2_hbm.at[sidx], rows, sem).wait()
            pltpu.sync_copy(rows, acc.at[didx], add=True)
        plsc.subcore_barrier()
        pltpu.sync_copy(acc.at[pl.ds(s * ROWS_PW, ROWS_PW)],
                        out_hbm.at[pl.ds(c * N_PAD + s * ROWS_PW, ROWS_PW)])

    return body(y2, src2, dstp, zb)



def _tc_mprep(cdeg, a, s, h, W):
    F = h.shape[1]

    def body(cd_ref, a_ref, s_ref, h_ref, w_ref, y2_ref, dis_ref, xw_ref):
        xw = jnp.dot(s_ref[...][:, None] * h_ref[...], w_ref[...],
                     preferred_element_type=jnp.float32)
        deg = cd_ref[0, :] + cd_ref[1, :]
        av = a_ref[...]
        dis = lax.rsqrt(av * deg + 1.0)
        g = av * dis
        y2_ref[0] = xw[:, :16] * g[:, None]
        y2_ref[1] = xw[:, 16:] * g[:, None]
        dis_ref[...] = dis
        xw_ref[...] = xw

    return pl.pallas_call(
        body,
        grid=(N_PAD // RB,),
        in_specs=[
            pl.BlockSpec((2, RB), lambda i: (0, i)),
            pl.BlockSpec((RB,), lambda i: (i,)),
            pl.BlockSpec((RB,), lambda i: (i,)),
            pl.BlockSpec((RB, F), lambda i: (i, 0)),
            pl.BlockSpec((F, 32), lambda i: (0, 0)),
        ],
        out_specs=[
            pl.BlockSpec((2, RB, 16), lambda i: (0, i, 0)),
            pl.BlockSpec((RB,), lambda i: (i,)),
            pl.BlockSpec((RB, 32), lambda i: (i, 0)),
        ],
        out_shape=[
            jax.ShapeDtypeStruct((2, N_PAD, 16), jnp.float32),
            jax.ShapeDtypeStruct((N_PAD,), jnp.float32),
            jax.ShapeDtypeStruct((N_PAD, 32), jnp.float32),
        ],
    )(cdeg, a, s, h, W)


def _tc_post(acc2, xw, dis, a, b, p):

    def body(acc_ref, xw_ref, dis_ref, a_ref, b_ref, p_ref, h_ref, ht_ref,
             sc_ref, key_ref):
        dis = dis_ref[...]
        av = a_ref[...]
        acc = jnp.concatenate([acc_ref[0], acc_ref[1]], axis=1)
        pre = dis[:, None] * acc + (dis * dis)[:, None] * xw_ref[...] + b_ref[...][None, :]
        h = jnp.maximum(pre * av[:, None], 0.0)
        h_ref[...] = h
        ht_ref[...] = h.T
        pv = p_ref[...]
        pn = jnp.sqrt(jnp.sum(pv * pv)) + 1e-16
        proj = jnp.sum(h * (pv / pn)[None, :], axis=1)
        sc = jnp.tanh(proj)
        sc_ref[...] = sc
        bits = lax.bitcast_convert_type(sc, jnp.int32)
        key = bits ^ jnp.where(bits < 0, jnp.int32(0x7FFFFFFF), jnp.int32(0))
        key_ref[...] = jnp.where(av > 0, key, jnp.int32(INT_MIN))

    return pl.pallas_call(
        body,
        grid=(N_PAD // RB,),
        in_specs=[
            pl.BlockSpec((2, RB, 16), lambda i: (0, i, 0)),
            pl.BlockSpec((RB, 32), lambda i: (i, 0)),
            pl.BlockSpec((RB,), lambda i: (i,)),
            pl.BlockSpec((RB,), lambda i: (i,)),
            pl.BlockSpec((32,), lambda i: (0,)),
            pl.BlockSpec((32,), lambda i: (0,)),
        ],
        out_specs=[
            pl.BlockSpec((RB, 32), lambda i: (i, 0)),
            pl.BlockSpec((32, RB), lambda i: (0, i)),
            pl.BlockSpec((RB,), lambda i: (i,)),
            pl.BlockSpec((RB,), lambda i: (i,)),
        ],
        out_shape=[
            jax.ShapeDtypeStruct((N_PAD, 32), jnp.float32),
            jax.ShapeDtypeStruct((32, N_PAD), jnp.float32),
            jax.ShapeDtypeStruct((N_PAD,), jnp.float32),
            jax.ShapeDtypeStruct((N_PAD,), jnp.int32),
        ],
    )(acc2, xw, dis, a, b, p)


def _tc_searchsel(keyw, key, score, hT, k):
    nb = N_PAD // RB

    def body(kw_ref, key_ref, sc_ref, ht_ref, s_ref, a_ref, mx_ref, sm_ref,
             ti_ref):
        i = pl.program_id(0)

        @pl.when(i == 0)
        def _():
            kw = kw_ref[...]
            kk = jnp.int32(k)

            def bit_step(t, B):
                trial = B | (jnp.int32(1) << (31 - t))
                tcmp = trial ^ INT_MIN
                cnt = jnp.sum((kw >= tcmp).astype(jnp.int32))
                return jnp.where(cnt >= kk, trial, B)

            B = lax.fori_loop(0, 32, bit_step, jnp.int32(0))
            T = B ^ INT_MIN
            c_gt = jnp.sum((kw > T).astype(jnp.int32))
            need = kk - c_gt
            eq = kw == T
            idxw = (lax.broadcasted_iota(jnp.int32, (N_PAD // 128, 128), 0) * 128
                    + lax.broadcasted_iota(jnp.int32, (N_PAD // 128, 128), 1))

            def i0_step(t, lohi):
                lo, hi = lohi
                mid = (lo + hi) // 2
                cnt = jnp.sum((eq & (idxw < mid)).astype(jnp.int32))
                take = cnt >= need
                return (jnp.where(take, lo, mid + 1), jnp.where(take, mid, hi))

            _, i0 = lax.fori_loop(0, 17, i0_step,
                                  (jnp.int32(0), jnp.int32(N_PAD)))
            ti_ref[0] = T
            ti_ref[1] = i0

        @pl.when(i > 0)
        def _():
            T = ti_ref[0]
            i0 = ti_ref[1]
            kv = key_ref[...]
            idx = (i - 1) * RB + lax.broadcasted_iota(jnp.int32, (RB,), 0)
            sel = (kv > T) | ((kv == T) & (idx < i0))
            sv = jnp.where(sel, sc_ref[...], 0.0)
            s_ref[...] = sv
            a_ref[...] = sel.astype(jnp.float32)
            vals = sv[None, :] * ht_ref[...]
            bm = jnp.max(jnp.where(sel[None, :], vals, -jnp.inf), axis=1,
                         keepdims=True)
            bs = jnp.sum(vals, axis=1, keepdims=True)

            @pl.when(i == 1)
            def _():
                mx_ref[...] = jnp.full((32, 1), -jnp.inf, jnp.float32)
                sm_ref[...] = jnp.zeros((32, 1), jnp.float32)

            mx_ref[...] = jnp.maximum(mx_ref[...], bm)
            sm_ref[...] = sm_ref[...] + bs * (1.0 / k)

    blk = lambda i: (jnp.maximum(i - 1, 0),)
    return pl.pallas_call(
        body,
        grid=(nb + 1,),
        in_specs=[
            pl.BlockSpec((N_PAD // 128, 128), lambda i: (0, 0)),
            pl.BlockSpec((RB,), blk),
            pl.BlockSpec((RB,), blk),
            pl.BlockSpec((32, RB), lambda i: (0, jnp.maximum(i - 1, 0))),
        ],
        out_specs=[
            pl.BlockSpec((RB,), blk),
            pl.BlockSpec((RB,), blk),
            pl.BlockSpec((32, 1), lambda i: (0, 0)),
            pl.BlockSpec((32, 1), lambda i: (0, 0)),
        ],
        out_shape=[
            jax.ShapeDtypeStruct((N_PAD,), jnp.float32),
            jax.ShapeDtypeStruct((N_PAD,), jnp.float32),
            jax.ShapeDtypeStruct((32, 1), jnp.float32),
            jax.ShapeDtypeStruct((32, 1), jnp.float32),
        ],
        scratch_shapes=[pltpu.SMEM((2,), jnp.int32)],
    )(keyw, key, score, hT)


def _tc_mlp(ros, lin1_W, lin1_b, lin2_W, lin2_b):

    def body(r1_ref, r2_ref, r3_ref, r4_ref, r5_ref, r6_ref,
             w1_ref, b1_ref, w2_ref, b2_ref, o_ref):
        z1 = b1_ref[...][None, :]
        for j, r in enumerate((r1_ref, r2_ref, r3_ref, r4_ref, r5_ref, r6_ref)):
            seg = w1_ref[pl.ds(32 * j, 32), :]
            z1 = z1 + jnp.sum(r[...] * seg, axis=0, keepdims=True)
        z1 = jnp.maximum(z1, 0.0)
        z2 = jnp.maximum(jnp.dot(z1, w2_ref[...],
                                 preferred_element_type=jnp.float32)
                         + b2_ref[...][None, :], 0.0)
        o_ref[...] = jnp.concatenate(
            [jnp.exp(z2[:, 0:3]), jax.nn.sigmoid(z2[:, 3:10])], axis=1)

    return pl.pallas_call(
        body,
        out_shape=jax.ShapeDtypeStruct((1, 10), jnp.float32),
    )(*ros, lin1_W, lin1_b, lin2_W, lin2_b)



def kernel(x, edge_index, W1, b1, p1, W2, b2, p2, W3, b3, p3,
           lin1_W, lin1_b, lin2_W, lin2_b):
    src = edge_index[0].astype(jnp.int32)
    dst = edge_index[1].astype(jnp.int32)
    pad = jnp.arange(E_PAD - E, dtype=jnp.int32)
    srcp = jnp.concatenate([src, pad % N])
    dstp = jnp.concatenate([dst, N + pad % (N_PAD - N)])
    src2 = jnp.concatenate([srcp, srcp + N_PAD])

    za = jnp.zeros((ROWS_PW,), jnp.float32)
    zb = jnp.zeros((ROWS_PW, 16), jnp.float32)

    h = jnp.concatenate([x, jnp.zeros((N_PAD - N, x.shape[1]), jnp.float32)])
    a = jnp.concatenate([jnp.ones((N,), jnp.float32),
                         jnp.zeros((N_PAD - N,), jnp.float32)])
    s = a

    n_alive = N
    readouts = []
    for (W, b, p) in ((W1, b1, p1), (W2, b2, p2), (W3, b3, p3)):
        cdeg = _sc_deg(a, srcp, dstp, za).reshape(2, N_PAD)
        y2, dis, xw = _tc_mprep(cdeg, a, s, h, W)
        acc2 = _sc_gather_add(y2.reshape(2 * N_PAD, 16), src2, dstp, zb)
        acc2 = acc2.reshape(2, N_PAD, 16)
        h, hT, score, key = _tc_post(acc2, xw, dis, a, b, p)
        k = int(math.ceil(0.6 * n_alive))
        s, a, mx, sm = _tc_searchsel(key.reshape(N_PAD // 128, 128), key,
                                     score, hT, k)
        readouts.extend([mx, sm])
        n_alive = k

    return _tc_mlp(readouts, lin1_W, lin1_b, lin2_W, lin2_b)

# --- scband reference (transcript-rebuilt; emitter-appended) ---
"""Pipeline reference for scband-graph-to-shoebox-encoder-39676907880680 (READ-ONLY COPY).

The authoritative reference and input builder live on the scoring server;
editing this copy changes nothing except your own understanding.
"""

import jax, jax.numpy as jnp
import numpy as np
import math

N_NODES = 100000
N_EDGES = 1600000
RATIO = 0.6

def _glorot(key, shape):
    lim = math.sqrt(6.0 / (shape[0] + shape[1]))
    return jax.random.uniform(key, shape, jnp.float32, -lim, lim)

def setup_inputs(seed: int = 0):
    key = jax.random.key(seed)
    ks = jax.random.split(key, 16)
    inp = {}
    inp["x"] = jax.random.normal(ks[0], (N_NODES, 9), jnp.float32)
    inp["edge_index"] = jax.random.randint(ks[1], (2, N_EDGES), 0, N_NODES, jnp.int32)
    inp["W1"] = _glorot(ks[2], (9, 32)); inp["b1"] = jnp.zeros((32,), jnp.float32)
    inp["p1"] = jax.random.uniform(ks[3], (32,), jnp.float32, -1.0, 1.0) / math.sqrt(32.0)
    inp["W2"] = _glorot(ks[4], (32, 32)); inp["b2"] = jnp.zeros((32,), jnp.float32)
    inp["p2"] = jax.random.uniform(ks[5], (32,), jnp.float32, -1.0, 1.0) / math.sqrt(32.0)
    inp["W3"] = _glorot(ks[6], (32, 32)); inp["b3"] = jnp.zeros((32,), jnp.float32)
    inp["p3"] = jax.random.uniform(ks[7], (32,), jnp.float32, -1.0, 1.0) / math.sqrt(32.0)
    inp["lin1_W"] = _glorot(ks[8], (192, 64)); inp["lin1_b"] = jnp.zeros((64,), jnp.float32)
    inp["lin2_W"] = _glorot(ks[9], (64, 10)); inp["lin2_b"] = jnp.zeros((10,), jnp.float32)
    return inp

def _gcn_conv(x, W, b, src, dst, emask):
    # Faithful PyG GCNConv: symmetric normalization with self-loops (fill_value=1),
    # masked (pruned) edges carry edge_weight 0 so they contribute to neither degree nor aggregation.
    n = x.shape[0]
    xw = x @ W
    w = emask.astype(jnp.float32)
    deg = jnp.zeros((n,), jnp.float32).at[dst].add(w) + 1.0  # +1 for self-loop weight
    dis = jax.lax.rsqrt(deg)
    coef = dis[src] * dis[dst] * w
    out = jnp.zeros((n, W.shape[1]), jnp.float32).at[dst].add(coef[:, None] * xw[src])
    out = out + (dis * dis)[:, None] * xw  # self-loop messages
    return out + b

def _topk_pool(x, src, dst, emask, p):
    # Faithful PyG TopKPooling (single graph, batch=None): score = tanh((x.p)/||p||),
    # keep top ceil(ratio*N) nodes, x_out = x[perm] * score[perm], filter+relabel edges.
    n = x.shape[0]
    score = jnp.tanh((x @ p) / (jnp.linalg.norm(p) + 1e-16))
    k = int(math.ceil(RATIO * n))
    vals, perm = jax.lax.top_k(score, k)
    x_new = x[perm] * vals[:, None]
    new_idx = jnp.full((n,), -1, jnp.int32).at[perm].set(jnp.arange(k, dtype=jnp.int32))
    ns = new_idx[src]; nd = new_idx[dst]
    valid = emask & (ns >= 0) & (nd >= 0)
    ns = jnp.where(valid, ns, 0)
    nd = jnp.where(valid, nd, 0)
    return x_new, ns, nd, valid

def _readout(x):
    # gmp / gap with a single graph (batch all zeros)
    return jnp.concatenate([jnp.max(x, axis=0, keepdims=True), jnp.mean(x, axis=0, keepdims=True)], axis=1)

def reference(x, edge_index, W1, b1, p1, W2, b2, p2, W3, b3, p3, lin1_W, lin1_b, lin2_W, lin2_b):
    src = edge_index[0].astype(jnp.int32); dst = edge_index[1].astype(jnp.int32)
    emask = jnp.ones((src.shape[0],), dtype=bool)
    h = jax.nn.relu(_gcn_conv(x, W1, b1, src, dst, emask))
    h, src, dst, emask = _topk_pool(h, src, dst, emask, p1)
    x1 = _readout(h)
    h = jax.nn.relu(_gcn_conv(h, W2, b2, src, dst, emask))
    h, src, dst, emask = _topk_pool(h, src, dst, emask, p2)
    x2 = _readout(h)
    h = jax.nn.relu(_gcn_conv(h, W3, b3, src, dst, emask))
    h, src, dst, emask = _topk_pool(h, src, dst, emask, p3)
    x3 = _readout(h)
    z = jnp.concatenate([x1, x2, x3], axis=1)
    z = jax.nn.relu(z @ lin1_W + lin1_b)
    # dropout is a no-op (training=False)
    z = jax.nn.relu(z @ lin2_W + lin2_b)
    out = jnp.concatenate([jnp.exp(z[:, 0:3]), jax.nn.sigmoid(z[:, 3:10])], axis=1)
    return out

if False:  # reference __main__ guard neutralized (emitter)
    o = reference(**setup_inputs())
    print(o.shape, o.dtype)

if __name__ == "__main__":
    import jax
    _d = setup_inputs()
    print(jax.jit(kernel)(*tuple(_d.values())))

</pallas_src>

<mosaic_0001>
#map = affine_map<(d0, d1) -> (0)>
module attributes {stable_mosaic.version = 14 : i64} {
  func.func @body(%arg0: i32, %arg1: i32, %arg2: memref<100352xf32, #tpu.memory_space<hbm>>, %arg3: memref<1638400xi32, #tpu.memory_space<hbm>>, %arg4: memref<1638400xi32, #tpu.memory_space<hbm>>, %arg5: memref<6272xf32, #tpu.memory_space<hbm>>, %arg6: memref<200704xf32, #tpu.memory_space<hbm>>, %arg7: memref<3200xi32, #tpu.memory_space<vmem>>, %arg8: memref<3200xi32, #tpu.memory_space<vmem>>, %arg9: memref<3200xf32, #tpu.memory_space<vmem>>, %arg10: memref<3200xi32, #tpu.memory_space<vmem>>, %arg11: memref<3200xi32, #tpu.memory_space<vmem>>, %arg12: memref<3200xf32, #tpu.memory_space<vmem>>, %arg13: memref<100352xf32, #tpu.memory_space<vmem_shared>>, %arg14: memref<!tpu.dma_semaphore, #tpu.memory_space<semaphore_mem>>, %arg15: memref<!tpu.dma_semaphore, #tpu.memory_space<semaphore_mem>>) attributes {dimension_semantics = [#tpu.dimension_semantics<core_parallel>, #tpu.dimension_semantics<subcore_parallel>], iteration_bounds = array<i64: 2, 16>, scalar_prefetch = 0 : i64, scratch_operands = 9 : i64, tpu.core_type = #tpu.core_type<sc_vector_subcore>, window_params = [{transform_indices = #map}, {transform_indices = #map}, {transform_indices = #map}, {transform_indices = #map}, {transform_indices = #map}]} {
    %mul3A = arith.constant 6272 : i32
    %mul3A_0 = arith.muli %arg1, %mul3A : i32
    "tpu.region"() ({
      %run_scoped3A = tpu.sem_alloc : memref<!tpu.dma_semaphore, #tpu.memory_space<semaphore_mem>>
      %dma_start3A_32 = tpu.memref_slice %arg13[%mul3A_0] : memref<100352xf32, #tpu.memory_space<vmem_shared>> -> memref<6272xf32, #tpu.memory_space<vmem_shared>>
      tpu.enqueue_dma source(%arg5 : memref<6272xf32, #tpu.memory_space<hbm>>) target(%dma_start3A_32 : memref<6272xf32, #tpu.memory_space<vmem_shared>>) target_semaphore(%run_scoped3A : memref<!tpu.dma_semaphore, #tpu.memory_space<semaphore_mem>>)
      %dma_wait3A_33 = tpu.memref_slice %arg13[%mul3A_0] : memref<100352xf32, #tpu.memory_space<vmem_shared>> -> memref<6272xf32, #tpu.memory_space<vmem_shared>>
      tpu.wait_dma2 semaphore(%run_scoped3A : memref<!tpu.dma_semaphore, #tpu.memory_space<semaphore_mem>>) src(%arg5 : memref<6272xf32, #tpu.memory_space<hbm>>) dst(%dma_wait3A_33 : memref<6272xf32, #tpu.memory_space<vmem_shared>>)
      tpu.yield
    }) : () -> ()
    %barrier3A = arith.constant 0 : index
    tpu.barrier barrier_id(%barrier3A)
    %mul3A_1 = arith.constant 16 : i32
    %mul3A_2 = arith.muli %arg0, %mul3A_1 : i32
    %add3A = arith.addi %mul3A_2, %arg1 : i32
    %mul3A_3 = arith.constant 51200 : i32
    %mul3A_4 = arith.muli %add3A, %mul3A_3 : i32
    %add3A_5 = arith.constant 0 : i32
    %add3A_6 = arith.addi %mul3A_4, %add3A_5 : i32
    "tpu.region"() ({
      %run_scoped3A = tpu.sem_alloc : memref<!tpu.dma_semaphore, #tpu.memory_space<semaphore_mem>>
      %dma_start3A_32 = tpu.memref_slice %arg3[%add3A_6] : memref<1638400xi32, #tpu.memory_space<hbm>> -> memref<3200xi32, #tpu.memory_space<hbm>>
      %dma_start3A_33 = tpu.memref_slice %arg3[%add3A_6] : memref<1638400xi32, #tpu.memory_space<hbm>> -> memref<3200xi32, #tpu.memory_space<hbm>>
      tpu.enqueue_dma source(%dma_start3A_33 : memref<3200xi32, #tpu.memory_space<hbm>>) target(%arg7 : memref<3200xi32, #tpu.memory_space<vmem>>) target_semaphore(%run_scoped3A : memref<!tpu.dma_semaphore, #tpu.memory_space<semaphore_mem>>)
      %dma_wait3A_34 = tpu.memref_slice %arg3[%add3A_6] : memref<1638400xi32, #tpu.memory_space<hbm>> -> memref<3200xi32, #tpu.memory_space<hbm>>
      %dma_wait3A_35 = tpu.memref_slice %arg3[%add3A_6] : memref<1638400xi32, #tpu.memory_space<hbm>> -> memref<3200xi32, #tpu.memory_space<hbm>>
      tpu.wait_dma2 semaphore(%run_scoped3A : memref<!tpu.dma_semaphore, #tpu.memory_space<semaphore_mem>>) src(%dma_wait3A_35 : memref<3200xi32, #tpu.memory_space<hbm>>) dst(%arg7 : memref<3200xi32, #tpu.memory_space<vmem>>)
      tpu.yield
    }) : () -> ()
    %add3A_7 = arith.constant 0 : i32
    %add3A_8 = arith.addi %mul3A_4, %add3A_7 : i32
    "tpu.region"() ({
      %run_scoped3A = tpu.sem_alloc : memref<!tpu.dma_semaphore, #tpu.memory_space<semaphore_mem>>
      %dma_start3A_32 = tpu.memref_slice %arg4[%add3A_8] : memref<1638400xi32, #tpu.memory_space<hbm>> -> memref<3200xi32, #tpu.memory_space<hbm>>
      %dma_start3A_33 = tpu.memref_slice %arg4[%add3A_8] : memref<1638400xi32, #tpu.memory_space<hbm>> -> memref<3200xi32, #tpu.memory_space<hbm>>
      tpu.enqueue_dma source(%dma_start3A_33 : memref<3200xi32, #tpu.memory_space<hbm>>) target(%arg8 : memref<3200xi32, #tpu.memory_space<vmem>>) target_semaphore(%run_scoped3A : memref<!tpu.dma_semaphore, #tpu.memory_space<semaphore_mem>>)
      %dma_wait3A_34 = tpu.memref_slice %arg4[%add3A_8] : memref<1638400xi32, #tpu.memory_space<hbm>> -> memref<3200xi32, #tpu.memory_space<hbm>>
      %dma_wait3A_35 = tpu.memref_slice %arg4[%add3A_8] : memref<1638400xi32, #tpu.memory_space<hbm>> -> memref<3200xi32, #tpu.memory_space<hbm>>
      tpu.wait_dma2 semaphore(%run_scoped3A : memref<!tpu.dma_semaphore, #tpu.memory_space<semaphore_mem>>) src(%dma_wait3A_35 : memref<3200xi32, #tpu.memory_space<hbm>>) dst(%arg8 : memref<3200xi32, #tpu.memory_space<vmem>>)
      tpu.yield
    }) : () -> ()
    %dma_start3A = arith.constant 0 : i32
    %dma_start3A_9 = tpu.memref_slice %arg2[%dma_start3A] : memref<100352xf32, #tpu.memory_space<hbm>> -> memref<100352xf32, #tpu.memory_space<hbm>>
    tpu.enqueue_indirect_dma source(%dma_start3A_9 : memref<100352xf32, #tpu.memory_space<hbm>>) target(%arg9 : memref<3200xf32, #tpu.memory_space<vmem>>) offsets(%arg7 : memref<3200xi32, #tpu.memory_space<vmem>>) semaphore(%arg14 : memref<!tpu.dma_semaphore, #tpu.memory_space<semaphore_mem>>)
    %add3A_10 = arith.constant 3200 : i32
    %add3A_11 = arith.addi %mul3A_4, %add3A_10 : i32
    "tpu.region"() ({
      %run_scoped3A = tpu.sem_alloc : memref<!tpu.dma_semaphore, #tpu.memory_space<semaphore_mem>>
      %dma_start3A_32 = tpu.memref_slice %arg3[%add3A_11] : memref<1638400xi32, #tpu.memory_space<hbm>> -> memref<3200xi32, #tpu.memory_space<hbm>>
      %dma_start3A_33 = tpu.memref_slice %arg3[%add3A_11] : memref<1638400xi32, #tpu.memory_space<hbm>> -> memref<3200xi32, #tpu.memory_space<hbm>>
      tpu.enqueue_dma source(%dma_start3A_33 : memref<3200xi32, #tpu.memory_space<hbm>>) target(%arg10 : memref<3200xi32, #tpu.memory_space<vmem>>) target_semaphore(%run_scoped3A : memref<!tpu.dma_semaphore, #tpu.memory_space<semaphore_mem>>)
      %dma_wait3A_34 = tpu.memref_slice %arg3[%add3A_11] : memref<1638400xi32, #tpu.memory_space<hbm>> -> memref<3200xi32, #tpu.memory_space<hbm>>
      %dma_wait3A_35 = tpu.memref_slice %arg3[%add3A_11] : memref<1638400xi32, #tpu.memory_space<hbm>> -> memref<3200xi32, #tpu.memory_space<hbm>>
      tpu.wait_dma2 semaphore(%run_scoped3A : memref<!tpu.dma_semaphore, #tpu.memory_space<semaphore_mem>>) src(%dma_wait3A_35 : memref<3200xi32, #tpu.memory_space<hbm>>) dst(%arg10 : memref<3200xi32, #tpu.memory_space<vmem>>)
      tpu.yield
    }) : () -> ()
    %add3A_12 = arith.constant 3200 : i32
    %add3A_13 = arith.addi %mul3A_4, %add3A_12 : i32
    "tpu.region"() ({
      %run_scoped3A = tpu.sem_alloc : memref<!tpu.dma_semaphore, #tpu.memory_space<semaphore_mem>>
      %dma_start3A_32 = tpu.memref_slice %arg4[%add3A_13] : memref<1638400xi32, #tpu.memory_space<hbm>> -> memref<3200xi32, #tpu.memory_space<hbm>>
      %dma_start3A_33 = tpu.memref_slice %arg4[%add3A_13] : memref<1638400xi32, #tpu.memory_space<hbm>> -> memref<3200xi32, #tpu.memory_space<hbm>>
      tpu.enqueue_dma source(%dma_start3A_33 : memref<3200xi32, #tpu.memory_space<hbm>>) target(%arg11 : memref<3200xi32, #tpu.memory_space<vmem>>) target_semaphore(%run_scoped3A : memref<!tpu.dma_semaphore, #tpu.memory_space<semaphore_mem>>)
      %dma_wait3A_34 = tpu.memref_slice %arg4[%add3A_13] : memref<1638400xi32, #tpu.memory_space<hbm>> -> memref<3200xi32, #tpu.memory_space<hbm>>
      %dma_wait3A_35 = tpu.memref_slice %arg4[%add3A_13] : memref<1638400xi32, #tpu.memory_space<hbm>> -> memref<3200xi32, #tpu.memory_space<hbm>>
      tpu.wait_dma2 semaphore(%run_scoped3A : memref<!tpu.dma_semaphore, #tpu.memory_space<semaphore_mem>>) src(%dma_wait3A_35 : memref<3200xi32, #tpu.memory_space<hbm>>) dst(%arg11 : memref<3200xi32, #tpu.memory_space<vmem>>)
      tpu.yield
    }) : () -> ()
    %dma_start3A_14 = arith.constant 0 : i32
    %dma_start3A_15 = tpu.memref_slice %arg2[%dma_start3A_14] : memref<100352xf32, #tpu.memory_space<hbm>> -> memref<100352xf32, #tpu.memory_space<hbm>>
    tpu.enqueue_indirect_dma source(%dma_start3A_15 : memref<100352xf32, #tpu.memory_space<hbm>>) target(%arg12 : memref<3200xf32, #tpu.memory_space<vmem>>) offsets(%arg10 : memref<3200xi32, #tpu.memory_space<vmem>>) semaphore(%arg15 : memref<!tpu.dma_semaphore, #tpu.memory_space<semaphore_mem>>)
    %scan3A = arith.constant 0 : i32
    %scan3A_16 = arith.constant 0 : i32
    %scan3A_17 = arith.constant 7 : i32
    %scan3A_18 = arith.addi %scan3A_16, %scan3A_17 : i32
    %scan3A_19 = arith.constant 1 : i32
    scf.for %scan3A_32 = %scan3A_16 to %scan3A_18 step %scan3A_19  : i32 {
      %dma_wait3A_33 = arith.constant 0 : i32
      %dma_wait3A_34 = tpu.memref_slice %arg2[%dma_wait3A_33] : memref<100352xf32, #tpu.memory_space<hbm>> -> memref<100352xf32, #tpu.memory_space<hbm>>
      tpu.wait_indirect_dma semaphore(%arg14 : memref<!tpu.dma_semaphore, #tpu.memory_space<semaphore_mem>>) src(%dma_wait3A_34 : memref<100352xf32, #tpu.memory_space<hbm>>) dst(%arg9 : memref<3200xf32, #tpu.memory_space<vmem>>)
      "tpu.region"() ({
        %run_scoped3A = tpu.sem_alloc : memref<!tpu.dma_semaphore, #tpu.memory_space<semaphore_mem>>
        %dma_start3A_59 = arith.constant 0 : i32
        %dma_start3A_60 = tpu.memref_slice %arg13[%dma_start3A_59] : memref<100352xf32, #tpu.memory_space<vmem_shared>> -> memref<100352xf32, #tpu.memory_space<vmem_shared>>
        tpu.enqueue_indirect_dma source(%arg9 : memref<3200xf32, #tpu.memory_space<vmem>>) target(%dma_start3A_60 : memref<100352xf32, #tpu.memory_space<vmem_shared>>) offsets(%arg8 : memref<3200xi32, #tpu.memory_space<vmem>>) semaphore(%run_scoped3A : memref<!tpu.dma_semaphore, #tpu.memory_space<semaphore_mem>>) {add = true}
        %dma_wait3A_61 = arith.constant 0 : i32
        %dma_wait3A_62 = tpu.memref_slice %arg13[%dma_wait3A_61] : memref<100352xf32, #tpu.memory_space<vmem_shared>> -> memref<100352xf32, #tpu.memory_space<vmem_shared>>
        tpu.wait_indirect_dma semaphore(%run_scoped3A : memref<!tpu.dma_semaphore, #tpu.memory_space<semaphore_mem>>) src(%arg9 : memref<3200xf32, #tpu.memory_space<vmem>>) dst(%dma_wait3A_62 : memref<100352xf32, #tpu.memory_space<vmem_shared>>)
        tpu.yield
      }) : () -> ()
      %mul3A_35 = arith.constant 2 : i32
      %mul3A_36 = arith.muli %mul3A_35, %scan3A_32 : i32
      %add3A_37 = arith.constant 0 : i32
      %add3A_38 = arith.addi %mul3A_36, %add3A_37 : i32
      %add3A_39 = arith.constant 2 : i32
      %add3A_40 = arith.addi %add3A_38, %add3A_39 : i32
      %mul3A_41 = arith.constant 3200 : i32
      %mul3A_42 = arith.muli %add3A_40, %mul3A_41 : i32
      %add3A_43 = arith.addi %mul3A_4, %mul3A_42 : i32
      "tpu.region"() ({
        %run_scoped3A = tpu.sem_alloc : memref<!tpu.dma_semaphore, #tpu.memory_space<semaphore_mem>>
        %dma_start3A_59 = tpu.memref_slice %arg3[%add3A_43] : memref<1638400xi32, #tpu.memory_space<hbm>> -> memref<3200xi32, #tpu.memory_space<hbm>>
        %dma_start3A_60 = tpu.memref_slice %arg3[%add3A_43] : memref<1638400xi32, #tpu.memory_space<hbm>> -> memref<3200xi32, #tpu.memory_space<hbm>>
        tpu.enqueue_dma source(%dma_start3A_60 : memref<3200xi32, #tpu.memory_space<hbm>>) target(%arg7 : memref<3200xi32, #tpu.memory_space<vmem>>) target_semaphore(%run_scoped3A : memref<!tpu.dma_semaphore, #tpu.memory_space<semaphore_mem>>)
        %dma_wait3A_61 = tpu.memref_slice %arg3[%add3A_43] : memref<1638400xi32, #tpu.memory_space<hbm>> -> memref<3200xi32, #tpu.memory_space<hbm>>
        %dma_wait3A_62 = tpu.memref_slice %arg3[%add3A_43] : memref<1638400xi32, #tpu.memory_space<hbm>> -> memref<3200xi32, #tpu.memory_space<hbm>>
        tpu.wait_dma2 semaphore(%run_scoped3A : memref<!tpu.dma_semaphore, #tpu.memory_space<semaphore_mem>>) src(%dma_wait3A_62 : memref<3200xi32, #tpu.memory_space<hbm>>) dst(%arg7 : memref<3200xi32, #tpu.memory_space<vmem>>)
        tpu.yield
      }) : () -> ()
      "tpu.region"() ({
        %run_scoped3A = tpu.sem_alloc : memref<!tpu.dma_semaphore, #tpu.memory_space<semaphore_mem>>
        %dma_start3A_59 = tpu.memref_slice %arg4[%add3A_43] : memref<1638400xi32, #tpu.memory_space<hbm>> -> memref<3200xi32, #tpu.memory_space<hbm>>
        %dma_start3A_60 = tpu.memref_slice %arg4[%add3A_43] : memref<1638400xi32, #tpu.memory_space<hbm>> -> memref<3200xi32, #tpu.memory_space<hbm>>
        tpu.enqueue_dma source(%dma_start3A_60 : memref<3200xi32, #tpu.memory_space<hbm>>) target(%arg8 : memref<3200xi32, #tpu.memory_space<vmem>>) target_semaphore(%run_scoped3A : memref<!tpu.dma_semaphore, #tpu.memory_space<semaphore_mem>>)
        %dma_wait3A_61 = tpu.memref_slice %arg4[%add3A_43] : memref<1638400xi32, #tpu.memory_space<hbm>> -> memref<3200xi32, #tpu.memory_space<hbm>>
        %dma_wait3A_62 = tpu.memref_slice %arg4[%add3A_43] : memref<1638400xi32, #tpu.memory_space<hbm>> -> memref<3200xi32, #tpu.memory_space<hbm>>
        tpu.wait_dma2 semaphore(%run_scoped3A : memref<!tpu.dma_semaphore, #tpu.memory_space<semaphore_mem>>) src(%dma_wait3A_62 : memref<3200xi32, #tpu.memory_space<hbm>>) dst(%arg8 : memref<3200xi32, #tpu.memory_space<vmem>>)
        tpu.yield
      }) : () -> ()
      %dma_start3A_44 = arith.constant 0 : i32
      %dma_start3A_45 = tpu.memref_slice %arg2[%dma_start3A_44] : memref<100352xf32, #tpu.memory_space<hbm>> -> memref<100352xf32, #tpu.memory_space<hbm>>
      tpu.enqueue_indirect_dma source(%dma_start3A_45 : memref<100352xf32, #tpu.memory_space<hbm>>) target(%arg9 : memref<3200xf32, #tpu.memory_space<vmem>>) offsets(%arg7 : memref<3200xi32, #tpu.memory_space<vmem>>) semaphore(%arg14 : memref<!tpu.dma_semaphore, #tpu.memory_space<semaphore_mem>>)
      %dma_wait3A_46 = arith.constant 0 : i32
      %dma_wait3A_47 = tpu.memref_slice %arg2[%dma_wait3A_46] : memref<100352xf32, #tpu.memory_space<hbm>> -> memref<100352xf32, #tpu.memory_space<hbm>>
      tpu.wait_indirect_dma semaphore(%arg15 : memref<!tpu.dma_semaphore, #tpu.memory_space<semaphore_mem>>) src(%dma_wait3A_47 : memref<100352xf32, #tpu.memory_space<hbm>>) dst(%arg12 : memref<3200xf32, #tpu.memory_space<vmem>>)
      "tpu.region"() ({
        %run_scoped3A = tpu.sem_alloc : memref<!tpu.dma_semaphore, #tpu.memory_space<semaphore_mem>>
        %dma_start3A_59 = arith.constant 0 : i32
        %dma_start3A_60 = tpu.memref_slice %arg13[%dma_start3A_59] : memref<100352xf32, #tpu.memory_space<vmem_shared>> -> memref<100352xf32, #tpu.memory_space<vmem_shared>>
        tpu.enqueue_indirect_dma source(%arg12 : memref<3200xf32, #tpu.memory_space<vmem>>) target(%dma_start3A_60 : memref<100352xf32, #tpu.memory_space<vmem_shared>>) offsets(%arg11 : memref<3200xi32, #tpu.memory_space<vmem>>) semaphore(%run_scoped3A : memref<!tpu.dma_semaphore, #tpu.memory_space<semaphore_mem>>) {add = true}
        %dma_wait3A_61 = arith.constant 0 : i32
        %dma_wait3A_62 = tpu.memref_slice %arg13[%dma_wait3A_61] : memref<100352xf32, #tpu.memory_space<vmem_shared>> -> memref<100352xf32, #tpu.memory_space<vmem_shared>>
        tpu.wait_indirect_dma semaphore(%run_scoped3A : memref<!tpu.dma_semaphore, #tpu.memory_space<semaphore_mem>>) src(%arg12 : memref<3200xf32, #tpu.memory_space<vmem>>) dst(%dma_wait3A_62 : memref<100352xf32, #tpu.memory_space<vmem_shared>>)
        tpu.yield
      }) : () -> ()
      %mul3A_48 = arith.constant 2 : i32
      %mul3A_49 = arith.muli %mul3A_48, %scan3A_32 : i32
      %add3A_50 = arith.constant 1 : i32
      %add3A_51 = arith.addi %mul3A_49, %add3A_50 : i32
      %add3A_52 = arith.constant 2 : i32
      %add3A_53 = arith.addi %add3A_51, %add3A_52 : i32
      %mul3A_54 = arith.constant 3200 : i32
      %mul3A_55 = arith.muli %add3A_53, %mul3A_54 : i32
      %add3A_56 = arith.addi %mul3A_4, %mul3A_55 : i32
      "tpu.region"() ({
        %run_scoped3A = tpu.sem_alloc : memref<!tpu.dma_semaphore, #tpu.memory_space<semaphore_mem>>
        %dma_start3A_59 = tpu.memref_slice %arg3[%add3A_56] : memref<1638400xi32, #tpu.memory_space<hbm>> -> memref<3200xi32, #tpu.memory_space<hbm>>
        %dma_start3A_60 = tpu.memref_slice %arg3[%add3A_56] : memref<1638400xi32, #tpu.memory_space<hbm>> -> memref<3200xi32, #tpu.memory_space<hbm>>
        tpu.enqueue_dma source(%dma_start3A_60 : memref<3200xi32, #tpu.memory_space<hbm>>) target(%arg10 : memref<3200xi32, #tpu.memory_space<vmem>>) target_semaphore(%run_scoped3A : memref<!tpu.dma_semaphore, #tpu.memory_space<semaphore_mem>>)
        %dma_wait3A_61 = tpu.memref_slice %arg3[%add3A_56] : memref<1638400xi32, #tpu.memory_space<hbm>> -> memref<3200xi32, #tpu.memory_space<hbm>>
        %dma_wait3A_62 = tpu.memref_slice %arg3[%add3A_56] : memref<1638400xi32, #tpu.memory_space<hbm>> -> memref<3200xi32, #tpu.memory_space<hbm>>
        tpu.wait_dma2 semaphore(%run_scoped3A : memref<!tpu.dma_semaphore, #tpu.memory_space<semaphore_mem>>) src(%dma_wait3A_62 : memref<3200xi32, #tpu.memory_space<hbm>>) dst(%arg10 : memref<3200xi32, #tpu.memory_space<vmem>>)
        tpu.yield
      }) : () -> ()
      "tpu.region"() ({
        %run_scoped3A = tpu.sem_alloc : memref<!tpu.dma_semaphore, #tpu.memory_space<semaphore_mem>>
        %dma_start3A_59 = tpu.memref_slice %arg4[%add3A_56] : memref<1638400xi32, #tpu.memory_space<hbm>> -> memref<3200xi32, #tpu.memory_space<hbm>>
        %dma_start3A_60 = tpu.memref_slice %arg4[%add3A_56] : memref<1638400xi32, #tpu.memory_space<hbm>> -> memref<3200xi32, #tpu.memory_space<hbm>>
        tpu.enqueue_dma source(%dma_start3A_60 : memref<3200xi32, #tpu.memory_space<hbm>>) target(%arg11 : memref<3200xi32, #tpu.memory_space<vmem>>) target_semaphore(%run_scoped3A : memref<!tpu.dma_semaphore, #tpu.memory_space<semaphore_mem>>)
        %dma_wait3A_61 = tpu.memref_slice %arg4[%add3A_56] : memref<1638400xi32, #tpu.memory_space<hbm>> -> memref<3200xi32, #tpu.memory_space<hbm>>
        %dma_wait3A_62 = tpu.memref_slice %arg4[%add3A_56] : memref<1638400xi32, #tpu.memory_space<hbm>> -> memref<3200xi32, #tpu.memory_space<hbm>>
        tpu.wait_dma2 semaphore(%run_scoped3A : memref<!tpu.dma_semaphore, #tpu.memory_space<semaphore_mem>>) src(%dma_wait3A_62 : memref<3200xi32, #tpu.memory_space<hbm>>) dst(%arg11 : memref<3200xi32, #tpu.memory_space<vmem>>)
        tpu.yield
      }) : () -> ()
      %dma_start3A_57 = arith.constant 0 : i32
      %dma_start3A_58 = tpu.memref_slice %arg2[%dma_start3A_57] : memref<100352xf32, #tpu.memory_space<hbm>> -> memref<100352xf32, #tpu.memory_space<hbm>>
      tpu.enqueue_indirect_dma source(%dma_start3A_58 : memref<100352xf32, #tpu.memory_space<hbm>>) target(%arg12 : memref<3200xf32, #tpu.memory_space<vmem>>) offsets(%arg10 : memref<3200xi32, #tpu.memory_space<vmem>>) semaphore(%arg15 : memref<!tpu.dma_semaphore, #tpu.memory_space<semaphore_mem>>)
    }
    %scan3A_20 = arith.constant 7 : i32
    %dma_wait3A = arith.constant 0 : i32
    %dma_wait3A_21 = tpu.memref_slice %arg2[%dma_wait3A] : memref<100352xf32, #tpu.memory_space<hbm>> -> memref<100352xf32, #tpu.memory_space<hbm>>
    tpu.wait_indirect_dma semaphore(%arg14 : memref<!tpu.dma_semaphore, #tpu.memory_space<semaphore_mem>>) src(%dma_wait3A_21 : memref<100352xf32, #tpu.memory_space<hbm>>) dst(%arg9 : memref<3200xf32, #tpu.memory_space<vmem>>)
    "tpu.region"() ({
      %run_scoped3A = tpu.sem_alloc : memref<!tpu.dma_semaphore, #tpu.memory_space<semaphore_mem>>
      %dma_start3A_32 = arith.constant 0 : i32
      %dma_start3A_33 = tpu.memref_slice %arg13[%dma_start3A_32] : memref<100352xf32, #tpu.memory_space<vmem_shared>> -> memref<100352xf32, #tpu.memory_space<vmem_shared>>
      tpu.enqueue_indirect_dma source(%arg9 : memref<3200xf32, #tpu.memory_space<vmem>>) target(%dma_start3A_33 : memref<100352xf32, #tpu.memory_space<vmem_shared>>) offsets(%arg8 : memref<3200xi32, #tpu.memory_space<vmem>>) semaphore(%run_scoped3A : memref<!tpu.dma_semaphore, #tpu.memory_space<semaphore_mem>>) {add = true}
      %dma_wait3A_34 = arith.constant 0 : i32
      %dma_wait3A_35 = tpu.memref_slice %arg13[%dma_wait3A_34] : memref<100352xf32, #tpu.memory_space<vmem_shared>> -> memref<100352xf32, #tpu.memory_space<vmem_shared>>
      tpu.wait_indirect_dma semaphore(%run_scoped3A : memref<!tpu.dma_semaphore, #tpu.memory_space<semaphore_mem>>) src(%arg9 : memref<3200xf32, #tpu.memory_space<vmem>>) dst(%dma_wait3A_35 : memref<100352xf32, #tpu.memory_space<vmem_shared>>)
      tpu.yield
    }) : () -> ()
    %dma_wait3A_22 = arith.constant 0 : i32
    %dma_wait3A_23 = tpu.memref_slice %arg2[%dma_wait3A_22] : memref<100352xf32, #tpu.memory_space<hbm>> -> memref<100352xf32, #tpu.memory_space<hbm>>
    tpu.wait_indirect_dma semaphore(%arg15 : memref<!tpu.dma_semaphore, #tpu.memory_space<semaphore_mem>>) src(%dma_wait3A_23 : memref<100352xf32, #tpu.memory_space<hbm>>) dst(%arg12 : memref<3200xf32, #tpu.memory_space<vmem>>)
    "tpu.region"() ({
      %run_scoped3A = tpu.sem_alloc : memref<!tpu.dma_semaphore, #tpu.memory_space<semaphore_mem>>
      %dma_start3A_32 = arith.constant 0 : i32
      %dma_start3A_33 = tpu.memref_slice %arg13[%dma_start3A_32] : memref<100352xf32, #tpu.memory_space<vmem_shared>> -> memref<100352xf32, #tpu.memory_space<vmem_shared>>
      tpu.enqueue_indirect_dma source(%arg12 : memref<3200xf32, #tpu.memory_space<vmem>>) target(%dma_start3A_33 : memref<100352xf32, #tpu.memory_space<vmem_shared>>) offsets(%arg11 : memref<3200xi32, #tpu.memory_space<vmem>>) semaphore(%run_scoped3A : memref<!tpu.dma_semaphore, #tpu.memory_space<semaphore_mem>>) {add = true}
      %dma_wait3A_34 = arith.constant 0 : i32
      %dma_wait3A_35 = tpu.memref_slice %arg13[%dma_wait3A_34] : memref<100352xf32, #tpu.memory_space<vmem_shared>> -> memref<100352xf32, #tpu.memory_space<vmem_shared>>
      tpu.wait_indirect_dma semaphore(%run_scoped3A : memref<!tpu.dma_semaphore, #tpu.memory_space<semaphore_mem>>) src(%arg12 : memref<3200xf32, #tpu.memory_space<vmem>>) dst(%dma_wait3A_35 : memref<100352xf32, #tpu.memory_space<vmem_shared>>)
      tpu.yield
    }) : () -> ()
    %barrier3A_24 = arith.constant 0 : index
    tpu.barrier barrier_id(%barrier3A_24)
    %mul3A_25 = arith.constant 6272 : i32
    %mul3A_26 = arith.muli %arg1, %mul3A_25 : i32
    %mul3A_27 = arith.constant 100352 : i32
    %mul3A_28 = arith.muli %arg0, %mul3A_27 : i32
    %mul3A_29 = arith.constant 6272 : i32
    %mul3A_30 = arith.muli %arg1, %mul3A_29 : i32
    %add3A_31 = arith.addi %mul3A_28, %mul3A_30 : i32
    "tpu.region"() ({
      %run_scoped3A = tpu.sem_alloc : memref<!tpu.dma_semaphore, #tpu.memory_space<semaphore_mem>>
      %dma_start3A_32 = tpu.memref_slice %arg6[%add3A_31] : memref<200704xf32, #tpu.memory_space<hbm>> -> memref<6272xf32, #tpu.memory_space<hbm>>
      %dma_start3A_33 = tpu.memref_slice %arg13[%mul3A_26] : memref<100352xf32, #tpu.memory_space<vmem_shared>> -> memref<6272xf32, #tpu.memory_space<vmem_shared>>
      tpu.enqueue_dma source(%dma_start3A_33 : memref<6272xf32, #tpu.memory_space<vmem_shared>>) target(%dma_start3A_32 : memref<6272xf32, #tpu.memory_space<hbm>>) target_semaphore(%run_scoped3A : memref<!tpu.dma_semaphore, #tpu.memory_space<semaphore_mem>>)
      %dma_wait3A_34 = tpu.memref_slice %arg6[%add3A_31] : memref<200704xf32, #tpu.memory_space<hbm>> -> memref<6272xf32, #tpu.memory_space<hbm>>
      %dma_wait3A_35 = tpu.memref_slice %arg13[%mul3A_26] : memref<100352xf32, #tpu.memory_space<vmem_shared>> -> memref<6272xf32, #tpu.memory_space<vmem_shared>>
      tpu.wait_dma2 semaphore(%run_scoped3A : memref<!tpu.dma_semaphore, #tpu.memory_space<semaphore_mem>>) src(%dma_wait3A_35 : memref<6272xf32, #tpu.memory_space<vmem_shared>>) dst(%dma_wait3A_34 : memref<6272xf32, #tpu.memory_space<hbm>>)
      tpu.yield
    }) : () -> ()
    return
  }
}

#map = affine_map<(d0, d1) -> (0)>
module attributes {stable_mosaic.version = 14 : i64} {
  func.func @body(%arg0: i32, %arg1: i32, %arg2: memref<100352xf32, #tpu.memory_space<hbm>>, %arg3: memref<1638400xi32, #tpu.memory_space<hbm>>, %arg4: memref<1638400xi32, #tpu.memory_space<hbm>>, %arg5: memref<6272xf32, #tpu.memory_space<hbm>>, %arg6: memref<200704xf32, #tpu.memory_space<hbm>>, %arg7: memref<3200xi32, #tpu.memory_space<vmem>>, %arg8: memref<3200xi32, #tpu.memory_space<vmem>>, %arg9: memref<3200xf32, #tpu.memory_space<vmem>>, %arg10: memref<3200xi32, #tpu.memory_space<vmem>>, %arg11: memref<3200xi32, #tpu.memory_space<vmem>>, %arg12: memref<3200xf32, #tpu.memory_space<vmem>>, %arg13: memref<100352xf32, #tpu.memory_space<vmem_shared>>, %arg14: memref<!tpu.dma_semaphore, #tpu.memory_space<semaphore_mem>>, %arg15: memref<!tpu.dma_semaphore, #tpu.memory_space<semaphore_mem>>) attributes {dimension_semantics = [#tpu.dimension_semantics<core_parallel>, #tpu.dimension_semantics<subcore_parallel>], iteration_bounds = array<i64: 2, 16>, scalar_prefetch = 0 : i64, scratch_operands = 9 : i64, tpu.core_type = #tpu.core_type<sc_vector_subcore>, window_params = [{transform_indices = #map}, {transform_indices = #map}, {transform_indices = #map}, {transform_indices = #map}, {transform_indices = #map}]} {
    %mul3A = arith.constant 6272 : i32
    %mul3A_0 = arith.muli %arg1, %mul3A : i32
    "tpu.region"() ({
      %run_scoped3A = tpu.sem_alloc : memref<!tpu.dma_semaphore, #tpu.memory_space<semaphore_mem>>
      %dma_start3A_32 = tpu.memref_slice %arg13[%mul3A_0] : memref<100352xf32, #tpu.memory_space<vmem_shared>> -> memref<6272xf32, #tpu.memory_space<vmem_shared>>
      tpu.enqueue_dma source(%arg5 : memref<6272xf32, #tpu.memory_space<hbm>>) target(%dma_start3A_32 : memref<6272xf32, #tpu.memory_space<vmem_shared>>) target_semaphore(%run_scoped3A : memref<!tpu.dma_semaphore, #tpu.memory_space<semaphore_mem>>)
      %dma_wait3A_33 = tpu.memref_slice %arg13[%mul3A_0] : memref<100352xf32, #tpu.memory_space<vmem_shared>> -> memref<6272xf32, #tpu.memory_space<vmem_shared>>
      tpu.wait_dma2 semaphore(%run_scoped3A : memref<!tpu.dma_semaphore, #tpu.memory_space<semaphore_mem>>) src(%arg5 : memref<6272xf32, #tpu.memory_space<hbm>>) dst(%dma_wait3A_33 : memref<6272xf32, #tpu.memory_space<vmem_shared>>)
      tpu.yield
    }) : () -> ()
    %barrier3A = arith.constant 0 : index
    tpu.barrier barrier_id(%barrier3A)
    %mul3A_1 = arith.constant 16 : i32
    %mul3A_2 = arith.muli %arg0, %mul3A_1 : i32
    %add3A = arith.addi %mul3A_2, %arg1 : i32
    %mul3A_3 = arith.constant 51200 : i32
    %mul3A_4 = arith.muli %add3A, %mul3A_3 : i32
    %add3A_5 = arith.constant 0 : i32
    %add3A_6 = arith.addi %mul3A_4, %add3A_5 : i32
    "tpu.region"() ({
      %run_scoped3A = tpu.sem_alloc : memref<!tpu.dma_semaphore, #tpu.memory_space<semaphore_mem>>
      %dma_start3A_32 = tpu.memref_slice %arg3[%add3A_6] : memref<1638400xi32, #tpu.memory_space<hbm>> -> memref<3200xi32, #tpu.memory_space<hbm>>
      %dma_start3A_33 = tpu.memref_slice %arg3[%add3A_6] : memref<1638400xi32, #tpu.memory_space<hbm>> -> memref<3200xi32, #tpu.memory_space<hbm>>
      tpu.enqueue_dma source(%dma_start3A_33 : memref<3200xi32, #tpu.memory_space<hbm>>) target(%arg7 : memref<3200xi32, #tpu.memory_space<vmem>>) target_semaphore(%run_scoped3A : memref<!tpu.dma_semaphore, #tpu.memory_space<semaphore_mem>>)
      %dma_wait3A_34 = tpu.memref_slice %arg3[%add3A_6] : memref<1638400xi32, #tpu.memory_space<hbm>> -> memref<3200xi32, #tpu.memory_space<hbm>>
      %dma_wait3A_35 = tpu.memref_slice %arg3[%add3A_6] : memref<1638400xi32, #tpu.memory_space<hbm>> -> memref<3200xi32, #tpu.memory_space<hbm>>
      tpu.wait_dma2 semaphore(%run_scoped3A : memref<!tpu.dma_semaphore, #tpu.memory_space<semaphore_mem>>) src(%dma_wait3A_35 : memref<3200xi32, #tpu.memory_space<hbm>>) dst(%arg7 : memref<3200xi32, #tpu.memory_space<vmem>>)
      tpu.yield
    }) : () -> ()
    %add3A_7 = arith.constant 0 : i32
    %add3A_8 = arith.addi %mul3A_4, %add3A_7 : i32
    "tpu.region"() ({
      %run_scoped3A = tpu.sem_alloc : memref<!tpu.dma_semaphore, #tpu.memory_space<semaphore_mem>>
      %dma_start3A_32 = tpu.memref_slice %arg4[%add3A_8] : memref<1638400xi32, #tpu.memory_space<hbm>> -> memref<3200xi32, #tpu.memory_space<hbm>>
      %dma_start3A_33 = tpu.memref_slice %arg4[%add3A_8] : memref<1638400xi32, #tpu.memory_space<hbm>> -> memref<3200xi32, #tpu.memory_space<hbm>>
      tpu.enqueue_dma source(%dma_start3A_33 : memref<3200xi32, #tpu.memory_space<hbm>>) target(%arg8 : memref<3200xi32, #tpu.memory_space<vmem>>) target_semaphore(%run_scoped3A : memref<!tpu.dma_semaphore, #tpu.memory_space<semaphore_mem>>)
      %dma_wait3A_34 = tpu.memref_slice %arg4[%add3A_8] : memref<1638400xi32, #tpu.memory_space<hbm>> -> memref<3200xi32, #tpu.memory_space<hbm>>
      %dma_wait3A_35 = tpu.memref_slice %arg4[%add3A_8] : memref<1638400xi32, #tpu.memory_space<hbm>> -> memref<3200xi32, #tpu.memory_space<hbm>>
      tpu.wait_dma2 semaphore(%run_scoped3A : memref<!tpu.dma_semaphore, #tpu.memory_space<semaphore_mem>>) src(%dma_wait3A_35 : memref<3200xi32, #tpu.memory_space<hbm>>) dst(%arg8 : memref<3200xi32, #tpu.memory_space<vmem>>)
      tpu.yield
    }) : () -> ()
    %dma_start3A = arith.constant 0 : i32
    %dma_start3A_9 = tpu.memref_slice %arg2[%dma_start3A] : memref<100352xf32, #tpu.memory_space<hbm>> -> memref<100352xf32, #tpu.memory_space<hbm>>
    tpu.enqueue_indirect_dma source(%dma_start3A_9 : memref<100352xf32, #tpu.memory_space<hbm>>) target(%arg9 : memref<3200xf32, #tpu.memory_space<vmem>>) offsets(%arg7 : memref<3200xi32, #tpu.memory_space<vmem>>) semaphore(%arg14 : memref<!tpu.dma_semaphore, #tpu.memory_space<semaphore_mem>>)
    %add3A_10 = arith.constant 3200 : i32
    %add3A_11 = arith.addi %mul3A_4, %add3A_10 : i32
    "tpu.region"() ({
      %run_scoped3A = tpu.sem_alloc : memref<!tpu.dma_semaphore, #tpu.memory_space<semaphore_mem>>
      %dma_start3A_32 = tpu.memref_slice %arg3[%add3A_11] : memref<1638400xi32, #tpu.memory_space<hbm>> -> memref<3200xi32, #tpu.memory_space<hbm>>
      %dma_start3A_33 = tpu.memref_slice %arg3[%add3A_11] : memref<1638400xi32, #tpu.memory_space<hbm>> -> memref<3200xi32, #tpu.memory_space<hbm>>
      tpu.enqueue_dma source(%dma_start3A_33 : memref<3200xi32, #tpu.memory_space<hbm>>) target(%arg10 : memref<3200xi32, #tpu.memory_space<vmem>>) target_semaphore(%run_scoped3A : memref<!tpu.dma_semaphore, #tpu.memory_space<semaphore_mem>>)
      %dma_wait3A_34 = tpu.memref_slice %arg3[%add3A_11] : memref<1638400xi32, #tpu.memory_space<hbm>> -> memref<3200xi32, #tpu.memory_space<hbm>>
      %dma_wait3A_35 = tpu.memref_slice %arg3[%add3A_11] : memref<1638400xi32, #tpu.memory_space<hbm>> -> memref<3200xi32, #tpu.memory_space<hbm>>
      tpu.wait_dma2 semaphore(%run_scoped3A : memref<!tpu.dma_semaphore, #tpu.memory_space<semaphore_mem>>) src(%dma_wait3A_35 : memref<3200xi32, #tpu.memory_space<hbm>>) dst(%arg10 : memref<3200xi32, #tpu.memory_space<vmem>>)
      tpu.yield
    }) : () -> ()
    %add3A_12 = arith.constant 3200 : i32
    %add3A_13 = arith.addi %mul3A_4, %add3A_12 : i32
    "tpu.region"() ({
      %run_scoped3A = tpu.sem_alloc : memref<!tpu.dma_semaphore, #tpu.memory_space<semaphore_mem>>
      %dma_start3A_32 = tpu.memref_slice %arg4[%add3A_13] : memref<1638400xi32, #tpu.memory_space<hbm>> -> memref<3200xi32, #tpu.memory_space<hbm>>
      %dma_start3A_33 = tpu.memref_slice %arg4[%add3A_13] : memref<1638400xi32, #tpu.memory_space<hbm>> -> memref<3200xi32, #tpu.memory_space<hbm>>
      tpu.enqueue_dma source(%dma_start3A_33 : memref<3200xi32, #tpu.memory_space<hbm>>) target(%arg11 : memref<3200xi32, #tpu.memory_space<vmem>>) target_semaphore(%run_scoped3A : memref<!tpu.dma_semaphore, #tpu.memory_space<semaphore_mem>>)
      %dma_wait3A_34 = tpu.memref_slice %arg4[%add3A_13] : memref<1638400xi32, #tpu.memory_space<hbm>> -> memref<3200xi32, #tpu.memory_space<hbm>>
      %dma_wait3A_35 = tpu.memref_slice %arg4[%add3A_13] : memref<1638400xi32, #tpu.memory_space<hbm>> -> memref<3200xi32, #tpu.memory_space<hbm>>
      tpu.wait_dma2 semaphore(%run_scoped3A : memref<!tpu.dma_semaphore, #tpu.memory_space<semaphore_mem>>) src(%dma_wait3A_35 : memref<3200xi32, #tpu.memory_space<hbm>>) dst(%arg11 : memref<3200xi32, #tpu.memory_space<vmem>>)
      tpu.yield
    }) : () -> ()
    %dma_start3A_14 = arith.constant 0 : i32
    %dma_start3A_15 = tpu.memref_slice %arg2[%dma_start3A_14] : memref<100352xf32, #tpu.memory_space<hbm>> -> memref<100352xf32, #tpu.memory_space<hbm>>
    tpu.enqueue_indirect_dma source(%dma_start3A_15 : memref<100352xf32, #tpu.memory_space<hbm>>) target(%arg12 : memref<3200xf32, #tpu.memory_space<vmem>>) offsets(%arg10 : memref<3200xi32, #tpu.memory_space<vmem>>) semaphore(%arg15 : memref<!tpu.dma_semaphore, #tpu.memory_space<semaphore_mem>>)
    %scan3A = arith.constant 0 : i32
    %scan3A_16 = arith.constant 0 : i32
    %scan3A_17 = arith.constant 7 : i32
    %scan3A_18 = arith.addi %scan3A_16, %scan3A_17 : i32
    %scan3A_19 = arith.constant 1 : i32
    scf.for %scan3A_32 = %scan3A_16 to %scan3A_18 step %scan3A_19  : i32 {
      %dma_wait3A_33 = arith.constant 0 : i32
      %dma_wait3A_34 = tpu.memref_slice %arg2[%dma_wait3A_33] : memref<100352xf32, #tpu.memory_space<hbm>> -> memref<100352xf32, #tpu.memory_space<hbm>>
      tpu.wait_indirect_dma semaphore(%arg14 : memref<!tpu.dma_semaphore, #tpu.memory_space<semaphore_mem>>) src(%dma_wait3A_34 : memref<100352xf32, #tpu.memory_space<hbm>>) dst(%arg9 : memref<3200xf32, #tpu.memory_space<vmem>>)
      "tpu.region"() ({
        %run_scoped3A = tpu.sem_alloc : memref<!tpu.dma_semaphore, #tpu.memory_space<semaphore_mem>>
        %dma_start3A_59 = arith.constant 0 : i32
        %dma_start3A_60 = tpu.memref_slice %arg13[%dma_start3A_59] : memref<100352xf32, #tpu.memory_space<vmem_shared>> -> memref<100352xf32, #tpu.memory_space<vmem_shared>>
        tpu.enqueue_indirect_dma source(%arg9 : memref<3200xf32, #tpu.memory_space<vmem>>) target(%dma_start3A_60 : memref<100352xf32, #tpu.memory_space<vmem_shared>>) offsets(%arg8 : memref<3200xi32, #tpu.memory_space<vmem>>) semaphore(%run_scoped3A : memref<!tpu.dma_semaphore, #tpu.memory_space<semaphore_mem>>) {add = true}
        %dma_wait3A_61 = arith.constant 0 : i32
        %dma_wait3A_62 = tpu.memref_slice %arg13[%dma_wait3A_61] : memref<100352xf32, #tpu.memory_space<vmem_shared>> -> memref<100352xf32, #tpu.memory_space<vmem_shared>>
        tpu.wait_indirect_dma semaphore(%run_scoped3A : memref<!tpu.dma_semaphore, #tpu.memory_space<semaphore_mem>>) src(%arg9 : memref<3200xf32, #tpu.memory_space<vmem>>) dst(%dma_wait3A_62 : memref<100352xf32, #tpu.memory_space<vmem_shared>>)
        tpu.yield
      }) : () -> ()
      %mul3A_35 = arith.constant 2 : i32
      %mul3A_36 = arith.muli %mul3A_35, %scan3A_32 : i32
      %add3A_37 = arith.constant 0 : i32
      %add3A_38 = arith.addi %mul3A_36, %add3A_37 : i32
      %add3A_39 = arith.constant 2 : i32
      %add3A_40 = arith.addi %add3A_38, %add3A_39 : i32
      %mul3A_41 = arith.constant 3200 : i32
      %mul3A_42 = arith.muli %add3A_40, %mul3A_41 : i32
      %add3A_43 = arith.addi %mul3A_4, %mul3A_42 : i32
      "tpu.region"() ({
        %run_scoped3A = tpu.sem_alloc : memref<!tpu.dma_semaphore, #tpu.memory_space<semaphore_mem>>
        %dma_start3A_59 = tpu.memref_slice %arg3[%add3A_43] : memref<1638400xi32, #tpu.memory_space<hbm>> -> memref<3200xi32, #tpu.memory_space<hbm>>
        %dma_start3A_60 = tpu.memref_slice %arg3[%add3A_43] : memref<1638400xi32, #tpu.memory_space<hbm>> -> memref<3200xi32, #tpu.memory_space<hbm>>
        tpu.enqueue_dma source(%dma_start3A_60 : memref<3200xi32, #tpu.memory_space<hbm>>) target(%arg7 : memref<3200xi32, #tpu.memory_space<vmem>>) target_semaphore(%run_scoped3A : memref<!tpu.dma_semaphore, #tpu.memory_space<semaphore_mem>>)
        %dma_wait3A_61 = tpu.memref_slice %arg3[%add3A_43] : memref<1638400xi32, #tpu.memory_space<hbm>> -> memref<3200xi32, #tpu.memory_space<hbm>>
        %dma_wait3A_62 = tpu.memref_slice %arg3[%add3A_43] : memref<1638400xi32, #tpu.memory_space<hbm>> -> memref<3200xi32, #tpu.memory_space<hbm>>
        tpu.wait_dma2 semaphore(%run_scoped3A : memref<!tpu.dma_semaphore, #tpu.memory_space<semaphore_mem>>) src(%dma_wait3A_62 : memref<3200xi32, #tpu.memory_space<hbm>>) dst(%arg7 : memref<3200xi32, #tpu.memory_space<vmem>>)
        tpu.yield
      }) : () -> ()
      "tpu.region"() ({
        %run_scoped3A = tpu.sem_alloc : memref<!tpu.dma_semaphore, #tpu.memory_space<semaphore_mem>>
        %dma_start3A_59 = tpu.memref_slice %arg4[%add3A_43] : memref<1638400xi32, #tpu.memory_space<hbm>> -> memref<3200xi32, #tpu.memory_space<hbm>>
        %dma_start3A_60 = tpu.memref_slice %arg4[%add3A_43] : memref<1638400xi32, #tpu.memory_space<hbm>> -> memref<3200xi32, #tpu.memory_space<hbm>>
        tpu.enqueue_dma source(%dma_start3A_60 : memref<3200xi32, #tpu.memory_space<hbm>>) target(%arg8 : memref<3200xi32, #tpu.memory_space<vmem>>) target_semaphore(%run_scoped3A : memref<!tpu.dma_semaphore, #tpu.memory_space<semaphore_mem>>)
        %dma_wait3A_61 = tpu.memref_slice %arg4[%add3A_43] : memref<1638400xi32, #tpu.memory_space<hbm>> -> memref<3200xi32, #tpu.memory_space<hbm>>
        %dma_wait3A_62 = tpu.memref_slice %arg4[%add3A_43] : memref<1638400xi32, #tpu.memory_space<hbm>> -> memref<3200xi32, #tpu.memory_space<hbm>>
        tpu.wait_dma2 semaphore(%run_scoped3A : memref<!tpu.dma_semaphore, #tpu.memory_space<semaphore_mem>>) src(%dma_wait3A_62 : memref<3200xi32, #tpu.memory_space<hbm>>) dst(%arg8 : memref<3200xi32, #tpu.memory_space<vmem>>)
        tpu.yield
      }) : () -> ()
      %dma_start3A_44 = arith.constant 0 : i32
      %dma_start3A_45 = tpu.memref_slice %arg2[%dma_start3A_44] : memref<100352xf32, #tpu.memory_space<hbm>> -> memref<100352xf32, #tpu.memory_space<hbm>>
      tpu.enqueue_indirect_dma source(%dma_start3A_45 : memref<100352xf32, #tpu.memory_space<hbm>>) target(%arg9 : memref<3200xf32, #tpu.memory_space<vmem>>) offsets(%arg7 : memref<3200xi32, #tpu.memory_space<vmem>>) semaphore(%arg14 : memref<!tpu.dma_semaphore, #tpu.memory_space<semaphore_mem>>)
      %dma_wait3A_46 = arith.constant 0 : i32
      %dma_wait3A_47 = tpu.memref_slice %arg2[%dma_wait3A_46] : memref<100352xf32, #tpu.memory_space<hbm>> -> memref<100352xf32, #tpu.memory_space<hbm>>
      tpu.wait_indirect_dma semaphore(%arg15 : memref<!tpu.dma_semaphore, #tpu.memory_space<semaphore_mem>>) src(%dma_wait3A_47 : memref<100352xf32, #tpu.memory_space<hbm>>) dst(%arg12 : memref<3200xf32, #tpu.memory_space<vmem>>)
      "tpu.region"() ({
        %run_scoped3A = tpu.sem_alloc : memref<!tpu.dma_semaphore, #tpu.memory_space<semaphore_mem>>
        %dma_start3A_59 = arith.constant 0 : i32
        %dma_start3A_60 = tpu.memref_slice %arg13[%dma_start3A_59] : memref<100352xf32, #tpu.memory_space<vmem_shared>> -> memref<100352xf32, #tpu.memory_space<vmem_shared>>
        tpu.enqueue_indirect_dma source(%arg12 : memref<3200xf32, #tpu.memory_space<vmem>>) target(%dma_start3A_60 : memref<100352xf32, #tpu.memory_space<vmem_shared>>) offsets(%arg11 : memref<3200xi32, #tpu.memory_space<vmem>>) semaphore(%run_scoped3A : memref<!tpu.dma_semaphore, #tpu.memory_space<semaphore_mem>>) {add = true}
        %dma_wait3A_61 = arith.constant 0 : i32
        %dma_wait3A_62 = tpu.memref_slice %arg13[%dma_wait3A_61] : memref<100352xf32, #tpu.memory_space<vmem_shared>> -> memref<100352xf32, #tpu.memory_space<vmem_shared>>
        tpu.wait_indirect_dma semaphore(%run_scoped3A : memref<!tpu.dma_semaphore, #tpu.memory_space<semaphore_mem>>) src(%arg12 : memref<3200xf32, #tpu.memory_space<vmem>>) dst(%dma_wait3A_62 : memref<100352xf32, #tpu.memory_space<vmem_shared>>)
        tpu.yield
      }) : () -> ()
      %mul3A_48 = arith.constant 2 : i32
      %mul3A_49 = arith.muli %mul3A_48, %scan3A_32 : i32
      %add3A_50 = arith.constant 1 : i32
      %add3A_51 = arith.addi %mul3A_49, %add3A_50 : i32
      %add3A_52 = arith.constant 2 : i32
      %add3A_53 = arith.addi %add3A_51, %add3A_52 : i32
      %mul3A_54 = arith.constant 3200 : i32
      %mul3A_55 = arith.muli %add3A_53, %mul3A_54 : i32
      %add3A_56 = arith.addi %mul3A_4, %mul3A_55 : i32
      "tpu.region"() ({
        %run_scoped3A = tpu.sem_alloc : memref<!tpu.dma_semaphore, #tpu.memory_space<semaphore_mem>>
        %dma_start3A_59 = tpu.memref_slice %arg3[%add3A_56] : memref<1638400xi32, #tpu.memory_space<hbm>> -> memref<3200xi32, #tpu.memory_space<hbm>>
        %dma_start3A_60 = tpu.memref_slice %arg3[%add3A_56] : memref<1638400xi32, #tpu.memory_space<hbm>> -> memref<3200xi32, #tpu.memory_space<hbm>>
        tpu.enqueue_dma source(%dma_start3A_60 : memref<3200xi32, #tpu.memory_space<hbm>>) target(%arg10 : memref<3200xi32, #tpu.memory_space<vmem>>) target_semaphore(%run_scoped3A : memref<!tpu.dma_semaphore, #tpu.memory_space<semaphore_mem>>)
        %dma_wait3A_61 = tpu.memref_slice %arg3[%add3A_56] : memref<1638400xi32, #tpu.memory_space<hbm>> -> memref<3200xi32, #tpu.memory_space<hbm>>
        %dma_wait3A_62 = tpu.memref_slice %arg3[%add3A_56] : memref<1638400xi32, #tpu.memory_space<hbm>> -> memref<3200xi32, #tpu.memory_space<hbm>>
        tpu.wait_dma2 semaphore(%run_scoped3A : memref<!tpu.dma_semaphore, #tpu.memory_space<semaphore_mem>>) src(%dma_wait3A_62 : memref<3200xi32, #tpu.memory_space<hbm>>) dst(%arg10 : memref<3200xi32, #tpu.memory_space<vmem>>)
        tpu.yield
      }) : () -> ()
      "tpu.region"() ({
        %run_scoped3A = tpu.sem_alloc : memref<!tpu.dma_semaphore, #tpu.memory_space<semaphore_mem>>
        %dma_start3A_59 = tpu.memref_slice %arg4[%add3A_56] : memref<1638400xi32, #tpu.memory_space<hbm>> -> memref<3200xi32, #tpu.memory_space<hbm>>
        %dma_start3A_60 = tpu.memref_slice %arg4[%add3A_56] : memref<1638400xi32, #tpu.memory_space<hbm>> -> memref<3200xi32, #tpu.memory_space<hbm>>
        tpu.enqueue_dma source(%dma_start3A_60 : memref<3200xi32, #tpu.memory_space<hbm>>) target(%arg11 : memref<3200xi32, #tpu.memory_space<vmem>>) target_semaphore(%run_scoped3A : memref<!tpu.dma_semaphore, #tpu.memory_space<semaphore_mem>>)
        %dma_wait3A_61 = tpu.memref_slice %arg4[%add3A_56] : memref<1638400xi32, #tpu.memory_space<hbm>> -> memref<3200xi32, #tpu.memory_space<hbm>>
        %dma_wait3A_62 = tpu.memref_slice %arg4[%add3A_56] : memref<1638400xi32, #tpu.memory_space<hbm>> -> memref<3200xi32, #tpu.memory_space<hbm>>
        tpu.wait_dma2 semaphore(%run_scoped3A : memref<!tpu.dma_semaphore, #tpu.memory_space<semaphore_mem>>) src(%dma_wait3A_62 : memref<3200xi32, #tpu.memory_space<hbm>>) dst(%arg11 : memref<3200xi32, #tpu.memory_space<vmem>>)
        tpu.yield
      }) : () -> ()
      %dma_start3A_57 = arith.constant 0 : i32
      %dma_start3A_58 = tpu.memref_slice %arg2[%dma_start3A_57] : memref<100352xf32, #tpu.memory_space<hbm>> -> memref<100352xf32, #tpu.memory_space<hbm>>
      tpu.enqueue_indirect_dma source(%dma_start3A_58 : memref<100352xf32, #tpu.memory_space<hbm>>) target(%arg12 : memref<3200xf32, #tpu.memory_space<vmem>>) offsets(%arg10 : memref<3200xi32, #tpu.memory_space<vmem>>) semaphore(%arg15 : memref<!tpu.dma_semaphore, #tpu.memory_space<semaphore_mem>>)
    }
    %scan3A_20 = arith.constant 7 : i32
    %dma_wait3A = arith.constant 0 : i32
    %dma_wait3A_21 = tpu.memref_slice %arg2[%dma_wait3A] : memref<100352xf32, #tpu.memory_space<hbm>> -> memref<100352xf32, #tpu.memory_space<hbm>>
    tpu.wait_indirect_dma semaphore(%arg14 : memref<!tpu.dma_semaphore, #tpu.memory_space<semaphore_mem>>) src(%dma_wait3A_21 : memref<100352xf32, #tpu.memory_space<hbm>>) dst(%arg9 : memref<3200xf32, #tpu.memory_space<vmem>>)
    "tpu.region"() ({
      %run_scoped3A = tpu.sem_alloc : memref<!tpu.dma_semaphore, #tpu.memory_space<semaphore_mem>>
      %dma_start3A_32 = arith.constant 0 : i32
      %dma_start3A_33 = tpu.memref_slice %arg13[%dma_start3A_32] : memref<100352xf32, #tpu.memory_space<vmem_shared>> -> memref<100352xf32, #tpu.memory_space<vmem_shared>>
      tpu.enqueue_indirect_dma source(%arg9 : memref<3200xf32, #tpu.memory_space<vmem>>) target(%dma_start3A_33 : memref<100352xf32, #tpu.memory_space<vmem_shared>>) offsets(%arg8 : memref<3200xi32, #tpu.memory_space<vmem>>) semaphore(%run_scoped3A : memref<!tpu.dma_semaphore, #tpu.memory_space<semaphore_mem>>) {add = true}
      %dma_wait3A_34 = arith.constant 0 : i32
      %dma_wait3A_35 = tpu.memref_slice %arg13[%dma_wait3A_34] : memref<100352xf32, #tpu.memory_space<vmem_shared>> -> memref<100352xf32, #tpu.memory_space<vmem_shared>>
      tpu.wait_indirect_dma semaphore(%run_scoped3A : memref<!tpu.dma_semaphore, #tpu.memory_space<semaphore_mem>>) src(%arg9 : memref<3200xf32, #tpu.memory_space<vmem>>) dst(%dma_wait3A_35 : memref<100352xf32, #tpu.memory_space<vmem_shared>>)
      tpu.yield
    }) : () -> ()
    %dma_wait3A_22 = arith.constant 0 : i32
    %dma_wait3A_23 = tpu.memref_slice %arg2[%dma_wait3A_22] : memref<100352xf32, #tpu.memory_space<hbm>> -> memref<100352xf32, #tpu.memory_space<hbm>>
    tpu.wait_indirect_dma semaphore(%arg15 : memref<!tpu.dma_semaphore, #tpu.memory_space<semaphore_mem>>) src(%dma_wait3A_23 : memref<100352xf32, #tpu.memory_space<hbm>>) dst(%arg12 : memref<3200xf32, #tpu.memory_space<vmem>>)
    "tpu.region"() ({
      %run_scoped3A = tpu.sem_alloc : memref<!tpu.dma_semaphore, #tpu.memory_space<semaphore_mem>>
      %dma_start3A_32 = arith.constant 0 : i32
      %dma_start3A_33 = tpu.memref_slice %arg13[%dma_start3A_32] : memref<100352xf32, #tpu.memory_space<vmem_shared>> -> memref<100352xf32, #tpu.memory_space<vmem_shared>>
      tpu.enqueue_indirect_dma source(%arg12 : memref<3200xf32, #tpu.memory_space<vmem>>) target(%dma_start3A_33 : memref<100352xf32, #tpu.memory_space<vmem_shared>>) offsets(%arg11 : memref<3200xi32, #tpu.memory_space<vmem>>) semaphore(%run_scoped3A : memref<!tpu.dma_semaphore, #tpu.memory_space<semaphore_mem>>) {add = true}
      %dma_wait3A_34 = arith.constant 0 : i32
      %dma_wait3A_35 = tpu.memref_slice %arg13[%dma_wait3A_34] : memref<100352xf32, #tpu.memory_space<vmem_shared>> -> memref<100352xf32, #tpu.memory_space<vmem_shared>>
      tpu.wait_indirect_dma semaphore(%run_scoped3A : memref<!tpu.dma_semaphore, #tpu.memory_space<semaphore_mem>>) src(%arg12 : memref<3200xf32, #tpu.memory_space<vmem>>) dst(%dma_wait3A_35 : memref<100352xf32, #tpu.memory_space<vmem_shared>>)
      tpu.yield
    }) : () -> ()
    %barrier3A_24 = arith.constant 0 : index
    tpu.barrier barrier_id(%barrier3A_24)
    %mul3A_25 = arith.constant 6272 : i32
    %mul3A_26 = arith.muli %arg1, %mul3A_25 : i32
    %mul3A_27 = arith.constant 100352 : i32
    %mul3A_28 = arith.muli %arg0, %mul3A_27 : i32
    %mul3A_29 = arith.constant 6272 : i32
    %mul3A_30 = arith.muli %arg1, %mul3A_29 : i32
    %add3A_31 = arith.addi %mul3A_28, %mul3A_30 : i32
    "tpu.region"() ({
      %run_scoped3A = tpu.sem_alloc : memref<!tpu.dma_semaphore, #tpu.memory_space<semaphore_mem>>
      %dma_start3A_32 = tpu.memref_slice %arg6[%add3A_31] : memref<200704xf32, #tpu.memory_space<hbm>> -> memref<6272xf32, #tpu.memory_space<hbm>>
      %dma_start3A_33 = tpu.memref_slice %arg13[%mul3A_26] : memref<100352xf32, #tpu.memory_space<vmem_shared>> -> memref<6272xf32, #tpu.memory_space<vmem_shared>>
      tpu.enqueue_dma source(%dma_start3A_33 : memref<6272xf32, #tpu.memory_space<vmem_shared>>) target(%dma_start3A_32 : memref<6272xf32, #tpu.memory_space<hbm>>) target_semaphore(%run_scoped3A : memref<!tpu.dma_semaphore, #tpu.memory_space<semaphore_mem>>)
      %dma_wait3A_34 = tpu.memref_slice %arg6[%add3A_31] : memref<200704xf32, #tpu.memory_space<hbm>> -> memref<6272xf32, #tpu.memory_space<hbm>>
      %dma_wait3A_35 = tpu.memref_slice %arg13[%mul3A_26] : memref<100352xf32, #tpu.memory_space<vmem_shared>> -> memref<6272xf32, #tpu.memory_space<vmem_shared>>
      tpu.wait_dma2 semaphore(%run_scoped3A : memref<!tpu.dma_semaphore, #tpu.memory_space<semaphore_mem>>) src(%dma_wait3A_35 : memref<6272xf32, #tpu.memory_space<vmem_shared>>) dst(%dma_wait3A_34 : memref<6272xf32, #tpu.memory_space<hbm>>)
      tpu.yield
    }) : () -> ()
    return
  }
}

#map = affine_map<(d0, d1) -> (0, 0)>
#map1 = affine_map<(d0, d1) -> (0)>
module attributes {stable_mosaic.version = 14 : i64} {
  func.func @body(%arg0: i32, %arg1: i32, %arg2: memref<200704x16xf32, #tpu.memory_space<hbm>>, %arg3: memref<3276800xi32, #tpu.memory_space<hbm>>, %arg4: memref<1638400xi32, #tpu.memory_space<hbm>>, %arg5: memref<6272x16xf32, #tpu.memory_space<hbm>>, %arg6: memref<200704x16xf32, #tpu.memory_space<hbm>>, %arg7: memref<800xi32, #tpu.memory_space<vmem>>, %arg8: memref<800xi32, #tpu.memory_space<vmem>>, %arg9: memref<800x16xf32, #tpu.memory_space<vmem>>, %arg10: memref<800xi32, #tpu.memory_space<vmem>>, %arg11: memref<800xi32, #tpu.memory_space<vmem>>, %arg12: memref<800x16xf32, #tpu.memory_space<vmem>>, %arg13: memref<100352x16xf32, #tpu.memory_space<vmem_shared>>, %arg14: memref<!tpu.dma_semaphore, #tpu.memory_space<semaphore_mem>>, %arg15: memref<!tpu.dma_semaphore, #tpu.memory_space<semaphore_mem>>) attributes {dimension_semantics = [#tpu.dimension_semantics<core_parallel>, #tpu.dimension_semantics<subcore_parallel>], iteration_bounds = array<i64: 2, 16>, scalar_prefetch = 0 : i64, scratch_operands = 9 : i64, tpu.core_type = #tpu.core_type<sc_vector_subcore>, window_params = [{transform_indices = #map}, {transform_indices = #map1}, {transform_indices = #map1}, {transform_indices = #map}, {transform_indices = #map}]} {
    %mul3A = arith.constant 6272 : i32
    %mul3A_0 = arith.muli %arg1, %mul3A : i32
    "tpu.region"() ({
      %run_scoped3A = tpu.sem_alloc : memref<!tpu.dma_semaphore, #tpu.memory_space<semaphore_mem>>
      %dma_start3A_39 = arith.constant 0 : i32
      %dma_start3A_40 = tpu.memref_slice %arg13[%mul3A_0, %dma_start3A_39] : memref<100352x16xf32, #tpu.memory_space<vmem_shared>> -> memref<6272x16xf32, #tpu.memory_space<vmem_shared>>
      tpu.enqueue_dma source(%arg5 : memref<6272x16xf32, #tpu.memory_space<hbm>>) target(%dma_start3A_40 : memref<6272x16xf32, #tpu.memory_space<vmem_shared>>) target_semaphore(%run_scoped3A : memref<!tpu.dma_semaphore, #tpu.memory_space<semaphore_mem>>)
      %dma_wait3A_41 = arith.constant 0 : i32
      %dma_wait3A_42 = tpu.memref_slice %arg13[%mul3A_0, %dma_wait3A_41] : memref<100352x16xf32, #tpu.memory_space<vmem_shared>> -> memref<6272x16xf32, #tpu.memory_space<vmem_shared>>
      tpu.wait_dma2 semaphore(%run_scoped3A : memref<!tpu.dma_semaphore, #tpu.memory_space<semaphore_mem>>) src(%arg5 : memref<6272x16xf32, #tpu.memory_space<hbm>>) dst(%dma_wait3A_42 : memref<6272x16xf32, #tpu.memory_space<vmem_shared>>)
      tpu.yield
    }) : () -> ()
    %barrier3A = arith.constant 0 : index
    tpu.barrier barrier_id(%barrier3A)
    %mul3A_1 = arith.constant 102400 : i32
    %mul3A_2 = arith.muli %arg1, %mul3A_1 : i32
    %mul3A_3 = arith.constant 1638400 : i32
    %mul3A_4 = arith.muli %arg0, %mul3A_3 : i32
    %add3A = arith.addi %mul3A_4, %mul3A_2 : i32
    %add3A_5 = arith.constant 0 : i32
    %add3A_6 = arith.addi %add3A, %add3A_5 : i32
    "tpu.region"() ({
      %run_scoped3A = tpu.sem_alloc : memref<!tpu.dma_semaphore, #tpu.memory_space<semaphore_mem>>
      %dma_start3A_39 = tpu.memref_slice %arg3[%add3A_6] : memref<3276800xi32, #tpu.memory_space<hbm>> -> memref<800xi32, #tpu.memory_space<hbm>>
      %dma_start3A_40 = tpu.memref_slice %arg3[%add3A_6] : memref<3276800xi32, #tpu.memory_space<hbm>> -> memref<800xi32, #tpu.memory_space<hbm>>
      tpu.enqueue_dma source(%dma_start3A_40 : memref<800xi32, #tpu.memory_space<hbm>>) target(%arg7 : memref<800xi32, #tpu.memory_space<vmem>>) target_semaphore(%run_scoped3A : memref<!tpu.dma_semaphore, #tpu.memory_space<semaphore_mem>>)
      %dma_wait3A_41 = tpu.memref_slice %arg3[%add3A_6] : memref<3276800xi32, #tpu.memory_space<hbm>> -> memref<800xi32, #tpu.memory_space<hbm>>
      %dma_wait3A_42 = tpu.memref_slice %arg3[%add3A_6] : memref<3276800xi32, #tpu.memory_space<hbm>> -> memref<800xi32, #tpu.memory_space<hbm>>
      tpu.wait_dma2 semaphore(%run_scoped3A : memref<!tpu.dma_semaphore, #tpu.memory_space<semaphore_mem>>) src(%dma_wait3A_42 : memref<800xi32, #tpu.memory_space<hbm>>) dst(%arg7 : memref<800xi32, #tpu.memory_space<vmem>>)
      tpu.yield
    }) : () -> ()
    %add3A_7 = arith.constant 0 : i32
    %add3A_8 = arith.addi %mul3A_2, %add3A_7 : i32
    "tpu.region"() ({
      %run_scoped3A = tpu.sem_alloc : memref<!tpu.dma_semaphore, #tpu.memory_space<semaphore_mem>>
      %dma_start3A_39 = tpu.memref_slice %arg4[%add3A_8] : memref<1638400xi32, #tpu.memory_space<hbm>> -> memref<800xi32, #tpu.memory_space<hbm>>
      %dma_start3A_40 = tpu.memref_slice %arg4[%add3A_8] : memref<1638400xi32, #tpu.memory_space<hbm>> -> memref<800xi32, #tpu.memory_space<hbm>>
      tpu.enqueue_dma source(%dma_start3A_40 : memref<800xi32, #tpu.memory_space<hbm>>) target(%arg8 : memref<800xi32, #tpu.memory_space<vmem>>) target_semaphore(%run_scoped3A : memref<!tpu.dma_semaphore, #tpu.memory_space<semaphore_mem>>)
      %dma_wait3A_41 = tpu.memref_slice %arg4[%add3A_8] : memref<1638400xi32, #tpu.memory_space<hbm>> -> memref<800xi32, #tpu.memory_space<hbm>>
      %dma_wait3A_42 = tpu.memref_slice %arg4[%add3A_8] : memref<1638400xi32, #tpu.memory_space<hbm>> -> memref<800xi32, #tpu.memory_space<hbm>>
      tpu.wait_dma2 semaphore(%run_scoped3A : memref<!tpu.dma_semaphore, #tpu.memory_space<semaphore_mem>>) src(%dma_wait3A_42 : memref<800xi32, #tpu.memory_space<hbm>>) dst(%arg8 : memref<800xi32, #tpu.memory_space<vmem>>)
      tpu.yield
    }) : () -> ()
    %dma_start3A = arith.constant 0 : i32
    %dma_start3A_9 = arith.constant 0 : i32
    %dma_start3A_10 = tpu.memref_slice %arg2[%dma_start3A, %dma_start3A_9] : memref<200704x16xf32, #tpu.memory_space<hbm>> -> memref<200704x16xf32, #tpu.memory_space<hbm>>
    tpu.enqueue_indirect_dma source(%dma_start3A_10 : memref<200704x16xf32, #tpu.memory_space<hbm>>) target(%arg9 : memref<800x16xf32, #tpu.memory_space<vmem>>) offsets(%arg7 : memref<800xi32, #tpu.memory_space<vmem>>) semaphore(%arg14 : memref<!tpu.dma_semaphore, #tpu.memory_space<semaphore_mem>>)
    %mul3A_11 = arith.constant 1638400 : i32
    %mul3A_12 = arith.muli %arg0, %mul3A_11 : i32
    %add3A_13 = arith.addi %mul3A_12, %mul3A_2 : i32
    %add3A_14 = arith.constant 800 : i32
    %add3A_15 = arith.addi %add3A_13, %add3A_14 : i32
    "tpu.region"() ({
      %run_scoped3A = tpu.sem_alloc : memref<!tpu.dma_semaphore, #tpu.memory_space<semaphore_mem>>
      %dma_start3A_39 = tpu.memref_slice %arg3[%add3A_15] : memref<3276800xi32, #tpu.memory_space<hbm>> -> memref<800xi32, #tpu.memory_space<hbm>>
      %dma_start3A_40 = tpu.memref_slice %arg3[%add3A_15] : memref<3276800xi32, #tpu.memory_space<hbm>> -> memref<800xi32, #tpu.memory_space<hbm>>
      tpu.enqueue_dma source(%dma_start3A_40 : memref<800xi32, #tpu.memory_space<hbm>>) target(%arg10 : memref<800xi32, #tpu.memory_space<vmem>>) target_semaphore(%run_scoped3A : memref<!tpu.dma_semaphore, #tpu.memory_space<semaphore_mem>>)
      %dma_wait3A_41 = tpu.memref_slice %arg3[%add3A_15] : memref<3276800xi32, #tpu.memory_space<hbm>> -> memref<800xi32, #tpu.memory_space<hbm>>
      %dma_wait3A_42 = tpu.memref_slice %arg3[%add3A_15] : memref<3276800xi32, #tpu.memory_space<hbm>> -> memref<800xi32, #tpu.memory_space<hbm>>
      tpu.wait_dma2 semaphore(%run_scoped3A : memref<!tpu.dma_semaphore, #tpu.memory_space<semaphore_mem>>) src(%dma_wait3A_42 : memref<800xi32, #tpu.memory_space<hbm>>) dst(%arg10 : memref<800xi32, #tpu.memory_space<vmem>>)
      tpu.yield
    }) : () -> ()
    %add3A_16 = arith.constant 800 : i32
    %add3A_17 = arith.addi %mul3A_2, %add3A_16 : i32
    "tpu.region"() ({
      %run_scoped3A = tpu.sem_alloc : memref<!tpu.dma_semaphore, #tpu.memory_space<semaphore_mem>>
      %dma_start3A_39 = tpu.memref_slice %arg4[%add3A_17] : memref<1638400xi32, #tpu.memory_space<hbm>> -> memref<800xi32, #tpu.memory_space<hbm>>
      %dma_start3A_40 = tpu.memref_slice %arg4[%add3A_17] : memref<1638400xi32, #tpu.memory_space<hbm>> -> memref<800xi32, #tpu.memory_space<hbm>>
      tpu.enqueue_dma source(%dma_start3A_40 : memref<800xi32, #tpu.memory_space<hbm>>) target(%arg11 : memref<800xi32, #tpu.memory_space<vmem>>) target_semaphore(%run_scoped3A : memref<!tpu.dma_semaphore, #tpu.memory_space<semaphore_mem>>)
      %dma_wait3A_41 = tpu.memref_slice %arg4[%add3A_17] : memref<1638400xi32, #tpu.memory_space<hbm>> -> memref<800xi32, #tpu.memory_space<hbm>>
      %dma_wait3A_42 = tpu.memref_slice %arg4[%add3A_17] : memref<1638400xi32, #tpu.memory_space<hbm>> -> memref<800xi32, #tpu.memory_space<hbm>>
      tpu.wait_dma2 semaphore(%run_scoped3A : memref<!tpu.dma_semaphore, #tpu.memory_space<semaphore_mem>>) src(%dma_wait3A_42 : memref<800xi32, #tpu.memory_space<hbm>>) dst(%arg11 : memref<800xi32, #tpu.memory_space<vmem>>)
      tpu.yield
    }) : () -> ()
    %dma_start3A_18 = arith.constant 0 : i32
    %dma_start3A_19 = arith.constant 0 : i32
    %dma_start3A_20 = tpu.memref_slice %arg2[%dma_start3A_18, %dma_start3A_19] : memref<200704x16xf32, #tpu.memory_space<hbm>> -> memref<200704x16xf32, #tpu.memory_space<hbm>>
    tpu.enqueue_indirect_dma source(%dma_start3A_20 : memref<200704x16xf32, #tpu.memory_space<hbm>>) target(%arg12 : memref<800x16xf32, #tpu.memory_space<vmem>>) offsets(%arg10 : memref<800xi32, #tpu.memory_space<vmem>>) semaphore(%arg15 : memref<!tpu.dma_semaphore, #tpu.memory_space<semaphore_mem>>)
    %scan3A = arith.constant 0 : i32
    %scan3A_21 = arith.constant 0 : i32
    %scan3A_22 = arith.constant 63 : i32
    %scan3A_23 = arith.addi %scan3A_21, %scan3A_22 : i32
    %scan3A_24 = arith.constant 1 : i32
    scf.for %scan3A_39 = %scan3A_21 to %scan3A_23 step %scan3A_24  : i32 {
      %dma_wait3A_40 = arith.constant 0 : i32
      %dma_wait3A_41 = arith.constant 0 : i32
      %dma_wait3A_42 = tpu.memref_slice %arg2[%dma_wait3A_40, %dma_wait3A_41] : memref<200704x16xf32, #tpu.memory_space<hbm>> -> memref<200704x16xf32, #tpu.memory_space<hbm>>
      tpu.wait_indirect_dma semaphore(%arg14 : memref<!tpu.dma_semaphore, #tpu.memory_space<semaphore_mem>>) src(%dma_wait3A_42 : memref<200704x16xf32, #tpu.memory_space<hbm>>) dst(%arg9 : memref<800x16xf32, #tpu.memory_space<vmem>>)
      "tpu.region"() ({
        %run_scoped3A = tpu.sem_alloc : memref<!tpu.dma_semaphore, #tpu.memory_space<semaphore_mem>>
        %dma_start3A_76 = arith.constant 0 : i32
        %dma_start3A_77 = arith.constant 0 : i32
        %dma_start3A_78 = tpu.memref_slice %arg13[%dma_start3A_76, %dma_start3A_77] : memref<100352x16xf32, #tpu.memory_space<vmem_shared>> -> memref<100352x16xf32, #tpu.memory_space<vmem_shared>>
        tpu.enqueue_indirect_dma source(%arg9 : memref<800x16xf32, #tpu.memory_space<vmem>>) target(%dma_start3A_78 : memref<100352x16xf32, #tpu.memory_space<vmem_shared>>) offsets(%arg8 : memref<800xi32, #tpu.memory_space<vmem>>) semaphore(%run_scoped3A : memref<!tpu.dma_semaphore, #tpu.memory_space<semaphore_mem>>) {add = true}
        %dma_wait3A_79 = arith.constant 0 : i32
        %dma_wait3A_80 = arith.constant 0 : i32
        %dma_wait3A_81 = tpu.memref_slice %arg13[%dma_wait3A_79, %dma_wait3A_80] : memref<100352x16xf32, #tpu.memory_space<vmem_shared>> -> memref<100352x16xf32, #tpu.memory_space<vmem_shared>>
        tpu.wait_indirect_dma semaphore(%run_scoped3A : memref<!tpu.dma_semaphore, #tpu.memory_space<semaphore_mem>>) src(%arg9 : memref<800x16xf32, #tpu.memory_space<vmem>>) dst(%dma_wait3A_81 : memref<100352x16xf32, #tpu.memory_space<vmem_shared>>)
        tpu.yield
      }) : () -> ()
      %mul3A_43 = arith.constant 2 : i32
      %mul3A_44 = arith.muli %mul3A_43, %scan3A_39 : i32
      %add3A_45 = arith.constant 0 : i32
      %add3A_46 = arith.addi %mul3A_44, %add3A_45 : i32
      %add3A_47 = arith.constant 2 : i32
      %add3A_48 = arith.addi %add3A_46, %add3A_47 : i32
      %mul3A_49 = arith.constant 800 : i32
      %mul3A_50 = arith.muli %add3A_48, %mul3A_49 : i32
      %add3A_51 = arith.addi %mul3A_2, %mul3A_50 : i32
      %mul3A_52 = arith.constant 1638400 : i32
      %mul3A_53 = arith.muli %arg0, %mul3A_52 : i32
      %add3A_54 = arith.addi %mul3A_53, %add3A_51 : i32
      "tpu.region"() ({
        %run_scoped3A = tpu.sem_alloc : memref<!tpu.dma_semaphore, #tpu.memory_space<semaphore_mem>>
        %dma_start3A_76 = tpu.memref_slice %arg3[%add3A_54] : memref<3276800xi32, #tpu.memory_space<hbm>> -> memref<800xi32, #tpu.memory_space<hbm>>
        %dma_start3A_77 = tpu.memref_slice %arg3[%add3A_54] : memref<3276800xi32, #tpu.memory_space<hbm>> -> memref<800xi32, #tpu.memory_space<hbm>>
        tpu.enqueue_dma source(%dma_start3A_77 : memref<800xi32, #tpu.memory_space<hbm>>) target(%arg7 : memref<800xi32, #tpu.memory_space<vmem>>) target_semaphore(%run_scoped3A : memref<!tpu.dma_semaphore, #tpu.memory_space<semaphore_mem>>)
        %dma_wait3A_78 = tpu.memref_slice %arg3[%add3A_54] : memref<3276800xi32, #tpu.memory_space<hbm>> -> memref<800xi32, #tpu.memory_space<hbm>>
        %dma_wait3A_79 = tpu.memref_slice %arg3[%add3A_54] : memref<3276800xi32, #tpu.memory_space<hbm>> -> memref<800xi32, #tpu.memory_space<hbm>>
        tpu.wait_dma2 semaphore(%run_scoped3A : memref<!tpu.dma_semaphore, #tpu.memory_space<semaphore_mem>>) src(%dma_wait3A_79 : memref<800xi32, #tpu.memory_space<hbm>>) dst(%arg7 : memref<800xi32, #tpu.memory_space<vmem>>)
        tpu.yield
      }) : () -> ()
      "tpu.region"() ({
        %run_scoped3A = tpu.sem_alloc : memref<!tpu.dma_semaphore, #tpu.memory_space<semaphore_mem>>
        %dma_start3A_76 = tpu.memref_slice %arg4[%add3A_51] : memref<1638400xi32, #tpu.memory_space<hbm>> -> memref<800xi32, #tpu.memory_space<hbm>>
        %dma_start3A_77 = tpu.memref_slice %arg4[%add3A_51] : memref<1638400xi32, #tpu.memory_space<hbm>> -> memref<800xi32, #tpu.memory_space<hbm>>
        tpu.enqueue_dma source(%dma_start3A_77 : memref<800xi32, #tpu.memory_space<hbm>>) target(%arg8 : memref<800xi32, #tpu.memory_space<vmem>>) target_semaphore(%run_scoped3A : memref<!tpu.dma_semaphore, #tpu.memory_space<semaphore_mem>>)
        %dma_wait3A_78 = tpu.memref_slice %arg4[%add3A_51] : memref<1638400xi32, #tpu.memory_space<hbm>> -> memref<800xi32, #tpu.memory_space<hbm>>
        %dma_wait3A_79 = tpu.memref_slice %arg4[%add3A_51] : memref<1638400xi32, #tpu.memory_space<hbm>> -> memref<800xi32, #tpu.memory_space<hbm>>
        tpu.wait_dma2 semaphore(%run_scoped3A : memref<!tpu.dma_semaphore, #tpu.memory_space<semaphore_mem>>) src(%dma_wait3A_79 : memref<800xi32, #tpu.memory_space<hbm>>) dst(%arg8 : memref<800xi32, #tpu.memory_space<vmem>>)
        tpu.yield
      }) : () -> ()
      %dma_start3A_55 = arith.constant 0 : i32
      %dma_start3A_56 = arith.constant 0 : i32
      %dma_start3A_57 = tpu.memref_slice %arg2[%dma_start3A_55, %dma_start3A_56] : memref<200704x16xf32, #tpu.memory_space<hbm>> -> memref<200704x16xf32, #tpu.memory_space<hbm>>
      tpu.enqueue_indirect_dma source(%dma_start3A_57 : memref<200704x16xf32, #tpu.memory_space<hbm>>) target(%arg9 : memref<800x16xf32, #tpu.memory_space<vmem>>) offsets(%arg7 : memref<800xi32, #tpu.memory_space<vmem>>) semaphore(%arg14 : memref<!tpu.dma_semaphore, #tpu.memory_space<semaphore_mem>>)
      %dma_wait3A_58 = arith.constant 0 : i32
      %dma_wait3A_59 = arith.constant 0 : i32
      %dma_wait3A_60 = tpu.memref_slice %arg2[%dma_wait3A_58, %dma_wait3A_59] : memref<200704x16xf32, #tpu.memory_space<hbm>> -> memref<200704x16xf32, #tpu.memory_space<hbm>>
      tpu.wait_indirect_dma semaphore(%arg15 : memref<!tpu.dma_semaphore, #tpu.memory_space<semaphore_mem>>) src(%dma_wait3A_60 : memref<200704x16xf32, #tpu.memory_space<hbm>>) dst(%arg12 : memref<800x16xf32, #tpu.memory_space<vmem>>)
      "tpu.region"() ({
        %run_scoped3A = tpu.sem_alloc : memref<!tpu.dma_semaphore, #tpu.memory_space<semaphore_mem>>
        %dma_start3A_76 = arith.constant 0 : i32
        %dma_start3A_77 = arith.constant 0 : i32
        %dma_start3A_78 = tpu.memref_slice %arg13[%dma_start3A_76, %dma_start3A_77] : memref<100352x16xf32, #tpu.memory_space<vmem_shared>> -> memref<100352x16xf32, #tpu.memory_space<vmem_shared>>
        tpu.enqueue_indirect_dma source(%arg12 : memref<800x16xf32, #tpu.memory_space<vmem>>) target(%dma_start3A_78 : memref<100352x16xf32, #tpu.memory_space<vmem_shared>>) offsets(%arg11 : memref<800xi32, #tpu.memory_space<vmem>>) semaphore(%run_scoped3A : memref<!tpu.dma_semaphore, #tpu.memory_space<semaphore_mem>>) {add = true}
        %dma_wait3A_79 = arith.constant 0 : i32
        %dma_wait3A_80 = arith.constant 0 : i32
        %dma_wait3A_81 = tpu.memref_slice %arg13[%dma_wait3A_79, %dma_wait3A_80] : memref<100352x16xf32, #tpu.memory_space<vmem_shared>> -> memref<100352x16xf32, #tpu.memory_space<vmem_shared>>
        tpu.wait_indirect_dma semaphore(%run_scoped3A : memref<!tpu.dma_semaphore, #tpu.memory_space<semaphore_mem>>) src(%arg12 : memref<800x16xf32, #tpu.memory_space<vmem>>) dst(%dma_wait3A_81 : memref<100352x16xf32, #tpu.memory_space<vmem_shared>>)
        tpu.yield
      }) : () -> ()
      %mul3A_61 = arith.constant 2 : i32
      %mul3A_62 = arith.muli %mul3A_61, %scan3A_39 : i32
      %add3A_63 = arith.constant 1 : i32
      %add3A_64 = arith.addi %mul3A_62, %add3A_63 : i32
      %add3A_65 = arith.constant 2 : i32
      %add3A_66 = arith.addi %add3A_64, %add3A_65 : i32
      %mul3A_67 = arith.constant 800 : i32
      %mul3A_68 = arith.muli %add3A_66, %mul3A_67 : i32
      %add3A_69 = arith.addi %mul3A_2, %mul3A_68 : i32
      %mul3A_70 = arith.constant 1638400 : i32
      %mul3A_71 = arith.muli %arg0, %mul3A_70 : i32
      %add3A_72 = arith.addi %mul3A_71, %add3A_69 : i32
      "tpu.region"() ({
        %run_scoped3A = tpu.sem_alloc : memref<!tpu.dma_semaphore, #tpu.memory_space<semaphore_mem>>
        %dma_start3A_76 = tpu.memref_slice %arg3[%add3A_72] : memref<3276800xi32, #tpu.memory_space<hbm>> -> memref<800xi32, #tpu.memory_space<hbm>>
        %dma_start3A_77 = tpu.memref_slice %arg3[%add3A_72] : memref<3276800xi32, #tpu.memory_space<hbm>> -> memref<800xi32, #tpu.memory_space<hbm>>
        tpu.enqueue_dma source(%dma_start3A_77 : memref<800xi32, #tpu.memory_space<hbm>>) target(%arg10 : memref<800xi32, #tpu.memory_space<vmem>>) target_semaphore(%run_scoped3A : memref<!tpu.dma_semaphore, #tpu.memory_space<semaphore_mem>>)
        %dma_wait3A_78 = tpu.memref_slice %arg3[%add3A_72] : memref<3276800xi32, #tpu.memory_space<hbm>> -> memref<800xi32, #tpu.memory_space<hbm>>
        %dma_wait3A_79 = tpu.memref_slice %arg3[%add3A_72] : memref<3276800xi32, #tpu.memory_space<hbm>> -> memref<800xi32, #tpu.memory_space<hbm>>
        tpu.wait_dma2 semaphore(%run_scoped3A : memref<!tpu.dma_semaphore, #tpu.memory_space<semaphore_mem>>) src(%dma_wait3A_79 : memref<800xi32, #tpu.memory_space<hbm>>) dst(%arg10 : memref<800xi32, #tpu.memory_space<vmem>>)
        tpu.yield
      }) : () -> ()
      "tpu.region"() ({
        %run_scoped3A = tpu.sem_alloc : memref<!tpu.dma_semaphore, #tpu.memory_space<semaphore_mem>>
        %dma_start3A_76 = tpu.memref_slice %arg4[%add3A_69] : memref<1638400xi32, #tpu.memory_space<hbm>> -> memref<800xi32, #tpu.memory_space<hbm>>
        %dma_start3A_77 = tpu.memref_slice %arg4[%add3A_69] : memref<1638400xi32, #tpu.memory_space<hbm>> -> memref<800xi32, #tpu.memory_space<hbm>>
        tpu.enqueue_dma source(%dma_start3A_77 : memref<800xi32, #tpu.memory_space<hbm>>) target(%arg11 : memref<800xi32, #tpu.memory_space<vmem>>) target_semaphore(%run_scoped3A : memref<!tpu.dma_semaphore, #tpu.memory_space<semaphore_mem>>)
        %dma_wait3A_78 = tpu.memref_slice %arg4[%add3A_69] : memref<1638400xi32, #tpu.memory_space<hbm>> -> memref<800xi32, #tpu.memory_space<hbm>>
        %dma_wait3A_79 = tpu.memref_slice %arg4[%add3A_69] : memref<1638400xi32, #tpu.memory_space<hbm>> -> memref<800xi32, #tpu.memory_space<hbm>>
        tpu.wait_dma2 semaphore(%run_scoped3A : memref<!tpu.dma_semaphore, #tpu.memory_space<semaphore_mem>>) src(%dma_wait3A_79 : memref<800xi32, #tpu.memory_space<hbm>>) dst(%arg11 : memref<800xi32, #tpu.memory_space<vmem>>)
        tpu.yield
      }) : () -> ()
      %dma_start3A_73 = arith.constant 0 : i32
      %dma_start3A_74 = arith.constant 0 : i32
      %dma_start3A_75 = tpu.memref_slice %arg2[%dma_start3A_73, %dma_start3A_74] : memref<200704x16xf32, #tpu.memory_space<hbm>> -> memref<200704x16xf32, #tpu.memory_space<hbm>>
      tpu.enqueue_indirect_dma source(%dma_start3A_75 : memref<200704x16xf32, #tpu.memory_space<hbm>>) target(%arg12 : memref<800x16xf32, #tpu.memory_space<vmem>>) offsets(%arg10 : memref<800xi32, #tpu.memory_space<vmem>>) semaphore(%arg15 : memref<!tpu.dma_semaphore, #tpu.memory_space<semaphore_mem>>)
    }
    %scan3A_25 = arith.constant 63 : i32
    %dma_wait3A = arith.constant 0 : i32
    %dma_wait3A_26 = arith.constant 0 : i32
    %dma_wait3A_27 = tpu.memref_slice %arg2[%dma_wait3A, %dma_wait3A_26] : memref<200704x16xf32, #tpu.memory_space<hbm>> -> memref<200704x16xf32, #tpu.memory_space<hbm>>
    tpu.wait_indirect_dma semaphore(%arg14 : memref<!tpu.dma_semaphore, #tpu.memory_space<semaphore_mem>>) src(%dma_wait3A_27 : memref<200704x16xf32, #tpu.memory_space<hbm>>) dst(%arg9 : memref<800x16xf32, #tpu.memory_space<vmem>>)
    "tpu.region"() ({
      %run_scoped3A = tpu.sem_alloc : memref<!tpu.dma_semaphore, #tpu.memory_space<semaphore_mem>>
      %dma_start3A_39 = arith.constant 0 : i32
      %dma_start3A_40 = arith.constant 0 : i32
      %dma_start3A_41 = tpu.memref_slice %arg13[%dma_start3A_39, %dma_start3A_40] : memref<100352x16xf32, #tpu.memory_space<vmem_shared>> -> memref<100352x16xf32, #tpu.memory_space<vmem_shared>>
      tpu.enqueue_indirect_dma source(%arg9 : memref<800x16xf32, #tpu.memory_space<vmem>>) target(%dma_start3A_41 : memref<100352x16xf32, #tpu.memory_space<vmem_shared>>) offsets(%arg8 : memref<800xi32, #tpu.memory_space<vmem>>) semaphore(%run_scoped3A : memref<!tpu.dma_semaphore, #tpu.memory_space<semaphore_mem>>) {add = true}
      %dma_wait3A_42 = arith.constant 0 : i32
      %dma_wait3A_43 = arith.constant 0 : i32
      %dma_wait3A_44 = tpu.memref_slice %arg13[%dma_wait3A_42, %dma_wait3A_43] : memref<100352x16xf32, #tpu.memory_space<vmem_shared>> -> memref<100352x16xf32, #tpu.memory_space<vmem_shared>>
      tpu.wait_indirect_dma semaphore(%run_scoped3A : memref<!tpu.dma_semaphore, #tpu.memory_space<semaphore_mem>>) src(%arg9 : memref<800x16xf32, #tpu.memory_space<vmem>>) dst(%dma_wait3A_44 : memref<100352x16xf32, #tpu.memory_space<vmem_shared>>)
      tpu.yield
    }) : () -> ()
    %dma_wait3A_28 = arith.constant 0 : i32
    %dma_wait3A_29 = arith.constant 0 : i32
    %dma_wait3A_30 = tpu.memref_slice %arg2[%dma_wait3A_28, %dma_wait3A_29] : memref<200704x16xf32, #tpu.memory_space<hbm>> -> memref<200704x16xf32, #tpu.memory_space<hbm>>
    tpu.wait_indirect_dma semaphore(%arg15 : memref<!tpu.dma_semaphore, #tpu.memory_space<semaphore_mem>>) src(%dma_wait3A_30 : memref<200704x16xf32, #tpu.memory_space<hbm>>) dst(%arg12 : memref<800x16xf32, #tpu.memory_space<vmem>>)
    "tpu.region"() ({
      %run_scoped3A = tpu.sem_alloc : memref<!tpu.dma_semaphore, #tpu.memory_space<semaphore_mem>>
      %dma_start3A_39 = arith.constant 0 : i32
      %dma_start3A_40 = arith.constant 0 : i32
      %dma_start3A_41 = tpu.memref_slice %arg13[%dma_start3A_39, %dma_start3A_40] : memref<100352x16xf32, #tpu.memory_space<vmem_shared>> -> memref<100352x16xf32, #tpu.memory_space<vmem_shared>>
      tpu.enqueue_indirect_dma source(%arg12 : memref<800x16xf32, #tpu.memory_space<vmem>>) target(%dma_start3A_41 : memref<100352x16xf32, #tpu.memory_space<vmem_shared>>) offsets(%arg11 : memref<800xi32, #tpu.memory_space<vmem>>) semaphore(%run_scoped3A : memref<!tpu.dma_semaphore, #tpu.memory_space<semaphore_mem>>) {add = true}
      %dma_wait3A_42 = arith.constant 0 : i32
      %dma_wait3A_43 = arith.constant 0 : i32
      %dma_wait3A_44 = tpu.memref_slice %arg13[%dma_wait3A_42, %dma_wait3A_43] : memref<100352x16xf32, #tpu.memory_space<vmem_shared>> -> memref<100352x16xf32, #tpu.memory_space<vmem_shared>>
      tpu.wait_indirect_dma semaphore(%run_scoped3A : memref<!tpu.dma_semaphore, #tpu.memory_space<semaphore_mem>>) src(%arg12 : memref<800x16xf32, #tpu.memory_space<vmem>>) dst(%dma_wait3A_44 : memref<100352x16xf32, #tpu.memory_space<vmem_shared>>)
      tpu.yield
    }) : () -> ()
    %barrier3A_31 = arith.constant 0 : index
    tpu.barrier barrier_id(%barrier3A_31)
    %mul3A_32 = arith.constant 6272 : i32
    %mul3A_33 = arith.muli %arg1, %mul3A_32 : i32
    %mul3A_34 = arith.constant 100352 : i32
    %mul3A_35 = arith.muli %arg0, %mul3A_34 : i32
    %mul3A_36 = arith.constant 6272 : i32
    %mul3A_37 = arith.muli %arg1, %mul3A_36 : i32
    %add3A_38 = arith.addi %mul3A_35, %mul3A_37 : i32
    "tpu.region"() ({
      %run_scoped3A = tpu.sem_alloc : memref<!tpu.dma_semaphore, #tpu.memory_space<semaphore_mem>>
      %dma_start3A_39 = arith.constant 0 : i32
      %dma_start3A_40 = tpu.memref_slice %arg6[%add3A_38, %dma_start3A_39] : memref<200704x16xf32, #tpu.memory_space<hbm>> -> memref<6272x16xf32, #tpu.memory_space<hbm>>
      %dma_start3A_41 = arith.constant 0 : i32
      %dma_start3A_42 = tpu.memref_slice %arg13[%mul3A_33, %dma_start3A_41] : memref<100352x16xf32, #tpu.memory_space<vmem_shared>> -> memref<6272x16xf32, #tpu.memory_space<vmem_shared>>
      tpu.enqueue_dma source(%dma_start3A_42 : memref<6272x16xf32, #tpu.memory_space<vmem_shared>>) target(%dma_start3A_40 : memref<6272x16xf32, #tpu.memory_space<hbm>>) target_semaphore(%run_scoped3A : memref<!tpu.dma_semaphore, #tpu.memory_space<semaphore_mem>>)
      %dma_wait3A_43 = arith.constant 0 : i32
      %dma_wait3A_44 = tpu.memref_slice %arg6[%add3A_38, %dma_wait3A_43] : memref<200704x16xf32, #tpu.memory_space<hbm>> -> memref<6272x16xf32, #tpu.memory_space<hbm>>
      %dma_wait3A_45 = arith.constant 0 : i32
      %dma_wait3A_46 = tpu.memref_slice %arg13[%mul3A_33, %dma_wait3A_45] : memref<100352x16xf32, #tpu.memory_space<vmem_shared>> -> memref<6272x16xf32, #tpu.memory_space<vmem_shared>>
      tpu.wait_dma2 semaphore(%run_scoped3A : memref<!tpu.dma_semaphore, #tpu.memory_space<semaphore_mem>>) src(%dma_wait3A_46 : memref<6272x16xf32, #tpu.memory_space<vmem_shared>>) dst(%dma_wait3A_44 : memref<6272x16xf32, #tpu.memory_space<hbm>>)
      tpu.yield
    }) : () -> ()
    return
  }
}

#map = affine_map<(d0, d1) -> (0, 0)>
#map1 = affine_map<(d0, d1) -> (0)>
module attributes {stable_mosaic.version = 14 : i64} {
  func.func @body(%arg0: i32, %arg1: i32, %arg2: memref<200704x16xf32, #tpu.memory_space<hbm>>, %arg3: memref<3276800xi32, #tpu.memory_space<hbm>>, %arg4: memref<1638400xi32, #tpu.memory_space<hbm>>, %arg5: memref<6272x16xf32, #tpu.memory_space<hbm>>, %arg6: memref<200704x16xf32, #tpu.memory_space<hbm>>, %arg7: memref<800xi32, #tpu.memory_space<vmem>>, %arg8: memref<800xi32, #tpu.memory_space<vmem>>, %arg9: memref<800x16xf32, #tpu.memory_space<vmem>>, %arg10: memref<800xi32, #tpu.memory_space<vmem>>, %arg11: memref<800xi32, #tpu.memory_space<vmem>>, %arg12: memref<800x16xf32, #tpu.memory_space<vmem>>, %arg13: memref<100352x16xf32, #tpu.memory_space<vmem_shared>>, %arg14: memref<!tpu.dma_semaphore, #tpu.memory_space<semaphore_mem>>, %arg15: memref<!tpu.dma_semaphore, #tpu.memory_space<semaphore_mem>>) attributes {dimension_semantics = [#tpu.dimension_semantics<core_parallel>, #tpu.dimension_semantics<subcore_parallel>], iteration_bounds = array<i64: 2, 16>, scalar_prefetch = 0 : i64, scratch_operands = 9 : i64, tpu.core_type = #tpu.core_type<sc_vector_subcore>, window_params = [{transform_indices = #map}, {transform_indices = #map1}, {transform_indices = #map1}, {transform_indices = #map}, {transform_indices = #map}]} {
    %mul3A = arith.constant 6272 : i32
    %mul3A_0 = arith.muli %arg1, %mul3A : i32
    "tpu.region"() ({
      %run_scoped3A = tpu.sem_alloc : memref<!tpu.dma_semaphore, #tpu.memory_space<semaphore_mem>>
      %dma_start3A_39 = arith.constant 0 : i32
      %dma_start3A_40 = tpu.memref_slice %arg13[%mul3A_0, %dma_start3A_39] : memref<100352x16xf32, #tpu.memory_space<vmem_shared>> -> memref<6272x16xf32, #tpu.memory_space<vmem_shared>>
      tpu.enqueue_dma source(%arg5 : memref<6272x16xf32, #tpu.memory_space<hbm>>) target(%dma_start3A_40 : memref<6272x16xf32, #tpu.memory_space<vmem_shared>>) target_semaphore(%run_scoped3A : memref<!tpu.dma_semaphore, #tpu.memory_space<semaphore_mem>>)
      %dma_wait3A_41 = arith.constant 0 : i32
      %dma_wait3A_42 = tpu.memref_slice %arg13[%mul3A_0, %dma_wait3A_41] : memref<100352x16xf32, #tpu.memory_space<vmem_shared>> -> memref<6272x16xf32, #tpu.memory_space<vmem_shared>>
      tpu.wait_dma2 semaphore(%run_scoped3A : memref<!tpu.dma_semaphore, #tpu.memory_space<semaphore_mem>>) src(%arg5 : memref<6272x16xf32, #tpu.memory_space<hbm>>) dst(%dma_wait3A_42 : memref<6272x16xf32, #tpu.memory_space<vmem_shared>>)
      tpu.yield
    }) : () -> ()
    %barrier3A = arith.constant 0 : index
    tpu.barrier barrier_id(%barrier3A)
    %mul3A_1 = arith.constant 102400 : i32
    %mul3A_2 = arith.muli %arg1, %mul3A_1 : i32
    %mul3A_3 = arith.constant 1638400 : i32
    %mul3A_4 = arith.muli %arg0, %mul3A_3 : i32
    %add3A = arith.addi %mul3A_4, %mul3A_2 : i32
    %add3A_5 = arith.constant 0 : i32
    %add3A_6 = arith.addi %add3A, %add3A_5 : i32
    "tpu.region"() ({
      %run_scoped3A = tpu.sem_alloc : memref<!tpu.dma_semaphore, #tpu.memory_space<semaphore_mem>>
      %dma_start3A_39 = tpu.memref_slice %arg3[%add3A_6] : memref<3276800xi32, #tpu.memory_space<hbm>> -> memref<800xi32, #tpu.memory_space<hbm>>
      %dma_start3A_40 = tpu.memref_slice %arg3[%add3A_6] : memref<3276800xi32, #tpu.memory_space<hbm>> -> memref<800xi32, #tpu.memory_space<hbm>>
      tpu.enqueue_dma source(%dma_start3A_40 : memref<800xi32, #tpu.memory_space<hbm>>) target(%arg7 : memref<800xi32, #tpu.memory_space<vmem>>) target_semaphore(%run_scoped3A : memref<!tpu.dma_semaphore, #tpu.memory_space<semaphore_mem>>)
      %dma_wait3A_41 = tpu.memref_slice %arg3[%add3A_6] : memref<3276800xi32, #tpu.memory_space<hbm>> -> memref<800xi32, #tpu.memory_space<hbm>>
      %dma_wait3A_42 = tpu.memref_slice %arg3[%add3A_6] : memref<3276800xi32, #tpu.memory_space<hbm>> -> memref<800xi32, #tpu.memory_space<hbm>>
      tpu.wait_dma2 semaphore(%run_scoped3A : memref<!tpu.dma_semaphore, #tpu.memory_space<semaphore_mem>>) src(%dma_wait3A_42 : memref<800xi32, #tpu.memory_space<hbm>>) dst(%arg7 : memref<800xi32, #tpu.memory_space<vmem>>)
      tpu.yield
    }) : () -> ()
    %add3A_7 = arith.constant 0 : i32
    %add3A_8 = arith.addi %mul3A_2, %add3A_7 : i32
    "tpu.region"() ({
      %run_scoped3A = tpu.sem_alloc : memref<!tpu.dma_semaphore, #tpu.memory_space<semaphore_mem>>
      %dma_start3A_39 = tpu.memref_slice %arg4[%add3A_8] : memref<1638400xi32, #tpu.memory_space<hbm>> -> memref<800xi32, #tpu.memory_space<hbm>>
      %dma_start3A_40 = tpu.memref_slice %arg4[%add3A_8] : memref<1638400xi32, #tpu.memory_space<hbm>> -> memref<800xi32, #tpu.memory_space<hbm>>
      tpu.enqueue_dma source(%dma_start3A_40 : memref<800xi32, #tpu.memory_space<hbm>>) target(%arg8 : memref<800xi32, #tpu.memory_space<vmem>>) target_semaphore(%run_scoped3A : memref<!tpu.dma_semaphore, #tpu.memory_space<semaphore_mem>>)
      %dma_wait3A_41 = tpu.memref_slice %arg4[%add3A_8] : memref<1638400xi32, #tpu.memory_space<hbm>> -> memref<800xi32, #tpu.memory_space<hbm>>
      %dma_wait3A_42 = tpu.memref_slice %arg4[%add3A_8] : memref<1638400xi32, #tpu.memory_space<hbm>> -> memref<800xi32, #tpu.memory_space<hbm>>
      tpu.wait_dma2 semaphore(%run_scoped3A : memref<!tpu.dma_semaphore, #tpu.memory_space<semaphore_mem>>) src(%dma_wait3A_42 : memref<800xi32, #tpu.memory_space<hbm>>) dst(%arg8 : memref<800xi32, #tpu.memory_space<vmem>>)
      tpu.yield
    }) : () -> ()
    %dma_start3A = arith.constant 0 : i32
    %dma_start3A_9 = arith.constant 0 : i32
    %dma_start3A_10 = tpu.memref_slice %arg2[%dma_start3A, %dma_start3A_9] : memref<200704x16xf32, #tpu.memory_space<hbm>> -> memref<200704x16xf32, #tpu.memory_space<hbm>>
    tpu.enqueue_indirect_dma source(%dma_start3A_10 : memref<200704x16xf32, #tpu.memory_space<hbm>>) target(%arg9 : memref<800x16xf32, #tpu.memory_space<vmem>>) offsets(%arg7 : memref<800xi32, #tpu.memory_space<vmem>>) semaphore(%arg14 : memref<!tpu.dma_semaphore, #tpu.memory_space<semaphore_mem>>)
    %mul3A_11 = arith.constant 1638400 : i32
    %mul3A_12 = arith.muli %arg0, %mul3A_11 : i32
    %add3A_13 = arith.addi %mul3A_12, %mul3A_2 : i32
    %add3A_14 = arith.constant 800 : i32
    %add3A_15 = arith.addi %add3A_13, %add3A_14 : i32
    "tpu.region"() ({
      %run_scoped3A = tpu.sem_alloc : memref<!tpu.dma_semaphore, #tpu.memory_space<semaphore_mem>>
      %dma_start3A_39 = tpu.memref_slice %arg3[%add3A_15] : memref<3276800xi32, #tpu.memory_space<hbm>> -> memref<800xi32, #tpu.memory_space<hbm>>
      %dma_start3A_40 = tpu.memref_slice %arg3[%add3A_15] : memref<3276800xi32, #tpu.memory_space<hbm>> -> memref<800xi32, #tpu.memory_space<hbm>>
      tpu.enqueue_dma source(%dma_start3A_40 : memref<800xi32, #tpu.memory_space<hbm>>) target(%arg10 : memref<800xi32, #tpu.memory_space<vmem>>) target_semaphore(%run_scoped3A : memref<!tpu.dma_semaphore, #tpu.memory_space<semaphore_mem>>)
      %dma_wait3A_41 = tpu.memref_slice %arg3[%add3A_15] : memref<3276800xi32, #tpu.memory_space<hbm>> -> memref<800xi32, #tpu.memory_space<hbm>>
      %dma_wait3A_42 = tpu.memref_slice %arg3[%add3A_15] : memref<3276800xi32, #tpu.memory_space<hbm>> -> memref<800xi32, #tpu.memory_space<hbm>>
      tpu.wait_dma2 semaphore(%run_scoped3A : memref<!tpu.dma_semaphore, #tpu.memory_space<semaphore_mem>>) src(%dma_wait3A_42 : memref<800xi32, #tpu.memory_space<hbm>>) dst(%arg10 : memref<800xi32, #tpu.memory_space<vmem>>)
      tpu.yield
    }) : () -> ()
    %add3A_16 = arith.constant 800 : i32
    %add3A_17 = arith.addi %mul3A_2, %add3A_16 : i32
    "tpu.region"() ({
      %run_scoped3A = tpu.sem_alloc : memref<!tpu.dma_semaphore, #tpu.memory_space<semaphore_mem>>
      %dma_start3A_39 = tpu.memref_slice %arg4[%add3A_17] : memref<1638400xi32, #tpu.memory_space<hbm>> -> memref<800xi32, #tpu.memory_space<hbm>>
      %dma_start3A_40 = tpu.memref_slice %arg4[%add3A_17] : memref<1638400xi32, #tpu.memory_space<hbm>> -> memref<800xi32, #tpu.memory_space<hbm>>
      tpu.enqueue_dma source(%dma_start3A_40 : memref<800xi32, #tpu.memory_space<hbm>>) target(%arg11 : memref<800xi32, #tpu.memory_space<vmem>>) target_semaphore(%run_scoped3A : memref<!tpu.dma_semaphore, #tpu.memory_space<semaphore_mem>>)
      %dma_wait3A_41 = tpu.memref_slice %arg4[%add3A_17] : memref<1638400xi32, #tpu.memory_space<hbm>> -> memref<800xi32, #tpu.memory_space<hbm>>
      %dma_wait3A_42 = tpu.memref_slice %arg4[%add3A_17] : memref<1638400xi32, #tpu.memory_space<hbm>> -> memref<800xi32, #tpu.memory_space<hbm>>
      tpu.wait_dma2 semaphore(%run_scoped3A : memref<!tpu.dma_semaphore, #tpu.memory_space<semaphore_mem>>) src(%dma_wait3A_42 : memref<800xi32, #tpu.memory_space<hbm>>) dst(%arg11 : memref<800xi32, #tpu.memory_space<vmem>>)
      tpu.yield
    }) : () -> ()
    %dma_start3A_18 = arith.constant 0 : i32
    %dma_start3A_19 = arith.constant 0 : i32
    %dma_start3A_20 = tpu.memref_slice %arg2[%dma_start3A_18, %dma_start3A_19] : memref<200704x16xf32, #tpu.memory_space<hbm>> -> memref<200704x16xf32, #tpu.memory_space<hbm>>
    tpu.enqueue_indirect_dma source(%dma_start3A_20 : memref<200704x16xf32, #tpu.memory_space<hbm>>) target(%arg12 : memref<800x16xf32, #tpu.memory_space<vmem>>) offsets(%arg10 : memref<800xi32, #tpu.memory_space<vmem>>) semaphore(%arg15 : memref<!tpu.dma_semaphore, #tpu.memory_space<semaphore_mem>>)
    %scan3A = arith.constant 0 : i32
    %scan3A_21 = arith.constant 0 : i32
    %scan3A_22 = arith.constant 63 : i32
    %scan3A_23 = arith.addi %scan3A_21, %scan3A_22 : i32
    %scan3A_24 = arith.constant 1 : i32
    scf.for %scan3A_39 = %scan3A_21 to %scan3A_23 step %scan3A_24  : i32 {
      %dma_wait3A_40 = arith.constant 0 : i32
      %dma_wait3A_41 = arith.constant 0 : i32
      %dma_wait3A_42 = tpu.memref_slice %arg2[%dma_wait3A_40, %dma_wait3A_41] : memref<200704x16xf32, #tpu.memory_space<hbm>> -> memref<200704x16xf32, #tpu.memory_space<hbm>>
      tpu.wait_indirect_dma semaphore(%arg14 : memref<!tpu.dma_semaphore, #tpu.memory_space<semaphore_mem>>) src(%dma_wait3A_42 : memref<200704x16xf32, #tpu.memory_space<hbm>>) dst(%arg9 : memref<800x16xf32, #tpu.memory_space<vmem>>)
      "tpu.region"() ({
        %run_scoped3A = tpu.sem_alloc : memref<!tpu.dma_semaphore, #tpu.memory_space<semaphore_mem>>
        %dma_start3A_76 = arith.constant 0 : i32
        %dma_start3A_77 = arith.constant 0 : i32
        %dma_start3A_78 = tpu.memref_slice %arg13[%dma_start3A_76, %dma_start3A_77] : memref<100352x16xf32, #tpu.memory_space<vmem_shared>> -> memref<100352x16xf32, #tpu.memory_space<vmem_shared>>
        tpu.enqueue_indirect_dma source(%arg9 : memref<800x16xf32, #tpu.memory_space<vmem>>) target(%dma_start3A_78 : memref<100352x16xf32, #tpu.memory_space<vmem_shared>>) offsets(%arg8 : memref<800xi32, #tpu.memory_space<vmem>>) semaphore(%run_scoped3A : memref<!tpu.dma_semaphore, #tpu.memory_space<semaphore_mem>>) {add = true}
        %dma_wait3A_79 = arith.constant 0 : i32
        %dma_wait3A_80 = arith.constant 0 : i32
        %dma_wait3A_81 = tpu.memref_slice %arg13[%dma_wait3A_79, %dma_wait3A_80] : memref<100352x16xf32, #tpu.memory_space<vmem_shared>> -> memref<100352x16xf32, #tpu.memory_space<vmem_shared>>
        tpu.wait_indirect_dma semaphore(%run_scoped3A : memref<!tpu.dma_semaphore, #tpu.memory_space<semaphore_mem>>) src(%arg9 : memref<800x16xf32, #tpu.memory_space<vmem>>) dst(%dma_wait3A_81 : memref<100352x16xf32, #tpu.memory_space<vmem_shared>>)
        tpu.yield
      }) : () -> ()
      %mul3A_43 = arith.constant 2 : i32
      %mul3A_44 = arith.muli %mul3A_43, %scan3A_39 : i32
      %add3A_45 = arith.constant 0 : i32
      %add3A_46 = arith.addi %mul3A_44, %add3A_45 : i32
      %add3A_47 = arith.constant 2 : i32
      %add3A_48 = arith.addi %add3A_46, %add3A_47 : i32
      %mul3A_49 = arith.constant 800 : i32
      %mul3A_50 = arith.muli %add3A_48, %mul3A_49 : i32
      %add3A_51 = arith.addi %mul3A_2, %mul3A_50 : i32
      %mul3A_52 = arith.constant 1638400 : i32
      %mul3A_53 = arith.muli %arg0, %mul3A_52 : i32
      %add3A_54 = arith.addi %mul3A_53, %add3A_51 : i32
      "tpu.region"() ({
        %run_scoped3A = tpu.sem_alloc : memref<!tpu.dma_semaphore, #tpu.memory_space<semaphore_mem>>
        %dma_start3A_76 = tpu.memref_slice %arg3[%add3A_54] : memref<3276800xi32, #tpu.memory_space<hbm>> -> memref<800xi32, #tpu.memory_space<hbm>>
        %dma_start3A_77 = tpu.memref_slice %arg3[%add3A_54] : memref<3276800xi32, #tpu.memory_space<hbm>> -> memref<800xi32, #tpu.memory_space<hbm>>
        tpu.enqueue_dma source(%dma_start3A_77 : memref<800xi32, #tpu.memory_space<hbm>>) target(%arg7 : memref<800xi32, #tpu.memory_space<vmem>>) target_semaphore(%run_scoped3A : memref<!tpu.dma_semaphore, #tpu.memory_space<semaphore_mem>>)
        %dma_wait3A_78 = tpu.memref_slice %arg3[%add3A_54] : memref<3276800xi32, #tpu.memory_space<hbm>> -> memref<800xi32, #tpu.memory_space<hbm>>
        %dma_wait3A_79 = tpu.memref_slice %arg3[%add3A_54] : memref<3276800xi32, #tpu.memory_space<hbm>> -> memref<800xi32, #tpu.memory_space<hbm>>
        tpu.wait_dma2 semaphore(%run_scoped3A : memref<!tpu.dma_semaphore, #tpu.memory_space<semaphore_mem>>) src(%dma_wait3A_79 : memref<800xi32, #tpu.memory_space<hbm>>) dst(%arg7 : memref<800xi32, #tpu.memory_space<vmem>>)
        tpu.yield
      }) : () -> ()
      "tpu.region"() ({
        %run_scoped3A = tpu.sem_alloc : memref<!tpu.dma_semaphore, #tpu.memory_space<semaphore_mem>>
        %dma_start3A_76 = tpu.memref_slice %arg4[%add3A_51] : memref<1638400xi32, #tpu.memory_space<hbm>> -> memref<800xi32, #tpu.memory_space<hbm>>
        %dma_start3A_77 = tpu.memref_slice %arg4[%add3A_51] : memref<1638400xi32, #tpu.memory_space<hbm>> -> memref<800xi32, #tpu.memory_space<hbm>>
        tpu.enqueue_dma source(%dma_start3A_77 : memref<800xi32, #tpu.memory_space<hbm>>) target(%arg8 : memref<800xi32, #tpu.memory_space<vmem>>) target_semaphore(%run_scoped3A : memref<!tpu.dma_semaphore, #tpu.memory_space<semaphore_mem>>)
        %dma_wait3A_78 = tpu.memref_slice %arg4[%add3A_51] : memref<1638400xi32, #tpu.memory_space<hbm>> -> memref<800xi32, #tpu.memory_space<hbm>>
        %dma_wait3A_79 = tpu.memref_slice %arg4[%add3A_51] : memref<1638400xi32, #tpu.memory_space<hbm>> -> memref<800xi32, #tpu.memory_space<hbm>>
        tpu.wait_dma2 semaphore(%run_scoped3A : memref<!tpu.dma_semaphore, #tpu.memory_space<semaphore_mem>>) src(%dma_wait3A_79 : memref<800xi32, #tpu.memory_space<hbm>>) dst(%arg8 : memref<800xi32, #tpu.memory_space<vmem>>)
        tpu.yield
      }) : () -> ()
      %dma_start3A_55 = arith.constant 0 : i32
      %dma_start3A_56 = arith.constant 0 : i32
      %dma_start3A_57 = tpu.memref_slice %arg2[%dma_start3A_55, %dma_start3A_56] : memref<200704x16xf32, #tpu.memory_space<hbm>> -> memref<200704x16xf32, #tpu.memory_space<hbm>>
      tpu.enqueue_indirect_dma source(%dma_start3A_57 : memref<200704x16xf32, #tpu.memory_space<hbm>>) target(%arg9 : memref<800x16xf32, #tpu.memory_space<vmem>>) offsets(%arg7 : memref<800xi32, #tpu.memory_space<vmem>>) semaphore(%arg14 : memref<!tpu.dma_semaphore, #tpu.memory_space<semaphore_mem>>)
      %dma_wait3A_58 = arith.constant 0 : i32
      %dma_wait3A_59 = arith.constant 0 : i32
      %dma_wait3A_60 = tpu.memref_slice %arg2[%dma_wait3A_58, %dma_wait3A_59] : memref<200704x16xf32, #tpu.memory_space<hbm>> -> memref<200704x16xf32, #tpu.memory_space<hbm>>
      tpu.wait_indirect_dma semaphore(%arg15 : memref<!tpu.dma_semaphore, #tpu.memory_space<semaphore_mem>>) src(%dma_wait3A_60 : memref<200704x16xf32, #tpu.memory_space<hbm>>) dst(%arg12 : memref<800x16xf32, #tpu.memory_space<vmem>>)
      "tpu.region"() ({
        %run_scoped3A = tpu.sem_alloc : memref<!tpu.dma_semaphore, #tpu.memory_space<semaphore_mem>>
        %dma_start3A_76 = arith.constant 0 : i32
        %dma_start3A_77 = arith.constant 0 : i32
        %dma_start3A_78 = tpu.memref_slice %arg13[%dma_start3A_76, %dma_start3A_77] : memref<100352x16xf32, #tpu.memory_space<vmem_shared>> -> memref<100352x16xf32, #tpu.memory_space<vmem_shared>>
        tpu.enqueue_indirect_dma source(%arg12 : memref<800x16xf32, #tpu.memory_space<vmem>>) target(%dma_start3A_78 : memref<100352x16xf32, #tpu.memory_space<vmem_shared>>) offsets(%arg11 : memref<800xi32, #tpu.memory_space<vmem>>) semaphore(%run_scoped3A : memref<!tpu.dma_semaphore, #tpu.memory_space<semaphore_mem>>) {add = true}
        %dma_wait3A_79 = arith.constant 0 : i32
        %dma_wait3A_80 = arith.constant 0 : i32
        %dma_wait3A_81 = tpu.memref_slice %arg13[%dma_wait3A_79, %dma_wait3A_80] : memref<100352x16xf32, #tpu.memory_space<vmem_shared>> -> memref<100352x16xf32, #tpu.memory_space<vmem_shared>>
        tpu.wait_indirect_dma semaphore(%run_scoped3A : memref<!tpu.dma_semaphore, #tpu.memory_space<semaphore_mem>>) src(%arg12 : memref<800x16xf32, #tpu.memory_space<vmem>>) dst(%dma_wait3A_81 : memref<100352x16xf32, #tpu.memory_space<vmem_shared>>)
        tpu.yield
      }) : () -> ()
      %mul3A_61 = arith.constant 2 : i32
      %mul3A_62 = arith.muli %mul3A_61, %scan3A_39 : i32
      %add3A_63 = arith.constant 1 : i32
      %add3A_64 = arith.addi %mul3A_62, %add3A_63 : i32
      %add3A_65 = arith.constant 2 : i32
      %add3A_66 = arith.addi %add3A_64, %add3A_65 : i32
      %mul3A_67 = arith.constant 800 : i32
      %mul3A_68 = arith.muli %add3A_66, %mul3A_67 : i32
      %add3A_69 = arith.addi %mul3A_2, %mul3A_68 : i32
      %mul3A_70 = arith.constant 1638400 : i32
      %mul3A_71 = arith.muli %arg0, %mul3A_70 : i32
      %add3A_72 = arith.addi %mul3A_71, %add3A_69 : i32
      "tpu.region"() ({
        %run_scoped3A = tpu.sem_alloc : memref<!tpu.dma_semaphore, #tpu.memory_space<semaphore_mem>>
        %dma_start3A_76 = tpu.memref_slice %arg3[%add3A_72] : memref<3276800xi32, #tpu.memory_space<hbm>> -> memref<800xi32, #tpu.memory_space<hbm>>
        %dma_start3A_77 = tpu.memref_slice %arg3[%add3A_72] : memref<3276800xi32, #tpu.memory_space<hbm>> -> memref<800xi32, #tpu.memory_space<hbm>>
        tpu.enqueue_dma source(%dma_start3A_77 : memref<800xi32, #tpu.memory_space<hbm>>) target(%arg10 : memref<800xi32, #tpu.memory_space<vmem>>) target_semaphore(%run_scoped3A : memref<!tpu.dma_semaphore, #tpu.memory_space<semaphore_mem>>)
        %dma_wait3A_78 = tpu.memref_slice %arg3[%add3A_72] : memref<3276800xi32, #tpu.memory_space<hbm>> -> memref<800xi32, #tpu.memory_space<hbm>>
        %dma_wait3A_79 = tpu.memref_slice %arg3[%add3A_72] : memref<3276800xi32, #tpu.memory_space<hbm>> -> memref<800xi32, #tpu.memory_space<hbm>>
        tpu.wait_dma2 semaphore(%run_scoped3A : memref<!tpu.dma_semaphore, #tpu.memory_space<semaphore_mem>>) src(%dma_wait3A_79 : memref<800xi32, #tpu.memory_space<hbm>>) dst(%arg10 : memref<800xi32, #tpu.memory_space<vmem>>)
        tpu.yield
      }) : () -> ()
      "tpu.region"() ({
        %run_scoped3A = tpu.sem_alloc : memref<!tpu.dma_semaphore, #tpu.memory_space<semaphore_mem>>
        %dma_start3A_76 = tpu.memref_slice %arg4[%add3A_69] : memref<1638400xi32, #tpu.memory_space<hbm>> -> memref<800xi32, #tpu.memory_space<hbm>>
        %dma_start3A_77 = tpu.memref_slice %arg4[%add3A_69] : memref<1638400xi32, #tpu.memory_space<hbm>> -> memref<800xi32, #tpu.memory_space<hbm>>
        tpu.enqueue_dma source(%dma_start3A_77 : memref<800xi32, #tpu.memory_space<hbm>>) target(%arg11 : memref<800xi32, #tpu.memory_space<vmem>>) target_semaphore(%run_scoped3A : memref<!tpu.dma_semaphore, #tpu.memory_space<semaphore_mem>>)
        %dma_wait3A_78 = tpu.memref_slice %arg4[%add3A_69] : memref<1638400xi32, #tpu.memory_space<hbm>> -> memref<800xi32, #tpu.memory_space<hbm>>
        %dma_wait3A_79 = tpu.memref_slice %arg4[%add3A_69] : memref<1638400xi32, #tpu.memory_space<hbm>> -> memref<800xi32, #tpu.memory_space<hbm>>
        tpu.wait_dma2 semaphore(%run_scoped3A : memref<!tpu.dma_semaphore, #tpu.memory_space<semaphore_mem>>) src(%dma_wait3A_79 : memref<800xi32, #tpu.memory_space<hbm>>) dst(%arg11 : memref<800xi32, #tpu.memory_space<vmem>>)
        tpu.yield
      }) : () -> ()
      %dma_start3A_73 = arith.constant 0 : i32
      %dma_start3A_74 = arith.constant 0 : i32
      %dma_start3A_75 = tpu.memref_slice %arg2[%dma_start3A_73, %dma_start3A_74] : memref<200704x16xf32, #tpu.memory_space<hbm>> -> memref<200704x16xf32, #tpu.memory_space<hbm>>
      tpu.enqueue_indirect_dma source(%dma_start3A_75 : memref<200704x16xf32, #tpu.memory_space<hbm>>) target(%arg12 : memref<800x16xf32, #tpu.memory_space<vmem>>) offsets(%arg10 : memref<800xi32, #tpu.memory_space<vmem>>) semaphore(%arg15 : memref<!tpu.dma_semaphore, #tpu.memory_space<semaphore_mem>>)
    }
    %scan3A_25 = arith.constant 63 : i32
    %dma_wait3A = arith.constant 0 : i32
    %dma_wait3A_26 = arith.constant 0 : i32
    %dma_wait3A_27 = tpu.memref_slice %arg2[%dma_wait3A, %dma_wait3A_26] : memref<200704x16xf32, #tpu.memory_space<hbm>> -> memref<200704x16xf32, #tpu.memory_space<hbm>>
    tpu.wait_indirect_dma semaphore(%arg14 : memref<!tpu.dma_semaphore, #tpu.memory_space<semaphore_mem>>) src(%dma_wait3A_27 : memref<200704x16xf32, #tpu.memory_space<hbm>>) dst(%arg9 : memref<800x16xf32, #tpu.memory_space<vmem>>)
    "tpu.region"() ({
      %run_scoped3A = tpu.sem_alloc : memref<!tpu.dma_semaphore, #tpu.memory_space<semaphore_mem>>
      %dma_start3A_39 = arith.constant 0 : i32
      %dma_start3A_40 = arith.constant 0 : i32
      %dma_start3A_41 = tpu.memref_slice %arg13[%dma_start3A_39, %dma_start3A_40] : memref<100352x16xf32, #tpu.memory_space<vmem_shared>> -> memref<100352x16xf32, #tpu.memory_space<vmem_shared>>
      tpu.enqueue_indirect_dma source(%arg9 : memref<800x16xf32, #tpu.memory_space<vmem>>) target(%dma_start3A_41 : memref<100352x16xf32, #tpu.memory_space<vmem_shared>>) offsets(%arg8 : memref<800xi32, #tpu.memory_space<vmem>>) semaphore(%run_scoped3A : memref<!tpu.dma_semaphore, #tpu.memory_space<semaphore_mem>>) {add = true}
      %dma_wait3A_42 = arith.constant 0 : i32
      %dma_wait3A_43 = arith.constant 0 : i32
      %dma_wait3A_44 = tpu.memref_slice %arg13[%dma_wait3A_42, %dma_wait3A_43] : memref<100352x16xf32, #tpu.memory_space<vmem_shared>> -> memref<100352x16xf32, #tpu.memory_space<vmem_shared>>
      tpu.wait_indirect_dma semaphore(%run_scoped3A : memref<!tpu.dma_semaphore, #tpu.memory_space<semaphore_mem>>) src(%arg9 : memref<800x16xf32, #tpu.memory_space<vmem>>) dst(%dma_wait3A_44 : memref<100352x16xf32, #tpu.memory_space<vmem_shared>>)
      tpu.yield
    }) : () -> ()
    %dma_wait3A_28 = arith.constant 0 : i32
    %dma_wait3A_29 = arith.constant 0 : i32
    %dma_wait3A_30 = tpu.memref_slice %arg2[%dma_wait3A_28, %dma_wait3A_29] : memref<200704x16xf32, #tpu.memory_space<hbm>> -> memref<200704x16xf32, #tpu.memory_space<hbm>>
    tpu.wait_indirect_dma semaphore(%arg15 : memref<!tpu.dma_semaphore, #tpu.memory_space<semaphore_mem>>) src(%dma_wait3A_30 : memref<200704x16xf32, #tpu.memory_space<hbm>>) dst(%arg12 : memref<800x16xf32, #tpu.memory_space<vmem>>)
    "tpu.region"() ({
      %run_scoped3A = tpu.sem_alloc : memref<!tpu.dma_semaphore, #tpu.memory_space<semaphore_mem>>
      %dma_start3A_39 = arith.constant 0 : i32
      %dma_start3A_40 = arith.constant 0 : i32
      %dma_start3A_41 = tpu.memref_slice %arg13[%dma_start3A_39, %dma_start3A_40] : memref<100352x16xf32, #tpu.memory_space<vmem_shared>> -> memref<100352x16xf32, #tpu.memory_space<vmem_shared>>
      tpu.enqueue_indirect_dma source(%arg12 : memref<800x16xf32, #tpu.memory_space<vmem>>) target(%dma_start3A_41 : memref<100352x16xf32, #tpu.memory_space<vmem_shared>>) offsets(%arg11 : memref<800xi32, #tpu.memory_space<vmem>>) semaphore(%run_scoped3A : memref<!tpu.dma_semaphore, #tpu.memory_space<semaphore_mem>>) {add = true}
      %dma_wait3A_42 = arith.constant 0 : i32
      %dma_wait3A_43 = arith.constant 0 : i32
      %dma_wait3A_44 = tpu.memref_slice %arg13[%dma_wait3A_42, %dma_wait3A_43] : memref<100352x16xf32, #tpu.memory_space<vmem_shared>> -> memref<100352x16xf32, #tpu.memory_space<vmem_shared>>
      tpu.wait_indirect_dma semaphore(%run_scoped3A : memref<!tpu.dma_semaphore, #tpu.memory_space<semaphore_mem>>) src(%arg12 : memref<800x16xf32, #tpu.memory_space<vmem>>) dst(%dma_wait3A_44 : memref<100352x16xf32, #tpu.memory_space<vmem_shared>>)
      tpu.yield
    }) : () -> ()
    %barrier3A_31 = arith.constant 0 : index
    tpu.barrier barrier_id(%barrier3A_31)
    %mul3A_32 = arith.constant 6272 : i32
    %mul3A_33 = arith.muli %arg1, %mul3A_32 : i32
    %mul3A_34 = arith.constant 100352 : i32
    %mul3A_35 = arith.muli %arg0, %mul3A_34 : i32
    %mul3A_36 = arith.constant 6272 : i32
    %mul3A_37 = arith.muli %arg1, %mul3A_36 : i32
    %add3A_38 = arith.addi %mul3A_35, %mul3A_37 : i32
    "tpu.region"() ({
      %run_scoped3A = tpu.sem_alloc : memref<!tpu.dma_semaphore, #tpu.memory_space<semaphore_mem>>
      %dma_start3A_39 = arith.constant 0 : i32
      %dma_start3A_40 = tpu.memref_slice %arg6[%add3A_38, %dma_start3A_39] : memref<200704x16xf32, #tpu.memory_space<hbm>> -> memref<6272x16xf32, #tpu.memory_space<hbm>>
      %dma_start3A_41 = arith.constant 0 : i32
      %dma_start3A_42 = tpu.memref_slice %arg13[%mul3A_33, %dma_start3A_41] : memref<100352x16xf32, #tpu.memory_space<vmem_shared>> -> memref<6272x16xf32, #tpu.memory_space<vmem_shared>>
      tpu.enqueue_dma source(%dma_start3A_42 : memref<6272x16xf32, #tpu.memory_space<vmem_shared>>) target(%dma_start3A_40 : memref<6272x16xf32, #tpu.memory_space<hbm>>) target_semaphore(%run_scoped3A : memref<!tpu.dma_semaphore, #tpu.memory_space<semaphore_mem>>)
      %dma_wait3A_43 = arith.constant 0 : i32
      %dma_wait3A_44 = tpu.memref_slice %arg6[%add3A_38, %dma_wait3A_43] : memref<200704x16xf32, #tpu.memory_space<hbm>> -> memref<6272x16xf32, #tpu.memory_space<hbm>>
      %dma_wait3A_45 = arith.constant 0 : i32
      %dma_wait3A_46 = tpu.memref_slice %arg13[%mul3A_33, %dma_wait3A_45] : memref<100352x16xf32, #tpu.memory_space<vmem_shared>> -> memref<6272x16xf32, #tpu.memory_space<vmem_shared>>
      tpu.wait_dma2 semaphore(%run_scoped3A : memref<!tpu.dma_semaphore, #tpu.memory_space<semaphore_mem>>) src(%dma_wait3A_46 : memref<6272x16xf32, #tpu.memory_space<vmem_shared>>) dst(%dma_wait3A_44 : memref<6272x16xf32, #tpu.memory_space<hbm>>)
      tpu.yield
    }) : () -> ()
    return
  }
}

#map = affine_map<(d0, d1) -> (0)>
module attributes {stable_mosaic.version = 14 : i64} {
  func.func @body(%arg0: i32, %arg1: i32, %arg2: memref<100352xf32, #tpu.memory_space<hbm>>, %arg3: memref<1638400xi32, #tpu.memory_space<hbm>>, %arg4: memref<1638400xi32, #tpu.memory_space<hbm>>, %arg5: memref<6272xf32, #tpu.memory_space<hbm>>, %arg6: memref<200704xf32, #tpu.memory_space<hbm>>, %arg7: memref<3200xi32, #tpu.memory_space<vmem>>, %arg8: memref<3200xi32, #tpu.memory_space<vmem>>, %arg9: memref<3200xf32, #tpu.memory_space<vmem>>, %arg10: memref<3200xi32, #tpu.memory_space<vmem>>, %arg11: memref<3200xi32, #tpu.memory_space<vmem>>, %arg12: memref<3200xf32, #tpu.memory_space<vmem>>, %arg13: memref<100352xf32, #tpu.memory_space<vmem_shared>>, %arg14: memref<!tpu.dma_semaphore, #tpu.memory_space<semaphore_mem>>, %arg15: memref<!tpu.dma_semaphore, #tpu.memory_space<semaphore_mem>>) attributes {dimension_semantics = [#tpu.dimension_semantics<core_parallel>, #tpu.dimension_semantics<subcore_parallel>], iteration_bounds = array<i64: 2, 16>, scalar_prefetch = 0 : i64, scratch_operands = 9 : i64, tpu.core_type = #tpu.core_type<sc_vector_subcore>, window_params = [{transform_indices = #map}, {transform_indices = #map}, {transform_indices = #map}, {transform_indices = #map}, {transform_indices = #map}]} {
    %mul3A = arith.constant 6272 : i32
    %mul3A_0 = arith.muli %arg1, %mul3A : i32
    "tpu.region"() ({
      %run_scoped3A = tpu.sem_alloc : memref<!tpu.dma_semaphore, #tpu.memory_space<semaphore_mem>>
      %dma_start3A_32 = tpu.memref_slice %arg13[%mul3A_0] : memref<100352xf32, #tpu.memory_space<vmem_shared>> -> memref<6272xf32, #tpu.memory_space<vmem_shared>>
      tpu.enqueue_dma source(%arg5 : memref<6272xf32, #tpu.memory_space<hbm>>) target(%dma_start3A_32 : memref<6272xf32, #tpu.memory_space<vmem_shared>>) target_semaphore(%run_scoped3A : memref<!tpu.dma_semaphore, #tpu.memory_space<semaphore_mem>>)
      %dma_wait3A_33 = tpu.memref_slice %arg13[%mul3A_0] : memref<100352xf32, #tpu.memory_space<vmem_shared>> -> memref<6272xf32, #tpu.memory_space<vmem_shared>>
      tpu.wait_dma2 semaphore(%run_scoped3A : memref<!tpu.dma_semaphore, #tpu.memory_space<semaphore_mem>>) src(%arg5 : memref<6272xf32, #tpu.memory_space<hbm>>) dst(%dma_wait3A_33 : memref<6272xf32, #tpu.memory_space<vmem_shared>>)
      tpu.yield
    }) : () -> ()
    %barrier3A = arith.constant 0 : index
    tpu.barrier barrier_id(%barrier3A)
    %mul3A_1 = arith.constant 16 : i32
    %mul3A_2 = arith.muli %arg0, %mul3A_1 : i32
    %add3A = arith.addi %mul3A_2, %arg1 : i32
    %mul3A_3 = arith.constant 51200 : i32
    %mul3A_4 = arith.muli %add3A, %mul3A_3 : i32
    %add3A_5 = arith.constant 0 : i32
    %add3A_6 = arith.addi %mul3A_4, %add3A_5 : i32
    "tpu.region"() ({
      %run_scoped3A = tpu.sem_alloc : memref<!tpu.dma_semaphore, #tpu.memory_space<semaphore_mem>>
      %dma_start3A_32 = tpu.memref_slice %arg3[%add3A_6] : memref<1638400xi32, #tpu.memory_space<hbm>> -> memref<3200xi32, #tpu.memory_space<hbm>>
      %dma_start3A_33 = tpu.memref_slice %arg3[%add3A_6] : memref<1638400xi32, #tpu.memory_space<hbm>> -> memref<3200xi32, #tpu.memory_space<hbm>>
      tpu.enqueue_dma source(%dma_start3A_33 : memref<3200xi32, #tpu.memory_space<hbm>>) target(%arg7 : memref<3200xi32, #tpu.memory_space<vmem>>) target_semaphore(%run_scoped3A : memref<!tpu.dma_semaphore, #tpu.memory_space<semaphore_mem>>)
      %dma_wait3A_34 = tpu.memref_slice %arg3[%add3A_6] : memref<1638400xi32, #tpu.memory_space<hbm>> -> memref<3200xi32, #tpu.memory_space<hbm>>
      %dma_wait3A_35 = tpu.memref_slice %arg3[%add3A_6] : memref<1638400xi32, #tpu.memory_space<hbm>> -> memref<3200xi32, #tpu.memory_space<hbm>>
      tpu.wait_dma2 semaphore(%run_scoped3A : memref<!tpu.dma_semaphore, #tpu.memory_space<semaphore_mem>>) src(%dma_wait3A_35 : memref<3200xi32, #tpu.memory_space<hbm>>) dst(%arg7 : memref<3200xi32, #tpu.memory_space<vmem>>)
      tpu.yield
    }) : () -> ()
    %add3A_7 = arith.constant 0 : i32
    %add3A_8 = arith.addi %mul3A_4, %add3A_7 : i32
    "tpu.region"() ({
      %run_scoped3A = tpu.sem_alloc : memref<!tpu.dma_semaphore, #tpu.memory_space<semaphore_mem>>
      %dma_start3A_32 = tpu.memref_slice %arg4[%add3A_8] : memref<1638400xi32, #tpu.memory_space<hbm>> -> memref<3200xi32, #tpu.memory_space<hbm>>
      %dma_start3A_33 = tpu.memref_slice %arg4[%add3A_8] : memref<1638400xi32, #tpu.memory_space<hbm>> -> memref<3200xi32, #tpu.memory_space<hbm>>
      tpu.enqueue_dma source(%dma_start3A_33 : memref<3200xi32, #tpu.memory_space<hbm>>) target(%arg8 : memref<3200xi32, #tpu.memory_space<vmem>>) target_semaphore(%run_scoped3A : memref<!tpu.dma_semaphore, #tpu.memory_space<semaphore_mem>>)
      %dma_wait3A_34 = tpu.memref_slice %arg4[%add3A_8] : memref<1638400xi32, #tpu.memory_space<hbm>> -> memref<3200xi32, #tpu.memory_space<hbm>>
      %dma_wait3A_35 = tpu.memref_slice %arg4[%add3A_8] : memref<1638400xi32, #tpu.memory_space<hbm>> -> memref<3200xi32, #tpu.memory_space<hbm>>
      tpu.wait_dma2 semaphore(%run_scoped3A : memref<!tpu.dma_semaphore, #tpu.memory_space<semaphore_mem>>) src(%dma_wait3A_35 : memref<3200xi32, #tpu.memory_space<hbm>>) dst(%arg8 : memref<3200xi32, #tpu.memory_space<vmem>>)
      tpu.yield
    }) : () -> ()
    %dma_start3A = arith.constant 0 : i32
    %dma_start3A_9 = tpu.memref_slice %arg2[%dma_start3A] : memref<100352xf32, #tpu.memory_space<hbm>> -> memref<100352xf32, #tpu.memory_space<hbm>>
    tpu.enqueue_indirect_dma source(%dma_start3A_9 : memref<100352xf32, #tpu.memory_space<hbm>>) target(%arg9 : memref<3200xf32, #tpu.memory_space<vmem>>) offsets(%arg7 : memref<3200xi32, #tpu.memory_space<vmem>>) semaphore(%arg14 : memref<!tpu.dma_semaphore, #tpu.memory_space<semaphore_mem>>)
    %add3A_10 = arith.constant 3200 : i32
    %add3A_11 = arith.addi %mul3A_4, %add3A_10 : i32
    "tpu.region"() ({
      %run_scoped3A = tpu.sem_alloc : memref<!tpu.dma_semaphore, #tpu.memory_space<semaphore_mem>>
      %dma_start3A_32 = tpu.memref_slice %arg3[%add3A_11] : memref<1638400xi32, #tpu.memory_space<hbm>> -> memref<3200xi32, #tpu.memory_space<hbm>>
      %dma_start3A_33 = tpu.memref_slice %arg3[%add3A_11] : memref<1638400xi32, #tpu.memory_space<hbm>> -> memref<3200xi32, #tpu.memory_space<hbm>>
      tpu.enqueue_dma source(%dma_start3A_33 : memref<3200xi32, #tpu.memory_space<hbm>>) target(%arg10 : memref<3200xi32, #tpu.memory_space<vmem>>) target_semaphore(%run_scoped3A : memref<!tpu.dma_semaphore, #tpu.memory_space<semaphore_mem>>)
      %dma_wait3A_34 = tpu.memref_slice %arg3[%add3A_11] : memref<1638400xi32, #tpu.memory_space<hbm>> -> memref<3200xi32, #tpu.memory_space<hbm>>
      %dma_wait3A_35 = tpu.memref_slice %arg3[%add3A_11] : memref<1638400xi32, #tpu.memory_space<hbm>> -> memref<3200xi32, #tpu.memory_space<hbm>>
      tpu.wait_dma2 semaphore(%run_scoped3A : memref<!tpu.dma_semaphore, #tpu.memory_space<semaphore_mem>>) src(%dma_wait3A_35 : memref<3200xi32, #tpu.memory_space<hbm>>) dst(%arg10 : memref<3200xi32, #tpu.memory_space<vmem>>)
      tpu.yield
    }) : () -> ()
    %add3A_12 = arith.constant 3200 : i32
    %add3A_13 = arith.addi %mul3A_4, %add3A_12 : i32
    "tpu.region"() ({
      %run_scoped3A = tpu.sem_alloc : memref<!tpu.dma_semaphore, #tpu.memory_space<semaphore_mem>>
      %dma_start3A_32 = tpu.memref_slice %arg4[%add3A_13] : memref<1638400xi32, #tpu.memory_space<hbm>> -> memref<3200xi32, #tpu.memory_space<hbm>>
      %dma_start3A_33 = tpu.memref_slice %arg4[%add3A_13] : memref<1638400xi32, #tpu.memory_space<hbm>> -> memref<3200xi32, #tpu.memory_space<hbm>>
      tpu.enqueue_dma source(%dma_start3A_33 : memref<3200xi32, #tpu.memory_space<hbm>>) target(%arg11 : memref<3200xi32, #tpu.memory_space<vmem>>) target_semaphore(%run_scoped3A : memref<!tpu.dma_semaphore, #tpu.memory_space<semaphore_mem>>)
      %dma_wait3A_34 = tpu.memref_slice %arg4[%add3A_13] : memref<1638400xi32, #tpu.memory_space<hbm>> -> memref<3200xi32, #tpu.memory_space<hbm>>
      %dma_wait3A_35 = tpu.memref_slice %arg4[%add3A_13] : memref<1638400xi32, #tpu.memory_space<hbm>> -> memref<3200xi32, #tpu.memory_space<hbm>>
      tpu.wait_dma2 semaphore(%run_scoped3A : memref<!tpu.dma_semaphore, #tpu.memory_space<semaphore_mem>>) src(%dma_wait3A_35 : memref<3200xi32, #tpu.memory_space<hbm>>) dst(%arg11 : memref<3200xi32, #tpu.memory_space<vmem>>)
      tpu.yield
    }) : () -> ()
    %dma_start3A_14 = arith.constant 0 : i32
    %dma_start3A_15 = tpu.memref_slice %arg2[%dma_start3A_14] : memref<100352xf32, #tpu.memory_space<hbm>> -> memref<100352xf32, #tpu.memory_space<hbm>>
    tpu.enqueue_indirect_dma source(%dma_start3A_15 : memref<100352xf32, #tpu.memory_space<hbm>>) target(%arg12 : memref<3200xf32, #tpu.memory_space<vmem>>) offsets(%arg10 : memref<3200xi32, #tpu.memory_space<vmem>>) semaphore(%arg15 : memref<!tpu.dma_semaphore, #tpu.memory_space<semaphore_mem>>)
    %scan3A = arith.constant 0 : i32
    %scan3A_16 = arith.constant 0 : i32
    %scan3A_17 = arith.constant 7 : i32
    %scan3A_18 = arith.addi %scan3A_16, %scan3A_17 : i32
    %scan3A_19 = arith.constant 1 : i32
    scf.for %scan3A_32 = %scan3A_16 to %scan3A_18 step %scan3A_19  : i32 {
      %dma_wait3A_33 = arith.constant 0 : i32
      %dma_wait3A_34 = tpu.memref_slice %arg2[%dma_wait3A_33] : memref<100352xf32, #tpu.memory_space<hbm>> -> memref<100352xf32, #tpu.memory_space<hbm>>
      tpu.wait_indirect_dma semaphore(%arg14 : memref<!tpu.dma_semaphore, #tpu.memory_space<semaphore_mem>>) src(%dma_wait3A_34 : memref<100352xf32, #tpu.memory_space<hbm>>) dst(%arg9 : memref<3200xf32, #tpu.memory_space<vmem>>)
      "tpu.region"() ({
        %run_scoped3A = tpu.sem_alloc : memref<!tpu.dma_semaphore, #tpu.memory_space<semaphore_mem>>
        %dma_start3A_59 = arith.constant 0 : i32
        %dma_start3A_60 = tpu.memref_slice %arg13[%dma_start3A_59] : memref<100352xf32, #tpu.memory_space<vmem_shared>> -> memref<100352xf32, #tpu.memory_space<vmem_shared>>
        tpu.enqueue_indirect_dma source(%arg9 : memref<3200xf32, #tpu.memory_space<vmem>>) target(%dma_start3A_60 : memref<100352xf32, #tpu.memory_space<vmem_shared>>) offsets(%arg8 : memref<3200xi32, #tpu.memory_space<vmem>>) semaphore(%run_scoped3A : memref<!tpu.dma_semaphore, #tpu.memory_space<semaphore_mem>>) {add = true}
        %dma_wait3A_61 = arith.constant 0 : i32
        %dma_wait3A_62 = tpu.memref_slice %arg13[%dma_wait3A_61] : memref<100352xf32, #tpu.memory_space<vmem_shared>> -> memref<100352xf32, #tpu.memory_space<vmem_shared>>
        tpu.wait_indirect_dma semaphore(%run_scoped3A : memref<!tpu.dma_semaphore, #tpu.memory_space<semaphore_mem>>) src(%arg9 : memref<3200xf32, #tpu.memory_space<vmem>>) dst(%dma_wait3A_62 : memref<100352xf32, #tpu.memory_space<vmem_shared>>)
        tpu.yield
      }) : () -> ()
      %mul3A_35 = arith.constant 2 : i32
      %mul3A_36 = arith.muli %mul3A_35, %scan3A_32 : i32
      %add3A_37 = arith.constant 0 : i32
      %add3A_38 = arith.addi %mul3A_36, %add3A_37 : i32
      %add3A_39 = arith.constant 2 : i32
      %add3A_40 = arith.addi %add3A_38, %add3A_39 : i32
      %mul3A_41 = arith.constant 3200 : i32
      %mul3A_42 = arith.muli %add3A_40, %mul3A_41 : i32
      %add3A_43 = arith.addi %mul3A_4, %mul3A_42 : i32
      "tpu.region"() ({
        %run_scoped3A = tpu.sem_alloc : memref<!tpu.dma_semaphore, #tpu.memory_space<semaphore_mem>>
        %dma_start3A_59 = tpu.memref_slice %arg3[%add3A_43] : memref<1638400xi32, #tpu.memory_space<hbm>> -> memref<3200xi32, #tpu.memory_space<hbm>>
        %dma_start3A_60 = tpu.memref_slice %arg3[%add3A_43] : memref<1638400xi32, #tpu.memory_space<hbm>> -> memref<3200xi32, #tpu.memory_space<hbm>>
        tpu.enqueue_dma source(%dma_start3A_60 : memref<3200xi32, #tpu.memory_space<hbm>>) target(%arg7 : memref<3200xi32, #tpu.memory_space<vmem>>) target_semaphore(%run_scoped3A : memref<!tpu.dma_semaphore, #tpu.memory_space<semaphore_mem>>)
        %dma_wait3A_61 = tpu.memref_slice %arg3[%add3A_43] : memref<1638400xi32, #tpu.memory_space<hbm>> -> memref<3200xi32, #tpu.memory_space<hbm>>
        %dma_wait3A_62 = tpu.memref_slice %arg3[%add3A_43] : memref<1638400xi32, #tpu.memory_space<hbm>> -> memref<3200xi32, #tpu.memory_space<hbm>>
        tpu.wait_dma2 semaphore(%run_scoped3A : memref<!tpu.dma_semaphore, #tpu.memory_space<semaphore_mem>>) src(%dma_wait3A_62 : memref<3200xi32, #tpu.memory_space<hbm>>) dst(%arg7 : memref<3200xi32, #tpu.memory_space<vmem>>)
        tpu.yield
      }) : () -> ()
      "tpu.region"() ({
        %run_scoped3A = tpu.sem_alloc : memref<!tpu.dma_semaphore, #tpu.memory_space<semaphore_mem>>
        %dma_start3A_59 = tpu.memref_slice %arg4[%add3A_43] : memref<1638400xi32, #tpu.memory_space<hbm>> -> memref<3200xi32, #tpu.memory_space<hbm>>
        %dma_start3A_60 = tpu.memref_slice %arg4[%add3A_43] : memref<1638400xi32, #tpu.memory_space<hbm>> -> memref<3200xi32, #tpu.memory_space<hbm>>
        tpu.enqueue_dma source(%dma_start3A_60 : memref<3200xi32, #tpu.memory_space<hbm>>) target(%arg8 : memref<3200xi32, #tpu.memory_space<vmem>>) target_semaphore(%run_scoped3A : memref<!tpu.dma_semaphore, #tpu.memory_space<semaphore_mem>>)
        %dma_wait3A_61 = tpu.memref_slice %arg4[%add3A_43] : memref<1638400xi32, #tpu.memory_space<hbm>> -> memref<3200xi32, #tpu.memory_space<hbm>>
        %dma_wait3A_62 = tpu.memref_slice %arg4[%add3A_43] : memref<1638400xi32, #tpu.memory_space<hbm>> -> memref<3200xi32, #tpu.memory_space<hbm>>
        tpu.wait_dma2 semaphore(%run_scoped3A : memref<!tpu.dma_semaphore, #tpu.memory_space<semaphore_mem>>) src(%dma_wait3A_62 : memref<3200xi32, #tpu.memory_space<hbm>>) dst(%arg8 : memref<3200xi32, #tpu.memory_space<vmem>>)
        tpu.yield
      }) : () -> ()
      %dma_start3A_44 = arith.constant 0 : i32
      %dma_start3A_45 = tpu.memref_slice %arg2[%dma_start3A_44] : memref<100352xf32, #tpu.memory_space<hbm>> -> memref<100352xf32, #tpu.memory_space<hbm>>
      tpu.enqueue_indirect_dma source(%dma_start3A_45 : memref<100352xf32, #tpu.memory_space<hbm>>) target(%arg9 : memref<3200xf32, #tpu.memory_space<vmem>>) offsets(%arg7 : memref<3200xi32, #tpu.memory_space<vmem>>) semaphore(%arg14 : memref<!tpu.dma_semaphore, #tpu.memory_space<semaphore_mem>>)
      %dma_wait3A_46 = arith.constant 0 : i32
      %dma_wait3A_47 = tpu.memref_slice %arg2[%dma_wait3A_46] : memref<100352xf32, #tpu.memory_space<hbm>> -> memref<100352xf32, #tpu.memory_space<hbm>>
      tpu.wait_indirect_dma semaphore(%arg15 : memref<!tpu.dma_semaphore, #tpu.memory_space<semaphore_mem>>) src(%dma_wait3A_47 : memref<100352xf32, #tpu.memory_space<hbm>>) dst(%arg12 : memref<3200xf32, #tpu.memory_space<vmem>>)
      "tpu.region"() ({
        %run_scoped3A = tpu.sem_alloc : memref<!tpu.dma_semaphore, #tpu.memory_space<semaphore_mem>>
        %dma_start3A_59 = arith.constant 0 : i32
        %dma_start3A_60 = tpu.memref_slice %arg13[%dma_start3A_59] : memref<100352xf32, #tpu.memory_space<vmem_shared>> -> memref<100352xf32, #tpu.memory_space<vmem_shared>>
        tpu.enqueue_indirect_dma source(%arg12 : memref<3200xf32, #tpu.memory_space<vmem>>) target(%dma_start3A_60 : memref<100352xf32, #tpu.memory_space<vmem_shared>>) offsets(%arg11 : memref<3200xi32, #tpu.memory_space<vmem>>) semaphore(%run_scoped3A : memref<!tpu.dma_semaphore, #tpu.memory_space<semaphore_mem>>) {add = true}
        %dma_wait3A_61 = arith.constant 0 : i32
        %dma_wait3A_62 = tpu.memref_slice %arg13[%dma_wait3A_61] : memref<100352xf32, #tpu.memory_space<vmem_shared>> -> memref<100352xf32, #tpu.memory_space<vmem_shared>>
        tpu.wait_indirect_dma semaphore(%run_scoped3A : memref<!tpu.dma_semaphore, #tpu.memory_space<semaphore_mem>>) src(%arg12 : memref<3200xf32, #tpu.memory_space<vmem>>) dst(%dma_wait3A_62 : memref<100352xf32, #tpu.memory_space<vmem_shared>>)
        tpu.yield
      }) : () -> ()
      %mul3A_48 = arith.constant 2 : i32
      %mul3A_49 = arith.muli %mul3A_48, %scan3A_32 : i32
      %add3A_50 = arith.constant 1 : i32
      %add3A_51 = arith.addi %mul3A_49, %add3A_50 : i32
      %add3A_52 = arith.constant 2 : i32
      %add3A_53 = arith.addi %add3A_51, %add3A_52 : i32
      %mul3A_54 = arith.constant 3200 : i32
      %mul3A_55 = arith.muli %add3A_53, %mul3A_54 : i32
      %add3A_56 = arith.addi %mul3A_4, %mul3A_55 : i32
      "tpu.region"() ({
        %run_scoped3A = tpu.sem_alloc : memref<!tpu.dma_semaphore, #tpu.memory_space<semaphore_mem>>
        %dma_start3A_59 = tpu.memref_slice %arg3[%add3A_56] : memref<1638400xi32, #tpu.memory_space<hbm>> -> memref<3200xi32, #tpu.memory_space<hbm>>
        %dma_start3A_60 = tpu.memref_slice %arg3[%add3A_56] : memref<1638400xi32, #tpu.memory_space<hbm>> -> memref<3200xi32, #tpu.memory_space<hbm>>
        tpu.enqueue_dma source(%dma_start3A_60 : memref<3200xi32, #tpu.memory_space<hbm>>) target(%arg10 : memref<3200xi32, #tpu.memory_space<vmem>>) target_semaphore(%run_scoped3A : memref<!tpu.dma_semaphore, #tpu.memory_space<semaphore_mem>>)
        %dma_wait3A_61 = tpu.memref_slice %arg3[%add3A_56] : memref<1638400xi32, #tpu.memory_space<hbm>> -> memref<3200xi32, #tpu.memory_space<hbm>>
        %dma_wait3A_62 = tpu.memref_slice %arg3[%add3A_56] : memref<1638400xi32, #tpu.memory_space<hbm>> -> memref<3200xi32, #tpu.memory_space<hbm>>
        tpu.wait_dma2 semaphore(%run_scoped3A : memref<!tpu.dma_semaphore, #tpu.memory_space<semaphore_mem>>) src(%dma_wait3A_62 : memref<3200xi32, #tpu.memory_space<hbm>>) dst(%arg10 : memref<3200xi32, #tpu.memory_space<vmem>>)
        tpu.yield
      }) : () -> ()
      "tpu.region"() ({
        %run_scoped3A = tpu.sem_alloc : memref<!tpu.dma_semaphore, #tpu.memory_space<semaphore_mem>>
        %dma_start3A_59 = tpu.memref_slice %arg4[%add3A_56] : memref<1638400xi32, #tpu.memory_space<hbm>> -> memref<3200xi32, #tpu.memory_space<hbm>>
        %dma_start3A_60 = tpu.memref_slice %arg4[%add3A_56] : memref<1638400xi32, #tpu.memory_space<hbm>> -> memref<3200xi32, #tpu.memory_space<hbm>>
        tpu.enqueue_dma source(%dma_start3A_60 : memref<3200xi32, #tpu.memory_space<hbm>>) target(%arg11 : memref<3200xi32, #tpu.memory_space<vmem>>) target_semaphore(%run_scoped3A : memref<!tpu.dma_semaphore, #tpu.memory_space<semaphore_mem>>)
        %dma_wait3A_61 = tpu.memref_slice %arg4[%add3A_56] : memref<1638400xi32, #tpu.memory_space<hbm>> -> memref<3200xi32, #tpu.memory_space<hbm>>
        %dma_wait3A_62 = tpu.memref_slice %arg4[%add3A_56] : memref<1638400xi32, #tpu.memory_space<hbm>> -> memref<3200xi32, #tpu.memory_space<hbm>>
        tpu.wait_dma2 semaphore(%run_scoped3A : memref<!tpu.dma_semaphore, #tpu.memory_space<semaphore_mem>>) src(%dma_wait3A_62 : memref<3200xi32, #tpu.memory_space<hbm>>) dst(%arg11 : memref<3200xi32, #tpu.memory_space<vmem>>)
        tpu.yield
      }) : () -> ()
      %dma_start3A_57 = arith.constant 0 : i32
      %dma_start3A_58 = tpu.memref_slice %arg2[%dma_start3A_57] : memref<100352xf32, #tpu.memory_space<hbm>> -> memref<100352xf32, #tpu.memory_space<hbm>>
      tpu.enqueue_indirect_dma source(%dma_start3A_58 : memref<100352xf32, #tpu.memory_space<hbm>>) target(%arg12 : memref<3200xf32, #tpu.memory_space<vmem>>) offsets(%arg10 : memref<3200xi32, #tpu.memory_space<vmem>>) semaphore(%arg15 : memref<!tpu.dma_semaphore, #tpu.memory_space<semaphore_mem>>)
    }
    %scan3A_20 = arith.constant 7 : i32
    %dma_wait3A = arith.constant 0 : i32
    %dma_wait3A_21 = tpu.memref_slice %arg2[%dma_wait3A] : memref<100352xf32, #tpu.memory_space<hbm>> -> memref<100352xf32, #tpu.memory_space<hbm>>
    tpu.wait_indirect_dma semaphore(%arg14 : memref<!tpu.dma_semaphore, #tpu.memory_space<semaphore_mem>>) src(%dma_wait3A_21 : memref<100352xf32, #tpu.memory_space<hbm>>) dst(%arg9 : memref<3200xf32, #tpu.memory_space<vmem>>)
    "tpu.region"() ({
      %run_scoped3A = tpu.sem_alloc : memref<!tpu.dma_semaphore, #tpu.memory_space<semaphore_mem>>
      %dma_start3A_32 = arith.constant 0 : i32
      %dma_start3A_33 = tpu.memref_slice %arg13[%dma_start3A_32] : memref<100352xf32, #tpu.memory_space<vmem_shared>> -> memref<100352xf32, #tpu.memory_space<vmem_shared>>
      tpu.enqueue_indirect_dma source(%arg9 : memref<3200xf32, #tpu.memory_space<vmem>>) target(%dma_start3A_33 : memref<100352xf32, #tpu.memory_space<vmem_shared>>) offsets(%arg8 : memref<3200xi32, #tpu.memory_space<vmem>>) semaphore(%run_scoped3A : memref<!tpu.dma_semaphore, #tpu.memory_space<semaphore_mem>>) {add = true}
      %dma_wait3A_34 = arith.constant 0 : i32
      %dma_wait3A_35 = tpu.memref_slice %arg13[%dma_wait3A_34] : memref<100352xf32, #tpu.memory_space<vmem_shared>> -> memref<100352xf32, #tpu.memory_space<vmem_shared>>
      tpu.wait_indirect_dma semaphore(%run_scoped3A : memref<!tpu.dma_semaphore, #tpu.memory_space<semaphore_mem>>) src(%arg9 : memref<3200xf32, #tpu.memory_space<vmem>>) dst(%dma_wait3A_35 : memref<100352xf32, #tpu.memory_space<vmem_shared>>)
      tpu.yield
    }) : () -> ()
    %dma_wait3A_22 = arith.constant 0 : i32
    %dma_wait3A_23 = tpu.memref_slice %arg2[%dma_wait3A_22] : memref<100352xf32, #tpu.memory_space<hbm>> -> memref<100352xf32, #tpu.memory_space<hbm>>
    tpu.wait_indirect_dma semaphore(%arg15 : memref<!tpu.dma_semaphore, #tpu.memory_space<semaphore_mem>>) src(%dma_wait3A_23 : memref<100352xf32, #tpu.memory_space<hbm>>) dst(%arg12 : memref<3200xf32, #tpu.memory_space<vmem>>)
    "tpu.region"() ({
      %run_scoped3A = tpu.sem_alloc : memref<!tpu.dma_semaphore, #tpu.memory_space<semaphore_mem>>
      %dma_start3A_32 = arith.constant 0 : i32
      %dma_start3A_33 = tpu.memref_slice %arg13[%dma_start3A_32] : memref<100352xf32, #tpu.memory_space<vmem_shared>> -> memref<100352xf32, #tpu.memory_space<vmem_shared>>
      tpu.enqueue_indirect_dma source(%arg12 : memref<3200xf32, #tpu.memory_space<vmem>>) target(%dma_start3A_33 : memref<100352xf32, #tpu.memory_space<vmem_shared>>) offsets(%arg11 : memref<3200xi32, #tpu.memory_space<vmem>>) semaphore(%run_scoped3A : memref<!tpu.dma_semaphore, #tpu.memory_space<semaphore_mem>>) {add = true}
      %dma_wait3A_34 = arith.constant 0 : i32
      %dma_wait3A_35 = tpu.memref_slice %arg13[%dma_wait3A_34] : memref<100352xf32, #tpu.memory_space<vmem_shared>> -> memref<100352xf32, #tpu.memory_space<vmem_shared>>
      tpu.wait_indirect_dma semaphore(%run_scoped3A : memref<!tpu.dma_semaphore, #tpu.memory_space<semaphore_mem>>) src(%arg12 : memref<3200xf32, #tpu.memory_space<vmem>>) dst(%dma_wait3A_35 : memref<100352xf32, #tpu.memory_space<vmem_shared>>)
      tpu.yield
    }) : () -> ()
    %barrier3A_24 = arith.constant 0 : index
    tpu.barrier barrier_id(%barrier3A_24)
    %mul3A_25 = arith.constant 6272 : i32
    %mul3A_26 = arith.muli %arg1, %mul3A_25 : i32
    %mul3A_27 = arith.constant 100352 : i32
    %mul3A_28 = arith.muli %arg0, %mul3A_27 : i32
    %mul3A_29 = arith.constant 6272 : i32
    %mul3A_30 = arith.muli %arg1, %mul3A_29 : i32
    %add3A_31 = arith.addi %mul3A_28, %mul3A_30 : i32
    "tpu.region"() ({
      %run_scoped3A = tpu.sem_alloc : memref<!tpu.dma_semaphore, #tpu.memory_space<semaphore_mem>>
      %dma_start3A_32 = tpu.memref_slice %arg6[%add3A_31] : memref<200704xf32, #tpu.memory_space<hbm>> -> memref<6272xf32, #tpu.memory_space<hbm>>
      %dma_start3A_33 = tpu.memref_slice %arg13[%mul3A_26] : memref<100352xf32, #tpu.memory_space<vmem_shared>> -> memref<6272xf32, #tpu.memory_space<vmem_shared>>
      tpu.enqueue_dma source(%dma_start3A_33 : memref<6272xf32, #tpu.memory_space<vmem_shared>>) target(%dma_start3A_32 : memref<6272xf32, #tpu.memory_space<hbm>>) target_semaphore(%run_scoped3A : memref<!tpu.dma_semaphore, #tpu.memory_space<semaphore_mem>>)
      %dma_wait3A_34 = tpu.memref_slice %arg6[%add3A_31] : memref<200704xf32, #tpu.memory_space<hbm>> -> memref<6272xf32, #tpu.memory_space<hbm>>
      %dma_wait3A_35 = tpu.memref_slice %arg13[%mul3A_26] : memref<100352xf32, #tpu.memory_space<vmem_shared>> -> memref<6272xf32, #tpu.memory_space<vmem_shared>>
      tpu.wait_dma2 semaphore(%run_scoped3A : memref<!tpu.dma_semaphore, #tpu.memory_space<semaphore_mem>>) src(%dma_wait3A_35 : memref<6272xf32, #tpu.memory_space<vmem_shared>>) dst(%dma_wait3A_34 : memref<6272xf32, #tpu.memory_space<hbm>>)
      tpu.yield
    }) : () -> ()
    return
  }
}

#map = affine_map<(d0, d1) -> (0, 0)>
#map1 = affine_map<(d0, d1) -> (0)>
module attributes {stable_mosaic.version = 14 : i64} {
  func.func @body(%arg0: i32, %arg1: i32, %arg2: memref<200704x16xf32, #tpu.memory_space<hbm>>, %arg3: memref<3276800xi32, #tpu.memory_space<hbm>>, %arg4: memref<1638400xi32, #tpu.memory_space<hbm>>, %arg5: memref<6272x16xf32, #tpu.memory_space<hbm>>, %arg6: memref<200704x16xf32, #tpu.memory_space<hbm>>, %arg7: memref<800xi32, #tpu.memory_space<vmem>>, %arg8: memref<800xi32, #tpu.memory_space<vmem>>, %arg9: memref<800x16xf32, #tpu.memory_space<vmem>>, %arg10: memref<800xi32, #tpu.memory_space<vmem>>, %arg11: memref<800xi32, #tpu.memory_space<vmem>>, %arg12: memref<800x16xf32, #tpu.memory_space<vmem>>, %arg13: memref<100352x16xf32, #tpu.memory_space<vmem_shared>>, %arg14: memref<!tpu.dma_semaphore, #tpu.memory_space<semaphore_mem>>, %arg15: memref<!tpu.dma_semaphore, #tpu.memory_space<semaphore_mem>>) attributes {dimension_semantics = [#tpu.dimension_semantics<core_parallel>, #tpu.dimension_semantics<subcore_parallel>], iteration_bounds = array<i64: 2, 16>, scalar_prefetch = 0 : i64, scratch_operands = 9 : i64, tpu.core_type = #tpu.core_type<sc_vector_subcore>, window_params = [{transform_indices = #map}, {transform_indices = #map1}, {transform_indices = #map1}, {transform_indices = #map}, {transform_indices = #map}]} {
    %mul3A = arith.constant 6272 : i32
    %mul3A_0 = arith.muli %arg1, %mul3A : i32
    "tpu.region"() ({
      %run_scoped3A = tpu.sem_alloc : memref<!tpu.dma_semaphore, #tpu.memory_space<semaphore_mem>>
      %dma_start3A_39 = arith.constant 0 : i32
      %dma_start3A_40 = tpu.memref_slice %arg13[%mul3A_0, %dma_start3A_39] : memref<100352x16xf32, #tpu.memory_space<vmem_shared>> -> memref<6272x16xf32, #tpu.memory_space<vmem_shared>>
      tpu.enqueue_dma source(%arg5 : memref<6272x16xf32, #tpu.memory_space<hbm>>) target(%dma_start3A_40 : memref<6272x16xf32, #tpu.memory_space<vmem_shared>>) target_semaphore(%run_scoped3A : memref<!tpu.dma_semaphore, #tpu.memory_space<semaphore_mem>>)
      %dma_wait3A_41 = arith.constant 0 : i32
      %dma_wait3A_42 = tpu.memref_slice %arg13[%mul3A_0, %dma_wait3A_41] : memref<100352x16xf32, #tpu.memory_space<vmem_shared>> -> memref<6272x16xf32, #tpu.memory_space<vmem_shared>>
      tpu.wait_dma2 semaphore(%run_scoped3A : memref<!tpu.dma_semaphore, #tpu.memory_space<semaphore_mem>>) src(%arg5 : memref<6272x16xf32, #tpu.memory_space<hbm>>) dst(%dma_wait3A_42 : memref<6272x16xf32, #tpu.memory_space<vmem_shared>>)
      tpu.yield
    }) : () -> ()
    %barrier3A = arith.constant 0 : index
    tpu.barrier barrier_id(%barrier3A)
    %mul3A_1 = arith.constant 102400 : i32
    %mul3A_2 = arith.muli %arg1, %mul3A_1 : i32
    %mul3A_3 = arith.constant 1638400 : i32
    %mul3A_4 = arith.muli %arg0, %mul3A_3 : i32
    %add3A = arith.addi %mul3A_4, %mul3A_2 : i32
    %add3A_5 = arith.constant 0 : i32
    %add3A_6 = arith.addi %add3A, %add3A_5 : i32
    "tpu.region"() ({
      %run_scoped3A = tpu.sem_alloc : memref<!tpu.dma_semaphore, #tpu.memory_space<semaphore_mem>>
      %dma_start3A_39 = tpu.memref_slice %arg3[%add3A_6] : memref<3276800xi32, #tpu.memory_space<hbm>> -> memref<800xi32, #tpu.memory_space<hbm>>
      %dma_start3A_40 = tpu.memref_slice %arg3[%add3A_6] : memref<3276800xi32, #tpu.memory_space<hbm>> -> memref<800xi32, #tpu.memory_space<hbm>>
      tpu.enqueue_dma source(%dma_start3A_40 : memref<800xi32, #tpu.memory_space<hbm>>) target(%arg7 : memref<800xi32, #tpu.memory_space<vmem>>) target_semaphore(%run_scoped3A : memref<!tpu.dma_semaphore, #tpu.memory_space<semaphore_mem>>)
      %dma_wait3A_41 = tpu.memref_slice %arg3[%add3A_6] : memref<3276800xi32, #tpu.memory_space<hbm>> -> memref<800xi32, #tpu.memory_space<hbm>>
      %dma_wait3A_42 = tpu.memref_slice %arg3[%add3A_6] : memref<3276800xi32, #tpu.memory_space<hbm>> -> memref<800xi32, #tpu.memory_space<hbm>>
      tpu.wait_dma2 semaphore(%run_scoped3A : memref<!tpu.dma_semaphore, #tpu.memory_space<semaphore_mem>>) src(%dma_wait3A_42 : memref<800xi32, #tpu.memory_space<hbm>>) dst(%arg7 : memref<800xi32, #tpu.memory_space<vmem>>)
      tpu.yield
    }) : () -> ()
    %add3A_7 = arith.constant 0 : i32
    %add3A_8 = arith.addi %mul3A_2, %add3A_7 : i32
    "tpu.region"() ({
      %run_scoped3A = tpu.sem_alloc : memref<!tpu.dma_semaphore, #tpu.memory_space<semaphore_mem>>
      %dma_start3A_39 = tpu.memref_slice %arg4[%add3A_8] : memref<1638400xi32, #tpu.memory_space<hbm>> -> memref<800xi32, #tpu.memory_space<hbm>>
      %dma_start3A_40 = tpu.memref_slice %arg4[%add3A_8] : memref<1638400xi32, #tpu.memory_space<hbm>> -> memref<800xi32, #tpu.memory_space<hbm>>
      tpu.enqueue_dma source(%dma_start3A_40 : memref<800xi32, #tpu.memory_space<hbm>>) target(%arg8 : memref<800xi32, #tpu.memory_space<vmem>>) target_semaphore(%run_scoped3A : memref<!tpu.dma_semaphore, #tpu.memory_space<semaphore_mem>>)
      %dma_wait3A_41 = tpu.memref_slice %arg4[%add3A_8] : memref<1638400xi32, #tpu.memory_space<hbm>> -> memref<800xi32, #tpu.memory_space<hbm>>
      %dma_wait3A_42 = tpu.memref_slice %arg4[%add3A_8] : memref<1638400xi32, #tpu.memory_space<hbm>> -> memref<800xi32, #tpu.memory_space<hbm>>
      tpu.wait_dma2 semaphore(%run_scoped3A : memref<!tpu.dma_semaphore, #tpu.memory_space<semaphore_mem>>) src(%dma_wait3A_42 : memref<800xi32, #tpu.memory_space<hbm>>) dst(%arg8 : memref<800xi32, #tpu.memory_space<vmem>>)
      tpu.yield
    }) : () -> ()
    %dma_start3A = arith.constant 0 : i32
    %dma_start3A_9 = arith.constant 0 : i32
    %dma_start3A_10 = tpu.memref_slice %arg2[%dma_start3A, %dma_start3A_9] : memref<200704x16xf32, #tpu.memory_space<hbm>> -> memref<200704x16xf32, #tpu.memory_space<hbm>>
    tpu.enqueue_indirect_dma source(%dma_start3A_10 : memref<200704x16xf32, #tpu.memory_space<hbm>>) target(%arg9 : memref<800x16xf32, #tpu.memory_space<vmem>>) offsets(%arg7 : memref<800xi32, #tpu.memory_space<vmem>>) semaphore(%arg14 : memref<!tpu.dma_semaphore, #tpu.memory_space<semaphore_mem>>)
    %mul3A_11 = arith.constant 1638400 : i32
    %mul3A_12 = arith.muli %arg0, %mul3A_11 : i32
    %add3A_13 = arith.addi %mul3A_12, %mul3A_2 : i32
    %add3A_14 = arith.constant 800 : i32
    %add3A_15 = arith.addi %add3A_13, %add3A_14 : i32
    "tpu.region"() ({
      %run_scoped3A = tpu.sem_alloc : memref<!tpu.dma_semaphore, #tpu.memory_space<semaphore_mem>>
      %dma_start3A_39 = tpu.memref_slice %arg3[%add3A_15] : memref<3276800xi32, #tpu.memory_space<hbm>> -> memref<800xi32, #tpu.memory_space<hbm>>
      %dma_start3A_40 = tpu.memref_slice %arg3[%add3A_15] : memref<3276800xi32, #tpu.memory_space<hbm>> -> memref<800xi32, #tpu.memory_space<hbm>>
      tpu.enqueue_dma source(%dma_start3A_40 : memref<800xi32, #tpu.memory_space<hbm>>) target(%arg10 : memref<800xi32, #tpu.memory_space<vmem>>) target_semaphore(%run_scoped3A : memref<!tpu.dma_semaphore, #tpu.memory_space<semaphore_mem>>)
      %dma_wait3A_41 = tpu.memref_slice %arg3[%add3A_15] : memref<3276800xi32, #tpu.memory_space<hbm>> -> memref<800xi32, #tpu.memory_space<hbm>>
      %dma_wait3A_42 = tpu.memref_slice %arg3[%add3A_15] : memref<3276800xi32, #tpu.memory_space<hbm>> -> memref<800xi32, #tpu.memory_space<hbm>>
      tpu.wait_dma2 semaphore(%run_scoped3A : memref<!tpu.dma_semaphore, #tpu.memory_space<semaphore_mem>>) src(%dma_wait3A_42 : memref<800xi32, #tpu.memory_space<hbm>>) dst(%arg10 : memref<800xi32, #tpu.memory_space<vmem>>)
      tpu.yield
    }) : () -> ()
    %add3A_16 = arith.constant 800 : i32
    %add3A_17 = arith.addi %mul3A_2, %add3A_16 : i32
    "tpu.region"() ({
      %run_scoped3A = tpu.sem_alloc : memref<!tpu.dma_semaphore, #tpu.memory_space<semaphore_mem>>
      %dma_start3A_39 = tpu.memref_slice %arg4[%add3A_17] : memref<1638400xi32, #tpu.memory_space<hbm>> -> memref<800xi32, #tpu.memory_space<hbm>>
      %dma_start3A_40 = tpu.memref_slice %arg4[%add3A_17] : memref<1638400xi32, #tpu.memory_space<hbm>> -> memref<800xi32, #tpu.memory_space<hbm>>
      tpu.enqueue_dma source(%dma_start3A_40 : memref<800xi32, #tpu.memory_space<hbm>>) target(%arg11 : memref<800xi32, #tpu.memory_space<vmem>>) target_semaphore(%run_scoped3A : memref<!tpu.dma_semaphore, #tpu.memory_space<semaphore_mem>>)
      %dma_wait3A_41 = tpu.memref_slice %arg4[%add3A_17] : memref<1638400xi32, #tpu.memory_space<hbm>> -> memref<800xi32, #tpu.memory_space<hbm>>
      %dma_wait3A_42 = tpu.memref_slice %arg4[%add3A_17] : memref<1638400xi32, #tpu.memory_space<hbm>> -> memref<800xi32, #tpu.memory_space<hbm>>
      tpu.wait_dma2 semaphore(%run_scoped3A : memref<!tpu.dma_semaphore, #tpu.memory_space<semaphore_mem>>) src(%dma_wait3A_42 : memref<800xi32, #tpu.memory_space<hbm>>) dst(%arg11 : memref<800xi32, #tpu.memory_space<vmem>>)
      tpu.yield
    }) : () -> ()
    %dma_start3A_18 = arith.constant 0 : i32
    %dma_start3A_19 = arith.constant 0 : i32
    %dma_start3A_20 = tpu.memref_slice %arg2[%dma_start3A_18, %dma_start3A_19] : memref<200704x16xf32, #tpu.memory_space<hbm>> -> memref<200704x16xf32, #tpu.memory_space<hbm>>
    tpu.enqueue_indirect_dma source(%dma_start3A_20 : memref<200704x16xf32, #tpu.memory_space<hbm>>) target(%arg12 : memref<800x16xf32, #tpu.memory_space<vmem>>) offsets(%arg10 : memref<800xi32, #tpu.memory_space<vmem>>) semaphore(%arg15 : memref<!tpu.dma_semaphore, #tpu.memory_space<semaphore_mem>>)
    %scan3A = arith.constant 0 : i32
    %scan3A_21 = arith.constant 0 : i32
    %scan3A_22 = arith.constant 63 : i32
    %scan3A_23 = arith.addi %scan3A_21, %scan3A_22 : i32
    %scan3A_24 = arith.constant 1 : i32
    scf.for %scan3A_39 = %scan3A_21 to %scan3A_23 step %scan3A_24  : i32 {
      %dma_wait3A_40 = arith.constant 0 : i32
      %dma_wait3A_41 = arith.constant 0 : i32
      %dma_wait3A_42 = tpu.memref_slice %arg2[%dma_wait3A_40, %dma_wait3A_41] : memref<200704x16xf32, #tpu.memory_space<hbm>> -> memref<200704x16xf32, #tpu.memory_space<hbm>>
      tpu.wait_indirect_dma semaphore(%arg14 : memref<!tpu.dma_semaphore, #tpu.memory_space<semaphore_mem>>) src(%dma_wait3A_42 : memref<200704x16xf32, #tpu.memory_space<hbm>>) dst(%arg9 : memref<800x16xf32, #tpu.memory_space<vmem>>)
      "tpu.region"() ({
        %run_scoped3A = tpu.sem_alloc : memref<!tpu.dma_semaphore, #tpu.memory_space<semaphore_mem>>
        %dma_start3A_76 = arith.constant 0 : i32
        %dma_start3A_77 = arith.constant 0 : i32
        %dma_start3A_78 = tpu.memref_slice %arg13[%dma_start3A_76, %dma_start3A_77] : memref<100352x16xf32, #tpu.memory_space<vmem_shared>> -> memref<100352x16xf32, #tpu.memory_space<vmem_shared>>
        tpu.enqueue_indirect_dma source(%arg9 : memref<800x16xf32, #tpu.memory_space<vmem>>) target(%dma_start3A_78 : memref<100352x16xf32, #tpu.memory_space<vmem_shared>>) offsets(%arg8 : memref<800xi32, #tpu.memory_space<vmem>>) semaphore(%run_scoped3A : memref<!tpu.dma_semaphore, #tpu.memory_space<semaphore_mem>>) {add = true}
        %dma_wait3A_79 = arith.constant 0 : i32
        %dma_wait3A_80 = arith.constant 0 : i32
        %dma_wait3A_81 = tpu.memref_slice %arg13[%dma_wait3A_79, %dma_wait3A_80] : memref<100352x16xf32, #tpu.memory_space<vmem_shared>> -> memref<100352x16xf32, #tpu.memory_space<vmem_shared>>
        tpu.wait_indirect_dma semaphore(%run_scoped3A : memref<!tpu.dma_semaphore, #tpu.memory_space<semaphore_mem>>) src(%arg9 : memref<800x16xf32, #tpu.memory_space<vmem>>) dst(%dma_wait3A_81 : memref<100352x16xf32, #tpu.memory_space<vmem_shared>>)
        tpu.yield
      }) : () -> ()
      %mul3A_43 = arith.constant 2 : i32
      %mul3A_44 = arith.muli %mul3A_43, %scan3A_39 : i32
      %add3A_45 = arith.constant 0 : i32
      %add3A_46 = arith.addi %mul3A_44, %add3A_45 : i32
      %add3A_47 = arith.constant 2 : i32
      %add3A_48 = arith.addi %add3A_46, %add3A_47 : i32
      %mul3A_49 = arith.constant 800 : i32
      %mul3A_50 = arith.muli %add3A_48, %mul3A_49 : i32
      %add3A_51 = arith.addi %mul3A_2, %mul3A_50 : i32
      %mul3A_52 = arith.constant 1638400 : i32
      %mul3A_53 = arith.muli %arg0, %mul3A_52 : i32
      %add3A_54 = arith.addi %mul3A_53, %add3A_51 : i32
      "tpu.region"() ({
        %run_scoped3A = tpu.sem_alloc : memref<!tpu.dma_semaphore, #tpu.memory_space<semaphore_mem>>
        %dma_start3A_76 = tpu.memref_slice %arg3[%add3A_54] : memref<3276800xi32, #tpu.memory_space<hbm>> -> memref<800xi32, #tpu.memory_space<hbm>>
        %dma_start3A_77 = tpu.memref_slice %arg3[%add3A_54] : memref<3276800xi32, #tpu.memory_space<hbm>> -> memref<800xi32, #tpu.memory_space<hbm>>
        tpu.enqueue_dma source(%dma_start3A_77 : memref<800xi32, #tpu.memory_space<hbm>>) target(%arg7 : memref<800xi32, #tpu.memory_space<vmem>>) target_semaphore(%run_scoped3A : memref<!tpu.dma_semaphore, #tpu.memory_space<semaphore_mem>>)
        %dma_wait3A_78 = tpu.memref_slice %arg3[%add3A_54] : memref<3276800xi32, #tpu.memory_space<hbm>> -> memref<800xi32, #tpu.memory_space<hbm>>
        %dma_wait3A_79 = tpu.memref_slice %arg3[%add3A_54] : memref<3276800xi32, #tpu.memory_space<hbm>> -> memref<800xi32, #tpu.memory_space<hbm>>
        tpu.wait_dma2 semaphore(%run_scoped3A : memref<!tpu.dma_semaphore, #tpu.memory_space<semaphore_mem>>) src(%dma_wait3A_79 : memref<800xi32, #tpu.memory_space<hbm>>) dst(%arg7 : memref<800xi32, #tpu.memory_space<vmem>>)
        tpu.yield
      }) : () -> ()
      "tpu.region"() ({
        %run_scoped3A = tpu.sem_alloc : memref<!tpu.dma_semaphore, #tpu.memory_space<semaphore_mem>>
        %dma_start3A_76 = tpu.memref_slice %arg4[%add3A_51] : memref<1638400xi32, #tpu.memory_space<hbm>> -> memref<800xi32, #tpu.memory_space<hbm>>
        %dma_start3A_77 = tpu.memref_slice %arg4[%add3A_51] : memref<1638400xi32, #tpu.memory_space<hbm>> -> memref<800xi32, #tpu.memory_space<hbm>>
        tpu.enqueue_dma source(%dma_start3A_77 : memref<800xi32, #tpu.memory_space<hbm>>) target(%arg8 : memref<800xi32, #tpu.memory_space<vmem>>) target_semaphore(%run_scoped3A : memref<!tpu.dma_semaphore, #tpu.memory_space<semaphore_mem>>)
        %dma_wait3A_78 = tpu.memref_slice %arg4[%add3A_51] : memref<1638400xi32, #tpu.memory_space<hbm>> -> memref<800xi32, #tpu.memory_space<hbm>>
        %dma_wait3A_79 = tpu.memref_slice %arg4[%add3A_51] : memref<1638400xi32, #tpu.memory_space<hbm>> -> memref<800xi32, #tpu.memory_space<hbm>>
        tpu.wait_dma2 semaphore(%run_scoped3A : memref<!tpu.dma_semaphore, #tpu.memory_space<semaphore_mem>>) src(%dma_wait3A_79 : memref<800xi32, #tpu.memory_space<hbm>>) dst(%arg8 : memref<800xi32, #tpu.memory_space<vmem>>)
        tpu.yield
      }) : () -> ()
      %dma_start3A_55 = arith.constant 0 : i32
      %dma_start3A_56 = arith.constant 0 : i32
      %dma_start3A_57 = tpu.memref_slice %arg2[%dma_start3A_55, %dma_start3A_56] : memref<200704x16xf32, #tpu.memory_space<hbm>> -> memref<200704x16xf32, #tpu.memory_space<hbm>>
      tpu.enqueue_indirect_dma source(%dma_start3A_57 : memref<200704x16xf32, #tpu.memory_space<hbm>>) target(%arg9 : memref<800x16xf32, #tpu.memory_space<vmem>>) offsets(%arg7 : memref<800xi32, #tpu.memory_space<vmem>>) semaphore(%arg14 : memref<!tpu.dma_semaphore, #tpu.memory_space<semaphore_mem>>)
      %dma_wait3A_58 = arith.constant 0 : i32
      %dma_wait3A_59 = arith.constant 0 : i32
      %dma_wait3A_60 = tpu.memref_slice %arg2[%dma_wait3A_58, %dma_wait3A_59] : memref<200704x16xf32, #tpu.memory_space<hbm>> -> memref<200704x16xf32, #tpu.memory_space<hbm>>
      tpu.wait_indirect_dma semaphore(%arg15 : memref<!tpu.dma_semaphore, #tpu.memory_space<semaphore_mem>>) src(%dma_wait3A_60 : memref<200704x16xf32, #tpu.memory_space<hbm>>) dst(%arg12 : memref<800x16xf32, #tpu.memory_space<vmem>>)
      "tpu.region"() ({
        %run_scoped3A = tpu.sem_alloc : memref<!tpu.dma_semaphore, #tpu.memory_space<semaphore_mem>>
        %dma_start3A_76 = arith.constant 0 : i32
        %dma_start3A_77 = arith.constant 0 : i32
        %dma_start3A_78 = tpu.memref_slice %arg13[%dma_start3A_76, %dma_start3A_77] : memref<100352x16xf32, #tpu.memory_space<vmem_shared>> -> memref<100352x16xf32, #tpu.memory_space<vmem_shared>>
        tpu.enqueue_indirect_dma source(%arg12 : memref<800x16xf32, #tpu.memory_space<vmem>>) target(%dma_start3A_78 : memref<100352x16xf32, #tpu.memory_space<vmem_shared>>) offsets(%arg11 : memref<800xi32, #tpu.memory_space<vmem>>) semaphore(%run_scoped3A : memref<!tpu.dma_semaphore, #tpu.memory_space<semaphore_mem>>) {add = true}
        %dma_wait3A_79 = arith.constant 0 : i32
        %dma_wait3A_80 = arith.constant 0 : i32
        %dma_wait3A_81 = tpu.memref_slice %arg13[%dma_wait3A_79, %dma_wait3A_80] : memref<100352x16xf32, #tpu.memory_space<vmem_shared>> -> memref<100352x16xf32, #tpu.memory_space<vmem_shared>>
        tpu.wait_indirect_dma semaphore(%run_scoped3A : memref<!tpu.dma_semaphore, #tpu.memory_space<semaphore_mem>>) src(%arg12 : memref<800x16xf32, #tpu.memory_space<vmem>>) dst(%dma_wait3A_81 : memref<100352x16xf32, #tpu.memory_space<vmem_shared>>)
        tpu.yield
      }) : () -> ()
      %mul3A_61 = arith.constant 2 : i32
      %mul3A_62 = arith.muli %mul3A_61, %scan3A_39 : i32
      %add3A_63 = arith.constant 1 : i32
      %add3A_64 = arith.addi %mul3A_62, %add3A_63 : i32
      %add3A_65 = arith.constant 2 : i32
      %add3A_66 = arith.addi %add3A_64, %add3A_65 : i32
      %mul3A_67 = arith.constant 800 : i32
      %mul3A_68 = arith.muli %add3A_66, %mul3A_67 : i32
      %add3A_69 = arith.addi %mul3A_2, %mul3A_68 : i32
      %mul3A_70 = arith.constant 1638400 : i32
      %mul3A_71 = arith.muli %arg0, %mul3A_70 : i32
      %add3A_72 = arith.addi %mul3A_71, %add3A_69 : i32
      "tpu.region"() ({
        %run_scoped3A = tpu.sem_alloc : memref<!tpu.dma_semaphore, #tpu.memory_space<semaphore_mem>>
        %dma_start3A_76 = tpu.memref_slice %arg3[%add3A_72] : memref<3276800xi32, #tpu.memory_space<hbm>> -> memref<800xi32, #tpu.memory_space<hbm>>
        %dma_start3A_77 = tpu.memref_slice %arg3[%add3A_72] : memref<3276800xi32, #tpu.memory_space<hbm>> -> memref<800xi32, #tpu.memory_space<hbm>>
        tpu.enqueue_dma source(%dma_start3A_77 : memref<800xi32, #tpu.memory_space<hbm>>) target(%arg10 : memref<800xi32, #tpu.memory_space<vmem>>) target_semaphore(%run_scoped3A : memref<!tpu.dma_semaphore, #tpu.memory_space<semaphore_mem>>)
        %dma_wait3A_78 = tpu.memref_slice %arg3[%add3A_72] : memref<3276800xi32, #tpu.memory_space<hbm>> -> memref<800xi32, #tpu.memory_space<hbm>>
        %dma_wait3A_79 = tpu.memref_slice %arg3[%add3A_72] : memref<3276800xi32, #tpu.memory_space<hbm>> -> memref<800xi32, #tpu.memory_space<hbm>>
        tpu.wait_dma2 semaphore(%run_scoped3A : memref<!tpu.dma_semaphore, #tpu.memory_space<semaphore_mem>>) src(%dma_wait3A_79 : memref<800xi32, #tpu.memory_space<hbm>>) dst(%arg10 : memref<800xi32, #tpu.memory_space<vmem>>)
        tpu.yield
      }) : () -> ()
      "tpu.region"() ({
        %run_scoped3A = tpu.sem_alloc : memref<!tpu.dma_semaphore, #tpu.memory_space<semaphore_mem>>
        %dma_start3A_76 = tpu.memref_slice %arg4[%add3A_69] : memref<1638400xi32, #tpu.memory_space<hbm>> -> memref<800xi32, #tpu.memory_space<hbm>>
        %dma_start3A_77 = tpu.memref_slice %arg4[%add3A_69] : memref<1638400xi32, #tpu.memory_space<hbm>> -> memref<800xi32, #tpu.memory_space<hbm>>
        tpu.enqueue_dma source(%dma_start3A_77 : memref<800xi32, #tpu.memory_space<hbm>>) target(%arg11 : memref<800xi32, #tpu.memory_space<vmem>>) target_semaphore(%run_scoped3A : memref<!tpu.dma_semaphore, #tpu.memory_space<semaphore_mem>>)
        %dma_wait3A_78 = tpu.memref_slice %arg4[%add3A_69] : memref<1638400xi32, #tpu.memory_space<hbm>> -> memref<800xi32, #tpu.memory_space<hbm>>
        %dma_wait3A_79 = tpu.memref_slice %arg4[%add3A_69] : memref<1638400xi32, #tpu.memory_space<hbm>> -> memref<800xi32, #tpu.memory_space<hbm>>
        tpu.wait_dma2 semaphore(%run_scoped3A : memref<!tpu.dma_semaphore, #tpu.memory_space<semaphore_mem>>) src(%dma_wait3A_79 : memref<800xi32, #tpu.memory_space<hbm>>) dst(%arg11 : memref<800xi32, #tpu.memory_space<vmem>>)
        tpu.yield
      }) : () -> ()
      %dma_start3A_73 = arith.constant 0 : i32
      %dma_start3A_74 = arith.constant 0 : i32
      %dma_start3A_75 = tpu.memref_slice %arg2[%dma_start3A_73, %dma_start3A_74] : memref<200704x16xf32, #tpu.memory_space<hbm>> -> memref<200704x16xf32, #tpu.memory_space<hbm>>
      tpu.enqueue_indirect_dma source(%dma_start3A_75 : memref<200704x16xf32, #tpu.memory_space<hbm>>) target(%arg12 : memref<800x16xf32, #tpu.memory_space<vmem>>) offsets(%arg10 : memref<800xi32, #tpu.memory_space<vmem>>) semaphore(%arg15 : memref<!tpu.dma_semaphore, #tpu.memory_space<semaphore_mem>>)
    }
    %scan3A_25 = arith.constant 63 : i32
    %dma_wait3A = arith.constant 0 : i32
    %dma_wait3A_26 = arith.constant 0 : i32
    %dma_wait3A_27 = tpu.memref_slice %arg2[%dma_wait3A, %dma_wait3A_26] : memref<200704x16xf32, #tpu.memory_space<hbm>> -> memref<200704x16xf32, #tpu.memory_space<hbm>>
    tpu.wait_indirect_dma semaphore(%arg14 : memref<!tpu.dma_semaphore, #tpu.memory_space<semaphore_mem>>) src(%dma_wait3A_27 : memref<200704x16xf32, #tpu.memory_space<hbm>>) dst(%arg9 : memref<800x16xf32, #tpu.memory_space<vmem>>)
    "tpu.region"() ({
      %run_scoped3A = tpu.sem_alloc : memref<!tpu.dma_semaphore, #tpu.memory_space<semaphore_mem>>
      %dma_start3A_39 = arith.constant 0 : i32
      %dma_start3A_40 = arith.constant 0 : i32
      %dma_start3A_41 = tpu.memref_slice %arg13[%dma_start3A_39, %dma_start3A_40] : memref<100352x16xf32, #tpu.memory_space<vmem_shared>> -> memref<100352x16xf32, #tpu.memory_space<vmem_shared>>
      tpu.enqueue_indirect_dma source(%arg9 : memref<800x16xf32, #tpu.memory_space<vmem>>) target(%dma_start3A_41 : memref<100352x16xf32, #tpu.memory_space<vmem_shared>>) offsets(%arg8 : memref<800xi32, #tpu.memory_space<vmem>>) semaphore(%run_scoped3A : memref<!tpu.dma_semaphore, #tpu.memory_space<semaphore_mem>>) {add = true}
      %dma_wait3A_42 = arith.constant 0 : i32
      %dma_wait3A_43 = arith.constant 0 : i32
      %dma_wait3A_44 = tpu.memref_slice %arg13[%dma_wait3A_42, %dma_wait3A_43] : memref<100352x16xf32, #tpu.memory_space<vmem_shared>> -> memref<100352x16xf32, #tpu.memory_space<vmem_shared>>
      tpu.wait_indirect_dma semaphore(%run_scoped3A : memref<!tpu.dma_semaphore, #tpu.memory_space<semaphore_mem>>) src(%arg9 : memref<800x16xf32, #tpu.memory_space<vmem>>) dst(%dma_wait3A_44 : memref<100352x16xf32, #tpu.memory_space<vmem_shared>>)
      tpu.yield
    }) : () -> ()
    %dma_wait3A_28 = arith.constant 0 : i32
    %dma_wait3A_29 = arith.constant 0 : i32
    %dma_wait3A_30 = tpu.memref_slice %arg2[%dma_wait3A_28, %dma_wait3A_29] : memref<200704x16xf32, #tpu.memory_space<hbm>> -> memref<200704x16xf32, #tpu.memory_space<hbm>>
    tpu.wait_indirect_dma semaphore(%arg15 : memref<!tpu.dma_semaphore, #tpu.memory_space<semaphore_mem>>) src(%dma_wait3A_30 : memref<200704x16xf32, #tpu.memory_space<hbm>>) dst(%arg12 : memref<800x16xf32, #tpu.memory_space<vmem>>)
    "tpu.region"() ({
      %run_scoped3A = tpu.sem_alloc : memref<!tpu.dma_semaphore, #tpu.memory_space<semaphore_mem>>
      %dma_start3A_39 = arith.constant 0 : i32
      %dma_start3A_40 = arith.constant 0 : i32
      %dma_start3A_41 = tpu.memref_slice %arg13[%dma_start3A_39, %dma_start3A_40] : memref<100352x16xf32, #tpu.memory_space<vmem_shared>> -> memref<100352x16xf32, #tpu.memory_space<vmem_shared>>
      tpu.enqueue_indirect_dma source(%arg12 : memref<800x16xf32, #tpu.memory_space<vmem>>) target(%dma_start3A_41 : memref<100352x16xf32, #tpu.memory_space<vmem_shared>>) offsets(%arg11 : memref<800xi32, #tpu.memory_space<vmem>>) semaphore(%run_scoped3A : memref<!tpu.dma_semaphore, #tpu.memory_space<semaphore_mem>>) {add = true}
      %dma_wait3A_42 = arith.constant 0 : i32
      %dma_wait3A_43 = arith.constant 0 : i32
      %dma_wait3A_44 = tpu.memref_slice %arg13[%dma_wait3A_42, %dma_wait3A_43] : memref<100352x16xf32, #tpu.memory_space<vmem_shared>> -> memref<100352x16xf32, #tpu.memory_space<vmem_shared>>
      tpu.wait_indirect_dma semaphore(%run_scoped3A : memref<!tpu.dma_semaphore, #tpu.memory_space<semaphore_mem>>) src(%arg12 : memref<800x16xf32, #tpu.memory_space<vmem>>) dst(%dma_wait3A_44 : memref<100352x16xf32, #tpu.memory_space<vmem_shared>>)
      tpu.yield
    }) : () -> ()
    %barrier3A_31 = arith.constant 0 : index
    tpu.barrier barrier_id(%barrier3A_31)
    %mul3A_32 = arith.constant 6272 : i32
    %mul3A_33 = arith.muli %arg1, %mul3A_32 : i32
    %mul3A_34 = arith.constant 100352 : i32
    %mul3A_35 = arith.muli %arg0, %mul3A_34 : i32
    %mul3A_36 = arith.constant 6272 : i32
    %mul3A_37 = arith.muli %arg1, %mul3A_36 : i32
    %add3A_38 = arith.addi %mul3A_35, %mul3A_37 : i32
    "tpu.region"() ({
      %run_scoped3A = tpu.sem_alloc : memref<!tpu.dma_semaphore, #tpu.memory_space<semaphore_mem>>
      %dma_start3A_39 = arith.constant 0 : i32
      %dma_start3A_40 = tpu.memref_slice %arg6[%add3A_38, %dma_start3A_39] : memref<200704x16xf32, #tpu.memory_space<hbm>> -> memref<6272x16xf32, #tpu.memory_space<hbm>>
      %dma_start3A_41 = arith.constant 0 : i32
      %dma_start3A_42 = tpu.memref_slice %arg13[%mul3A_33, %dma_start3A_41] : memref<100352x16xf32, #tpu.memory_space<vmem_shared>> -> memref<6272x16xf32, #tpu.memory_space<vmem_shared>>
      tpu.enqueue_dma source(%dma_start3A_42 : memref<6272x16xf32, #tpu.memory_space<vmem_shared>>) target(%dma_start3A_40 : memref<6272x16xf32, #tpu.memory_space<hbm>>) target_semaphore(%run_scoped3A : memref<!tpu.dma_semaphore, #tpu.memory_space<semaphore_mem>>)
      %dma_wait3A_43 = arith.constant 0 : i32
      %dma_wait3A_44 = tpu.memref_slice %arg6[%add3A_38, %dma_wait3A_43] : memref<200704x16xf32, #tpu.memory_space<hbm>> -> memref<6272x16xf32, #tpu.memory_space<hbm>>
      %dma_wait3A_45 = arith.constant 0 : i32
      %dma_wait3A_46 = tpu.memref_slice %arg13[%mul3A_33, %dma_wait3A_45] : memref<100352x16xf32, #tpu.memory_space<vmem_shared>> -> memref<6272x16xf32, #tpu.memory_space<vmem_shared>>
      tpu.wait_dma2 semaphore(%run_scoped3A : memref<!tpu.dma_semaphore, #tpu.memory_space<semaphore_mem>>) src(%dma_wait3A_46 : memref<6272x16xf32, #tpu.memory_space<vmem_shared>>) dst(%dma_wait3A_44 : memref<6272x16xf32, #tpu.memory_space<hbm>>)
      tpu.yield
    }) : () -> ()
    return
  }
}

module attributes {stable_mosaic.version = 14 : i64} {
  func.func @body(%arg0: i32, %arg1: memref<2x2048xf32, #tpu.memory_space<vmem>>, %arg2: memref<2048xf32, #tpu.memory_space<vmem>>, %arg3: memref<2048xf32, #tpu.memory_space<vmem>>, %arg4: memref<2048x9xf32, #tpu.memory_space<vmem>>, %arg5: memref<9x32xf32, #tpu.memory_space<vmem>>, %arg6: memref<2x2048x16xf32, #tpu.memory_space<vmem>>, %arg7: memref<2048xf32, #tpu.memory_space<vmem>>, %arg8: memref<2048x32xf32, #tpu.memory_space<vmem>>) attributes {dimension_semantics = [#tpu.dimension_semantics<arbitrary>], iteration_bounds = array<i64: 49>, scalar_prefetch = 0 : i64, scratch_operands = 0 : i64, tpu.core_type = #tpu.core_type<tc>, window_params = [{transform_indices = @transform_0, window_bounds = array<i64: 2, 2048>}, {transform_indices = @transform_1, window_bounds = array<i64: 2048>}, {transform_indices = @transform_2, window_bounds = array<i64: 2048>}, {transform_indices = @transform_3, window_bounds = array<i64: 2048, 9>}, {pipeline_mode = #tpu.pipeline_mode<synchronous>, transform_indices = @transform_4, window_bounds = array<i64: 9, 32>}, {transform_indices = @transform_5, window_bounds = array<i64: 2, 2048, 16>}, {transform_indices = @transform_6, window_bounds = array<i64: 2048>}, {transform_indices = @transform_7, window_bounds = array<i64: 2048, 32>}]} {
    %get3A = arith.constant 0 : index
    %get3A_0 = vector.load %arg3[%get3A] : memref<2048xf32, #tpu.memory_space<vmem>>, vector<2048xf32>
    %broadcast_in_dim3A = vector.shape_cast %get3A_0 : vector<2048xf32> to vector<2048x1xf32>
    %get3A_1 = arith.constant 0 : index
    %get3A_2 = arith.constant 0 : index
    %get3A_3 = vector.load %arg4[%get3A_1, %get3A_2] : memref<2048x9xf32, #tpu.memory_space<vmem>>, vector<2048x9xf32>
    %mul3A = vector.broadcast %broadcast_in_dim3A : vector<2048x1xf32> to vector<2048x9xf32>
    %mul3A_4 = arith.mulf %mul3A, %get3A_3 : vector<2048x9xf32>
    %get3A_5 = arith.constant 0 : index
    %get3A_6 = arith.constant 0 : index
    %get3A_7 = vector.load %arg5[%get3A_5, %get3A_6] : memref<9x32xf32, #tpu.memory_space<vmem>>, vector<9x32xf32>
    %dot_general3A = arith.constant dense<0.000000e+00> : vector<2048x32xf32>
    %dot_general3A_8 = tpu.matmul %mul3A_4, %get3A_7, %dot_general3A {dimension_numbers = #tpu.dot_dimension_numbers<[1], [0], [0], [1], [0, 0, 1, 1], [], []>, transpose_lhs_hint = false} : vector<2048x9xf32>, vector<9x32xf32>, vector<2048x32xf32> -> vector<2048x32xf32>
    %get3A_9 = arith.constant 0 : index
    %get3A_10 = arith.constant 0 : index
    %get3A_11 = vector.load %arg1[%get3A_9, %get3A_10] : memref<2x2048xf32, #tpu.memory_space<vmem>>, vector<1x2048xf32>
    %get3A_12 = vector.shape_cast %get3A_11 : vector<1x2048xf32> to vector<2048xf32>
    %get3A_13 = arith.constant 1 : index
    %get3A_14 = arith.constant 0 : index
    %get3A_15 = vector.load %arg1[%get3A_13, %get3A_14] : memref<2x2048xf32, #tpu.memory_space<vmem>>, vector<1x2048xf32>
    %get3A_16 = vector.shape_cast %get3A_15 : vector<1x2048xf32> to vector<2048xf32>
    %add3A = arith.addf %get3A_12, %get3A_16 : vector<2048xf32>
    %get3A_17 = arith.constant 0 : index
    %get3A_18 = vector.load %arg2[%get3A_17] : memref<2048xf32, #tpu.memory_space<vmem>>, vector<2048xf32>
    %mul3A_19 = arith.mulf %get3A_18, %add3A : vector<2048xf32>
    %add3A_20 = arith.constant 1.000000e+00 : f32
    %add3A_21 = vector.broadcast %add3A_20 : f32 to vector<2048xf32>
    %add3A_22 = arith.addf %mul3A_19, %add3A_21 : vector<2048xf32>
    %rsqrt3A = math.rsqrt %add3A_22 : vector<2048xf32>
    %mul3A_23 = arith.mulf %get3A_18, %rsqrt3A : vector<2048xf32>
    %slice3A = vector.extract_strided_slice %dot_general3A_8 {offsets = [0, 0], sizes = [2048, 16], strides = [1, 1]} : vector<2048x32xf32> to vector<2048x16xf32>
    %broadcast_in_dim3A_24 = vector.shape_cast %mul3A_23 : vector<2048xf32> to vector<2048x1xf32>
    %mul3A_25 = vector.broadcast %broadcast_in_dim3A_24 : vector<2048x1xf32> to vector<2048x16xf32>
    %mul3A_26 = arith.mulf %slice3A, %mul3A_25 : vector<2048x16xf32>
    %swap3A = arith.constant 0 : index
    %swap3A_27 = arith.constant 0 : index
    %swap3A_28 = arith.constant 0 : index
    %swap3A_29 = vector.load %arg6[%swap3A, %swap3A_27, %swap3A_28] : memref<2x2048x16xf32, #tpu.memory_space<vmem>>, vector<1x2048x16xf32>
    %swap3A_30 = vector.shape_cast %swap3A_29 : vector<1x2048x16xf32> to vector<2048x16xf32>
    %swap3A_31 = vector.shape_cast %mul3A_26 : vector<2048x16xf32> to vector<1x2048x16xf32>
    tpu.vector_store %arg6[%swap3A, %swap3A_27, %swap3A_28], %swap3A_31 {strides = array<i32>} : memref<2x2048x16xf32, #tpu.memory_space<vmem>>, vector<1x2048x16xf32>,
    %slice3A_32 = vector.extract_strided_slice %dot_general3A_8 {offsets = [0, 16], sizes = [2048, 16], strides = [1, 1]} : vector<2048x32xf32> to vector<2048x16xf32>
    %broadcast_in_dim3A_33 = vector.shape_cast %mul3A_23 : vector<2048xf32> to vector<2048x1xf32>
    %mul3A_34 = vector.broadcast %broadcast_in_dim3A_33 : vector<2048x1xf32> to vector<2048x16xf32>
    %mul3A_35 = arith.mulf %slice3A_32, %mul3A_34 : vector<2048x16xf32>
    %swap3A_36 = arith.constant 1 : index
    %swap3A_37 = arith.constant 0 : index
    %swap3A_38 = arith.constant 0 : index
    %swap3A_39 = vector.load %arg6[%swap3A_36, %swap3A_37, %swap3A_38] : memref<2x2048x16xf32, #tpu.memory_space<vmem>>, vector<1x2048x16xf32>
    %swap3A_40 = vector.shape_cast %swap3A_39 : vector<1x2048x16xf32> to vector<2048x16xf32>
    %swap3A_41 = vector.shape_cast %mul3A_35 : vector<2048x16xf32> to vector<1x2048x16xf32>
    tpu.vector_store %arg6[%swap3A_36, %swap3A_37, %swap3A_38], %swap3A_41 {strides = array<i32>} : memref<2x2048x16xf32, #tpu.memory_space<vmem>>, vector<1x2048x16xf32>,
    %swap3A_42 = arith.constant 0 : index
    %swap3A_43 = vector.load %arg7[%swap3A_42] : memref<2048xf32, #tpu.memory_space<vmem>>, vector<2048xf32>
    tpu.vector_store %arg7[%swap3A_42], %rsqrt3A {strides = array<i32>} : memref<2048xf32, #tpu.memory_space<vmem>>, vector<2048xf32>,
    %swap3A_44 = arith.constant 0 : index
    %swap3A_45 = arith.constant 0 : index
    %swap3A_46 = vector.load %arg8[%swap3A_44, %swap3A_45] : memref<2048x32xf32, #tpu.memory_space<vmem>>, vector<2048x32xf32>
    tpu.vector_store %arg8[%swap3A_44, %swap3A_45], %dot_general3A_8 {strides = array<i32>} : memref<2048x32xf32, #tpu.memory_space<vmem>>, vector<2048x32xf32>,
    return
  }
  func.func @transform_0(%arg0: i32) -> (i32, i32) {
    %c0_i32 = arith.constant 0 : i32
    %c0_i32_0 = arith.constant 0 : i32
    return %c0_i32, %arg0 : i32, i32
  }
  func.func @transform_1(%arg0: i32) -> i32 {
    %c0_i32 = arith.constant 0 : i32
    return %arg0 : i32
  }
  func.func @transform_2(%arg0: i32) -> i32 {
    %c0_i32 = arith.constant 0 : i32
    return %arg0 : i32
  }
  func.func @transform_3(%arg0: i32) -> (i32, i32) {
    %c0_i32 = arith.constant 0 : i32
    %c0_i32_0 = arith.constant 0 : i32
    return %arg0, %c0_i32 : i32, i32
  }
  func.func @transform_4(%arg0: i32) -> (i32, i32) {
    %c0_i32 = arith.constant 0 : i32
    %c0_i32_0 = arith.constant 0 : i32
    %c0_i32_1 = arith.constant 0 : i32
    return %c0_i32, %c0_i32_0 : i32, i32
  }
  func.func @transform_5(%arg0: i32) -> (i32, i32, i32) {
    %c0_i32 = arith.constant 0 : i32
    %c0_i32_0 = arith.constant 0 : i32
    %c0_i32_1 = arith.constant 0 : i32
    return %c0_i32, %arg0, %c0_i32_0 : i32, i32, i32
  }
  func.func @transform_6(%arg0: i32) -> i32 {
    %c0_i32 = arith.constant 0 : i32
    return %arg0 : i32
  }
  func.func @transform_7(%arg0: i32) -> (i32, i32) {
    %c0_i32 = arith.constant 0 : i32
    %c0_i32_0 = arith.constant 0 : i32
    return %arg0, %c0_i32 : i32, i32
  }
}

module attributes {stable_mosaic.version = 14 : i64} {
  func.func @body(%arg0: i32, %arg1: memref<2x2048x16xf32, #tpu.memory_space<vmem>>, %arg2: memref<2048x32xf32, #tpu.memory_space<vmem>>, %arg3: memref<2048xf32, #tpu.memory_space<vmem>>, %arg4: memref<2048xf32, #tpu.memory_space<vmem>>, %arg5: memref<32xf32, #tpu.memory_space<vmem>>, %arg6: memref<32xf32, #tpu.memory_space<vmem>>, %arg7: memref<2048x32xf32, #tpu.memory_space<vmem>>, %arg8: memref<32x2048xf32, #tpu.memory_space<vmem>>, %arg9: memref<2048xf32, #tpu.memory_space<vmem>>, %arg10: memref<2048xi32, #tpu.memory_space<vmem>>) attributes {dimension_semantics = [#tpu.dimension_semantics<arbitrary>], iteration_bounds = array<i64: 49>, scalar_prefetch = 0 : i64, scratch_operands = 0 : i64, tpu.core_type = #tpu.core_type<tc>, window_params = [{transform_indices = @transform_0, window_bounds = array<i64: 2, 2048, 16>}, {transform_indices = @transform_1, window_bounds = array<i64: 2048, 32>}, {transform_indices = @transform_2, window_bounds = array<i64: 2048>}, {transform_indices = @transform_3, window_bounds = array<i64: 2048>}, {pipeline_mode = #tpu.pipeline_mode<synchronous>, transform_indices = @transform_4, window_bounds = array<i64: 32>}, {pipeline_mode = #tpu.pipeline_mode<synchronous>, transform_indices = @transform_5, window_bounds = array<i64: 32>}, {transform_indices = @transform_6, window_bounds = array<i64: 2048, 32>}, {transform_indices = @transform_7, window_bounds = array<i64: 32, 2048>}, {transform_indices = @transform_8, window_bounds = array<i64: 2048>}, {transform_indices = @transform_9, window_bounds = array<i64: 2048>}]} {
    %get3A = arith.constant 0 : index
    %get3A_0 = vector.load %arg3[%get3A] : memref<2048xf32, #tpu.memory_space<vmem>>, vector<2048xf32>
    %get3A_1 = arith.constant 0 : index
    %get3A_2 = vector.load %arg4[%get3A_1] : memref<2048xf32, #tpu.memory_space<vmem>>, vector<2048xf32>
    %get3A_3 = arith.constant 0 : index
    %get3A_4 = arith.constant 0 : index
    %get3A_5 = arith.constant 0 : index
    %get3A_6 = vector.load %arg1[%get3A_3, %get3A_4, %get3A_5] : memref<2x2048x16xf32, #tpu.memory_space<vmem>>, vector<1x2048x16xf32>
    %get3A_7 = vector.shape_cast %get3A_6 : vector<1x2048x16xf32> to vector<2048x16xf32>
    %get3A_8 = arith.constant 1 : index
    %get3A_9 = arith.constant 0 : index
    %get3A_10 = arith.constant 0 : index
    %get3A_11 = vector.load %arg1[%get3A_8, %get3A_9, %get3A_10] : memref<2x2048x16xf32, #tpu.memory_space<vmem>>, vector<1x2048x16xf32>
    %get3A_12 = vector.shape_cast %get3A_11 : vector<1x2048x16xf32> to vector<2048x16xf32>
    %concatenate3A = tpu.concatenate %get3A_7, %get3A_12 in 1 : vector<2048x16xf32>, vector<2048x16xf32> -> vector<2048x32xf32>
    %broadcast_in_dim3A = vector.shape_cast %get3A_0 : vector<2048xf32> to vector<2048x1xf32>
    %mul3A = vector.broadcast %broadcast_in_dim3A : vector<2048x1xf32> to vector<2048x32xf32>
    %mul3A_13 = arith.mulf %mul3A, %concatenate3A : vector<2048x32xf32>
    %mul3A_14 = arith.mulf %get3A_0, %get3A_0 : vector<2048xf32>
    %broadcast_in_dim3A_15 = vector.shape_cast %mul3A_14 : vector<2048xf32> to vector<2048x1xf32>
    %get3A_16 = arith.constant 0 : index
    %get3A_17 = arith.constant 0 : index
    %get3A_18 = vector.load %arg2[%get3A_16, %get3A_17] : memref<2048x32xf32, #tpu.memory_space<vmem>>, vector<2048x32xf32>
    %mul3A_19 = vector.broadcast %broadcast_in_dim3A_15 : vector<2048x1xf32> to vector<2048x32xf32>
    %mul3A_20 = arith.mulf %mul3A_19, %get3A_18 : vector<2048x32xf32>
    %add3A = arith.addf %mul3A_13, %mul3A_20 : vector<2048x32xf32>
    %get3A_21 = arith.constant 0 : index
    %get3A_22 = vector.load %arg5[%get3A_21] : memref<32xf32, #tpu.memory_space<vmem>>, vector<32xf32>
    %broadcast_in_dim3A_23 = vector.shape_cast %get3A_22 : vector<32xf32> to vector<1x32xf32>
    %add3A_24 = vector.broadcast %broadcast_in_dim3A_23 : vector<1x32xf32> to vector<2048x32xf32>
    %add3A_25 = arith.addf %add3A, %add3A_24 : vector<2048x32xf32>
    %broadcast_in_dim3A_26 = vector.shape_cast %get3A_2 : vector<2048xf32> to vector<2048x1xf32>
    %mul3A_27 = vector.broadcast %broadcast_in_dim3A_26 : vector<2048x1xf32> to vector<2048x32xf32>
    %mul3A_28 = arith.mulf %add3A_25, %mul3A_27 : vector<2048x32xf32>
    %max3A = arith.constant 0.000000e+00 : f32
    %max3A_29 = vector.broadcast %max3A : f32 to vector<2048x32xf32>
    %max3A_30 = arith.maximumf %mul3A_28, %max3A_29 : vector<2048x32xf32>
    %swap3A = arith.constant 0 : index
    %swap3A_31 = arith.constant 0 : index
    %swap3A_32 = vector.load %arg7[%swap3A, %swap3A_31] : memref<2048x32xf32, #tpu.memory_space<vmem>>, vector<2048x32xf32>
    tpu.vector_store %arg7[%swap3A, %swap3A_31], %max3A_30 {strides = array<i32>} : memref<2048x32xf32, #tpu.memory_space<vmem>>, vector<2048x32xf32>,
    %transpose3A = tpu.transpose %max3A_30, [1, 0] : vector<2048x32xf32> -> vector<32x2048xf32>
    %swap3A_33 = arith.constant 0 : index
    %swap3A_34 = arith.constant 0 : index
    %swap3A_35 = vector.load %arg8[%swap3A_33, %swap3A_34] : memref<32x2048xf32, #tpu.memory_space<vmem>>, vector<32x2048xf32>
    tpu.vector_store %arg8[%swap3A_33, %swap3A_34], %transpose3A {strides = array<i32>} : memref<32x2048xf32, #tpu.memory_space<vmem>>, vector<32x2048xf32>,
    %get3A_36 = arith.constant 0 : index
    %get3A_37 = vector.load %arg6[%get3A_36] : memref<32xf32, #tpu.memory_space<vmem>>, vector<32xf32>
    %mul3A_38 = arith.mulf %get3A_37, %get3A_37 : vector<32xf32>
    %reduce_sum3A = vector.shape_cast %mul3A_38 : vector<32xf32> to vector<1x32xf32>
    %reduce_sum3A_39 = arith.constant dense<0.000000e+00> : vector<1xf32>
    %reduce_sum3A_40 = vector.multi_reduction <add>, %reduce_sum3A, %reduce_sum3A_39 [1] : vector<1x32xf32> to vector<1xf32>
    %reduce_sum3A_41 = vector.shape_cast %reduce_sum3A_40 : vector<1xf32> to vector<1x1xf32>
    %reduce_sum3A_42 = vector.extract %reduce_sum3A_41[0, 0] : f32 from vector<1x1xf32>
    %sqrt3A = math.sqrt %reduce_sum3A_42 : f32
    %add3A_43 = arith.constant 1.000000e-16 : f32
    %add3A_44 = arith.addf %sqrt3A, %add3A_43 : f32
    %div3A = vector.broadcast %add3A_44 : f32 to vector<32xf32>
    %div3A_45 = arith.divf %get3A_37, %div3A : vector<32xf32>
    %broadcast_in_dim3A_46 = vector.shape_cast %div3A_45 : vector<32xf32> to vector<1x32xf32>
    %mul3A_47 = vector.broadcast %broadcast_in_dim3A_46 : vector<1x32xf32> to vector<2048x32xf32>
    %mul3A_48 = arith.mulf %max3A_30, %mul3A_47 : vector<2048x32xf32>
    %reduce_sum3A_49 = arith.constant dense<0.000000e+00> : vector<2048xf32>
    %reduce_sum3A_50 = vector.multi_reduction <add>, %mul3A_48, %reduce_sum3A_49 [1] : vector<2048x32xf32> to vector<2048xf32>
    %tanh3A = math.tanh %reduce_sum3A_50 : vector<2048xf32>
    %swap3A_51 = arith.constant 0 : index
    %swap3A_52 = vector.load %arg9[%swap3A_51] : memref<2048xf32, #tpu.memory_space<vmem>>, vector<2048xf32>
    tpu.vector_store %arg9[%swap3A_51], %tanh3A {strides = array<i32>} : memref<2048xf32, #tpu.memory_space<vmem>>, vector<2048xf32>,
    %bitcast_convert_type3A = tpu.bitcast %tanh3A : vector<2048xf32> -> vector<2048xi32>
    %lt3A = arith.constant 0 : i32
    %lt3A_53 = vector.broadcast %lt3A : i32 to vector<2048xi32>
    %lt3A_54 = arith.cmpi slt, %bitcast_convert_type3A, %lt3A_53 : vector<2048xi32>
    %jit3A = arith.constant 2147483647 : i32
    %jit3A_55 = arith.constant 0 : i32
    %broadcast_in_dim3A_56 = vector.broadcast %jit3A : i32 to vector<2048xi32>
    %broadcast_in_dim3A_57 = vector.broadcast %jit3A_55 : i32 to vector<2048xi32>
    %select_n3A = arith.select %lt3A_54, %broadcast_in_dim3A_56, %broadcast_in_dim3A_57 : vector<2048xi1>, vector<2048xi32>
    %xor3A = arith.xori %bitcast_convert_type3A, %select_n3A : vector<2048xi32>
    %gt3A = arith.constant 0.000000e+00 : f32
    %gt3A_58 = vector.broadcast %gt3A : f32 to vector<2048xf32>
    %gt3A_59 = arith.cmpf ogt, %get3A_2, %gt3A_58 : vector<2048xf32>
    %jit3A_60 = arith.constant -2147483648 : i32
    %broadcast_in_dim3A_61 = vector.broadcast %jit3A_60 : i32 to vector<2048xi32>
    %select_n3A_62 = arith.select %gt3A_59, %xor3A, %broadcast_in_dim3A_61 : vector<2048xi1>, vector<2048xi32>
    %swap3A_63 = arith.constant 0 : index
    %swap3A_64 = vector.load %arg10[%swap3A_63] : memref<2048xi32, #tpu.memory_space<vmem>>, vector<2048xi32>
    tpu.vector_store %arg10[%swap3A_63], %select_n3A_62 {strides = array<i32>} : memref<2048xi32, #tpu.memory_space<vmem>>, vector<2048xi32>,
    return
  }
  func.func @transform_0(%arg0: i32) -> (i32, i32, i32) {
    %c0_i32 = arith.constant 0 : i32
    %c0_i32_0 = arith.constant 0 : i32
    %c0_i32_1 = arith.constant 0 : i32
    return %c0_i32, %arg0, %c0_i32_0 : i32, i32, i32
  }
  func.func @transform_1(%arg0: i32) -> (i32, i32) {
    %c0_i32 = arith.constant 0 : i32
    %c0_i32_0 = arith.constant 0 : i32
    return %arg0, %c0_i32 : i32, i32
  }
  func.func @transform_2(%arg0: i32) -> i32 {
    %c0_i32 = arith.constant 0 : i32
    return %arg0 : i32
  }
  func.func @transform_3(%arg0: i32) -> i32 {
    %c0_i32 = arith.constant 0 : i32
    return %arg0 : i32
  }
  func.func @transform_4(%arg0: i32) -> i32 {
    %c0_i32 = arith.constant 0 : i32
    %c0_i32_0 = arith.constant 0 : i32
    return %c0_i32 : i32
  }
  func.func @transform_5(%arg0: i32) -> i32 {
    %c0_i32 = arith.constant 0 : i32
    %c0_i32_0 = arith.constant 0 : i32
    return %c0_i32 : i32
  }
  func.func @transform_6(%arg0: i32) -> (i32, i32) {
    %c0_i32 = arith.constant 0 : i32
    %c0_i32_0 = arith.constant 0 : i32
    return %arg0, %c0_i32 : i32, i32
  }
  func.func @transform_7(%arg0: i32) -> (i32, i32) {
    %c0_i32 = arith.constant 0 : i32
    %c0_i32_0 = arith.constant 0 : i32
    return %c0_i32, %arg0 : i32, i32
  }
  func.func @transform_8(%arg0: i32) -> i32 {
    %c0_i32 = arith.constant 0 : i32
    return %arg0 : i32
  }
  func.func @transform_9(%arg0: i32) -> i32 {
    %c0_i32 = arith.constant 0 : i32
    return %arg0 : i32
  }
}

module attributes {stable_mosaic.version = 14 : i64} {
  func.func @body(%arg0: i32, %arg1: memref<784x128xi32, #tpu.memory_space<vmem>>, %arg2: memref<2048xi32, #tpu.memory_space<vmem>>, %arg3: memref<2048xf32, #tpu.memory_space<vmem>>, %arg4: memref<32x2048xf32, #tpu.memory_space<vmem>>, %arg5: memref<2048xf32, #tpu.memory_space<vmem>>, %arg6: memref<2048xf32, #tpu.memory_space<vmem>>, %arg7: memref<32x1xf32, #tpu.memory_space<vmem>>, %arg8: memref<32x1xf32, #tpu.memory_space<vmem>>, %arg9: memref<2xi32, #tpu.memory_space<smem>>) attributes {dimension_semantics = [#tpu.dimension_semantics<arbitrary>], iteration_bounds = array<i64: 50>, scalar_prefetch = 0 : i64, scratch_operands = 1 : i64, tpu.core_type = #tpu.core_type<tc>, window_params = [{pipeline_mode = #tpu.pipeline_mode<synchronous>, transform_indices = @transform_0, window_bounds = array<i64: 784, 128>}, {transform_indices = @transform_1, window_bounds = array<i64: 2048>}, {transform_indices = @transform_2, window_bounds = array<i64: 2048>}, {transform_indices = @transform_3, window_bounds = array<i64: 32, 2048>}, {transform_indices = @transform_4, window_bounds = array<i64: 2048>}, {transform_indices = @transform_5, window_bounds = array<i64: 2048>}, {pipeline_mode = #tpu.pipeline_mode<synchronous>, transform_indices = @transform_6, window_bounds = array<i64: 32, 1>}, {pipeline_mode = #tpu.pipeline_mode<synchronous>, transform_indices = @transform_7, window_bounds = array<i64: 32, 1>}]} {
    %eq3A = arith.constant 0 : i32
    %eq3A_0 = arith.cmpi eq, %arg0, %eq3A : i32
    %convert_element_type3A = arith.extui %eq3A_0 : i1 to i32
    %cond3A = arith.constant 0 : i32
    %cond3A_1 = arith.cmpi ne, %convert_element_type3A, %cond3A : i32
    scf.if %cond3A_1 {
      %get3A = arith.constant 0 : index
      %get3A_6 = arith.constant 0 : index
      %get3A_7 = vector.load %arg1[%get3A, %get3A_6] : memref<784x128xi32, #tpu.memory_space<vmem>>, vector<784x128xi32>
      %scan3A = arith.constant 60000 : i32
      %scan3A_8 = arith.constant 0 : i32
      %scan3A_9 = arith.constant 0 : i32
      %scan3A_10 = arith.constant 32 : i32
      %scan3A_11 = arith.addi %scan3A_9, %scan3A_10 : i32
      %scan3A_12 = arith.constant 1 : i32
      %scan3A_13 = scf.for %scan3A_39 = %scan3A_9 to %scan3A_11 step %scan3A_12 iter_args(%scan3A_40 = %scan3A_8) -> (i32)  : i32 {
        %sub3A_41 = arith.constant 31 : i32
        %sub3A_42 = arith.subi %sub3A_41, %scan3A_39 : i32
        %shift_left3A = arith.constant 1 : i32
        %shift_left3A_43 = arith.shli %shift_left3A, %sub3A_42 : i32
        %or3A = arith.ori %scan3A_40, %shift_left3A_43 : i32
        %xor3A_44 = arith.constant -2147483648 : i32
        %xor3A_45 = arith.xori %or3A, %xor3A_44 : i32
        %ge3A = vector.broadcast %xor3A_45 : i32 to vector<784x128xi32>
        %ge3A_46 = arith.cmpi sge, %get3A_7, %ge3A : vector<784x128xi32>
        %convert_element_type3A_47 = arith.extui %ge3A_46 : vector<784x128xi1> to vector<784x128xi32>
        %reduce_sum3A_48 = vector.shape_cast %convert_element_type3A_47 : vector<784x128xi32> to vector<1x784x128xi32>
        %reduce_sum3A_49 = arith.constant dense<0> : vector<1xi32>
        %reduce_sum3A_50 = vector.multi_reduction <add>, %reduce_sum3A_48, %reduce_sum3A_49 [1, 2] : vector<1x784x128xi32> to vector<1xi32>
        %reduce_sum3A_51 = vector.shape_cast %reduce_sum3A_50 : vector<1xi32> to vector<1x1x1xi32>
        %reduce_sum3A_52 = vector.extract %reduce_sum3A_51[0, 0, 0] : i32 from vector<1x1x1xi32>
        %ge3A_53 = arith.cmpi sge, %reduce_sum3A_52, %scan3A : i32
        %select_n3A = arith.select %ge3A_53, %or3A, %scan3A_40 : i32
        scf.yield %select_n3A : i32
      }
      %scan3A_14 = arith.constant 32 : i32
      %xor3A = arith.constant -2147483648 : i32
      %xor3A_15 = arith.xori %scan3A_13, %xor3A : i32
      %gt3A_16 = vector.broadcast %xor3A_15 : i32 to vector<784x128xi32>
      %gt3A_17 = arith.cmpi sgt, %get3A_7, %gt3A_16 : vector<784x128xi32>
      %convert_element_type3A_18 = arith.extui %gt3A_17 : vector<784x128xi1> to vector<784x128xi32>
      %reduce_sum3A = vector.shape_cast %convert_element_type3A_18 : vector<784x128xi32> to vector<1x784x128xi32>
      %reduce_sum3A_19 = arith.constant dense<0> : vector<1xi32>
      %reduce_sum3A_20 = vector.multi_reduction <add>, %reduce_sum3A, %reduce_sum3A_19 [1, 2] : vector<1x784x128xi32> to vector<1xi32>
      %reduce_sum3A_21 = vector.shape_cast %reduce_sum3A_20 : vector<1xi32> to vector<1x1x1xi32>
      %reduce_sum3A_22 = vector.extract %reduce_sum3A_21[0, 0, 0] : i32 from vector<1x1x1xi32>
      %sub3A = arith.constant 60000 : i32
      %sub3A_23 = arith.subi %sub3A, %reduce_sum3A_22 : i32
      %eq3A_24 = vector.broadcast %xor3A_15 : i32 to vector<784x128xi32>
      %eq3A_25 = arith.cmpi eq, %get3A_7, %eq3A_24 : vector<784x128xi32>
      %iota3A = tpu.iota {dimensions = array<i32: 0>} : vector<784x128xi32>
      %mul3A = arith.constant 128 : i32
      %mul3A_26 = vector.broadcast %mul3A : i32 to vector<784x128xi32>
      %mul3A_27 = arith.muli %iota3A, %mul3A_26 : vector<784x128xi32>
      %iota3A_28 = tpu.iota {dimensions = array<i32: 1>} : vector<784x128xi32>
      %add3A = arith.addi %mul3A_27, %iota3A_28 : vector<784x128xi32>
      %scan3A_29 = arith.constant 0 : i32
      %scan3A_30 = arith.constant 100352 : i32
      %scan3A_31 = arith.constant 0 : i32
      %scan3A_32 = arith.constant 17 : i32
      %scan3A_33 = arith.addi %scan3A_31, %scan3A_32 : i32
      %scan3A_34 = arith.constant 1 : i32
      %scan3A_35:2 = scf.for %scan3A_39 = %scan3A_31 to %scan3A_33 step %scan3A_34 iter_args(%scan3A_40 = %scan3A_29, %scan3A_41 = %scan3A_30) -> (i32, i32)  : i32 {
        %add3A_42 = arith.addi %scan3A_40, %scan3A_41 : i32
        %jit3A = arith.constant 2 : i32
        %div3A = arith.divsi %add3A_42, %jit3A : i32
        %sign3A = arith.constant 0 : i32
        %sign3A_43 = arith.cmpi sgt, %add3A_42, %sign3A : i32
        %sign3A_44 = arith.extui %sign3A_43 : i1 to i32
        %sign3A_45 = arith.constant 0 : i32
        %sign3A_46 = arith.cmpi slt, %add3A_42, %sign3A_45 : i32
        %sign3A_47 = arith.extui %sign3A_46 : i1 to i32
        %sign3A_48 = arith.subi %sign3A_44, %sign3A_47 : i32
        %sign3A_49 = arith.constant 0 : i32
        %sign3A_50 = arith.cmpi sgt, %jit3A, %sign3A_49 : i32
        %sign3A_51 = arith.extui %sign3A_50 : i1 to i32
        %sign3A_52 = arith.constant 0 : i32
        %sign3A_53 = arith.cmpi slt, %jit3A, %sign3A_52 : i32
        %sign3A_54 = arith.extui %sign3A_53 : i1 to i32
        %sign3A_55 = arith.subi %sign3A_51, %sign3A_54 : i32
        %ne3A = arith.cmpi ne, %sign3A_48, %sign3A_55 : i32
        %rem3A = arith.remsi %add3A_42, %jit3A : i32
        %ne3A_56 = arith.constant 0 : i32
        %ne3A_57 = arith.cmpi ne, %rem3A, %ne3A_56 : i32
        %and3A = arith.andi %ne3A, %ne3A_57 : i1
        %sub3A_58 = arith.constant 1 : i32
        %sub3A_59 = arith.subi %div3A, %sub3A_58 : i32
        %select_n3A = arith.select %and3A, %sub3A_59, %div3A : i32
        %lt3A = vector.broadcast %select_n3A : i32 to vector<784x128xi32>
        %lt3A_60 = arith.cmpi slt, %add3A, %lt3A : vector<784x128xi32>
        %and3A_61 = arith.andi %eq3A_25, %lt3A_60 : vector<784x128xi1>
        %convert_element_type3A_62 = arith.extui %and3A_61 : vector<784x128xi1> to vector<784x128xi32>
        %reduce_sum3A_63 = vector.shape_cast %convert_element_type3A_62 : vector<784x128xi32> to vector<1x784x128xi32>
        %reduce_sum3A_64 = arith.constant dense<0> : vector<1xi32>
        %reduce_sum3A_65 = vector.multi_reduction <add>, %reduce_sum3A_63, %reduce_sum3A_64 [1, 2] : vector<1x784x128xi32> to vector<1xi32>
        %reduce_sum3A_66 = vector.shape_cast %reduce_sum3A_65 : vector<1xi32> to vector<1x1x1xi32>
        %reduce_sum3A_67 = vector.extract %reduce_sum3A_66[0, 0, 0] : i32 from vector<1x1x1xi32>
        %ge3A = arith.cmpi sge, %reduce_sum3A_67, %sub3A_23 : i32
        %add3A_68 = arith.constant 1 : i32
        %add3A_69 = arith.addi %select_n3A, %add3A_68 : i32
        %select_n3A_70 = arith.select %ge3A, %scan3A_40, %add3A_69 : i32
        %select_n3A_71 = arith.select %ge3A, %select_n3A, %scan3A_41 : i32
        scf.yield %select_n3A_70, %select_n3A_71 : i32, i32
      }
      %swap3A = arith.constant 0 : index
      %swap3A_36 = memref.load %arg9[%swap3A] : memref<2xi32, #tpu.memory_space<smem>>
      memref.store %xor3A_15, %arg9[%swap3A] : memref<2xi32, #tpu.memory_space<smem>>
      %swap3A_37 = arith.constant 1 : index
      %swap3A_38 = memref.load %arg9[%swap3A_37] : memref<2xi32, #tpu.memory_space<smem>>
      memref.store %scan3A_35#1, %arg9[%swap3A_37] : memref<2xi32, #tpu.memory_space<smem>>
    } else {
    }
    %gt3A = arith.constant 0 : i32
    %gt3A_2 = arith.cmpi sgt, %arg0, %gt3A : i32
    %convert_element_type3A_3 = arith.extui %gt3A_2 : i1 to i32
    %cond3A_4 = arith.constant 0 : i32
    %cond3A_5 = arith.cmpi ne, %convert_element_type3A_3, %cond3A_4 : i32
    scf.if %cond3A_5 {
      %get3A = arith.constant 0 : index
      %get3A_6 = memref.load %arg9[%get3A] : memref<2xi32, #tpu.memory_space<smem>>
      %get3A_7 = arith.constant 1 : index
      %get3A_8 = memref.load %arg9[%get3A_7] : memref<2xi32, #tpu.memory_space<smem>>
      %get3A_9 = arith.constant 0 : index
      %get3A_10 = vector.load %arg2[%get3A_9] : memref<2048xi32, #tpu.memory_space<vmem>>, vector<2048xi32>
      %sub3A = arith.constant 1 : i32
      %sub3A_11 = arith.subi %arg0, %sub3A : i32
      %mul3A = arith.constant 2048 : i32
      %mul3A_12 = arith.muli %sub3A_11, %mul3A : i32
      %iota3A = tpu.iota {dimensions = array<i32: 1>} : vector<1x2048xi32>
      %iota3A_13 = vector.shape_cast %iota3A : vector<1x2048xi32> to vector<2048xi32>
      %add3A = vector.broadcast %mul3A_12 : i32 to vector<2048xi32>
      %add3A_14 = arith.addi %add3A, %iota3A_13 : vector<2048xi32>
      %gt3A_15 = vector.broadcast %get3A_6 : i32 to vector<2048xi32>
      %gt3A_16 = arith.cmpi sgt, %get3A_10, %gt3A_15 : vector<2048xi32>
      %eq3A_17 = vector.broadcast %get3A_6 : i32 to vector<2048xi32>
      %eq3A_18 = arith.cmpi eq, %get3A_10, %eq3A_17 : vector<2048xi32>
      %lt3A = vector.broadcast %get3A_8 : i32 to vector<2048xi32>
      %lt3A_19 = arith.cmpi slt, %add3A_14, %lt3A : vector<2048xi32>
      %and3A = arith.andi %eq3A_18, %lt3A_19 : vector<2048xi1>
      %or3A = arith.ori %gt3A_16, %and3A : vector<2048xi1>
      %get3A_20 = arith.constant 0 : index
      %get3A_21 = vector.load %arg3[%get3A_20] : memref<2048xf32, #tpu.memory_space<vmem>>, vector<2048xf32>
      %jit3A = arith.constant 0.000000e+00 : f32
      %broadcast_in_dim3A = vector.broadcast %jit3A : f32 to vector<2048xf32>
      %select_n3A = arith.select %or3A, %get3A_21, %broadcast_in_dim3A : vector<2048xi1>, vector<2048xf32>
      %swap3A = arith.constant 0 : index
      %swap3A_22 = vector.load %arg5[%swap3A] : memref<2048xf32, #tpu.memory_space<vmem>>, vector<2048xf32>
      tpu.vector_store %arg5[%swap3A], %select_n3A {strides = array<i32>} : memref<2048xf32, #tpu.memory_space<vmem>>, vector<2048xf32>,
      %convert_element_type3A_23 = arith.extui %or3A : vector<2048xi1> to vector<2048xi32>
      %convert_element_type3A_24 = arith.sitofp %convert_element_type3A_23 : vector<2048xi32> to vector<2048xf32>
      %swap3A_25 = arith.constant 0 : index
      %swap3A_26 = vector.load %arg6[%swap3A_25] : memref<2048xf32, #tpu.memory_space<vmem>>, vector<2048xf32>
      tpu.vector_store %arg6[%swap3A_25], %convert_element_type3A_24 {strides = array<i32>} : memref<2048xf32, #tpu.memory_space<vmem>>, vector<2048xf32>,
      %broadcast_in_dim3A_27 = vector.shape_cast %select_n3A : vector<2048xf32> to vector<1x2048xf32>
      %get3A_28 = arith.constant 0 : index
      %get3A_29 = arith.constant 0 : index
      %get3A_30 = vector.load %arg4[%get3A_28, %get3A_29] : memref<32x2048xf32, #tpu.memory_space<vmem>>, vector<32x2048xf32>
      %mul3A_31 = vector.broadcast %broadcast_in_dim3A_27 : vector<1x2048xf32> to vector<32x2048xf32>
      %mul3A_32 = arith.mulf %mul3A_31, %get3A_30 : vector<32x2048xf32>
      %broadcast_in_dim3A_33 = vector.shape_cast %or3A : vector<2048xi1> to vector<1x2048xi1>
      %jit3A_34 = arith.constant 0xFF800000 : f32
      %broadcast_in_dim3A_35 = vector.shape_cast %broadcast_in_dim3A_33 : vector<1x2048xi1> to vector<1x2048xi1>
      %broadcast_in_dim3A_36 = vector.broadcast %broadcast_in_dim3A_35 : vector<1x2048xi1> to vector<32x2048xi1>
      %broadcast_in_dim3A_37 = vector.broadcast %jit3A_34 : f32 to vector<32x2048xf32>
      %select_n3A_38 = arith.select %broadcast_in_dim3A_36, %mul3A_32, %broadcast_in_dim3A_37 : vector<32x2048xi1>, vector<32x2048xf32>
      %reduce_max3A = arith.constant dense<0xFF800000> : vector<32xf32>
      %reduce_max3A_39 = vector.multi_reduction <maximumf>, %select_n3A_38, %reduce_max3A [1] : vector<32x2048xf32> to vector<32xf32>
      %broadcast_in_dim3A_40 = vector.shape_cast %reduce_max3A_39 : vector<32xf32> to vector<32x1xf32>
      %reduce_sum3A = arith.constant dense<0.000000e+00> : vector<32xf32>
      %reduce_sum3A_41 = vector.multi_reduction <add>, %mul3A_32, %reduce_sum3A [1] : vector<32x2048xf32> to vector<32xf32>
      %broadcast_in_dim3A_42 = vector.shape_cast %reduce_sum3A_41 : vector<32xf32> to vector<32x1xf32>
      %eq3A_43 = arith.constant 1 : i32
      %eq3A_44 = arith.cmpi eq, %arg0, %eq3A_43 : i32
      %convert_element_type3A_45 = arith.extui %eq3A_44 : i1 to i32
      %cond3A_46 = arith.constant 0 : i32
      %cond3A_47 = arith.cmpi ne, %convert_element_type3A_45, %cond3A_46 : i32
      scf.if %cond3A_47 {
        %broadcast_in_dim3A_64 = arith.constant 0xFF800000 : f32
        %broadcast_in_dim3A_65 = vector.broadcast %broadcast_in_dim3A_64 : f32 to vector<32x1xf32>
        %swap3A_66 = arith.constant 0 : index
        %swap3A_67 = arith.constant 0 : index
        %swap3A_68 = vector.load %arg7[%swap3A_66, %swap3A_67] : memref<32x1xf32, #tpu.memory_space<vmem>>, vector<32x1xf32>
        tpu.vector_store %arg7[%swap3A_66, %swap3A_67], %broadcast_in_dim3A_65 {strides = array<i32>} : memref<32x1xf32, #tpu.memory_space<vmem>>, vector<32x1xf32>,
        %broadcast_in_dim3A_69 = arith.constant 0.000000e+00 : f32
        %broadcast_in_dim3A_70 = vector.broadcast %broadcast_in_dim3A_69 : f32 to vector<32x1xf32>
        %swap3A_71 = arith.constant 0 : index
        %swap3A_72 = arith.constant 0 : index
        %swap3A_73 = vector.load %arg8[%swap3A_71, %swap3A_72] : memref<32x1xf32, #tpu.memory_space<vmem>>, vector<32x1xf32>
        tpu.vector_store %arg8[%swap3A_71, %swap3A_72], %broadcast_in_dim3A_70 {strides = array<i32>} : memref<32x1xf32, #tpu.memory_space<vmem>>, vector<32x1xf32>,
      } else {
      }
      %get3A_48 = arith.constant 0 : index
      %get3A_49 = arith.constant 0 : index
      %get3A_50 = vector.load %arg7[%get3A_48, %get3A_49] : memref<32x1xf32, #tpu.memory_space<vmem>>, vector<32x1xf32>
      %max3A = arith.maximumf %get3A_50, %broadcast_in_dim3A_40 : vector<32x1xf32>
      %swap3A_51 = arith.constant 0 : index
      %swap3A_52 = arith.constant 0 : index
      %swap3A_53 = vector.load %arg7[%swap3A_51, %swap3A_52] : memref<32x1xf32, #tpu.memory_space<vmem>>, vector<32x1xf32>
      tpu.vector_store %arg7[%swap3A_51, %swap3A_52], %max3A {strides = array<i32>} : memref<32x1xf32, #tpu.memory_space<vmem>>, vector<32x1xf32>,
      %get3A_54 = arith.constant 0 : index
      %get3A_55 = arith.constant 0 : index
      %get3A_56 = vector.load %arg8[%get3A_54, %get3A_55] : memref<32x1xf32, #tpu.memory_space<vmem>>, vector<32x1xf32>
      %mul3A_57 = arith.constant 1.66666669E-5 : f32
      %mul3A_58 = vector.broadcast %mul3A_57 : f32 to vector<32x1xf32>
      %mul3A_59 = arith.mulf %broadcast_in_dim3A_42, %mul3A_58 : vector<32x1xf32>
      %add3A_60 = arith.addf %get3A_56, %mul3A_59 : vector<32x1xf32>
      %swap3A_61 = arith.constant 0 : index
      %swap3A_62 = arith.constant 0 : index
      %swap3A_63 = vector.load %arg8[%swap3A_61, %swap3A_62] : memref<32x1xf32, #tpu.memory_space<vmem>>, vector<32x1xf32>
      tpu.vector_store %arg8[%swap3A_61, %swap3A_62], %add3A_60 {strides = array<i32>} : memref<32x1xf32, #tpu.memory_space<vmem>>, vector<32x1xf32>,
    } else {
    }
    return
  }
  func.func @transform_0(%arg0: i32) -> (i32, i32) {
    %c0_i32 = arith.constant 0 : i32
    %c0_i32_0 = arith.constant 0 : i32
    %c0_i32_1 = arith.constant 0 : i32
    return %c0_i32, %c0_i32_0 : i32, i32
  }
  func.func @transform_1(%arg0: i32) -> i32 {
    %sub3A = arith.constant 1 : i32
    %sub3A_0 = arith.subi %arg0, %sub3A : i32
    %max3A = arith.constant 0 : i32
    %max3A_1 = arith.maxsi %sub3A_0, %max3A : i32
    %c0_i32 = arith.constant 0 : i32
    return %max3A_1 : i32
  }
  func.func @transform_2(%arg0: i32) -> i32 {
    %sub3A = arith.constant 1 : i32
    %sub3A_0 = arith.subi %arg0, %sub3A : i32
    %max3A = arith.constant 0 : i32
    %max3A_1 = arith.maxsi %sub3A_0, %max3A : i32
    %c0_i32 = arith.constant 0 : i32
    return %max3A_1 : i32
  }
  func.func @transform_3(%arg0: i32) -> (i32, i32) {
    %sub3A = arith.constant 1 : i32
    %sub3A_0 = arith.subi %arg0, %sub3A : i32
    %max3A = arith.constant 0 : i32
    %max3A_1 = arith.maxsi %sub3A_0, %max3A : i32
    %c0_i32 = arith.constant 0 : i32
    %c0_i32_2 = arith.constant 0 : i32
    return %c0_i32, %max3A_1 : i32, i32
  }
  func.func @transform_4(%arg0: i32) -> i32 {
    %sub3A = arith.constant 1 : i32
    %sub3A_0 = arith.subi %arg0, %sub3A : i32
    %max3A = arith.constant 0 : i32
    %max3A_1 = arith.maxsi %sub3A_0, %max3A : i32
    %c0_i32 = arith.constant 0 : i32
    return %max3A_1 : i32
  }
  func.func @transform_5(%arg0: i32) -> i32 {
    %sub3A = arith.constant 1 : i32
    %sub3A_0 = arith.subi %arg0, %sub3A : i32
    %max3A = arith.constant 0 : i32
    %max3A_1 = arith.maxsi %sub3A_0, %max3A : i32
    %c0_i32 = arith.constant 0 : i32
    return %max3A_1 : i32
  }
  func.func @transform_6(%arg0: i32) -> (i32, i32) {
    %c0_i32 = arith.constant 0 : i32
    %c0_i32_0 = arith.constant 0 : i32
    %c0_i32_1 = arith.constant 0 : i32
    return %c0_i32, %c0_i32_0 : i32, i32
  }
  func.func @transform_7(%arg0: i32) -> (i32, i32) {
    %c0_i32 = arith.constant 0 : i32
    %c0_i32_0 = arith.constant 0 : i32
    %c0_i32_1 = arith.constant 0 : i32
    return %c0_i32, %c0_i32_0 : i32, i32
  }
}

module attributes {stable_mosaic.version = 14 : i64} {
  func.func @body(%arg0: i32, %arg1: memref<2x2048xf32, #tpu.memory_space<vmem>>, %arg2: memref<2048xf32, #tpu.memory_space<vmem>>, %arg3: memref<2048xf32, #tpu.memory_space<vmem>>, %arg4: memref<2048x32xf32, #tpu.memory_space<vmem>>, %arg5: memref<32x32xf32, #tpu.memory_space<vmem>>, %arg6: memref<2x2048x16xf32, #tpu.memory_space<vmem>>, %arg7: memref<2048xf32, #tpu.memory_space<vmem>>, %arg8: memref<2048x32xf32, #tpu.memory_space<vmem>>) attributes {dimension_semantics = [#tpu.dimension_semantics<arbitrary>], iteration_bounds = array<i64: 49>, scalar_prefetch = 0 : i64, scratch_operands = 0 : i64, tpu.core_type = #tpu.core_type<tc>, window_params = [{transform_indices = @transform_0, window_bounds = array<i64: 2, 2048>}, {transform_indices = @transform_1, window_bounds = array<i64: 2048>}, {transform_indices = @transform_2, window_bounds = array<i64: 2048>}, {transform_indices = @transform_3, window_bounds = array<i64: 2048, 32>}, {pipeline_mode = #tpu.pipeline_mode<synchronous>, transform_indices = @transform_4, window_bounds = array<i64: 32, 32>}, {transform_indices = @transform_5, window_bounds = array<i64: 2, 2048, 16>}, {transform_indices = @transform_6, window_bounds = array<i64: 2048>}, {transform_indices = @transform_7, window_bounds = array<i64: 2048, 32>}]} {
    %get3A = arith.constant 0 : index
    %get3A_0 = vector.load %arg3[%get3A] : memref<2048xf32, #tpu.memory_space<vmem>>, vector<2048xf32>
    %broadcast_in_dim3A = vector.shape_cast %get3A_0 : vector<2048xf32> to vector<2048x1xf32>
    %get3A_1 = arith.constant 0 : index
    %get3A_2 = arith.constant 0 : index
    %get3A_3 = vector.load %arg4[%get3A_1, %get3A_2] : memref<2048x32xf32, #tpu.memory_space<vmem>>, vector<2048x32xf32>
    %mul3A = vector.broadcast %broadcast_in_dim3A : vector<2048x1xf32> to vector<2048x32xf32>
    %mul3A_4 = arith.mulf %mul3A, %get3A_3 : vector<2048x32xf32>
    %get3A_5 = arith.constant 0 : index
    %get3A_6 = arith.constant 0 : index
    %get3A_7 = vector.load %arg5[%get3A_5, %get3A_6] : memref<32x32xf32, #tpu.memory_space<vmem>>, vector<32x32xf32>
    %dot_general3A = arith.constant dense<0.000000e+00> : vector<2048x32xf32>
    %dot_general3A_8 = tpu.matmul %mul3A_4, %get3A_7, %dot_general3A {dimension_numbers = #tpu.dot_dimension_numbers<[1], [0], [0], [1], [0, 0, 1, 1], [], []>, transpose_lhs_hint = false} : vector<2048x32xf32>, vector<32x32xf32>, vector<2048x32xf32> -> vector<2048x32xf32>
    %get3A_9 = arith.constant 0 : index
    %get3A_10 = arith.constant 0 : index
    %get3A_11 = vector.load %arg1[%get3A_9, %get3A_10] : memref<2x2048xf32, #tpu.memory_space<vmem>>, vector<1x2048xf32>
    %get3A_12 = vector.shape_cast %get3A_11 : vector<1x2048xf32> to vector<2048xf32>
    %get3A_13 = arith.constant 1 : index
    %get3A_14 = arith.constant 0 : index
    %get3A_15 = vector.load %arg1[%get3A_13, %get3A_14] : memref<2x2048xf32, #tpu.memory_space<vmem>>, vector<1x2048xf32>
    %get3A_16 = vector.shape_cast %get3A_15 : vector<1x2048xf32> to vector<2048xf32>
    %add3A = arith.addf %get3A_12, %get3A_16 : vector<2048xf32>
    %get3A_17 = arith.constant 0 : index
    %get3A_18 = vector.load %arg2[%get3A_17] : memref<2048xf32, #tpu.memory_space<vmem>>, vector<2048xf32>
    %mul3A_19 = arith.mulf %get3A_18, %add3A : vector<2048xf32>
    %add3A_20 = arith.constant 1.000000e+00 : f32
    %add3A_21 = vector.broadcast %add3A_20 : f32 to vector<2048xf32>
    %add3A_22 = arith.addf %mul3A_19, %add3A_21 : vector<2048xf32>
    %rsqrt3A = math.rsqrt %add3A_22 : vector<2048xf32>
    %mul3A_23 = arith.mulf %get3A_18, %rsqrt3A : vector<2048xf32>
    %slice3A = vector.extract_strided_slice %dot_general3A_8 {offsets = [0, 0], sizes = [2048, 16], strides = [1, 1]} : vector<2048x32xf32> to vector<2048x16xf32>
    %broadcast_in_dim3A_24 = vector.shape_cast %mul3A_23 : vector<2048xf32> to vector<2048x1xf32>
    %mul3A_25 = vector.broadcast %broadcast_in_dim3A_24 : vector<2048x1xf32> to vector<2048x16xf32>
    %mul3A_26 = arith.mulf %slice3A, %mul3A_25 : vector<2048x16xf32>
    %swap3A = arith.constant 0 : index
    %swap3A_27 = arith.constant 0 : index
    %swap3A_28 = arith.constant 0 : index
    %swap3A_29 = vector.load %arg6[%swap3A, %swap3A_27, %swap3A_28] : memref<2x2048x16xf32, #tpu.memory_space<vmem>>, vector<1x2048x16xf32>
    %swap3A_30 = vector.shape_cast %swap3A_29 : vector<1x2048x16xf32> to vector<2048x16xf32>
    %swap3A_31 = vector.shape_cast %mul3A_26 : vector<2048x16xf32> to vector<1x2048x16xf32>
    tpu.vector_store %arg6[%swap3A, %swap3A_27, %swap3A_28], %swap3A_31 {strides = array<i32>} : memref<2x2048x16xf32, #tpu.memory_space<vmem>>, vector<1x2048x16xf32>,
    %slice3A_32 = vector.extract_strided_slice %dot_general3A_8 {offsets = [0, 16], sizes = [2048, 16], strides = [1, 1]} : vector<2048x32xf32> to vector<2048x16xf32>
    %broadcast_in_dim3A_33 = vector.shape_cast %mul3A_23 : vector<2048xf32> to vector<2048x1xf32>
    %mul3A_34 = vector.broadcast %broadcast_in_dim3A_33 : vector<2048x1xf32> to vector<2048x16xf32>
    %mul3A_35 = arith.mulf %slice3A_32, %mul3A_34 : vector<2048x16xf32>
    %swap3A_36 = arith.constant 1 : index
    %swap3A_37 = arith.constant 0 : index
    %swap3A_38 = arith.constant 0 : index
    %swap3A_39 = vector.load %arg6[%swap3A_36, %swap3A_37, %swap3A_38] : memref<2x2048x16xf32, #tpu.memory_space<vmem>>, vector<1x2048x16xf32>
    %swap3A_40 = vector.shape_cast %swap3A_39 : vector<1x2048x16xf32> to vector<2048x16xf32>
    %swap3A_41 = vector.shape_cast %mul3A_35 : vector<2048x16xf32> to vector<1x2048x16xf32>
    tpu.vector_store %arg6[%swap3A_36, %swap3A_37, %swap3A_38], %swap3A_41 {strides = array<i32>} : memref<2x2048x16xf32, #tpu.memory_space<vmem>>, vector<1x2048x16xf32>,
    %swap3A_42 = arith.constant 0 : index
    %swap3A_43 = vector.load %arg7[%swap3A_42] : memref<2048xf32, #tpu.memory_space<vmem>>, vector<2048xf32>
    tpu.vector_store %arg7[%swap3A_42], %rsqrt3A {strides = array<i32>} : memref<2048xf32, #tpu.memory_space<vmem>>, vector<2048xf32>,
    %swap3A_44 = arith.constant 0 : index
    %swap3A_45 = arith.constant 0 : index
    %swap3A_46 = vector.load %arg8[%swap3A_44, %swap3A_45] : memref<2048x32xf32, #tpu.memory_space<vmem>>, vector<2048x32xf32>
    tpu.vector_store %arg8[%swap3A_44, %swap3A_45], %dot_general3A_8 {strides = array<i32>} : memref<2048x32xf32, #tpu.memory_space<vmem>>, vector<2048x32xf32>,
    return
  }
  func.func @transform_0(%arg0: i32) -> (i32, i32) {
    %c0_i32 = arith.constant 0 : i32
    %c0_i32_0 = arith.constant 0 : i32
    return %c0_i32, %arg0 : i32, i32
  }
  func.func @transform_1(%arg0: i32) -> i32 {
    %c0_i32 = arith.constant 0 : i32
    return %arg0 : i32
  }
  func.func @transform_2(%arg0: i32) -> i32 {
    %c0_i32 = arith.constant 0 : i32
    return %arg0 : i32
  }
  func.func @transform_3(%arg0: i32) -> (i32, i32) {
    %c0_i32 = arith.constant 0 : i32
    %c0_i32_0 = arith.constant 0 : i32
    return %arg0, %c0_i32 : i32, i32
  }
  func.func @transform_4(%arg0: i32) -> (i32, i32) {
    %c0_i32 = arith.constant 0 : i32
    %c0_i32_0 = arith.constant 0 : i32
    %c0_i32_1 = arith.constant 0 : i32
    return %c0_i32, %c0_i32_0 : i32, i32
  }
  func.func @transform_5(%arg0: i32) -> (i32, i32, i32) {
    %c0_i32 = arith.constant 0 : i32
    %c0_i32_0 = arith.constant 0 : i32
    %c0_i32_1 = arith.constant 0 : i32
    return %c0_i32, %arg0, %c0_i32_0 : i32, i32, i32
  }
  func.func @transform_6(%arg0: i32) -> i32 {
    %c0_i32 = arith.constant 0 : i32
    return %arg0 : i32
  }
  func.func @transform_7(%arg0: i32) -> (i32, i32) {
    %c0_i32 = arith.constant 0 : i32
    %c0_i32_0 = arith.constant 0 : i32
    return %arg0, %c0_i32 : i32, i32
  }
}

module attributes {stable_mosaic.version = 14 : i64} {
  func.func @body(%arg0: i32, %arg1: memref<784x128xi32, #tpu.memory_space<vmem>>, %arg2: memref<2048xi32, #tpu.memory_space<vmem>>, %arg3: memref<2048xf32, #tpu.memory_space<vmem>>, %arg4: memref<32x2048xf32, #tpu.memory_space<vmem>>, %arg5: memref<2048xf32, #tpu.memory_space<vmem>>, %arg6: memref<2048xf32, #tpu.memory_space<vmem>>, %arg7: memref<32x1xf32, #tpu.memory_space<vmem>>, %arg8: memref<32x1xf32, #tpu.memory_space<vmem>>, %arg9: memref<2xi32, #tpu.memory_space<smem>>) attributes {dimension_semantics = [#tpu.dimension_semantics<arbitrary>], iteration_bounds = array<i64: 50>, scalar_prefetch = 0 : i64, scratch_operands = 1 : i64, tpu.core_type = #tpu.core_type<tc>, window_params = [{pipeline_mode = #tpu.pipeline_mode<synchronous>, transform_indices = @transform_0, window_bounds = array<i64: 784, 128>}, {transform_indices = @transform_1, window_bounds = array<i64: 2048>}, {transform_indices = @transform_2, window_bounds = array<i64: 2048>}, {transform_indices = @transform_3, window_bounds = array<i64: 32, 2048>}, {transform_indices = @transform_4, window_bounds = array<i64: 2048>}, {transform_indices = @transform_5, window_bounds = array<i64: 2048>}, {pipeline_mode = #tpu.pipeline_mode<synchronous>, transform_indices = @transform_6, window_bounds = array<i64: 32, 1>}, {pipeline_mode = #tpu.pipeline_mode<synchronous>, transform_indices = @transform_7, window_bounds = array<i64: 32, 1>}]} {
    %eq3A = arith.constant 0 : i32
    %eq3A_0 = arith.cmpi eq, %arg0, %eq3A : i32
    %convert_element_type3A = arith.extui %eq3A_0 : i1 to i32
    %cond3A = arith.constant 0 : i32
    %cond3A_1 = arith.cmpi ne, %convert_element_type3A, %cond3A : i32
    scf.if %cond3A_1 {
      %get3A = arith.constant 0 : index
      %get3A_6 = arith.constant 0 : index
      %get3A_7 = vector.load %arg1[%get3A, %get3A_6] : memref<784x128xi32, #tpu.memory_space<vmem>>, vector<784x128xi32>
      %scan3A = arith.constant 36000 : i32
      %scan3A_8 = arith.constant 0 : i32
      %scan3A_9 = arith.constant 0 : i32
      %scan3A_10 = arith.constant 32 : i32
      %scan3A_11 = arith.addi %scan3A_9, %scan3A_10 : i32
      %scan3A_12 = arith.constant 1 : i32
      %scan3A_13 = scf.for %scan3A_39 = %scan3A_9 to %scan3A_11 step %scan3A_12 iter_args(%scan3A_40 = %scan3A_8) -> (i32)  : i32 {
        %sub3A_41 = arith.constant 31 : i32
        %sub3A_42 = arith.subi %sub3A_41, %scan3A_39 : i32
        %shift_left3A = arith.constant 1 : i32
        %shift_left3A_43 = arith.shli %shift_left3A, %sub3A_42 : i32
        %or3A = arith.ori %scan3A_40, %shift_left3A_43 : i32
        %xor3A_44 = arith.constant -2147483648 : i32
        %xor3A_45 = arith.xori %or3A, %xor3A_44 : i32
        %ge3A = vector.broadcast %xor3A_45 : i32 to vector<784x128xi32>
        %ge3A_46 = arith.cmpi sge, %get3A_7, %ge3A : vector<784x128xi32>
        %convert_element_type3A_47 = arith.extui %ge3A_46 : vector<784x128xi1> to vector<784x128xi32>
        %reduce_sum3A_48 = vector.shape_cast %convert_element_type3A_47 : vector<784x128xi32> to vector<1x784x128xi32>
        %reduce_sum3A_49 = arith.constant dense<0> : vector<1xi32>
        %reduce_sum3A_50 = vector.multi_reduction <add>, %reduce_sum3A_48, %reduce_sum3A_49 [1, 2] : vector<1x784x128xi32> to vector<1xi32>
        %reduce_sum3A_51 = vector.shape_cast %reduce_sum3A_50 : vector<1xi32> to vector<1x1x1xi32>
        %reduce_sum3A_52 = vector.extract %reduce_sum3A_51[0, 0, 0] : i32 from vector<1x1x1xi32>
        %ge3A_53 = arith.cmpi sge, %reduce_sum3A_52, %scan3A : i32
        %select_n3A = arith.select %ge3A_53, %or3A, %scan3A_40 : i32
        scf.yield %select_n3A : i32
      }
      %scan3A_14 = arith.constant 32 : i32
      %xor3A = arith.constant -2147483648 : i32
      %xor3A_15 = arith.xori %scan3A_13, %xor3A : i32
      %gt3A_16 = vector.broadcast %xor3A_15 : i32 to vector<784x128xi32>
      %gt3A_17 = arith.cmpi sgt, %get3A_7, %gt3A_16 : vector<784x128xi32>
      %convert_element_type3A_18 = arith.extui %gt3A_17 : vector<784x128xi1> to vector<784x128xi32>
      %reduce_sum3A = vector.shape_cast %convert_element_type3A_18 : vector<784x128xi32> to vector<1x784x128xi32>
      %reduce_sum3A_19 = arith.constant dense<0> : vector<1xi32>
      %reduce_sum3A_20 = vector.multi_reduction <add>, %reduce_sum3A, %reduce_sum3A_19 [1, 2] : vector<1x784x128xi32> to vector<1xi32>
      %reduce_sum3A_21 = vector.shape_cast %reduce_sum3A_20 : vector<1xi32> to vector<1x1x1xi32>
      %reduce_sum3A_22 = vector.extract %reduce_sum3A_21[0, 0, 0] : i32 from vector<1x1x1xi32>
      %sub3A = arith.constant 36000 : i32
      %sub3A_23 = arith.subi %sub3A, %reduce_sum3A_22 : i32
      %eq3A_24 = vector.broadcast %xor3A_15 : i32 to vector<784x128xi32>
      %eq3A_25 = arith.cmpi eq, %get3A_7, %eq3A_24 : vector<784x128xi32>
      %iota3A = tpu.iota {dimensions = array<i32: 0>} : vector<784x128xi32>
      %mul3A = arith.constant 128 : i32
      %mul3A_26 = vector.broadcast %mul3A : i32 to vector<784x128xi32>
      %mul3A_27 = arith.muli %iota3A, %mul3A_26 : vector<784x128xi32>
      %iota3A_28 = tpu.iota {dimensions = array<i32: 1>} : vector<784x128xi32>
      %add3A = arith.addi %mul3A_27, %iota3A_28 : vector<784x128xi32>
      %scan3A_29 = arith.constant 0 : i32
      %scan3A_30 = arith.constant 100352 : i32
      %scan3A_31 = arith.constant 0 : i32
      %scan3A_32 = arith.constant 17 : i32
      %scan3A_33 = arith.addi %scan3A_31, %scan3A_32 : i32
      %scan3A_34 = arith.constant 1 : i32
      %scan3A_35:2 = scf.for %scan3A_39 = %scan3A_31 to %scan3A_33 step %scan3A_34 iter_args(%scan3A_40 = %scan3A_29, %scan3A_41 = %scan3A_30) -> (i32, i32)  : i32 {
        %add3A_42 = arith.addi %scan3A_40, %scan3A_41 : i32
        %jit3A = arith.constant 2 : i32
        %div3A = arith.divsi %add3A_42, %jit3A : i32
        %sign3A = arith.constant 0 : i32
        %sign3A_43 = arith.cmpi sgt, %add3A_42, %sign3A : i32
        %sign3A_44 = arith.extui %sign3A_43 : i1 to i32
        %sign3A_45 = arith.constant 0 : i32
        %sign3A_46 = arith.cmpi slt, %add3A_42, %sign3A_45 : i32
        %sign3A_47 = arith.extui %sign3A_46 : i1 to i32
        %sign3A_48 = arith.subi %sign3A_44, %sign3A_47 : i32
        %sign3A_49 = arith.constant 0 : i32
        %sign3A_50 = arith.cmpi sgt, %jit3A, %sign3A_49 : i32
        %sign3A_51 = arith.extui %sign3A_50 : i1 to i32
        %sign3A_52 = arith.constant 0 : i32
        %sign3A_53 = arith.cmpi slt, %jit3A, %sign3A_52 : i32
        %sign3A_54 = arith.extui %sign3A_53 : i1 to i32
        %sign3A_55 = arith.subi %sign3A_51, %sign3A_54 : i32
        %ne3A = arith.cmpi ne, %sign3A_48, %sign3A_55 : i32
        %rem3A = arith.remsi %add3A_42, %jit3A : i32
        %ne3A_56 = arith.constant 0 : i32
        %ne3A_57 = arith.cmpi ne, %rem3A, %ne3A_56 : i32
        %and3A = arith.andi %ne3A, %ne3A_57 : i1
        %sub3A_58 = arith.constant 1 : i32
        %sub3A_59 = arith.subi %div3A, %sub3A_58 : i32
        %select_n3A = arith.select %and3A, %sub3A_59, %div3A : i32
        %lt3A = vector.broadcast %select_n3A : i32 to vector<784x128xi32>
        %lt3A_60 = arith.cmpi slt, %add3A, %lt3A : vector<784x128xi32>
        %and3A_61 = arith.andi %eq3A_25, %lt3A_60 : vector<784x128xi1>
        %convert_element_type3A_62 = arith.extui %and3A_61 : vector<784x128xi1> to vector<784x128xi32>
        %reduce_sum3A_63 = vector.shape_cast %convert_element_type3A_62 : vector<784x128xi32> to vector<1x784x128xi32>
        %reduce_sum3A_64 = arith.constant dense<0> : vector<1xi32>
        %reduce_sum3A_65 = vector.multi_reduction <add>, %reduce_sum3A_63, %reduce_sum3A_64 [1, 2] : vector<1x784x128xi32> to vector<1xi32>
        %reduce_sum3A_66 = vector.shape_cast %reduce_sum3A_65 : vector<1xi32> to vector<1x1x1xi32>
        %reduce_sum3A_67 = vector.extract %reduce_sum3A_66[0, 0, 0] : i32 from vector<1x1x1xi32>
        %ge3A = arith.cmpi sge, %reduce_sum3A_67, %sub3A_23 : i32
        %add3A_68 = arith.constant 1 : i32
        %add3A_69 = arith.addi %select_n3A, %add3A_68 : i32
        %select_n3A_70 = arith.select %ge3A, %scan3A_40, %add3A_69 : i32
        %select_n3A_71 = arith.select %ge3A, %select_n3A, %scan3A_41 : i32
        scf.yield %select_n3A_70, %select_n3A_71 : i32, i32
      }
      %swap3A = arith.constant 0 : index
      %swap3A_36 = memref.load %arg9[%swap3A] : memref<2xi32, #tpu.memory_space<smem>>
      memref.store %xor3A_15, %arg9[%swap3A] : memref<2xi32, #tpu.memory_space<smem>>
      %swap3A_37 = arith.constant 1 : index
      %swap3A_38 = memref.load %arg9[%swap3A_37] : memref<2xi32, #tpu.memory_space<smem>>
      memref.store %scan3A_35#1, %arg9[%swap3A_37] : memref<2xi32, #tpu.memory_space<smem>>
    } else {
    }
    %gt3A = arith.constant 0 : i32
    %gt3A_2 = arith.cmpi sgt, %arg0, %gt3A : i32
    %convert_element_type3A_3 = arith.extui %gt3A_2 : i1 to i32
    %cond3A_4 = arith.constant 0 : i32
    %cond3A_5 = arith.cmpi ne, %convert_element_type3A_3, %cond3A_4 : i32
    scf.if %cond3A_5 {
      %get3A = arith.constant 0 : index
      %get3A_6 = memref.load %arg9[%get3A] : memref<2xi32, #tpu.memory_space<smem>>
      %get3A_7 = arith.constant 1 : index
      %get3A_8 = memref.load %arg9[%get3A_7] : memref<2xi32, #tpu.memory_space<smem>>
      %get3A_9 = arith.constant 0 : index
      %get3A_10 = vector.load %arg2[%get3A_9] : memref<2048xi32, #tpu.memory_space<vmem>>, vector<2048xi32>
      %sub3A = arith.constant 1 : i32
      %sub3A_11 = arith.subi %arg0, %sub3A : i32
      %mul3A = arith.constant 2048 : i32
      %mul3A_12 = arith.muli %sub3A_11, %mul3A : i32
      %iota3A = tpu.iota {dimensions = array<i32: 1>} : vector<1x2048xi32>
      %iota3A_13 = vector.shape_cast %iota3A : vector<1x2048xi32> to vector<2048xi32>
      %add3A = vector.broadcast %mul3A_12 : i32 to vector<2048xi32>
      %add3A_14 = arith.addi %add3A, %iota3A_13 : vector<2048xi32>
      %gt3A_15 = vector.broadcast %get3A_6 : i32 to vector<2048xi32>
      %gt3A_16 = arith.cmpi sgt, %get3A_10, %gt3A_15 : vector<2048xi32>
      %eq3A_17 = vector.broadcast %get3A_6 : i32 to vector<2048xi32>
      %eq3A_18 = arith.cmpi eq, %get3A_10, %eq3A_17 : vector<2048xi32>
      %lt3A = vector.broadcast %get3A_8 : i32 to vector<2048xi32>
      %lt3A_19 = arith.cmpi slt, %add3A_14, %lt3A : vector<2048xi32>
      %and3A = arith.andi %eq3A_18, %lt3A_19 : vector<2048xi1>
      %or3A = arith.ori %gt3A_16, %and3A : vector<2048xi1>
      %get3A_20 = arith.constant 0 : index
      %get3A_21 = vector.load %arg3[%get3A_20] : memref<2048xf32, #tpu.memory_space<vmem>>, vector<2048xf32>
      %jit3A = arith.constant 0.000000e+00 : f32
      %broadcast_in_dim3A = vector.broadcast %jit3A : f32 to vector<2048xf32>
      %select_n3A = arith.select %or3A, %get3A_21, %broadcast_in_dim3A : vector<2048xi1>, vector<2048xf32>
      %swap3A = arith.constant 0 : index
      %swap3A_22 = vector.load %arg5[%swap3A] : memref<2048xf32, #tpu.memory_space<vmem>>, vector<2048xf32>
      tpu.vector_store %arg5[%swap3A], %select_n3A {strides = array<i32>} : memref<2048xf32, #tpu.memory_space<vmem>>, vector<2048xf32>,
      %convert_element_type3A_23 = arith.extui %or3A : vector<2048xi1> to vector<2048xi32>
      %convert_element_type3A_24 = arith.sitofp %convert_element_type3A_23 : vector<2048xi32> to vector<2048xf32>
      %swap3A_25 = arith.constant 0 : index
      %swap3A_26 = vector.load %arg6[%swap3A_25] : memref<2048xf32, #tpu.memory_space<vmem>>, vector<2048xf32>
      tpu.vector_store %arg6[%swap3A_25], %convert_element_type3A_24 {strides = array<i32>} : memref<2048xf32, #tpu.memory_space<vmem>>, vector<2048xf32>,
      %broadcast_in_dim3A_27 = vector.shape_cast %select_n3A : vector<2048xf32> to vector<1x2048xf32>
      %get3A_28 = arith.constant 0 : index
      %get3A_29 = arith.constant 0 : index
      %get3A_30 = vector.load %arg4[%get3A_28, %get3A_29] : memref<32x2048xf32, #tpu.memory_space<vmem>>, vector<32x2048xf32>
      %mul3A_31 = vector.broadcast %broadcast_in_dim3A_27 : vector<1x2048xf32> to vector<32x2048xf32>
      %mul3A_32 = arith.mulf %mul3A_31, %get3A_30 : vector<32x2048xf32>
      %broadcast_in_dim3A_33 = vector.shape_cast %or3A : vector<2048xi1> to vector<1x2048xi1>
      %jit3A_34 = arith.constant 0xFF800000 : f32
      %broadcast_in_dim3A_35 = vector.shape_cast %broadcast_in_dim3A_33 : vector<1x2048xi1> to vector<1x2048xi1>
      %broadcast_in_dim3A_36 = vector.broadcast %broadcast_in_dim3A_35 : vector<1x2048xi1> to vector<32x2048xi1>
      %broadcast_in_dim3A_37 = vector.broadcast %jit3A_34 : f32 to vector<32x2048xf32>
      %select_n3A_38 = arith.select %broadcast_in_dim3A_36, %mul3A_32, %broadcast_in_dim3A_37 : vector<32x2048xi1>, vector<32x2048xf32>
      %reduce_max3A = arith.constant dense<0xFF800000> : vector<32xf32>
      %reduce_max3A_39 = vector.multi_reduction <maximumf>, %select_n3A_38, %reduce_max3A [1] : vector<32x2048xf32> to vector<32xf32>
      %broadcast_in_dim3A_40 = vector.shape_cast %reduce_max3A_39 : vector<32xf32> to vector<32x1xf32>
      %reduce_sum3A = arith.constant dense<0.000000e+00> : vector<32xf32>
      %reduce_sum3A_41 = vector.multi_reduction <add>, %mul3A_32, %reduce_sum3A [1] : vector<32x2048xf32> to vector<32xf32>
      %broadcast_in_dim3A_42 = vector.shape_cast %reduce_sum3A_41 : vector<32xf32> to vector<32x1xf32>
      %eq3A_43 = arith.constant 1 : i32
      %eq3A_44 = arith.cmpi eq, %arg0, %eq3A_43 : i32
      %convert_element_type3A_45 = arith.extui %eq3A_44 : i1 to i32
      %cond3A_46 = arith.constant 0 : i32
      %cond3A_47 = arith.cmpi ne, %convert_element_type3A_45, %cond3A_46 : i32
      scf.if %cond3A_47 {
        %broadcast_in_dim3A_64 = arith.constant 0xFF800000 : f32
        %broadcast_in_dim3A_65 = vector.broadcast %broadcast_in_dim3A_64 : f32 to vector<32x1xf32>
        %swap3A_66 = arith.constant 0 : index
        %swap3A_67 = arith.constant 0 : index
        %swap3A_68 = vector.load %arg7[%swap3A_66, %swap3A_67] : memref<32x1xf32, #tpu.memory_space<vmem>>, vector<32x1xf32>
        tpu.vector_store %arg7[%swap3A_66, %swap3A_67], %broadcast_in_dim3A_65 {strides = array<i32>} : memref<32x1xf32, #tpu.memory_space<vmem>>, vector<32x1xf32>,
        %broadcast_in_dim3A_69 = arith.constant 0.000000e+00 : f32
        %broadcast_in_dim3A_70 = vector.broadcast %broadcast_in_dim3A_69 : f32 to vector<32x1xf32>
        %swap3A_71 = arith.constant 0 : index
        %swap3A_72 = arith.constant 0 : index
        %swap3A_73 = vector.load %arg8[%swap3A_71, %swap3A_72] : memref<32x1xf32, #tpu.memory_space<vmem>>, vector<32x1xf32>
        tpu.vector_store %arg8[%swap3A_71, %swap3A_72], %broadcast_in_dim3A_70 {strides = array<i32>} : memref<32x1xf32, #tpu.memory_space<vmem>>, vector<32x1xf32>,
      } else {
      }
      %get3A_48 = arith.constant 0 : index
      %get3A_49 = arith.constant 0 : index
      %get3A_50 = vector.load %arg7[%get3A_48, %get3A_49] : memref<32x1xf32, #tpu.memory_space<vmem>>, vector<32x1xf32>
      %max3A = arith.maximumf %get3A_50, %broadcast_in_dim3A_40 : vector<32x1xf32>
      %swap3A_51 = arith.constant 0 : index
      %swap3A_52 = arith.constant 0 : index
      %swap3A_53 = vector.load %arg7[%swap3A_51, %swap3A_52] : memref<32x1xf32, #tpu.memory_space<vmem>>, vector<32x1xf32>
      tpu.vector_store %arg7[%swap3A_51, %swap3A_52], %max3A {strides = array<i32>} : memref<32x1xf32, #tpu.memory_space<vmem>>, vector<32x1xf32>,
      %get3A_54 = arith.constant 0 : index
      %get3A_55 = arith.constant 0 : index
      %get3A_56 = vector.load %arg8[%get3A_54, %get3A_55] : memref<32x1xf32, #tpu.memory_space<vmem>>, vector<32x1xf32>
      %mul3A_57 = arith.constant 2.77777781E-5 : f32
      %mul3A_58 = vector.broadcast %mul3A_57 : f32 to vector<32x1xf32>
      %mul3A_59 = arith.mulf %broadcast_in_dim3A_42, %mul3A_58 : vector<32x1xf32>
      %add3A_60 = arith.addf %get3A_56, %mul3A_59 : vector<32x1xf32>
      %swap3A_61 = arith.constant 0 : index
      %swap3A_62 = arith.constant 0 : index
      %swap3A_63 = vector.load %arg8[%swap3A_61, %swap3A_62] : memref<32x1xf32, #tpu.memory_space<vmem>>, vector<32x1xf32>
      tpu.vector_store %arg8[%swap3A_61, %swap3A_62], %add3A_60 {strides = array<i32>} : memref<32x1xf32, #tpu.memory_space<vmem>>, vector<32x1xf32>,
    } else {
    }
    return
  }
  func.func @transform_0(%arg0: i32) -> (i32, i32) {
    %c0_i32 = arith.constant 0 : i32
    %c0_i32_0 = arith.constant 0 : i32
    %c0_i32_1 = arith.constant 0 : i32
    return %c0_i32, %c0_i32_0 : i32, i32
  }
  func.func @transform_1(%arg0: i32) -> i32 {
    %sub3A = arith.constant 1 : i32
    %sub3A_0 = arith.subi %arg0, %sub3A : i32
    %max3A = arith.constant 0 : i32
    %max3A_1 = arith.maxsi %sub3A_0, %max3A : i32
    %c0_i32 = arith.constant 0 : i32
    return %max3A_1 : i32
  }
  func.func @transform_2(%arg0: i32) -> i32 {
    %sub3A = arith.constant 1 : i32
    %sub3A_0 = arith.subi %arg0, %sub3A : i32
    %max3A = arith.constant 0 : i32
    %max3A_1 = arith.maxsi %sub3A_0, %max3A : i32
    %c0_i32 = arith.constant 0 : i32
    return %max3A_1 : i32
  }
  func.func @transform_3(%arg0: i32) -> (i32, i32) {
    %sub3A = arith.constant 1 : i32
    %sub3A_0 = arith.subi %arg0, %sub3A : i32
    %max3A = arith.constant 0 : i32
    %max3A_1 = arith.maxsi %sub3A_0, %max3A : i32
    %c0_i32 = arith.constant 0 : i32
    %c0_i32_2 = arith.constant 0 : i32
    return %c0_i32, %max3A_1 : i32, i32
  }
  func.func @transform_4(%arg0: i32) -> i32 {
    %sub3A = arith.constant 1 : i32
    %sub3A_0 = arith.subi %arg0, %sub3A : i32
    %max3A = arith.constant 0 : i32
    %max3A_1 = arith.maxsi %sub3A_0, %max3A : i32
    %c0_i32 = arith.constant 0 : i32
    return %max3A_1 : i32
  }
  func.func @transform_5(%arg0: i32) -> i32 {
    %sub3A = arith.constant 1 : i32
    %sub3A_0 = arith.subi %arg0, %sub3A : i32
    %max3A = arith.constant 0 : i32
    %max3A_1 = arith.maxsi %sub3A_0, %max3A : i32
    %c0_i32 = arith.constant 0 : i32
    return %max3A_1 : i32
  }
  func.func @transform_6(%arg0: i32) -> (i32, i32) {
    %c0_i32 = arith.constant 0 : i32
    %c0_i32_0 = arith.constant 0 : i32
    %c0_i32_1 = arith.constant 0 : i32
    return %c0_i32, %c0_i32_0 : i32, i32
  }
  func.func @transform_7(%arg0: i32) -> (i32, i32) {
    %c0_i32 = arith.constant 0 : i32
    %c0_i32_0 = arith.constant 0 : i32
    %c0_i32_1 = arith.constant 0 : i32
    return %c0_i32, %c0_i32_0 : i32, i32
  }
}

module attributes {stable_mosaic.version = 14 : i64} {
  func.func @body(%arg0: i32, %arg1: memref<784x128xi32, #tpu.memory_space<vmem>>, %arg2: memref<2048xi32, #tpu.memory_space<vmem>>, %arg3: memref<2048xf32, #tpu.memory_space<vmem>>, %arg4: memref<32x2048xf32, #tpu.memory_space<vmem>>, %arg5: memref<2048xf32, #tpu.memory_space<vmem>>, %arg6: memref<2048xf32, #tpu.memory_space<vmem>>, %arg7: memref<32x1xf32, #tpu.memory_space<vmem>>, %arg8: memref<32x1xf32, #tpu.memory_space<vmem>>, %arg9: memref<2xi32, #tpu.memory_space<smem>>) attributes {dimension_semantics = [#tpu.dimension_semantics<arbitrary>], iteration_bounds = array<i64: 50>, scalar_prefetch = 0 : i64, scratch_operands = 1 : i64, tpu.core_type = #tpu.core_type<tc>, window_params = [{pipeline_mode = #tpu.pipeline_mode<synchronous>, transform_indices = @transform_0, window_bounds = array<i64: 784, 128>}, {transform_indices = @transform_1, window_bounds = array<i64: 2048>}, {transform_indices = @transform_2, window_bounds = array<i64: 2048>}, {transform_indices = @transform_3, window_bounds = array<i64: 32, 2048>}, {transform_indices = @transform_4, window_bounds = array<i64: 2048>}, {transform_indices = @transform_5, window_bounds = array<i64: 2048>}, {pipeline_mode = #tpu.pipeline_mode<synchronous>, transform_indices = @transform_6, window_bounds = array<i64: 32, 1>}, {pipeline_mode = #tpu.pipeline_mode<synchronous>, transform_indices = @transform_7, window_bounds = array<i64: 32, 1>}]} {
    %eq3A = arith.constant 0 : i32
    %eq3A_0 = arith.cmpi eq, %arg0, %eq3A : i32
    %convert_element_type3A = arith.extui %eq3A_0 : i1 to i32
    %cond3A = arith.constant 0 : i32
    %cond3A_1 = arith.cmpi ne, %convert_element_type3A, %cond3A : i32
    scf.if %cond3A_1 {
      %get3A = arith.constant 0 : index
      %get3A_6 = arith.constant 0 : index
      %get3A_7 = vector.load %arg1[%get3A, %get3A_6] : memref<784x128xi32, #tpu.memory_space<vmem>>, vector<784x128xi32>
      %scan3A = arith.constant 21600 : i32
      %scan3A_8 = arith.constant 0 : i32
      %scan3A_9 = arith.constant 0 : i32
      %scan3A_10 = arith.constant 32 : i32
      %scan3A_11 = arith.addi %scan3A_9, %scan3A_10 : i32
      %scan3A_12 = arith.constant 1 : i32
      %scan3A_13 = scf.for %scan3A_39 = %scan3A_9 to %scan3A_11 step %scan3A_12 iter_args(%scan3A_40 = %scan3A_8) -> (i32)  : i32 {
        %sub3A_41 = arith.constant 31 : i32
        %sub3A_42 = arith.subi %sub3A_41, %scan3A_39 : i32
        %shift_left3A = arith.constant 1 : i32
        %shift_left3A_43 = arith.shli %shift_left3A, %sub3A_42 : i32
        %or3A = arith.ori %scan3A_40, %shift_left3A_43 : i32
        %xor3A_44 = arith.constant -2147483648 : i32
        %xor3A_45 = arith.xori %or3A, %xor3A_44 : i32
        %ge3A = vector.broadcast %xor3A_45 : i32 to vector<784x128xi32>
        %ge3A_46 = arith.cmpi sge, %get3A_7, %ge3A : vector<784x128xi32>
        %convert_element_type3A_47 = arith.extui %ge3A_46 : vector<784x128xi1> to vector<784x128xi32>
        %reduce_sum3A_48 = vector.shape_cast %convert_element_type3A_47 : vector<784x128xi32> to vector<1x784x128xi32>
        %reduce_sum3A_49 = arith.constant dense<0> : vector<1xi32>
        %reduce_sum3A_50 = vector.multi_reduction <add>, %reduce_sum3A_48, %reduce_sum3A_49 [1, 2] : vector<1x784x128xi32> to vector<1xi32>
        %reduce_sum3A_51 = vector.shape_cast %reduce_sum3A_50 : vector<1xi32> to vector<1x1x1xi32>
        %reduce_sum3A_52 = vector.extract %reduce_sum3A_51[0, 0, 0] : i32 from vector<1x1x1xi32>
        %ge3A_53 = arith.cmpi sge, %reduce_sum3A_52, %scan3A : i32
        %select_n3A = arith.select %ge3A_53, %or3A, %scan3A_40 : i32
        scf.yield %select_n3A : i32
      }
      %scan3A_14 = arith.constant 32 : i32
      %xor3A = arith.constant -2147483648 : i32
      %xor3A_15 = arith.xori %scan3A_13, %xor3A : i32
      %gt3A_16 = vector.broadcast %xor3A_15 : i32 to vector<784x128xi32>
      %gt3A_17 = arith.cmpi sgt, %get3A_7, %gt3A_16 : vector<784x128xi32>
      %convert_element_type3A_18 = arith.extui %gt3A_17 : vector<784x128xi1> to vector<784x128xi32>
      %reduce_sum3A = vector.shape_cast %convert_element_type3A_18 : vector<784x128xi32> to vector<1x784x128xi32>
      %reduce_sum3A_19 = arith.constant dense<0> : vector<1xi32>
      %reduce_sum3A_20 = vector.multi_reduction <add>, %reduce_sum3A, %reduce_sum3A_19 [1, 2] : vector<1x784x128xi32> to vector<1xi32>
      %reduce_sum3A_21 = vector.shape_cast %reduce_sum3A_20 : vector<1xi32> to vector<1x1x1xi32>
      %reduce_sum3A_22 = vector.extract %reduce_sum3A_21[0, 0, 0] : i32 from vector<1x1x1xi32>
      %sub3A = arith.constant 21600 : i32
      %sub3A_23 = arith.subi %sub3A, %reduce_sum3A_22 : i32
      %eq3A_24 = vector.broadcast %xor3A_15 : i32 to vector<784x128xi32>
      %eq3A_25 = arith.cmpi eq, %get3A_7, %eq3A_24 : vector<784x128xi32>
      %iota3A = tpu.iota {dimensions = array<i32: 0>} : vector<784x128xi32>
      %mul3A = arith.constant 128 : i32
      %mul3A_26 = vector.broadcast %mul3A : i32 to vector<784x128xi32>
      %mul3A_27 = arith.muli %iota3A, %mul3A_26 : vector<784x128xi32>
      %iota3A_28 = tpu.iota {dimensions = array<i32: 1>} : vector<784x128xi32>
      %add3A = arith.addi %mul3A_27, %iota3A_28 : vector<784x128xi32>
      %scan3A_29 = arith.constant 0 : i32
      %scan3A_30 = arith.constant 100352 : i32
      %scan3A_31 = arith.constant 0 : i32
      %scan3A_32 = arith.constant 17 : i32
      %scan3A_33 = arith.addi %scan3A_31, %scan3A_32 : i32
      %scan3A_34 = arith.constant 1 : i32
      %scan3A_35:2 = scf.for %scan3A_39 = %scan3A_31 to %scan3A_33 step %scan3A_34 iter_args(%scan3A_40 = %scan3A_29, %scan3A_41 = %scan3A_30) -> (i32, i32)  : i32 {
        %add3A_42 = arith.addi %scan3A_40, %scan3A_41 : i32
        %jit3A = arith.constant 2 : i32
        %div3A = arith.divsi %add3A_42, %jit3A : i32
        %sign3A = arith.constant 0 : i32
        %sign3A_43 = arith.cmpi sgt, %add3A_42, %sign3A : i32
        %sign3A_44 = arith.extui %sign3A_43 : i1 to i32
        %sign3A_45 = arith.constant 0 : i32
        %sign3A_46 = arith.cmpi slt, %add3A_42, %sign3A_45 : i32
        %sign3A_47 = arith.extui %sign3A_46 : i1 to i32
        %sign3A_48 = arith.subi %sign3A_44, %sign3A_47 : i32
        %sign3A_49 = arith.constant 0 : i32
        %sign3A_50 = arith.cmpi sgt, %jit3A, %sign3A_49 : i32
        %sign3A_51 = arith.extui %sign3A_50 : i1 to i32
        %sign3A_52 = arith.constant 0 : i32
        %sign3A_53 = arith.cmpi slt, %jit3A, %sign3A_52 : i32
        %sign3A_54 = arith.extui %sign3A_53 : i1 to i32
        %sign3A_55 = arith.subi %sign3A_51, %sign3A_54 : i32
        %ne3A = arith.cmpi ne, %sign3A_48, %sign3A_55 : i32
        %rem3A = arith.remsi %add3A_42, %jit3A : i32
        %ne3A_56 = arith.constant 0 : i32
        %ne3A_57 = arith.cmpi ne, %rem3A, %ne3A_56 : i32
        %and3A = arith.andi %ne3A, %ne3A_57 : i1
        %sub3A_58 = arith.constant 1 : i32
        %sub3A_59 = arith.subi %div3A, %sub3A_58 : i32
        %select_n3A = arith.select %and3A, %sub3A_59, %div3A : i32
        %lt3A = vector.broadcast %select_n3A : i32 to vector<784x128xi32>
        %lt3A_60 = arith.cmpi slt, %add3A, %lt3A : vector<784x128xi32>
        %and3A_61 = arith.andi %eq3A_25, %lt3A_60 : vector<784x128xi1>
        %convert_element_type3A_62 = arith.extui %and3A_61 : vector<784x128xi1> to vector<784x128xi32>
        %reduce_sum3A_63 = vector.shape_cast %convert_element_type3A_62 : vector<784x128xi32> to vector<1x784x128xi32>
        %reduce_sum3A_64 = arith.constant dense<0> : vector<1xi32>
        %reduce_sum3A_65 = vector.multi_reduction <add>, %reduce_sum3A_63, %reduce_sum3A_64 [1, 2] : vector<1x784x128xi32> to vector<1xi32>
        %reduce_sum3A_66 = vector.shape_cast %reduce_sum3A_65 : vector<1xi32> to vector<1x1x1xi32>
        %reduce_sum3A_67 = vector.extract %reduce_sum3A_66[0, 0, 0] : i32 from vector<1x1x1xi32>
        %ge3A = arith.cmpi sge, %reduce_sum3A_67, %sub3A_23 : i32
        %add3A_68 = arith.constant 1 : i32
        %add3A_69 = arith.addi %select_n3A, %add3A_68 : i32
        %select_n3A_70 = arith.select %ge3A, %scan3A_40, %add3A_69 : i32
        %select_n3A_71 = arith.select %ge3A, %select_n3A, %scan3A_41 : i32
        scf.yield %select_n3A_70, %select_n3A_71 : i32, i32
      }
      %swap3A = arith.constant 0 : index
      %swap3A_36 = memref.load %arg9[%swap3A] : memref<2xi32, #tpu.memory_space<smem>>
      memref.store %xor3A_15, %arg9[%swap3A] : memref<2xi32, #tpu.memory_space<smem>>
      %swap3A_37 = arith.constant 1 : index
      %swap3A_38 = memref.load %arg9[%swap3A_37] : memref<2xi32, #tpu.memory_space<smem>>
      memref.store %scan3A_35#1, %arg9[%swap3A_37] : memref<2xi32, #tpu.memory_space<smem>>
    } else {
    }
    %gt3A = arith.constant 0 : i32
    %gt3A_2 = arith.cmpi sgt, %arg0, %gt3A : i32
    %convert_element_type3A_3 = arith.extui %gt3A_2 : i1 to i32
    %cond3A_4 = arith.constant 0 : i32
    %cond3A_5 = arith.cmpi ne, %convert_element_type3A_3, %cond3A_4 : i32
    scf.if %cond3A_5 {
      %get3A = arith.constant 0 : index
      %get3A_6 = memref.load %arg9[%get3A] : memref<2xi32, #tpu.memory_space<smem>>
      %get3A_7 = arith.constant 1 : index
      %get3A_8 = memref.load %arg9[%get3A_7] : memref<2xi32, #tpu.memory_space<smem>>
      %get3A_9 = arith.constant 0 : index
      %get3A_10 = vector.load %arg2[%get3A_9] : memref<2048xi32, #tpu.memory_space<vmem>>, vector<2048xi32>
      %sub3A = arith.constant 1 : i32
      %sub3A_11 = arith.subi %arg0, %sub3A : i32
      %mul3A = arith.constant 2048 : i32
      %mul3A_12 = arith.muli %sub3A_11, %mul3A : i32
      %iota3A = tpu.iota {dimensions = array<i32: 1>} : vector<1x2048xi32>
      %iota3A_13 = vector.shape_cast %iota3A : vector<1x2048xi32> to vector<2048xi32>
      %add3A = vector.broadcast %mul3A_12 : i32 to vector<2048xi32>
      %add3A_14 = arith.addi %add3A, %iota3A_13 : vector<2048xi32>
      %gt3A_15 = vector.broadcast %get3A_6 : i32 to vector<2048xi32>
      %gt3A_16 = arith.cmpi sgt, %get3A_10, %gt3A_15 : vector<2048xi32>
      %eq3A_17 = vector.broadcast %get3A_6 : i32 to vector<2048xi32>
      %eq3A_18 = arith.cmpi eq, %get3A_10, %eq3A_17 : vector<2048xi32>
      %lt3A = vector.broadcast %get3A_8 : i32 to vector<2048xi32>
      %lt3A_19 = arith.cmpi slt, %add3A_14, %lt3A : vector<2048xi32>
      %and3A = arith.andi %eq3A_18, %lt3A_19 : vector<2048xi1>
      %or3A = arith.ori %gt3A_16, %and3A : vector<2048xi1>
      %get3A_20 = arith.constant 0 : index
      %get3A_21 = vector.load %arg3[%get3A_20] : memref<2048xf32, #tpu.memory_space<vmem>>, vector<2048xf32>
      %jit3A = arith.constant 0.000000e+00 : f32
      %broadcast_in_dim3A = vector.broadcast %jit3A : f32 to vector<2048xf32>
      %select_n3A = arith.select %or3A, %get3A_21, %broadcast_in_dim3A : vector<2048xi1>, vector<2048xf32>
      %swap3A = arith.constant 0 : index
      %swap3A_22 = vector.load %arg5[%swap3A] : memref<2048xf32, #tpu.memory_space<vmem>>, vector<2048xf32>
      tpu.vector_store %arg5[%swap3A], %select_n3A {strides = array<i32>} : memref<2048xf32, #tpu.memory_space<vmem>>, vector<2048xf32>,
      %convert_element_type3A_23 = arith.extui %or3A : vector<2048xi1> to vector<2048xi32>
      %convert_element_type3A_24 = arith.sitofp %convert_element_type3A_23 : vector<2048xi32> to vector<2048xf32>
      %swap3A_25 = arith.constant 0 : index
      %swap3A_26 = vector.load %arg6[%swap3A_25] : memref<2048xf32, #tpu.memory_space<vmem>>, vector<2048xf32>
      tpu.vector_store %arg6[%swap3A_25], %convert_element_type3A_24 {strides = array<i32>} : memref<2048xf32, #tpu.memory_space<vmem>>, vector<2048xf32>,
      %broadcast_in_dim3A_27 = vector.shape_cast %select_n3A : vector<2048xf32> to vector<1x2048xf32>
      %get3A_28 = arith.constant 0 : index
      %get3A_29 = arith.constant 0 : index
      %get3A_30 = vector.load %arg4[%get3A_28, %get3A_29] : memref<32x2048xf32, #tpu.memory_space<vmem>>, vector<32x2048xf32>
      %mul3A_31 = vector.broadcast %broadcast_in_dim3A_27 : vector<1x2048xf32> to vector<32x2048xf32>
      %mul3A_32 = arith.mulf %mul3A_31, %get3A_30 : vector<32x2048xf32>
      %broadcast_in_dim3A_33 = vector.shape_cast %or3A : vector<2048xi1> to vector<1x2048xi1>
      %jit3A_34 = arith.constant 0xFF800000 : f32
      %broadcast_in_dim3A_35 = vector.shape_cast %broadcast_in_dim3A_33 : vector<1x2048xi1> to vector<1x2048xi1>
      %broadcast_in_dim3A_36 = vector.broadcast %broadcast_in_dim3A_35 : vector<1x2048xi1> to vector<32x2048xi1>
      %broadcast_in_dim3A_37 = vector.broadcast %jit3A_34 : f32 to vector<32x2048xf32>
      %select_n3A_38 = arith.select %broadcast_in_dim3A_36, %mul3A_32, %broadcast_in_dim3A_37 : vector<32x2048xi1>, vector<32x2048xf32>
      %reduce_max3A = arith.constant dense<0xFF800000> : vector<32xf32>
      %reduce_max3A_39 = vector.multi_reduction <maximumf>, %select_n3A_38, %reduce_max3A [1] : vector<32x2048xf32> to vector<32xf32>
      %broadcast_in_dim3A_40 = vector.shape_cast %reduce_max3A_39 : vector<32xf32> to vector<32x1xf32>
      %reduce_sum3A = arith.constant dense<0.000000e+00> : vector<32xf32>
      %reduce_sum3A_41 = vector.multi_reduction <add>, %mul3A_32, %reduce_sum3A [1] : vector<32x2048xf32> to vector<32xf32>
      %broadcast_in_dim3A_42 = vector.shape_cast %reduce_sum3A_41 : vector<32xf32> to vector<32x1xf32>
      %eq3A_43 = arith.constant 1 : i32
      %eq3A_44 = arith.cmpi eq, %arg0, %eq3A_43 : i32
      %convert_element_type3A_45 = arith.extui %eq3A_44 : i1 to i32
      %cond3A_46 = arith.constant 0 : i32
      %cond3A_47 = arith.cmpi ne, %convert_element_type3A_45, %cond3A_46 : i32
      scf.if %cond3A_47 {
        %broadcast_in_dim3A_64 = arith.constant 0xFF800000 : f32
        %broadcast_in_dim3A_65 = vector.broadcast %broadcast_in_dim3A_64 : f32 to vector<32x1xf32>
        %swap3A_66 = arith.constant 0 : index
        %swap3A_67 = arith.constant 0 : index
        %swap3A_68 = vector.load %arg7[%swap3A_66, %swap3A_67] : memref<32x1xf32, #tpu.memory_space<vmem>>, vector<32x1xf32>
        tpu.vector_store %arg7[%swap3A_66, %swap3A_67], %broadcast_in_dim3A_65 {strides = array<i32>} : memref<32x1xf32, #tpu.memory_space<vmem>>, vector<32x1xf32>,
        %broadcast_in_dim3A_69 = arith.constant 0.000000e+00 : f32
        %broadcast_in_dim3A_70 = vector.broadcast %broadcast_in_dim3A_69 : f32 to vector<32x1xf32>
        %swap3A_71 = arith.constant 0 : index
        %swap3A_72 = arith.constant 0 : index
        %swap3A_73 = vector.load %arg8[%swap3A_71, %swap3A_72] : memref<32x1xf32, #tpu.memory_space<vmem>>, vector<32x1xf32>
        tpu.vector_store %arg8[%swap3A_71, %swap3A_72], %broadcast_in_dim3A_70 {strides = array<i32>} : memref<32x1xf32, #tpu.memory_space<vmem>>, vector<32x1xf32>,
      } else {
      }
      %get3A_48 = arith.constant 0 : index
      %get3A_49 = arith.constant 0 : index
      %get3A_50 = vector.load %arg7[%get3A_48, %get3A_49] : memref<32x1xf32, #tpu.memory_space<vmem>>, vector<32x1xf32>
      %max3A = arith.maximumf %get3A_50, %broadcast_in_dim3A_40 : vector<32x1xf32>
      %swap3A_51 = arith.constant 0 : index
      %swap3A_52 = arith.constant 0 : index
      %swap3A_53 = vector.load %arg7[%swap3A_51, %swap3A_52] : memref<32x1xf32, #tpu.memory_space<vmem>>, vector<32x1xf32>
      tpu.vector_store %arg7[%swap3A_51, %swap3A_52], %max3A {strides = array<i32>} : memref<32x1xf32, #tpu.memory_space<vmem>>, vector<32x1xf32>,
      %get3A_54 = arith.constant 0 : index
      %get3A_55 = arith.constant 0 : index
      %get3A_56 = vector.load %arg8[%get3A_54, %get3A_55] : memref<32x1xf32, #tpu.memory_space<vmem>>, vector<32x1xf32>
      %mul3A_57 = arith.constant 4.62962962E-5 : f32
      %mul3A_58 = vector.broadcast %mul3A_57 : f32 to vector<32x1xf32>
      %mul3A_59 = arith.mulf %broadcast_in_dim3A_42, %mul3A_58 : vector<32x1xf32>
      %add3A_60 = arith.addf %get3A_56, %mul3A_59 : vector<32x1xf32>
      %swap3A_61 = arith.constant 0 : index
      %swap3A_62 = arith.constant 0 : index
      %swap3A_63 = vector.load %arg8[%swap3A_61, %swap3A_62] : memref<32x1xf32, #tpu.memory_space<vmem>>, vector<32x1xf32>
      tpu.vector_store %arg8[%swap3A_61, %swap3A_62], %add3A_60 {strides = array<i32>} : memref<32x1xf32, #tpu.memory_space<vmem>>, vector<32x1xf32>,
    } else {
    }
    return
  }
  func.func @transform_0(%arg0: i32) -> (i32, i32) {
    %c0_i32 = arith.constant 0 : i32
    %c0_i32_0 = arith.constant 0 : i32
    %c0_i32_1 = arith.constant 0 : i32
    return %c0_i32, %c0_i32_0 : i32, i32
  }
  func.func @transform_1(%arg0: i32) -> i32 {
    %sub3A = arith.constant 1 : i32
    %sub3A_0 = arith.subi %arg0, %sub3A : i32
    %max3A = arith.constant 0 : i32
    %max3A_1 = arith.maxsi %sub3A_0, %max3A : i32
    %c0_i32 = arith.constant 0 : i32
    return %max3A_1 : i32
  }
  func.func @transform_2(%arg0: i32) -> i32 {
    %sub3A = arith.constant 1 : i32
    %sub3A_0 = arith.subi %arg0, %sub3A : i32
    %max3A = arith.constant 0 : i32
    %max3A_1 = arith.maxsi %sub3A_0, %max3A : i32
    %c0_i32 = arith.constant 0 : i32
    return %max3A_1 : i32
  }
  func.func @transform_3(%arg0: i32) -> (i32, i32) {
    %sub3A = arith.constant 1 : i32
    %sub3A_0 = arith.subi %arg0, %sub3A : i32
    %max3A = arith.constant 0 : i32
    %max3A_1 = arith.maxsi %sub3A_0, %max3A : i32
    %c0_i32 = arith.constant 0 : i32
    %c0_i32_2 = arith.constant 0 : i32
    return %c0_i32, %max3A_1 : i32, i32
  }
  func.func @transform_4(%arg0: i32) -> i32 {
    %sub3A = arith.constant 1 : i32
    %sub3A_0 = arith.subi %arg0, %sub3A : i32
    %max3A = arith.constant 0 : i32
    %max3A_1 = arith.maxsi %sub3A_0, %max3A : i32
    %c0_i32 = arith.constant 0 : i32
    return %max3A_1 : i32
  }
  func.func @transform_5(%arg0: i32) -> i32 {
    %sub3A = arith.constant 1 : i32
    %sub3A_0 = arith.subi %arg0, %sub3A : i32
    %max3A = arith.constant 0 : i32
    %max3A_1 = arith.maxsi %sub3A_0, %max3A : i32
    %c0_i32 = arith.constant 0 : i32
    return %max3A_1 : i32
  }
  func.func @transform_6(%arg0: i32) -> (i32, i32) {
    %c0_i32 = arith.constant 0 : i32
    %c0_i32_0 = arith.constant 0 : i32
    %c0_i32_1 = arith.constant 0 : i32
    return %c0_i32, %c0_i32_0 : i32, i32
  }
  func.func @transform_7(%arg0: i32) -> (i32, i32) {
    %c0_i32 = arith.constant 0 : i32
    %c0_i32_0 = arith.constant 0 : i32
    %c0_i32_1 = arith.constant 0 : i32
    return %c0_i32, %c0_i32_0 : i32, i32
  }
}

module attributes {stable_mosaic.version = 14 : i64} {
  func.func @body(%arg0: memref<32x1xf32, #tpu.memory_space<vmem>>, %arg1: memref<32x1xf32, #tpu.memory_space<vmem>>, %arg2: memref<32x1xf32, #tpu.memory_space<vmem>>, %arg3: memref<32x1xf32, #tpu.memory_space<vmem>>, %arg4: memref<32x1xf32, #tpu.memory_space<vmem>>, %arg5: memref<32x1xf32, #tpu.memory_space<vmem>>, %arg6: memref<192x64xf32, #tpu.memory_space<vmem>>, %arg7: memref<64xf32, #tpu.memory_space<vmem>>, %arg8: memref<64x10xf32, #tpu.memory_space<vmem>>, %arg9: memref<10xf32, #tpu.memory_space<vmem>>, %arg10: memref<1x10xf32, #tpu.memory_space<vmem>>) attributes {dimension_semantics = [], scalar_prefetch = 0 : i64, scratch_operands = 0 : i64, tpu.core_type = #tpu.core_type<tc>} {
    %get3A = arith.constant 0 : index
    %get3A_0 = vector.load %arg7[%get3A] : memref<64xf32, #tpu.memory_space<vmem>>, vector<64xf32>
    %broadcast_in_dim3A = vector.shape_cast %get3A_0 : vector<64xf32> to vector<1x64xf32>
    %get3A_1 = arith.constant 0 : index
    %get3A_2 = arith.constant 0 : index
    %get3A_3 = vector.load %arg6[%get3A_1, %get3A_2] : memref<192x64xf32, #tpu.memory_space<vmem>>, vector<32x64xf32>
    %get3A_4 = arith.constant 0 : index
    %get3A_5 = arith.constant 0 : index
    %get3A_6 = vector.load %arg0[%get3A_4, %get3A_5] : memref<32x1xf32, #tpu.memory_space<vmem>>, vector<32x1xf32>
    %mul3A = vector.broadcast %get3A_6 : vector<32x1xf32> to vector<32x64xf32>
    %mul3A_7 = arith.mulf %mul3A, %get3A_3 : vector<32x64xf32>
    %reduce_sum3A = arith.constant dense<0.000000e+00> : vector<64xf32>
    %reduce_sum3A_8 = vector.multi_reduction <add>, %mul3A_7, %reduce_sum3A [0] : vector<32x64xf32> to vector<64xf32>
    %broadcast_in_dim3A_9 = vector.shape_cast %reduce_sum3A_8 : vector<64xf32> to vector<1x64xf32>
    %add3A = arith.addf %broadcast_in_dim3A, %broadcast_in_dim3A_9 : vector<1x64xf32>
    %get3A_10 = arith.constant 32 : index
    %get3A_11 = arith.constant 0 : index
    %get3A_12 = vector.load %arg6[%get3A_10, %get3A_11] : memref<192x64xf32, #tpu.memory_space<vmem>>, vector<32x64xf32>
    %get3A_13 = arith.constant 0 : index
    %get3A_14 = arith.constant 0 : index
    %get3A_15 = vector.load %arg1[%get3A_13, %get3A_14] : memref<32x1xf32, #tpu.memory_space<vmem>>, vector<32x1xf32>
    %mul3A_16 = vector.broadcast %get3A_15 : vector<32x1xf32> to vector<32x64xf32>
    %mul3A_17 = arith.mulf %mul3A_16, %get3A_12 : vector<32x64xf32>
    %reduce_sum3A_18 = arith.constant dense<0.000000e+00> : vector<64xf32>
    %reduce_sum3A_19 = vector.multi_reduction <add>, %mul3A_17, %reduce_sum3A_18 [0] : vector<32x64xf32> to vector<64xf32>
    %broadcast_in_dim3A_20 = vector.shape_cast %reduce_sum3A_19 : vector<64xf32> to vector<1x64xf32>
    %add3A_21 = arith.addf %add3A, %broadcast_in_dim3A_20 : vector<1x64xf32>
    %get3A_22 = arith.constant 64 : index
    %get3A_23 = arith.constant 0 : index
    %get3A_24 = vector.load %arg6[%get3A_22, %get3A_23] : memref<192x64xf32, #tpu.memory_space<vmem>>, vector<32x64xf32>
    %get3A_25 = arith.constant 0 : index
    %get3A_26 = arith.constant 0 : index
    %get3A_27 = vector.load %arg2[%get3A_25, %get3A_26] : memref<32x1xf32, #tpu.memory_space<vmem>>, vector<32x1xf32>
    %mul3A_28 = vector.broadcast %get3A_27 : vector<32x1xf32> to vector<32x64xf32>
    %mul3A_29 = arith.mulf %mul3A_28, %get3A_24 : vector<32x64xf32>
    %reduce_sum3A_30 = arith.constant dense<0.000000e+00> : vector<64xf32>
    %reduce_sum3A_31 = vector.multi_reduction <add>, %mul3A_29, %reduce_sum3A_30 [0] : vector<32x64xf32> to vector<64xf32>
    %broadcast_in_dim3A_32 = vector.shape_cast %reduce_sum3A_31 : vector<64xf32> to vector<1x64xf32>
    %add3A_33 = arith.addf %add3A_21, %broadcast_in_dim3A_32 : vector<1x64xf32>
    %get3A_34 = arith.constant 96 : index
    %get3A_35 = arith.constant 0 : index
    %get3A_36 = vector.load %arg6[%get3A_34, %get3A_35] : memref<192x64xf32, #tpu.memory_space<vmem>>, vector<32x64xf32>
    %get3A_37 = arith.constant 0 : index
    %get3A_38 = arith.constant 0 : index
    %get3A_39 = vector.load %arg3[%get3A_37, %get3A_38] : memref<32x1xf32, #tpu.memory_space<vmem>>, vector<32x1xf32>
    %mul3A_40 = vector.broadcast %get3A_39 : vector<32x1xf32> to vector<32x64xf32>
    %mul3A_41 = arith.mulf %mul3A_40, %get3A_36 : vector<32x64xf32>
    %reduce_sum3A_42 = arith.constant dense<0.000000e+00> : vector<64xf32>
    %reduce_sum3A_43 = vector.multi_reduction <add>, %mul3A_41, %reduce_sum3A_42 [0] : vector<32x64xf32> to vector<64xf32>
    %broadcast_in_dim3A_44 = vector.shape_cast %reduce_sum3A_43 : vector<64xf32> to vector<1x64xf32>
    %add3A_45 = arith.addf %add3A_33, %broadcast_in_dim3A_44 : vector<1x64xf32>
    %get3A_46 = arith.constant 128 : index
    %get3A_47 = arith.constant 0 : index
    %get3A_48 = vector.load %arg6[%get3A_46, %get3A_47] : memref<192x64xf32, #tpu.memory_space<vmem>>, vector<32x64xf32>
    %get3A_49 = arith.constant 0 : index
    %get3A_50 = arith.constant 0 : index
    %get3A_51 = vector.load %arg4[%get3A_49, %get3A_50] : memref<32x1xf32, #tpu.memory_space<vmem>>, vector<32x1xf32>
    %mul3A_52 = vector.broadcast %get3A_51 : vector<32x1xf32> to vector<32x64xf32>
    %mul3A_53 = arith.mulf %mul3A_52, %get3A_48 : vector<32x64xf32>
    %reduce_sum3A_54 = arith.constant dense<0.000000e+00> : vector<64xf32>
    %reduce_sum3A_55 = vector.multi_reduction <add>, %mul3A_53, %reduce_sum3A_54 [0] : vector<32x64xf32> to vector<64xf32>
    %broadcast_in_dim3A_56 = vector.shape_cast %reduce_sum3A_55 : vector<64xf32> to vector<1x64xf32>
    %add3A_57 = arith.addf %add3A_45, %broadcast_in_dim3A_56 : vector<1x64xf32>
    %get3A_58 = arith.constant 160 : index
    %get3A_59 = arith.constant 0 : index
    %get3A_60 = vector.load %arg6[%get3A_58, %get3A_59] : memref<192x64xf32, #tpu.memory_space<vmem>>, vector<32x64xf32>
    %get3A_61 = arith.constant 0 : index
    %get3A_62 = arith.constant 0 : index
    %get3A_63 = vector.load %arg5[%get3A_61, %get3A_62] : memref<32x1xf32, #tpu.memory_space<vmem>>, vector<32x1xf32>
    %mul3A_64 = vector.broadcast %get3A_63 : vector<32x1xf32> to vector<32x64xf32>
    %mul3A_65 = arith.mulf %mul3A_64, %get3A_60 : vector<32x64xf32>
    %reduce_sum3A_66 = arith.constant dense<0.000000e+00> : vector<64xf32>
    %reduce_sum3A_67 = vector.multi_reduction <add>, %mul3A_65, %reduce_sum3A_66 [0] : vector<32x64xf32> to vector<64xf32>
    %broadcast_in_dim3A_68 = vector.shape_cast %reduce_sum3A_67 : vector<64xf32> to vector<1x64xf32>
    %add3A_69 = arith.addf %add3A_57, %broadcast_in_dim3A_68 : vector<1x64xf32>
    %max3A = arith.constant 0.000000e+00 : f32
    %max3A_70 = vector.broadcast %max3A : f32 to vector<1x64xf32>
    %max3A_71 = arith.maximumf %add3A_69, %max3A_70 : vector<1x64xf32>
    %get3A_72 = arith.constant 0 : index
    %get3A_73 = arith.constant 0 : index
    %get3A_74 = vector.load %arg8[%get3A_72, %get3A_73] : memref<64x10xf32, #tpu.memory_space<vmem>>, vector<64x10xf32>
    %dot_general3A = arith.constant dense<0.000000e+00> : vector<1x10xf32>
    %dot_general3A_75 = tpu.matmul %max3A_71, %get3A_74, %dot_general3A {dimension_numbers = #tpu.dot_dimension_numbers<[1], [0], [0], [1], [0, 0, 1, 1], [], []>, transpose_lhs_hint = false} : vector<1x64xf32>, vector<64x10xf32>, vector<1x10xf32> -> vector<1x10xf32>
    %get3A_76 = arith.constant 0 : index
    %get3A_77 = vector.load %arg9[%get3A_76] : memref<10xf32, #tpu.memory_space<vmem>>, vector<10xf32>
    %broadcast_in_dim3A_78 = vector.shape_cast %get3A_77 : vector<10xf32> to vector<1x10xf32>
    %add3A_79 = arith.addf %dot_general3A_75, %broadcast_in_dim3A_78 : vector<1x10xf32>
    %max3A_80 = arith.constant 0.000000e+00 : f32
    %max3A_81 = vector.broadcast %max3A_80 : f32 to vector<1x10xf32>
    %max3A_82 = arith.maximumf %add3A_79, %max3A_81 : vector<1x10xf32>
    %slice3A = vector.extract_strided_slice %max3A_82 {offsets = [0, 0], sizes = [1, 3], strides = [1, 1]} : vector<1x10xf32> to vector<1x3xf32>
    %exp3A = math.exp %slice3A : vector<1x3xf32>
    %slice3A_83 = vector.extract_strided_slice %max3A_82 {offsets = [0, 3], sizes = [1, 7], strides = [1, 1]} : vector<1x10xf32> to vector<1x7xf32>
    %logistic3A = arith.negf %slice3A_83 : vector<1x7xf32>
    %logistic3A_84 = math.exp %logistic3A : vector<1x7xf32>
    %logistic3A_85 = arith.constant 1.000000e+00 : f32
    %logistic3A_86 = vector.broadcast %logistic3A_85 : f32 to vector<1x7xf32>
    %logistic3A_87 = arith.addf %logistic3A_86, %logistic3A_84 : vector<1x7xf32>
    %logistic3A_88 = arith.divf %logistic3A_86, %logistic3A_87 : vector<1x7xf32>
    %concatenate3A = tpu.concatenate %exp3A, %logistic3A_88 in 1 : vector<1x3xf32>, vector<1x7xf32> -> vector<1x10xf32>
    %swap3A = arith.constant 0 : index
    %swap3A_89 = arith.constant 0 : index
    %swap3A_90 = vector.load %arg10[%swap3A, %swap3A_89] : memref<1x10xf32, #tpu.memory_space<vmem>>, vector<1x10xf32>
    tpu.vector_store %arg10[%swap3A, %swap3A_89], %concatenate3A {strides = array<i32>} : memref<1x10xf32, #tpu.memory_space<vmem>>, vector<1x10xf32>,
    return
  }
}

</mosaic_0001>

<sc_bundles>
// kernel: kernel.18.cloned.1.call-start
scs
__scs_entry_jumppad:
0x0: {  	(pc) =	sbr.rel $0x88, $3  }
0x1: {  	(tag) =	ssettag $0x0;
	lr =	simm.s32 $0x1  }
0x2: {  	[smem:$0x3F92] =	sst lr;
	_ =	strace $0xD0000000  }
0x3: {  	_ = 	snop  }
0x4: {  	_ = 	snop  }
0x5: {  	_ = 	snop  }
0x6: {  	_ = 	snop  }
0x7: {  	_ = 	snop  }
__scs_overlays_trampoline_lowered:
0x8: {  	[smem:$0x3FA1] =	sst s0  }
0x9: {  	[smem:$0x3FA2] =	sst s1  }
0xa: {  	[smem:$0x3FA3] =	sst s2  }
0xb: {  	[smem:$0x3FA4] =	sst s3  }
0xc: {  	[smem:$0x3FA5] =	sst s4  }
0xd: {  	[smem:$0x3FA6] =	sst s5  }
0xe: {  	[smem:$0x3FA7] =	sst s6  }
0xf: {  	[smem:$0x3FA8] =	sst s7  }
0x10: {  	[smem:$0x3FA9] =	sst s8  }
0x11: {  	[smem:$0x3FAA] =	sst s9;
	s0 =	simm.s32 @!p0 $0x0  }
0x12: {  	s1 =	sld [smem:$0x3F90];
	s0 =	simm.s32 @p0 $0x1  }
0x13: {  	[smem:$0x3FAB] =	sst s0;
	s0 =	simm.s32 @!p1 $0x0  }
0x14: {  	s2 =	sld [smem:$0x3F8F];
	s0 =	simm.s32 @p1 $0x1  }
0x15: {  	[smem:$0x3FAC] =	sst s0;
	s0 =	simm.s32 @!p2 $0x0  }
0x16: {  	s3 =	sld [smem:$0x3FDB];
	s0 =	simm.s32 @p2 $0x1  }
0x17: {  	s4 =	simm.s32 $0x1BF5;
	[smem:$0x3FAE] =	sst s0  }
0x18: {  	s0 =	sld [smem:$0x3F91];
	_ =	swait.ge [sflag:s4], $0x0  }
0x19: {  	s7 =	sld [smem:$0x3F92]  }
0x1a: {  	s8 =	sadd.s32 $0xFFFFE003, lr  }
0x1b: {  	s9 =	sadd.s32 $0xFFFFFEF7, lr;
	s5 =	simm.s32 $0xFFFFFFFF;
	p2 =	slt.u32 s8, $0xFFFFF086  }
0x1c: {  	p1 =	slt.u32 s9, $0xF7A;
	s5 =	simm.s32 @!p2 $0x0  }
0x1d: {  	s5 =	simm.s32 @p1 $0x1;
	p0 =	seq.s32 s7, s2  }
0x1e: {  	s7 =	smul.u32 @!p0 $0xF7A, s2;
	p2 =	seq.s32 @!p0 s5, $0x0  }
0x1f: {  	s9 =	smul.u32 $0xF7A, s1;
	s8 =	simm.s32 @!p0 $0x1BF5;
	p2 =	por !p2, p0  }
0x20: {  	[sflag:s8] =	ssyncset.s32 @!p0 $0xFFFFF086;
	s6 =	sadd.s32 @!p0 s3, s7;
	s7 =	simm.s32 @!p0 $0x108  }
0x21: {  	s3 =	sadd.s32 s3, s9;
	s6 =	sadd.s32 @!p0 $0x88, s6;
	s7 =	simm.s32 @p2 $0x1082  }
0x22: {  	[simem:s7], [sflag:s8] =	dma.local @!p0 [hbm:s6], $0xF7A  }
0x23: {  	s9 =	sor.u32 $0xD0000000, s2;
	s6 =	simm.s32 $0x108;
	_ =	swait.ge @!p0 [sflag:s8], $0x0  }
0x24: {  	s3 =	sadd.s32 $0x88, s3;
	s6 =	simm.s32 @!p1 $0x1082;
	[sflag:s4] =	ssyncset.s32 $0xFFFFF086  }
0x25: {  	[simem:s6], [sflag:s4] =	dma.local [hbm:s3], $0xF7A  }
0x26: {  	[smem:$0x3F92] =	sst s1;
	(tag) =	ssettag s2;
	_ =	strace s9  }
0x27: {  	s1 =	sld [smem:$0x3FA2]  }
0x28: {  	s2 =	sld [smem:$0x3FA3]  }
0x29: {  	s4 =	sld [smem:$0x3FA5]  }
0x2a: {  	p0 =	seq.s32 s5, $0x0;
	s5 =	sld [smem:$0x3FA6]  }
0x2b: {  	s6 =	sld [smem:$0x3FA7]  }
0x2c: {  	s7 =	sld [smem:$0x3FA8]  }
0x2d: {  	s3 =	simm.s32 $0x108;
	s8 =	sld [smem:$0x3FA9]  }
0x2e: {  	s3 =	simm.s32 @!p0 $0x1082;
	s9 =	sld [smem:$0x3FAA]  }
0x2f: {  	lr =	sadd.s32 s0, s3;
	s0 =	sld [smem:$0x3FA1]  }
0x30: {  	s3 =	sld [smem:$0x3FA4]  }
0x31: {  	[smem:$0x3FAD] =	sst s10  }
0x32: {  	s10 =	sld [smem:$0x3FAB];
	_ =	sdelay $0x3  }
0x33: {  	p0 =	seq.s32 s10, $0x1;
	s10 =	sld [smem:$0x3FAD];
	_ =	sdelay $0x3  }
0x34: {  	[smem:$0x3FAD] =	sst s10  }
0x35: {  	s10 =	sld [smem:$0x3FAC];
	_ =	sdelay $0x3  }
0x36: {  	p1 =	seq.s32 s10, $0x1;
	s10 =	sld [smem:$0x3FAD];
	_ =	sdelay $0x3  }
0x37: {  	[smem:$0x3FAD] =	sst s10  }
0x38: {  	s10 =	sld [smem:$0x3FAE]  }
0x39: {  	_ = 	snop;
	(pc) =	sbr.ind lr, $3  }
0x3a: {  	_ = 	snop  }
0x3b: {  	_ = 	snop  }
0x3c: {  	p2 =	seq.s32 s10, $0x1;
	s10 =	sld [smem:$0x3FAD]  }
0x3d: {  	_ =	shalt  }
0x3e: {  	_ =	shalt  }
0x3f: {  	_ =	shalt  }
0x40: {  	_ =	shalt  }
0x41: {  	_ =	shalt  }
0x42: {  	_ =	shalt  }
0x43: {  	_ =	shalt  }
0x44: {  	_ =	shalt  }
0x45: {  	_ =	shalt  }
0x46: {  	_ =	shalt  }
0x47: {  	_ =	shalt  }
0x48: {  	_ =	shalt  }
0x49: {  	_ =	shalt  }
0x4a: {  	_ =	shalt  }
0x4b: {  	_ =	shalt  }
0x4c: {  	_ =	shalt  }
0x4d: {  	_ =	shalt  }
0x4e: {  	_ =	shalt  }
0x4f: {  	_ =	shalt  }
0x50: {  	_ =	shalt  }
0x51: {  	_ =	shalt  }
0x52: {  	_ =	shalt  }
0x53: {  	_ =	shalt  }
0x54: {  	_ =	shalt  }
0x55: {  	_ =	shalt  }
0x56: {  	_ =	shalt  }
0x57: {  	_ =	shalt  }
0x58: {  	_ =	shalt  }
0x59: {  	_ =	shalt  }
0x5a: {  	_ =	shalt  }
0x5b: {  	_ =	shalt  }
0x5c: {  	_ =	shalt  }
0x5d: {  	_ =	shalt  }
0x5e: {  	_ =	shalt  }
0x5f: {  	_ =	shalt  }
0x60: {  	_ =	shalt  }
0x61: {  	_ =	shalt  }
0x62: {  	_ =	shalt  }
0x63: {  	_ =	shalt  }
0x64: {  	_ =	shalt  }
0x65: {  	_ =	shalt  }
0x66: {  	_ =	shalt  }
0x67: {  	_ =	shalt  }
0x68: {  	_ =	shalt  }
0x69: {  	_ =	shalt  }
0x6a: {  	_ =	shalt  }
0x6b: {  	_ =	shalt  }
0x6c: {  	_ =	shalt  }
0x6d: {  	_ =	shalt  }
0x6e: {  	_ =	shalt  }
0x6f: {  	_ =	shalt  }
0x70: {  	_ =	shalt  }
0x71: {  	_ =	shalt  }
0x72: {  	_ =	shalt  }
0x73: {  	_ =	shalt  }
0x74: {  	_ =	shalt  }
0x75: {  	_ =	shalt  }
0x76: {  	_ =	shalt  }
0x77: {  	_ =	shalt  }
0x78: {  	_ =	shalt  }
0x79: {  	_ =	shalt  }
0x7a: {  	_ =	shalt  }
0x7b: {  	_ =	shalt  }
0x7c: {  	_ =	shalt  }
0x7d: {  	_ =	shalt  }
0x7e: {  	_ =	shalt  }
0x7f: {  	_ =	shalt  }
0x80: {  	_ =	shalt  }
0x81: {  	_ =	shalt  }
0x82: {  	_ =	shalt  }
0x83: {  	_ =	shalt  }
0x84: {  	_ =	shalt  }
0x85: {  	_ =	shalt  }
0x86: {  	_ =	shalt  }
0x87: {  	_ =	shalt  }
.Lfunc_end0:
.L_simem_size_0:
called_computation_lowered:
.L_overlay_start_0:
0x88: {  	s2 =	sld [smem:$0x3FD9]  }
0x89: {  	s3 =	sld [smem:$0x3FFE];
	_ =	sdelay $0x1  }
0x8a: {  	s1 =	srdreg.scid  }
0x8b: {  	s0 =	sand.u32 $0x1, s1  }
0x8c: {  	s16 =	sshll.u32 s0, $0xA;
	s2 =	sadd.s32 s3, s2  }
0x8d: {  	s2 =	sadd.s32 s2, s16  }
0x8e: {  	[smem:$0x3FB9] =	sst s2  }
0x8f: {  	_ = 	snop  }
0x90: {  	(tm) =	ssettm $0x1  }
0x91: {  	s17 =	sld [smem:$0x3FFB];
	_ =	sdelay $0x3  }
0x92: {  	_ =	strace s17  }
0x93: {  	s2 =	sld [smem:$0x3FFC];
	_ =	sdelay $0x3  }
0x94: {  	_ =	strace s2  }
0x95: {  	s2 =	sld [smem:$0x3FFD];
	_ =	sdelay $0x3  }
0x96: {  	_ =	strace s2  }
0x97: {  	_ =	strace $0x8FFFFFFF  }
0x98: {  	s18 =	sld [smem:$0x3FDB];
	_ =	sdelay $0x1  }
0x99: {  	s19 =	simm.s32 $_scs_section_size  }
0x9a: {  	s4 =	simm.s32 $_size__tile_overlayer_lowered;
	s5 =	simm.s32 $_tile_overlayer_lowered  }
0x9b: {  	s22 =	simm.s32 $0x1BFF;
	s21 =	sshll.u32 s5, $0x1;
	s2 =	sadd.s32 s19, s18  }
0x9c: {  	s6 =	simm.s32 $0x0;
	s20 =	sshll.u32 s4, $0x1;
	s4 =	sadd.s32 s21, s2  }
0x9d: {  	[timem:s6], [sflag:s22] =	dma.local [hbm:s4], s20  }
0x9e: {  	_ =	swait.ge [sflag:s22], s20  }
0x9f: {  	s3 =	ssub.s32 $0x0, s20;
	[sflag:s22] =	ssyncset.done $0x0  }
0xa0: {  	[sflag:s22] =	ssyncadd.s32 s3;
	_ =	sdelay $0x1  }
0xa1: {  	s23 =	simm.s32 $0x1B8B  }
0xa2: {  	_ =	swait.ge [sflag:s23], $0x1  }
0xa3: {  	[sflag:s23] =	ssyncset.done $0x0  }
0xa4: {  	s25 =	simm.s32 $0x1B8E;
	s24 =	sld [smem:$0x3FFE];
	[sflag:s23] =	ssyncadd.s32 $0xFFFFFFFF  }
0xa5: {  	s26 =	simm.s32 $execute0_lowered;
	[smem:$0x3FD2] =	sst s25  }
0xa6: {  	s4 =	sshll.u32 s26, $0x1;
	_ =	strace $0x80000046;
	[dreg:$0x1] =	wrdreg $0xFFFFFFFF  }
0xa7: {  	s28 =	simm.s32 $_size_execute0_lowered;
	s2 =	sadd.s32 s2, s4;
	[dreg:$0x0] =	wrdreg $0x0  }
0xa8: {  	s4 =	sshll.u32 s28, $0x1;
	[dreg:$0x2] =	wrdreg s2  }
0xa9: {  	[dreg:$0x3] =	wrdreg s4  }
0xaa: {  	[dreg:$0x4] =	wrdreg $0xC0  }
0xab: {  	_ =	task [dreg:s6], $0x5FFFF  }
0xac: {  	[dreg:$0x1] =	wrdreg $0xFFFFFFFF  }
0xad: {  	[dreg:$0x0] =	wrdreg $0x60  }
0xae: {  	[dreg:$0x2] =	wrdreg s24  }
0xaf: {  	[dreg:$0x3] =	wrdreg $0x4B000  }
0xb0: {  	[dreg:$0x4] =	wrdreg $0x9  }
0xb1: {  	_ =	task.clear_ibuf [dreg:s6], $0x5FFFF;
	_ =	strace $0x90000046  }
0xb2: {  	s29 =	simm.s32 $0x9;
	_ =	strace $0x80000048  }
0xb3: {  	_ =	swait.ge [sflag:s29], $0x1  }
0xb4: {  	[sflag:s29] =	ssyncadd.s32 $0xFFFFFFFF  }
0xb5: {  	_ =	strace $0x90000048  }
0xb6: {  	_ =	sfence  }
0xb7: {  	s30 =	sld [smem:$0x0];
	_ =	sdelay $0x2  }
0xb8: {  	s31 =	sshll.u32 s1, $0xD;
	s1 =	sshrl.u32 s1, $0x2  }
0xb9: {  	s3 =	sand.u32 $0x4000, s31;
	s1 =	sadd.s32 s1, s30  }
0xba: {  	s0 =	sor.u32 s3, s0;
	s1 =	sshll.u32 s1, $0x11  }
0xbb: {  	s0 =	sor.u32 s1, s0  }
0xbc: {  	s0 =	sadd.s32 $0x8F2B, s0  }
0xbd: {  	[sflag:s0] =	ssyncadd.remote.s32 $0x1  }
0xbe: {  	_ =	sfence.sel $0xFFFF  }
0xbf: {  	[dreg:$0x0] =	wrdreg $0xFFFFFFFF;
	(pc) =	sbr.abs _section_cstart, $3  }
0xc0: {  	[dreg:$0x1] =	wrdreg $0xFFFFFFFF  }
0xc1: {  	_ =	task.clear_ibuf [dreg:s6], $0x2FFFF;
	_ =	strace $0x9FFFFFFF  }
0xc2: {  	(tm) =	ssettm $0x7FFFFFFF  }
0xc3: {  	_ =	shalt  }
tec
execute0_lowered:
.L_overlay_start_1:
0x0: {  	(tag) =	ssettag $0x1  }
0x1: {  	s8 =	rddreg [dreg:$0x0]  }
0x2: {  	s1 =	rddreg [dreg:$0x1];
	s3 =	simm.s32 $0x0;
	s5 =	srdreg.scid  }
0x3: {  	s0 =	stileid.u32;
	s20 =	simm.s32 $0xC80;
	s21 =	simm.s32 $0x1900  }
0x4: {  	s22 =	simm.s32 $0x2580;
	s23 =	simm.s32 $0x3200;
	s24 =	simm.s32 $0x3E80  }
0x5: {  	s25 =	simm.s32 $0x1;
	s26 =	simm.s32 $0x2;
	s28 =	simm.s32 $0x0  }
0x6: {  	[smem:$0x7FF] =	sst s3;
	s4 =	sadd.s32 $0x6000, s8;
	s9 =	sand.u32 $0x1, s5  }
0x7: {  	s10 =	smul.u32 $0x1880, s0;
	s5 =	sadd.s32 $0x9200, s8;
	s6 =	sadd.s32 $0x3B200, s8  }
0x8: {  	s7 =	sadd.s32 $0x6D200, s8;
	s29 =	smul.u32 $0xC800, s0;
	s30 =	sshll.u32 s0, $0x6  }
0x9: {  	_ =	strace $0x80000047;
	s11 =	smul.u32 $0x18800, s9;
	s12 =	sshll.u32 s9, $0x4  }
0xa: {  	s13 =	ssub.s32 $0x2, s9;
	s15 =	smul.u32 $0xC8000, s9;
	s12 =	sor.u32 s0, s12  }
0xb: {  	s14 =	sshrl.u32 s13, $0x1;
	s18 =	sadd.s32 s10, s1;
	s11 =	sadd.s32 s10, s11  }
0xc: {  	s12 =	smul.u32 $0xC800, s12;
	s14 =	ssub.s32 s13, s14;
	s17 =	sadd.s32 s29, s15  }
0xd: {  	s18 =	sshrl.u32 s18, $0x3;
	s11 =	sshrl.u32 s11, $0x3;
	s31 =	sadd.s32 $0x2580, s17  }
0xe: {  	s14 =	smax.u32 s14, $0x1;
	s17 =	sadd.s32 $0x1900, s17;
	s16 =	sadd.s32 s11, s8  }
0xf: {  	s12 =	sshrl.u32 s12, $0x3;
	s8 =	sor.u32 $0x1C03, s30;
	s19 =	sshrl.u32 s31, $0x3  }
0x10: {  	s9 =	sadd.s32 s5, s12;
	s10 =	sadd.s32 s6, s12;
	s12 =	sadd.s32 $0x190, s12  }
0x11: {  	s13 =	sadd.s32 $0x6D600, s16;
	s15 =	sadd.s32 s19, s6;
	s16 =	sadd.s32 s19, s5  }
0x12: {  	s19 =	simm.s32 $0x3;
	s11 =	sadd.s32 s5, s12;
	s12 =	sadd.s32 s6, s12  }
.LBB2_1:
0x13: {  	[spmem:s18], [sflag:s8] =	dma.local [hbm:s7], $0x310  }
0x14: {  	_ =	swait.ge [sflag:s19], $0x310  }
0x15: {  	[sflag:s19] =	ssyncset.done $0x0  }
0x16: {  	[sflag:s19] =	ssyncadd.s32 $0xFFFFFCF0  }
0x17: {  	[bflag:$0x0] =	sbarrier.arrive $0xFFFF  }
0x18: {  	[tilespmem:s3], [sflag:$0x3] =	stream.linear.gather [hbm4b:s9+s3], $0xC80, $0x38;
	[tilespmem:$0x6380] =	vst v63  }
0x19: {  	_ =	swait.ge [sflag:s19], $0xC80  }
0x1a: {  	[sflag:s19] =	ssyncset.done $0x0  }
0x1b: {  	[sflag:s19] =	ssyncadd.s32 $0xFFFFF380  }
0x1c: {  	[tilespmem:s20], [sflag:$0x3] =	stream.linear.gather [hbm4b:s10+s3], $0xC80, $0x38;
	[tilespmem:$0x6380] =	vst v63  }
0x1d: {  	_ =	swait.ge [sflag:s19], $0xC80  }
0x1e: {  	[sflag:s19] =	ssyncset.done $0x0  }
0x1f: {  	[sflag:s19] =	ssyncadd.s32 $0xFFFFF380  }
0x20: {  	[tilespmem:s21], [sflag:$0x1] =	stream.indirect.gather [hbm4b:s4+s20], $0x1, s3, s20, $0xb8;
	[tilespmem:$0x6380] =	vst v63  }
0x21: {  	_ = 	snop  }
0x22: {  	[tilespmem:s22], [sflag:$0x3] =	stream.linear.gather [hbm4b:s11+s3], $0xC80, $0x38;
	[tilespmem:$0x6380] =	vst v63  }
0x23: {  	_ =	swait.ge [sflag:s19], $0xC80  }
0x24: {  	[sflag:s19] =	ssyncset.done $0x0  }
0x25: {  	[sflag:s19] =	ssyncadd.s32 $0xFFFFF380  }
0x26: {  	[tilespmem:s23], [sflag:$0x3] =	stream.linear.gather [hbm4b:s12+s3], $0xC80, $0x38;
	[tilespmem:$0x6380] =	vst v63  }
0x27: {  	_ =	swait.ge [sflag:s19], $0xC80  }
0x28: {  	[sflag:s19] =	ssyncset.done $0x0  }
0x29: {  	[sflag:s19] =	ssyncadd.s32 $0xFFFFF380  }
0x2a: {  	[tilespmem:s24], [sflag:$0x2] =	stream.indirect.gather [hbm4b:s4+s20], $0x1, s22, s20, $0xb8;
	[tilespmem:$0x6380] =	vst v63  }
0x2b: {  	_ =	swait.ge [sflag:s25], $0xC80  }
0x2c: {  	[sflag:s25] =	ssyncset.done $0x0  }
0x2d: {  	[sflag:s25] =	ssyncadd.s32 $0xFFFFF380  }
0x2e: {  	[spmem:s1] =	stream.indirect.scatter.add.f32 [tilespmem:s21], [sflag:$0x3], $0x1, s20, s20, $0xb8;
	[tilespmem:$0x6380] =	vst v63  }
0x2f: {  	_ =	swait.ge [sflag:s19], $0xC80  }
0x30: {  	s29 =	sshrl.u32 s17, $0x3;
	[sflag:s19] =	ssyncset.done $0x0  }
0x31: {  	s30 =	sadd.s32 s5, s29;
	[sflag:s19] =	ssyncadd.s32 $0xFFFFF380  }
0x32: {  	[tilespmem:s3], [sflag:$0x3] =	stream.linear.gather [hbm4b:s30+s3], $0xC80, $0x38;
	[tilespmem:$0x6380] =	vst v63  }
0x33: {  	_ =	swait.ge [sflag:s19], $0xC80  }
0x34: {  	[sflag:s19] =	ssyncset.done $0x0  }
0x35: {  	s29 =	sadd.s32 s6, s29;
	[sflag:s19] =	ssyncadd.s32 $0xFFFFF380  }
0x36: {  	[tilespmem:s20], [sflag:$0x3] =	stream.linear.gather [hbm4b:s29+s3], $0xC80, $0x38;
	[tilespmem:$0x6380] =	vst v63  }
0x37: {  	_ =	swait.ge [sflag:s19], $0xC80  }
0x38: {  	[sflag:s19] =	ssyncset.done $0x0  }
0x39: {  	[sflag:s19] =	ssyncadd.s32 $0xFFFFF380  }
0x3a: {  	[tilespmem:s21], [sflag:$0x1] =	stream.indirect.gather [hbm4b:s4+s20], $0x1, s3, s20, $0xb8;
	[tilespmem:$0x6380] =	vst v63  }
0x3b: {  	_ =	swait.ge [sflag:s26], $0xC80  }
0x3c: {  	[sflag:s26] =	ssyncset.done $0x0  }
0x3d: {  	[sflag:s26] =	ssyncadd.s32 $0xFFFFF380  }
0x3e: {  	[spmem:s1] =	stream.indirect.scatter.add.f32 [tilespmem:s24], [sflag:$0x3], $0x1, s23, s20, $0xb8;
	[tilespmem:$0x6380] =	vst v63  }
0x3f: {  	_ =	swait.ge [sflag:s19], $0xC80  }
0x40: {  	[sflag:s19] =	ssyncset.done $0x0  }
0x41: {  	s29 =	sadd.s32 $0x0, s16;
	[sflag:s19] =	ssyncadd.s32 $0xFFFFF380  }
0x42: {  	[tilespmem:s22], [sflag:$0x3] =	stream.linear.gather [hbm4b:s29+s3], $0xC80, $0x38;
	[tilespmem:$0x6380] =	vst v63  }
0x43: {  	_ =	swait.ge [sflag:s19], $0xC80  }
0x44: {  	[sflag:s19] =	ssyncset.done $0x0  }
0x45: {  	s29 =	sadd.s32 $0x0, s15;
	[sflag:s19] =	ssyncadd.s32 $0xFFFFF380  }
0x46: {  	[tilespmem:s23], [sflag:$0x3] =	stream.linear.gather [hbm4b:s29+s3], $0xC80, $0x38;
	[tilespmem:$0x6380] =	vst v63  }
0x47: {  	_ =	swait.ge [sflag:s19], $0xC80  }
0x48: {  	[sflag:s19] =	ssyncset.done $0x0  }
0x49: {  	s30 =	sadd.s32 $0x1900, s17;
	s29 =	simm.s32 $0x320;
	[sflag:s19] =	ssyncadd.s32 $0xFFFFF380  }
.LBB2_2:
0x4a: {  	[tilespmem:s24], [sflag:$0x2] =	stream.indirect.gather [hbm4b:s4+s20], $0x1, s22, s20, $0xb8;
	[tilespmem:$0x6380] =	vst v63  }
0x4b: {  	s31 =	smov.u32 s29  }
0x4c: {  	p0 =	sne.s32 s29, $0x12C0;
	s29 =	sadd.s32 $0x320, s29;
	_ =	swait.ge [sflag:s25], $0xC80  }
0x4d: {  	[sflag:s25] =	ssyncset.done $0x0  }
0x4e: {  	[sflag:s25] =	ssyncadd.s32 $0xFFFFF380  }
0x4f: {  	[spmem:s1] =	stream.indirect.scatter.add.f32 [tilespmem:s21], [sflag:$0x3], $0x1, s20, s20, $0xb8;
	[tilespmem:$0x6380] =	vst v63  }
0x50: {  	_ =	swait.ge [sflag:s19], $0xC80  }
0x51: {  	s0 =	sshrl.u32 s30, $0x3;
	[sflag:s19] =	ssyncset.done $0x0  }
0x52: {  	s2 =	sadd.s32 s5, s0;
	[sflag:s19] =	ssyncadd.s32 $0xFFFFF380  }
0x53: {  	[tilespmem:s3], [sflag:$0x3] =	stream.linear.gather [hbm4b:s2+s3], $0xC80, $0x38;
	[tilespmem:$0x6380] =	vst v63  }
0x54: {  	_ =	swait.ge [sflag:s19], $0xC80  }
0x55: {  	[sflag:s19] =	ssyncset.done $0x0  }
0x56: {  	s0 =	sadd.s32 s6, s0;
	[sflag:s19] =	ssyncadd.s32 $0xFFFFF380  }
0x57: {  	[tilespmem:s20], [sflag:$0x3] =	stream.linear.gather [hbm4b:s0+s3], $0xC80, $0x38;
	[tilespmem:$0x6380] =	vst v63  }
0x58: {  	_ =	swait.ge [sflag:s19], $0xC80  }
0x59: {  	[sflag:s19] =	ssyncset.done $0x0  }
0x5a: {  	[sflag:s19] =	ssyncadd.s32 $0xFFFFF380  }
0x5b: {  	[tilespmem:s21], [sflag:$0x1] =	stream.indirect.gather [hbm4b:s4+s20], $0x1, s3, s20, $0xb8;
	[tilespmem:$0x6380] =	vst v63  }
0x5c: {  	_ =	swait.ge [sflag:s26], $0xC80  }
0x5d: {  	[sflag:s26] =	ssyncset.done $0x0  }
0x5e: {  	[sflag:s26] =	ssyncadd.s32 $0xFFFFF380  }
0x5f: {  	[spmem:s1] =	stream.indirect.scatter.add.f32 [tilespmem:s24], [sflag:$0x3], $0x1, s23, s20, $0xb8;
	[tilespmem:$0x6380] =	vst v63  }
0x60: {  	_ =	swait.ge [sflag:s19], $0xC80  }
0x61: {  	[sflag:s19] =	ssyncset.done $0x0  }
0x62: {  	s0 =	sadd.s32 s31, s16;
	[sflag:s19] =	ssyncadd.s32 $0xFFFFF380  }
0x63: {  	[tilespmem:s22], [sflag:$0x3] =	stream.linear.gather [hbm4b:s0+s3], $0xC80, $0x38;
	[tilespmem:$0x6380] =	vst v63  }
0x64: {  	_ =	swait.ge [sflag:s19], $0xC80  }
0x65: {  	[sflag:s19] =	ssyncset.done $0x0  }
.Ltmp0:
0x66: {  	s0 =	sadd.s32 s31, s15;
	[sflag:s19] =	ssyncadd.s32 $0xFFFFF380;
	(pc) =	sbr.rel @p0 .LBB2_2-.Ltmp0, $4  }
0x67: {  	[tilespmem:s23], [sflag:$0x3] =	stream.linear.gather [hbm4b:s0+s3], $0xC80, $0x38;
	[tilespmem:$0x6380] =	vst v63  }
0x68: {  	_ =	swait.ge [sflag:s19], $0xC80  }
0x69: {  	[sflag:s19] =	ssyncset.done $0x0  }
0x6a: {  	s30 =	sadd.s32 $0x1900, s30;
	[sflag:s19] =	ssyncadd.s32 $0xFFFFF380  }
0x6b: {  	[tilespmem:s24], [sflag:$0x2] =	stream.indirect.gather [hbm4b:s4+s20], $0x1, s22, s20, $0xb8;
	[tilespmem:$0x6380] =	vst v63  }
0x6c: {  	_ =	swait.ge [sflag:s25], $0xC80  }
0x6d: {  	[sflag:s25] =	ssyncset.done $0x0  }
0x6e: {  	[sflag:s25] =	ssyncadd.s32 $0xFFFFF380  }
0x6f: {  	[spmem:s1] =	stream.indirect.scatter.add.f32 [tilespmem:s21], [sflag:$0x3], $0x1, s20, s20, $0xb8;
	[tilespmem:$0x6380] =	vst v63  }
0x70: {  	_ =	swait.ge [sflag:s19], $0xC80  }
0x71: {  	[sflag:s19] =	ssyncset.done $0x0  }
0x72: {  	[sflag:s19] =	ssyncadd.s32 $0xFFFFF380  }
0x73: {  	_ =	swait.ge [sflag:s26], $0xC80  }
0x74: {  	[sflag:s26] =	ssyncset.done $0x0  }
0x75: {  	[sflag:s26] =	ssyncadd.s32 $0xFFFFF380  }
0x76: {  	[spmem:s1] =	stream.indirect.scatter.add.f32 [tilespmem:s24], [sflag:$0x3], $0x1, s23, s20, $0xb8;
	[tilespmem:$0x6380] =	vst v63  }
0x77: {  	_ =	swait.ge [sflag:s19], $0xC80  }
0x78: {  	s28 =	sadd.s32 $0x1, s28;
	[sflag:s19] =	ssyncset.done $0x0  }
0x79: {  	p0 =	sne.s32 s28, s14;
	[sflag:s19] =	ssyncadd.s32 $0xFFFFF380  }
.Ltmp1:
0x7a: {  	[bflag:$0x0] =	sbarrier.arrive $0xFFFF;
	(pc) =	sbr.rel @p0 .LBB2_1-.Ltmp1, $4  }
0x7b: {  	[hbm:s13], [sflag:s8] =	dma.local [spmem:s18], $0x310  }
0x7c: {  	_ =	swait.ge [sflag:s19], $0x310  }
0x7d: {  	[sflag:s19] =	ssyncset.done $0x0  }
0x7e: {  	[sflag:s19] =	ssyncadd.s32 $0xFFFFFCF0  }
0x7f: {  	_ =	sfence.sel $0x180000  }
0x80: {  	[bflag:$0x0] =	sbarrier.arrive $0xFFFF  }
0x81: {  	_ =	strace $0x90000047  }
0x82: {  	s0 =	stileid.u32;
	[bflag:$0x2] =	sbarrier.arrive $0xFFFF  }
0x83: {  	p0 =	sne.s32 s0, $0x0;
	s0 =	rddreg [dreg:$0x2]  }
0x84: {  	s0 =	sadd.s32 @!p0 $0x100000, s0  }
0x85: {  	[sflag:s0] =	ssyncadd.tile.s32 @!p0 $0x1;
	_ =	shalt  }
.Lfunc_end2:
_tile_overlayer_lowered:
.L_overlay_start_2:
0x86: {  	(tag) =	ssettag $0x2  }
0x87: {  	s0 =	rddreg [dreg:$0x0];
	s2 =	stileid.u32  }
0x88: {  	s1 =	rddreg [dreg:$0x1];
	p0 =	sne.s32 s2, $0x0  }
0x89: {  	s3 =	rddreg [dreg:$0x2];
	[bflag:$0x3] =	sbarrier.arrive $0xFFFF;
	s2 =	simm.s32 @!p0 $0x1C03  }
0x8a: {  	[timem:s3], [sflag:s2] =	dma.local @!p0 [hbm:s0], s1  }
0x8b: {  	s0 =	simm.s32 @!p0 $0x3  }
0x8c: {  	_ =	swait.ge @!p0 [sflag:s0], s1  }
0x8d: {  	s1 =	ssub.s32 @!p0 $0x0, s1;
	[sflag:s0] =	ssyncset.done @!p0 $0x0  }
0x8e: {  	[sflag:s0] =	ssyncadd.s32 @!p0 s1  }
0x8f: {  	[bflag:$0x3] =	sbarrier.arrive $0xFFFF  }
0x90: {  	_ =	shalt  }

// kernel: kernel.21.cloned.1.call-start
scs
__scs_entry_jumppad:
0x0: {  	(pc) =	sbr.rel $0x88, $3  }
0x1: {  	(tag) =	ssettag $0x0;
	lr =	simm.s32 $0x1  }
0x2: {  	[smem:$0x3F92] =	sst lr;
	_ =	strace $0xD0000000  }
0x3: {  	_ = 	snop  }
0x4: {  	_ = 	snop  }
0x5: {  	_ = 	snop  }
0x6: {  	_ = 	snop  }
0x7: {  	_ = 	snop  }
__scs_overlays_trampoline_lowered:
0x8: {  	[smem:$0x3FA1] =	sst s0  }
0x9: {  	[smem:$0x3FA2] =	sst s1  }
0xa: {  	[smem:$0x3FA3] =	sst s2  }
0xb: {  	[smem:$0x3FA4] =	sst s3  }
0xc: {  	[smem:$0x3FA5] =	sst s4  }
0xd: {  	[smem:$0x3FA6] =	sst s5  }
0xe: {  	[smem:$0x3FA7] =	sst s6  }
0xf: {  	[smem:$0x3FA8] =	sst s7  }
0x10: {  	[smem:$0x3FA9] =	sst s8  }
0x11: {  	[smem:$0x3FAA] =	sst s9;
	s0 =	simm.s32 @!p0 $0x0  }
0x12: {  	s1 =	sld [smem:$0x3F90];
	s0 =	simm.s32 @p0 $0x1  }
0x13: {  	[smem:$0x3FAB] =	sst s0;
	s0 =	simm.s32 @!p1 $0x0  }
0x14: {  	s2 =	sld [smem:$0x3F8F];
	s0 =	simm.s32 @p1 $0x1  }
0x15: {  	[smem:$0x3FAC] =	sst s0;
	s0 =	simm.s32 @!p2 $0x0  }
0x16: {  	s3 =	sld [smem:$0x3FDB];
	s0 =	simm.s32 @p2 $0x1  }
0x17: {  	s4 =	simm.s32 $0x1BF5;
	[smem:$0x3FAE] =	sst s0  }
0x18: {  	s0 =	sld [smem:$0x3F91];
	_ =	swait.ge [sflag:s4], $0x0  }
0x19: {  	s7 =	sld [smem:$0x3F92]  }
0x1a: {  	s8 =	sadd.s32 $0xFFFFE003, lr  }
0x1b: {  	s9 =	sadd.s32 $0xFFFFFEF7, lr;
	s5 =	simm.s32 $0xFFFFFFFF;
	p2 =	slt.u32 s8, $0xFFFFF086  }
0x1c: {  	p1 =	slt.u32 s9, $0xF7A;
	s5 =	simm.s32 @!p2 $0x0  }
0x1d: {  	s5 =	simm.s32 @p1 $0x1;
	p0 =	seq.s32 s7, s2  }
0x1e: {  	s7 =	smul.u32 @!p0 $0xF7A, s2;
	p2 =	seq.s32 @!p0 s5, $0x0  }
0x1f: {  	s9 =	smul.u32 $0xF7A, s1;
	s8 =	simm.s32 @!p0 $0x1BF5;
	p2 =	por !p2, p0  }
0x20: {  	[sflag:s8] =	ssyncset.s32 @!p0 $0xFFFFF086;
	s6 =	sadd.s32 @!p0 s3, s7;
	s7 =	simm.s32 @!p0 $0x108  }
0x21: {  	s3 =	sadd.s32 s3, s9;
	s6 =	sadd.s32 @!p0 $0x88, s6;
	s7 =	simm.s32 @p2 $0x1082  }
0x22: {  	[simem:s7], [sflag:s8] =	dma.local @!p0 [hbm:s6], $0xF7A  }
0x23: {  	s9 =	sor.u32 $0xD0000000, s2;
	s6 =	simm.s32 $0x108;
	_ =	swait.ge @!p0 [sflag:s8], $0x0  }
0x24: {  	s3 =	sadd.s32 $0x88, s3;
	s6 =	simm.s32 @!p1 $0x1082;
	[sflag:s4] =	ssyncset.s32 $0xFFFFF086  }
0x25: {  	[simem:s6], [sflag:s4] =	dma.local [hbm:s3], $0xF7A  }
0x26: {  	[smem:$0x3F92] =	sst s1;
	(tag) =	ssettag s2;
	_ =	strace s9  }
0x27: {  	s1 =	sld [smem:$0x3FA2]  }
0x28: {  	s2 =	sld [smem:$0x3FA3]  }
0x29: {  	s4 =	sld [smem:$0x3FA5]  }
0x2a: {  	p0 =	seq.s32 s5, $0x0;
	s5 =	sld [smem:$0x3FA6]  }
0x2b: {  	s6 =	sld [smem:$0x3FA7]  }
0x2c: {  	s7 =	sld [smem:$0x3FA8]  }
0x2d: {  	s3 =	simm.s32 $0x108;
	s8 =	sld [smem:$0x3FA9]  }
0x2e: {  	s3 =	simm.s32 @!p0 $0x1082;
	s9 =	sld [smem:$0x3FAA]  }
0x2f: {  	lr =	sadd.s32 s0, s3;
	s0 =	sld [smem:$0x3FA1]  }
0x30: {  	s3 =	sld [smem:$0x3FA4]  }
0x31: {  	[smem:$0x3FAD] =	sst s10  }
0x32: {  	s10 =	sld [smem:$0x3FAB];
	_ =	sdelay $0x3  }
0x33: {  	p0 =	seq.s32 s10, $0x1;
	s10 =	sld [smem:$0x3FAD];
	_ =	sdelay $0x3  }
0x34: {  	[smem:$0x3FAD] =	sst s10  }
0x35: {  	s10 =	sld [smem:$0x3FAC];
	_ =	sdelay $0x3  }
0x36: {  	p1 =	seq.s32 s10, $0x1;
	s10 =	sld [smem:$0x3FAD];
	_ =	sdelay $0x3  }
0x37: {  	[smem:$0x3FAD] =	sst s10  }
0x38: {  	s10 =	sld [smem:$0x3FAE]  }
0x39: {  	_ = 	snop;
	(pc) =	sbr.ind lr, $3  }
0x3a: {  	_ = 	snop  }
0x3b: {  	_ = 	snop  }
0x3c: {  	p2 =	seq.s32 s10, $0x1;
	s10 =	sld [smem:$0x3FAD]  }
0x3d: {  	_ =	shalt  }
0x3e: {  	_ =	shalt  }
0x3f: {  	_ =	shalt  }
0x40: {  	_ =	shalt  }
0x41: {  	_ =	shalt  }
0x42: {  	_ =	shalt  }
0x43: {  	_ =	shalt  }
0x44: {  	_ =	shalt  }
0x45: {  	_ =	shalt  }
0x46: {  	_ =	shalt  }
0x47: {  	_ =	shalt  }
0x48: {  	_ =	shalt  }
0x49: {  	_ =	shalt  }
0x4a: {  	_ =	shalt  }
0x4b: {  	_ =	shalt  }
0x4c: {  	_ =	shalt  }
0x4d: {  	_ =	shalt  }
0x4e: {  	_ =	shalt  }
0x4f: {  	_ =	shalt  }
0x50: {  	_ =	shalt  }
0x51: {  	_ =	shalt  }
0x52: {  	_ =	shalt  }
0x53: {  	_ =	shalt  }
0x54: {  	_ =	shalt  }
0x55: {  	_ =	shalt  }
0x56: {  	_ =	shalt  }
0x57: {  	_ =	shalt  }
0x58: {  	_ =	shalt  }
0x59: {  	_ =	shalt  }
0x5a: {  	_ =	shalt  }
0x5b: {  	_ =	shalt  }
0x5c: {  	_ =	shalt  }
0x5d: {  	_ =	shalt  }
0x5e: {  	_ =	shalt  }
0x5f: {  	_ =	shalt  }
0x60: {  	_ =	shalt  }
0x61: {  	_ =	shalt  }
0x62: {  	_ =	shalt  }
0x63: {  	_ =	shalt  }
0x64: {  	_ =	shalt  }
0x65: {  	_ =	shalt  }
0x66: {  	_ =	shalt  }
0x67: {  	_ =	shalt  }
0x68: {  	_ =	shalt  }
0x69: {  	_ =	shalt  }
0x6a: {  	_ =	shalt  }
0x6b: {  	_ =	shalt  }
0x6c: {  	_ =	shalt  }
0x6d: {  	_ =	shalt  }
0x6e: {  	_ =	shalt  }
0x6f: {  	_ =	shalt  }
0x70: {  	_ =	shalt  }
0x71: {  	_ =	shalt  }
0x72: {  	_ =	shalt  }
0x73: {  	_ =	shalt  }
0x74: {  	_ =	shalt  }
0x75: {  	_ =	shalt  }
0x76: {  	_ =	shalt  }
0x77: {  	_ =	shalt  }
0x78: {  	_ =	shalt  }
0x79: {  	_ =	shalt  }
0x7a: {  	_ =	shalt  }
0x7b: {  	_ =	shalt  }
0x7c: {  	_ =	shalt  }
0x7d: {  	_ =	shalt  }
0x7e: {  	_ =	shalt  }
0x7f: {  	_ =	shalt  }
0x80: {  	_ =	shalt  }
0x81: {  	_ =	shalt  }
0x82: {  	_ =	shalt  }
0x83: {  	_ =	shalt  }
0x84: {  	_ =	shalt  }
0x85: {  	_ =	shalt  }
0x86: {  	_ =	shalt  }
0x87: {  	_ =	shalt  }
.Lfunc_end0:
.L_simem_size_0:
called_computation.1_lowered:
.L_overlay_start_0:
0x88: {  	s2 =	sld [smem:$0x3FD9]  }
0x89: {  	s3 =	sld [smem:$0x3FFE];
	_ =	sdelay $0x1  }
0x8a: {  	s1 =	srdreg.scid  }
0x8b: {  	s0 =	sand.u32 $0x1, s1  }
0x8c: {  	s16 =	sshll.u32 s0, $0xA;
	s2 =	sadd.s32 s3, s2  }
0x8d: {  	s2 =	sadd.s32 s2, s16  }
0x8e: {  	[smem:$0x3FB9] =	sst s2  }
0x8f: {  	_ = 	snop  }
0x90: {  	(tm) =	ssettm $0x1  }
0x91: {  	s17 =	sld [smem:$0x3FFB];
	_ =	sdelay $0x3  }
0x92: {  	_ =	strace s17  }
0x93: {  	s2 =	sld [smem:$0x3FFC];
	_ =	sdelay $0x3  }
0x94: {  	_ =	strace s2  }
0x95: {  	s2 =	sld [smem:$0x3FFD];
	_ =	sdelay $0x3  }
0x96: {  	_ =	strace s2  }
0x97: {  	_ =	strace $0x8FFFFFFF  }
0x98: {  	s18 =	sld [smem:$0x3FDB];
	_ =	sdelay $0x1  }
0x99: {  	s19 =	simm.s32 $_scs_section_size  }
0x9a: {  	s4 =	simm.s32 $_size__tile_overlayer_lowered;
	s5 =	simm.s32 $_tile_overlayer_lowered  }
0x9b: {  	s22 =	simm.s32 $0x1BFF;
	s21 =	sshll.u32 s5, $0x1;
	s2 =	sadd.s32 s19, s18  }
0x9c: {  	s6 =	simm.s32 $0x0;
	s20 =	sshll.u32 s4, $0x1;
	s4 =	sadd.s32 s21, s2  }
0x9d: {  	[timem:s6], [sflag:s22] =	dma.local [hbm:s4], s20  }
0x9e: {  	_ =	swait.ge [sflag:s22], s20  }
0x9f: {  	s3 =	ssub.s32 $0x0, s20;
	[sflag:s22] =	ssyncset.done $0x0  }
0xa0: {  	[sflag:s22] =	ssyncadd.s32 s3;
	_ =	sdelay $0x1  }
0xa1: {  	s23 =	simm.s32 $0x1B8B  }
0xa2: {  	_ =	swait.ge [sflag:s23], $0x1  }
0xa3: {  	[sflag:s23] =	ssyncset.done $0x0  }
0xa4: {  	s25 =	simm.s32 $0x1B8E;
	s24 =	sld [smem:$0x3FFE];
	[sflag:s23] =	ssyncadd.s32 $0xFFFFFFFF  }
0xa5: {  	s26 =	simm.s32 $execute0_lowered;
	[smem:$0x3FD2] =	sst s25  }
0xa6: {  	s4 =	sshll.u32 s26, $0x1;
	_ =	strace $0x80000049;
	[dreg:$0x1] =	wrdreg $0xFFFFFFFF  }
0xa7: {  	s28 =	simm.s32 $_size_execute0_lowered;
	s2 =	sadd.s32 s2, s4;
	[dreg:$0x0] =	wrdreg $0x0  }
0xa8: {  	s4 =	sshll.u32 s28, $0x1;
	[dreg:$0x2] =	wrdreg s2  }
0xa9: {  	[dreg:$0x3] =	wrdreg s4  }
0xaa: {  	[dreg:$0x4] =	wrdreg $0xC0  }
0xab: {  	_ =	task [dreg:s6], $0x5FFFF  }
0xac: {  	[dreg:$0x1] =	wrdreg $0xFFFFFFFF  }
0xad: {  	[dreg:$0x0] =	wrdreg $0x60  }
0xae: {  	[dreg:$0x2] =	wrdreg s24  }
0xaf: {  	[dreg:$0x3] =	wrdreg $0x70800  }
0xb0: {  	[dreg:$0x4] =	wrdreg $0x9  }
0xb1: {  	_ =	task.clear_ibuf [dreg:s6], $0x5FFFF;
	_ =	strace $0x90000049  }
0xb2: {  	s29 =	simm.s32 $0x9;
	_ =	strace $0x8000004B  }
0xb3: {  	_ =	swait.ge [sflag:s29], $0x1  }
0xb4: {  	[sflag:s29] =	ssyncadd.s32 $0xFFFFFFFF  }
0xb5: {  	_ =	strace $0x9000004B  }
0xb6: {  	_ =	sfence  }
0xb7: {  	s30 =	sld [smem:$0x0];
	_ =	sdelay $0x2  }
0xb8: {  	s31 =	sshll.u32 s1, $0xD;
	s1 =	sshrl.u32 s1, $0x2  }
0xb9: {  	s3 =	sand.u32 $0x4000, s31;
	s1 =	sadd.s32 s1, s30  }
0xba: {  	s0 =	sor.u32 s3, s0;
	s1 =	sshll.u32 s1, $0x11  }
0xbb: {  	s0 =	sor.u32 s1, s0  }
0xbc: {  	s0 =	sadd.s32 $0x8F2B, s0  }
0xbd: {  	[sflag:s0] =	ssyncadd.remote.s32 $0x1  }
0xbe: {  	_ =	sfence.sel $0xFFFF  }
0xbf: {  	[dreg:$0x0] =	wrdreg $0xFFFFFFFF;
	(pc) =	sbr.abs _section_cstart, $3  }
0xc0: {  	[dreg:$0x1] =	wrdreg $0xFFFFFFFF  }
0xc1: {  	_ =	task.clear_ibuf [dreg:s6], $0x2FFFF;
	_ =	strace $0x9FFFFFFF  }
0xc2: {  	(tm) =	ssettm $0x7FFFFFFF  }
0xc3: {  	_ =	shalt  }
tec
execute0_lowered:
.L_overlay_start_1:
0x0: {  	(tag) =	ssettag $0x1  }
0x1: {  	s6 =	rddreg [dreg:$0x0]  }
0x2: {  	s2 =	rddreg [dreg:$0x1]  }
0x3: {  	s0 =	rddreg [dreg:$0x2]  }
0x4: {  	s4 =	srdreg.scid;
	s1 =	stileid.u32;
	s3 =	simm.s32 $0x0  }
0x5: {  	s19 =	simm.s32 $0x640;
	s20 =	simm.s32 $0x3840;
	s21 =	simm.s32 $0x3B60  }
0x6: {  	s22 =	simm.s32 $0x3E80;
	s23 =	simm.s32 $0x1;
	s5 =	smul.u32 $0x3100, s1  }
0x7: {  	s7 =	sand.u32 $0x1, s4;
	[smem:$0x7FF] =	sst s3;
	s9 =	smul.u32 $0x62000, s1  }
0x8: {  	s4 =	sadd.s32 $0xD7800, s6;
	s15 =	sadd.s32 $0x73800, s6;
	s10 =	smul.u32 $0x19000, s1  }
0x9: {  	s13 =	sadd.s32 $0x3B200, s6;
	s28 =	sshll.u32 s1, $0x6;
	s18 =	smul.u32 $0x3200, s1  }
0xa: {  	s8 =	smul.u32 $0x31000, s7;
	_ =	strace $0x8000004A;
	s24 =	ssub.s32 $0x2, s7  }
0xb: {  	s11 =	smul.u32 $0x190000, s7;
	s7 =	sshrl.u32 s24, $0x1;
	s25 =	sshrl.u32 s9, $0x2  }
0xc: {  	s29 =	sshrl.u32 s10, $0x3;
	s8 =	sadd.s32 s5, s8;
	s5 =	sadd.s32 $0x6000, s6  }
0xd: {  	s14 =	sadd.s32 s10, s11;
	s16 =	ssub.s32 s24, s7;
	s17 =	sadd.s32 s25, s2  }
0xe: {  	s7 =	sor.u32 $0x1C03, s28;
	s24 =	simm.s32 $0x2;
	s25 =	simm.s32 $0x0  }
0xf: {  	s12 =	sadd.s32 s8, s6;
	s26 =	sshrl.u32 s14, $0x3;
	s8 =	sadd.s32 s13, s29  }
0x10: {  	s30 =	sor.u32 $0x960, s14;
	s14 =	sor.u32 $0x640, s14;
	s13 =	sadd.s32 s18, s13  }
0x11: {  	s18 =	simm.s32 $0x320;
	s6 =	sadd.s32 s15, s26;
	s10 =	sadd.s32 $0x64, s8  }
0x12: {  	s11 =	sadd.s32 $0x139800, s12;
	s12 =	smax.u32 s16, $0x1;
	s16 =	sshrl.u32 s30, $0x3  }
0x13: {  	s31 =	sshrl.u32 s14, $0x3;
	s9 =	sadd.s32 $0x64, s6;
	s14 =	sadd.s32 s16, s15  }
0x14: {  	s15 =	sadd.s32 s31, s15;
	s16 =	sshrl.u32 s17, $0x3;
	s17 =	simm.s32 $0x3  }
.LBB2_1:
0x15: {  	[spmem:s16], [sflag:s7] =	dma.local [hbm:s5], $0x3100  }
0x16: {  	_ =	swait.ge [sflag:s17], $0x3100  }
0x17: {  	[sflag:s17] =	ssyncset.done $0x0  }
0x18: {  	[sflag:s17] =	ssyncadd.s32 $0xFFFFCF00  }
0x19: {  	[bflag:$0x0] =	sbarrier.arrive $0xFFFF  }
0x1a: {  	[tilespmem:s3], [sflag:$0x3] =	stream.linear.gather [hbm4b:s6+s3], $0x320, $0x38;
	[tilespmem:$0x1F880] =	vst v63  }
0x1b: {  	_ =	swait.ge [sflag:s17], $0x320  }
0x1c: {  	[sflag:s17] =	ssyncset.done $0x0  }
0x1d: {  	[sflag:s17] =	ssyncadd.s32 $0xFFFFFCE0  }
0x1e: {  	[tilespmem:s18], [sflag:$0x3] =	stream.linear.gather [hbm4b:s8+s3], $0x320, $0x38;
	[tilespmem:$0x1F880] =	vst v63  }
0x1f: {  	_ =	swait.ge [sflag:s17], $0x320  }
0x20: {  	[sflag:s17] =	ssyncset.done $0x0  }
0x21: {  	[sflag:s17] =	ssyncadd.s32 $0xFFFFFCE0  }
0x22: {  	[tilespmem:s19], [sflag:$0x1] =	stream.indirect.gather [hbm4b:s4+s18], $0x10, s3, s18, $0xb8;
	[tilespmem:$0x1F880] =	vst v63  }
0x23: {  	_ = 	snop  }
0x24: {  	[tilespmem:s20], [sflag:$0x3] =	stream.linear.gather [hbm4b:s9+s3], $0x320, $0x38;
	[tilespmem:$0x1F880] =	vst v63  }
0x25: {  	_ =	swait.ge [sflag:s17], $0x320  }
0x26: {  	[sflag:s17] =	ssyncset.done $0x0  }
0x27: {  	[sflag:s17] =	ssyncadd.s32 $0xFFFFFCE0  }
0x28: {  	[tilespmem:s21], [sflag:$0x3] =	stream.linear.gather [hbm4b:s10+s3], $0x320, $0x38;
	[tilespmem:$0x1F880] =	vst v63  }
0x29: {  	_ =	swait.ge [sflag:s17], $0x320  }
0x2a: {  	[sflag:s17] =	ssyncset.done $0x0  }
0x2b: {  	[sflag:s17] =	ssyncadd.s32 $0xFFFFFCE0  }
0x2c: {  	[tilespmem:s22], [sflag:$0x2] =	stream.indirect.gather [hbm4b:s4+s18], $0x10, s20, s18, $0xb8;
	[tilespmem:$0x1F880] =	vst v63  }
0x2d: {  	_ =	swait.ge [sflag:s23], $0x3200  }
0x2e: {  	[sflag:s23] =	ssyncset.done $0x0  }
0x2f: {  	[sflag:s23] =	ssyncadd.s32 $0xFFFFCE00  }
0x30: {  	[spmem:s2] =	stream.indirect.scatter.add.f32 [tilespmem:s19], [sflag:$0x3], $0x10, s18, s18, $0xb8;
	[tilespmem:$0x1F880] =	vst v63  }
0x31: {  	_ =	swait.ge [sflag:s17], $0x3200  }
0x32: {  	[sflag:s17] =	ssyncset.done $0x0  }
0x33: {  	s26 =	sadd.s32 $0x0, s15;
	[sflag:s17] =	ssyncadd.s32 $0xFFFFCE00  }
0x34: {  	[tilespmem:s3], [sflag:$0x3] =	stream.linear.gather [hbm4b:s26+s3], $0x320, $0x38;
	[tilespmem:$0x1F880] =	vst v63  }
0x35: {  	_ =	swait.ge [sflag:s17], $0x320  }
0x36: {  	s30 =	sadd.s32 $0x0, s13;
	[sflag:s17] =	ssyncset.done $0x0  }
0x37: {  	s28 =	sadd.s32 $0xC8, s30;
	[sflag:s17] =	ssyncadd.s32 $0xFFFFFCE0  }
0x38: {  	[tilespmem:s18], [sflag:$0x3] =	stream.linear.gather [hbm4b:s28+s3], $0x320, $0x38;
	[tilespmem:$0x1F880] =	vst v63  }
0x39: {  	_ =	swait.ge [sflag:s17], $0x320  }
0x3a: {  	[sflag:s17] =	ssyncset.done $0x0  }
0x3b: {  	[sflag:s17] =	ssyncadd.s32 $0xFFFFFCE0  }
0x3c: {  	[tilespmem:s19], [sflag:$0x1] =	stream.indirect.gather [hbm4b:s4+s18], $0x10, s3, s18, $0xb8;
	[tilespmem:$0x1F880] =	vst v63  }
0x3d: {  	_ =	swait.ge [sflag:s24], $0x3200  }
0x3e: {  	[sflag:s24] =	ssyncset.done $0x0  }
0x3f: {  	[sflag:s24] =	ssyncadd.s32 $0xFFFFCE00  }
0x40: {  	[spmem:s2] =	stream.indirect.scatter.add.f32 [tilespmem:s22], [sflag:$0x3], $0x10, s21, s18, $0xb8;
	[tilespmem:$0x1F880] =	vst v63  }
0x41: {  	_ =	swait.ge [sflag:s17], $0x3200  }
0x42: {  	[sflag:s17] =	ssyncset.done $0x0  }
0x43: {  	s31 =	sadd.s32 $0x0, s14;
	[sflag:s17] =	ssyncadd.s32 $0xFFFFCE00  }
0x44: {  	[tilespmem:s20], [sflag:$0x3] =	stream.linear.gather [hbm4b:s31+s3], $0x320, $0x38;
	[tilespmem:$0x1F880] =	vst v63  }
0x45: {  	_ =	swait.ge [sflag:s17], $0x320  }
0x46: {  	[sflag:s17] =	ssyncset.done $0x0  }
0x47: {  	s26 =	sadd.s32 $0x12C, s30;
	[sflag:s17] =	ssyncadd.s32 $0xFFFFFCE0  }
0x48: {  	[tilespmem:s21], [sflag:$0x3] =	stream.linear.gather [hbm4b:s26+s3], $0x320, $0x38;
	[tilespmem:$0x1F880] =	vst v63  }
0x49: {  	_ =	swait.ge [sflag:s17], $0x320  }
0x4a: {  	[sflag:s17] =	ssyncset.done $0x0  }
0x4b: {  	s26 =	simm.s32 $0xC8;
	[sflag:s17] =	ssyncadd.s32 $0xFFFFFCE0  }
.LBB2_2:
0x4c: {  	[tilespmem:s22], [sflag:$0x2] =	stream.indirect.gather [hbm4b:s4+s18], $0x10, s20, s18, $0xb8;
	[tilespmem:$0x1F880] =	vst v63  }
0x4d: {  	s28 =	smov.u32 s26  }
0x4e: {  	p0 =	sne.s32 s26, $0x3070;
	s26 =	sadd.s32 $0xC8, s26;
	_ =	swait.ge [sflag:s23], $0x3200  }
0x4f: {  	[sflag:s23] =	ssyncset.done $0x0  }
0x50: {  	[sflag:s23] =	ssyncadd.s32 $0xFFFFCE00  }
0x51: {  	[spmem:s2] =	stream.indirect.scatter.add.f32 [tilespmem:s19], [sflag:$0x3], $0x10, s18, s18, $0xb8;
	[tilespmem:$0x1F880] =	vst v63  }
0x52: {  	_ =	swait.ge [sflag:s17], $0x3200  }
0x53: {  	[sflag:s17] =	ssyncset.done $0x0  }
0x54: {  	s29 =	sadd.s32 s28, s15;
	[sflag:s17] =	ssyncadd.s32 $0xFFFFCE00  }
0x55: {  	[tilespmem:s3], [sflag:$0x3] =	stream.linear.gather [hbm4b:s29+s3], $0x320, $0x38;
	[tilespmem:$0x1F880] =	vst v63  }
0x56: {  	_ =	swait.ge [sflag:s17], $0x320  }
0x57: {  	s29 =	sadd.s32 s28, s13;
	[sflag:s17] =	ssyncset.done $0x0  }
0x58: {  	s30 =	sadd.s32 $0xC8, s29;
	[sflag:s17] =	ssyncadd.s32 $0xFFFFFCE0  }
0x59: {  	[tilespmem:s18], [sflag:$0x3] =	stream.linear.gather [hbm4b:s30+s3], $0x320, $0x38;
	[tilespmem:$0x1F880] =	vst v63  }
0x5a: {  	_ =	swait.ge [sflag:s17], $0x320  }
0x5b: {  	[sflag:s17] =	ssyncset.done $0x0  }
0x5c: {  	[sflag:s17] =	ssyncadd.s32 $0xFFFFFCE0  }
0x5d: {  	[tilespmem:s19], [sflag:$0x1] =	stream.indirect.gather [hbm4b:s4+s18], $0x10, s3, s18, $0xb8;
	[tilespmem:$0x1F880] =	vst v63  }
0x5e: {  	_ =	swait.ge [sflag:s24], $0x3200  }
0x5f: {  	[sflag:s24] =	ssyncset.done $0x0  }
0x60: {  	[sflag:s24] =	ssyncadd.s32 $0xFFFFCE00  }
0x61: {  	[spmem:s2] =	stream.indirect.scatter.add.f32 [tilespmem:s22], [sflag:$0x3], $0x10, s21, s18, $0xb8;
	[tilespmem:$0x1F880] =	vst v63  }
0x62: {  	_ =	swait.ge [sflag:s17], $0x3200  }
0x63: {  	[sflag:s17] =	ssyncset.done $0x0  }
0x64: {  	s28 =	sadd.s32 s28, s14;
	[sflag:s17] =	ssyncadd.s32 $0xFFFFCE00  }
0x65: {  	[tilespmem:s20], [sflag:$0x3] =	stream.linear.gather [hbm4b:s28+s3], $0x320, $0x38;
	[tilespmem:$0x1F880] =	vst v63  }
0x66: {  	_ =	swait.ge [sflag:s17], $0x320  }
0x67: {  	[sflag:s17] =	ssyncset.done $0x0  }
.Ltmp0:
0x68: {  	s28 =	sadd.s32 $0x12C, s29;
	[sflag:s17] =	ssyncadd.s32 $0xFFFFFCE0;
	(pc) =	sbr.rel @p0 .LBB2_2-.Ltmp0, $4  }
0x69: {  	[tilespmem:s21], [sflag:$0x3] =	stream.linear.gather [hbm4b:s28+s3], $0x320, $0x38;
	[tilespmem:$0x1F880] =	vst v63  }
0x6a: {  	_ =	swait.ge [sflag:s17], $0x320  }
0x6b: {  	[sflag:s17] =	ssyncset.done $0x0  }
0x6c: {  	[sflag:s17] =	ssyncadd.s32 $0xFFFFFCE0  }
0x6d: {  	[tilespmem:s22], [sflag:$0x2] =	stream.indirect.gather [hbm4b:s4+s18], $0x10, s20, s18, $0xb8;
	[tilespmem:$0x1F880] =	vst v63  }
0x6e: {  	_ =	swait.ge [sflag:s23], $0x3200  }
0x6f: {  	[sflag:s23] =	ssyncset.done $0x0  }
0x70: {  	[sflag:s23] =	ssyncadd.s32 $0xFFFFCE00  }
0x71: {  	[spmem:s2] =	stream.indirect.scatter.add.f32 [tilespmem:s19], [sflag:$0x3], $0x10, s18, s18, $0xb8;
	[tilespmem:$0x1F880] =	vst v63  }
0x72: {  	_ =	swait.ge [sflag:s17], $0x3200  }
0x73: {  	[sflag:s17] =	ssyncset.done $0x0  }
0x74: {  	[sflag:s17] =	ssyncadd.s32 $0xFFFFCE00  }
0x75: {  	_ =	swait.ge [sflag:s24], $0x3200  }
0x76: {  	[sflag:s24] =	ssyncset.done $0x0  }
0x77: {  	[sflag:s24] =	ssyncadd.s32 $0xFFFFCE00  }
0x78: {  	[spmem:s2] =	stream.indirect.scatter.add.f32 [tilespmem:s22], [sflag:$0x3], $0x10, s21, s18, $0xb8;
	[tilespmem:$0x1F880] =	vst v63  }
0x79: {  	_ =	swait.ge [sflag:s17], $0x3200  }
0x7a: {  	s25 =	sadd.s32 $0x1, s25;
	[sflag:s17] =	ssyncset.done $0x0  }
0x7b: {  	p0 =	sne.s32 s25, s12;
	[sflag:s17] =	ssyncadd.s32 $0xFFFFCE00  }
.Ltmp1:
0x7c: {  	[bflag:$0x0] =	sbarrier.arrive $0xFFFF;
	(pc) =	sbr.rel @p0 .LBB2_1-.Ltmp1, $4  }
0x7d: {  	[hbm:s11], [sflag:s7] =	dma.local [spmem:s16], $0x3100  }
0x7e: {  	_ =	swait.ge [sflag:s17], $0x3100  }
0x7f: {  	[sflag:s17] =	ssyncset.done $0x0  }
0x80: {  	[sflag:s17] =	ssyncadd.s32 $0xFFFFCF00  }
0x81: {  	_ =	sfence.sel $0x180000  }
0x82: {  	[bflag:$0x0] =	sbarrier.arrive $0xFFFF  }
0x83: {  	p0 =	sne.s32 s1, $0x0;
	_ =	strace $0x9000004A  }
0x84: {  	s0 =	sadd.s32 @!p0 $0x100000, s0;
	[bflag:$0x2] =	sbarrier.arrive $0xFFFF  }
0x85: {  	[sflag:s0] =	ssyncadd.tile.s32 @!p0 $0x1;
	_ =	shalt  }
.Lfunc_end2:
_tile_overlayer_lowered:
.L_overlay_start_2:
0x86: {  	(tag) =	ssettag $0x2  }
0x87: {  	s0 =	rddreg [dreg:$0x0];
	s2 =	stileid.u32  }
0x88: {  	s1 =	rddreg [dreg:$0x1];
	p0 =	sne.s32 s2, $0x0  }
0x89: {  	s3 =	rddreg [dreg:$0x2];
	[bflag:$0x3] =	sbarrier.arrive $0xFFFF;
	s2 =	simm.s32 @!p0 $0x1C03  }
0x8a: {  	[timem:s3], [sflag:s2] =	dma.local @!p0 [hbm:s0], s1  }
0x8b: {  	s0 =	simm.s32 @!p0 $0x3  }
0x8c: {  	_ =	swait.ge @!p0 [sflag:s0], s1  }
0x8d: {  	s1 =	ssub.s32 @!p0 $0x0, s1;
	[sflag:s0] =	ssyncset.done @!p0 $0x0  }
0x8e: {  	[sflag:s0] =	ssyncadd.s32 @!p0 s1  }
0x8f: {  	[bflag:$0x3] =	sbarrier.arrive $0xFFFF  }
0x90: {  	_ =	shalt  }

// kernel: kernel.24.cloned.1.call-start
scs
__scs_entry_jumppad:
0x0: {  	(pc) =	sbr.rel $0x88, $3  }
0x1: {  	(tag) =	ssettag $0x0;
	lr =	simm.s32 $0x1  }
0x2: {  	[smem:$0x3F92] =	sst lr;
	_ =	strace $0xD0000000  }
0x3: {  	_ = 	snop  }
0x4: {  	_ = 	snop  }
0x5: {  	_ = 	snop  }
0x6: {  	_ = 	snop  }
0x7: {  	_ = 	snop  }
__scs_overlays_trampoline_lowered:
0x8: {  	[smem:$0x3FA1] =	sst s0  }
0x9: {  	[smem:$0x3FA2] =	sst s1  }
0xa: {  	[smem:$0x3FA3] =	sst s2  }
0xb: {  	[smem:$0x3FA4] =	sst s3  }
0xc: {  	[smem:$0x3FA5] =	sst s4  }
0xd: {  	[smem:$0x3FA6] =	sst s5  }
0xe: {  	[smem:$0x3FA7] =	sst s6  }
0xf: {  	[smem:$0x3FA8] =	sst s7  }
0x10: {  	[smem:$0x3FA9] =	sst s8  }
0x11: {  	[smem:$0x3FAA] =	sst s9;
	s0 =	simm.s32 @!p0 $0x0  }
0x12: {  	s1 =	sld [smem:$0x3F90];
	s0 =	simm.s32 @p0 $0x1  }
0x13: {  	[smem:$0x3FAB] =	sst s0;
	s0 =	simm.s32 @!p1 $0x0  }
0x14: {  	s2 =	sld [smem:$0x3F8F];
	s0 =	simm.s32 @p1 $0x1  }
0x15: {  	[smem:$0x3FAC] =	sst s0;
	s0 =	simm.s32 @!p2 $0x0  }
0x16: {  	s3 =	sld [smem:$0x3FDB];
	s0 =	simm.s32 @p2 $0x1  }
0x17: {  	s4 =	simm.s32 $0x1BF5;
	[smem:$0x3FAE] =	sst s0  }
0x18: {  	s0 =	sld [smem:$0x3F91];
	_ =	swait.ge [sflag:s4], $0x0  }
0x19: {  	s7 =	sld [smem:$0x3F92]  }
0x1a: {  	s8 =	sadd.s32 $0xFFFFE003, lr  }
0x1b: {  	s9 =	sadd.s32 $0xFFFFFEF7, lr;
	s5 =	simm.s32 $0xFFFFFFFF;
	p2 =	slt.u32 s8, $0xFFFFF086  }
0x1c: {  	p1 =	slt.u32 s9, $0xF7A;
	s5 =	simm.s32 @!p2 $0x0  }
0x1d: {  	s5 =	simm.s32 @p1 $0x1;
	p0 =	seq.s32 s7, s2  }
0x1e: {  	s7 =	smul.u32 @!p0 $0xF7A, s2;
	p2 =	seq.s32 @!p0 s5, $0x0  }
0x1f: {  	s9 =	smul.u32 $0xF7A, s1;
	s8 =	simm.s32 @!p0 $0x1BF5;
	p2 =	por !p2, p0  }
0x20: {  	[sflag:s8] =	ssyncset.s32 @!p0 $0xFFFFF086;
	s6 =	sadd.s32 @!p0 s3, s7;
	s7 =	simm.s32 @!p0 $0x108  }
0x21: {  	s3 =	sadd.s32 s3, s9;
	s6 =	sadd.s32 @!p0 $0x88, s6;
	s7 =	simm.s32 @p2 $0x1082  }
0x22: {  	[simem:s7], [sflag:s8] =	dma.local @!p0 [hbm:s6], $0xF7A  }
0x23: {  	s9 =	sor.u32 $0xD0000000, s2;
	s6 =	simm.s32 $0x108;
	_ =	swait.ge @!p0 [sflag:s8], $0x0  }
0x24: {  	s3 =	sadd.s32 $0x88, s3;
	s6 =	simm.s32 @!p1 $0x1082;
	[sflag:s4] =	ssyncset.s32 $0xFFFFF086  }
0x25: {  	[simem:s6], [sflag:s4] =	dma.local [hbm:s3], $0xF7A  }
0x26: {  	[smem:$0x3F92] =	sst s1;
	(tag) =	ssettag s2;
	_ =	strace s9  }
0x27: {  	s1 =	sld [smem:$0x3FA2]  }
0x28: {  	s2 =	sld [smem:$0x3FA3]  }
0x29: {  	s4 =	sld [smem:$0x3FA5]  }
0x2a: {  	p0 =	seq.s32 s5, $0x0;
	s5 =	sld [smem:$0x3FA6]  }
0x2b: {  	s6 =	sld [smem:$0x3FA7]  }
0x2c: {  	s7 =	sld [smem:$0x3FA8]  }
0x2d: {  	s3 =	simm.s32 $0x108;
	s8 =	sld [smem:$0x3FA9]  }
0x2e: {  	s3 =	simm.s32 @!p0 $0x1082;
	s9 =	sld [smem:$0x3FAA]  }
0x2f: {  	lr =	sadd.s32 s0, s3;
	s0 =	sld [smem:$0x3FA1]  }
0x30: {  	s3 =	sld [smem:$0x3FA4]  }
0x31: {  	[smem:$0x3FAD] =	sst s10  }
0x32: {  	s10 =	sld [smem:$0x3FAB];
	_ =	sdelay $0x3  }
0x33: {  	p0 =	seq.s32 s10, $0x1;
	s10 =	sld [smem:$0x3FAD];
	_ =	sdelay $0x3  }
0x34: {  	[smem:$0x3FAD] =	sst s10  }
0x35: {  	s10 =	sld [smem:$0x3FAC];
	_ =	sdelay $0x3  }
0x36: {  	p1 =	seq.s32 s10, $0x1;
	s10 =	sld [smem:$0x3FAD];
	_ =	sdelay $0x3  }
0x37: {  	[smem:$0x3FAD] =	sst s10  }
0x38: {  	s10 =	sld [smem:$0x3FAE]  }
0x39: {  	_ = 	snop;
	(pc) =	sbr.ind lr, $3  }
0x3a: {  	_ = 	snop  }
0x3b: {  	_ = 	snop  }
0x3c: {  	p2 =	seq.s32 s10, $0x1;
	s10 =	sld [smem:$0x3FAD]  }
0x3d: {  	_ =	shalt  }
0x3e: {  	_ =	shalt  }
0x3f: {  	_ =	shalt  }
0x40: {  	_ =	shalt  }
0x41: {  	_ =	shalt  }
0x42: {  	_ =	shalt  }
0x43: {  	_ =	shalt  }
0x44: {  	_ =	shalt  }
0x45: {  	_ =	shalt  }
0x46: {  	_ =	shalt  }
0x47: {  	_ =	shalt  }
0x48: {  	_ =	shalt  }
0x49: {  	_ =	shalt  }
0x4a: {  	_ =	shalt  }
0x4b: {  	_ =	shalt  }
0x4c: {  	_ =	shalt  }
0x4d: {  	_ =	shalt  }
0x4e: {  	_ =	shalt  }
0x4f: {  	_ =	shalt  }
0x50: {  	_ =	shalt  }
0x51: {  	_ =	shalt  }
0x52: {  	_ =	shalt  }
0x53: {  	_ =	shalt  }
0x54: {  	_ =	shalt  }
0x55: {  	_ =	shalt  }
0x56: {  	_ =	shalt  }
0x57: {  	_ =	shalt  }
0x58: {  	_ =	shalt  }
0x59: {  	_ =	shalt  }
0x5a: {  	_ =	shalt  }
0x5b: {  	_ =	shalt  }
0x5c: {  	_ =	shalt  }
0x5d: {  	_ =	shalt  }
0x5e: {  	_ =	shalt  }
0x5f: {  	_ =	shalt  }
0x60: {  	_ =	shalt  }
0x61: {  	_ =	shalt  }
0x62: {  	_ =	shalt  }
0x63: {  	_ =	shalt  }
0x64: {  	_ =	shalt  }
0x65: {  	_ =	shalt  }
0x66: {  	_ =	shalt  }
0x67: {  	_ =	shalt  }
0x68: {  	_ =	shalt  }
0x69: {  	_ =	shalt  }
0x6a: {  	_ =	shalt  }
0x6b: {  	_ =	shalt  }
0x6c: {  	_ =	shalt  }
0x6d: {  	_ =	shalt  }
0x6e: {  	_ =	shalt  }
0x6f: {  	_ =	shalt  }
0x70: {  	_ =	shalt  }
0x71: {  	_ =	shalt  }
0x72: {  	_ =	shalt  }
0x73: {  	_ =	shalt  }
0x74: {  	_ =	shalt  }
0x75: {  	_ =	shalt  }
0x76: {  	_ =	shalt  }
0x77: {  	_ =	shalt  }
0x78: {  	_ =	shalt  }
0x79: {  	_ =	shalt  }
0x7a: {  	_ =	shalt  }
0x7b: {  	_ =	shalt  }
0x7c: {  	_ =	shalt  }
0x7d: {  	_ =	shalt  }
0x7e: {  	_ =	shalt  }
0x7f: {  	_ =	shalt  }
0x80: {  	_ =	shalt  }
0x81: {  	_ =	shalt  }
0x82: {  	_ =	shalt  }
0x83: {  	_ =	shalt  }
0x84: {  	_ =	shalt  }
0x85: {  	_ =	shalt  }
0x86: {  	_ =	shalt  }
0x87: {  	_ =	shalt  }
.Lfunc_end0:
.L_simem_size_0:
called_computation.2_lowered:
.L_overlay_start_0:
0x88: {  	s2 =	sld [smem:$0x3FD9]  }
0x89: {  	s3 =	sld [smem:$0x3FFE];
	_ =	sdelay $0x1  }
0x8a: {  	s1 =	srdreg.scid  }
0x8b: {  	s0 =	sand.u32 $0x1, s1  }
0x8c: {  	s16 =	sshll.u32 s0, $0xA;
	s2 =	sadd.s32 s3, s2  }
0x8d: {  	s2 =	sadd.s32 s2, s16  }
0x8e: {  	[smem:$0x3FB9] =	sst s2  }
0x8f: {  	_ = 	snop  }
0x90: {  	(tm) =	ssettm $0x1  }
0x91: {  	s17 =	sld [smem:$0x3FFB];
	_ =	sdelay $0x3  }
0x92: {  	_ =	strace s17  }
0x93: {  	s2 =	sld [smem:$0x3FFC];
	_ =	sdelay $0x3  }
0x94: {  	_ =	strace s2  }
0x95: {  	s2 =	sld [smem:$0x3FFD];
	_ =	sdelay $0x3  }
0x96: {  	_ =	strace s2  }
0x97: {  	_ =	strace $0x8FFFFFFF  }
0x98: {  	s18 =	sld [smem:$0x3FDB];
	_ =	sdelay $0x1  }
0x99: {  	s19 =	simm.s32 $_scs_section_size  }
0x9a: {  	s4 =	simm.s32 $_size__tile_overlayer_lowered;
	s5 =	simm.s32 $_tile_overlayer_lowered  }
0x9b: {  	s22 =	simm.s32 $0x1BFF;
	s21 =	sshll.u32 s5, $0x1;
	s2 =	sadd.s32 s19, s18  }
0x9c: {  	s6 =	simm.s32 $0x0;
	s20 =	sshll.u32 s4, $0x1;
	s4 =	sadd.s32 s21, s2  }
0x9d: {  	[timem:s6], [sflag:s22] =	dma.local [hbm:s4], s20  }
0x9e: {  	_ =	swait.ge [sflag:s22], s20  }
0x9f: {  	s3 =	ssub.s32 $0x0, s20;
	[sflag:s22] =	ssyncset.done $0x0  }
0xa0: {  	[sflag:s22] =	ssyncadd.s32 s3;
	_ =	sdelay $0x1  }
0xa1: {  	s23 =	simm.s32 $0x1B8B  }
0xa2: {  	_ =	swait.ge [sflag:s23], $0x1  }
0xa3: {  	[sflag:s23] =	ssyncset.done $0x0  }
0xa4: {  	s25 =	simm.s32 $0x1B8E;
	s24 =	sld [smem:$0x3FFE];
	[sflag:s23] =	ssyncadd.s32 $0xFFFFFFFF  }
0xa5: {  	s26 =	simm.s32 $execute0_lowered;
	[smem:$0x3FD2] =	sst s25  }
0xa6: {  	s4 =	sshll.u32 s26, $0x1;
	_ =	strace $0x8000004C;
	[dreg:$0x1] =	wrdreg $0xFFFFFFFF  }
0xa7: {  	s28 =	simm.s32 $_size_execute0_lowered;
	s2 =	sadd.s32 s2, s4;
	[dreg:$0x0] =	wrdreg $0x0  }
0xa8: {  	s4 =	sshll.u32 s28, $0x1;
	[dreg:$0x2] =	wrdreg s2  }
0xa9: {  	[dreg:$0x3] =	wrdreg s4  }
0xaa: {  	[dreg:$0x4] =	wrdreg $0xC0  }
0xab: {  	_ =	task [dreg:s6], $0x5FFFF  }
0xac: {  	[dreg:$0x1] =	wrdreg $0xFFFFFFFF  }
0xad: {  	[dreg:$0x0] =	wrdreg $0x60  }
0xae: {  	[dreg:$0x2] =	wrdreg s24  }
0xaf: {  	[dreg:$0x3] =	wrdreg $0x4B000  }
0xb0: {  	[dreg:$0x4] =	wrdreg $0x9  }
0xb1: {  	_ =	task.clear_ibuf [dreg:s6], $0x5FFFF;
	_ =	strace $0x9000004C  }
0xb2: {  	s29 =	simm.s32 $0x9;
	_ =	strace $0x8000004E  }
0xb3: {  	_ =	swait.ge [sflag:s29], $0x1  }
0xb4: {  	[sflag:s29] =	ssyncadd.s32 $0xFFFFFFFF  }
0xb5: {  	_ =	strace $0x9000004E  }
0xb6: {  	_ =	sfence  }
0xb7: {  	s30 =	sld [smem:$0x0];
	_ =	sdelay $0x2  }
0xb8: {  	s31 =	sshll.u32 s1, $0xD;
	s1 =	sshrl.u32 s1, $0x2  }
0xb9: {  	s3 =	sand.u32 $0x4000, s31;
	s1 =	sadd.s32 s1, s30  }
0xba: {  	s0 =	sor.u32 s3, s0;
	s1 =	sshll.u32 s1, $0x11  }
0xbb: {  	s0 =	sor.u32 s1, s0  }
0xbc: {  	s0 =	sadd.s32 $0x8F2B, s0  }
0xbd: {  	[sflag:s0] =	ssyncadd.remote.s32 $0x1  }
0xbe: {  	_ =	sfence.sel $0xFFFF  }
0xbf: {  	[dreg:$0x0] =	wrdreg $0xFFFFFFFF;
	(pc) =	sbr.abs _section_cstart, $3  }
0xc0: {  	[dreg:$0x1] =	wrdreg $0xFFFFFFFF  }
0xc1: {  	_ =	task.clear_ibuf [dreg:s6], $0x2FFFF;
	_ =	strace $0x9FFFFFFF  }
0xc2: {  	(tm) =	ssettm $0x7FFFFFFF  }
0xc3: {  	_ =	shalt  }
tec
execute0_lowered:
.L_overlay_start_1:
0x0: {  	(tag) =	ssettag $0x1  }
0x1: {  	s8 =	rddreg [dreg:$0x0]  }
0x2: {  	s1 =	rddreg [dreg:$0x1];
	s3 =	simm.s32 $0x0;
	s5 =	srdreg.scid  }
0x3: {  	s0 =	stileid.u32;
	s20 =	simm.s32 $0xC80;
	s21 =	simm.s32 $0x1900  }
0x4: {  	s22 =	simm.s32 $0x2580;
	s23 =	simm.s32 $0x3200;
	s24 =	simm.s32 $0x3E80  }
0x5: {  	s25 =	simm.s32 $0x1;
	s26 =	simm.s32 $0x2;
	s28 =	simm.s32 $0x0  }
0x6: {  	[smem:$0x7FF] =	sst s3;
	s4 =	sadd.s32 $0x6D600, s8;
	s9 =	sand.u32 $0x1, s5  }
0x7: {  	s10 =	smul.u32 $0x1880, s0;
	s5 =	sadd.s32 $0x9200, s8;
	s6 =	sadd.s32 $0x3B200, s8  }
0x8: {  	s7 =	sadd.s32 $0x6D200, s8;
	s29 =	smul.u32 $0xC800, s0;
	s30 =	sshll.u32 s0, $0x6  }
0x9: {  	_ =	strace $0x8000004D;
	s11 =	smul.u32 $0x18800, s9;
	s12 =	sshll.u32 s9, $0x4  }
0xa: {  	s13 =	ssub.s32 $0x2, s9;
	s15 =	smul.u32 $0xC8000, s9;
	s12 =	sor.u32 s0, s12  }
0xb: {  	s14 =	sshrl.u32 s13, $0x1;
	s18 =	sadd.s32 s10, s1;
	s11 =	sadd.s32 s10, s11  }
0xc: {  	s12 =	smul.u32 $0xC800, s12;
	s14 =	ssub.s32 s13, s14;
	s17 =	sadd.s32 s29, s15  }
0xd: {  	s18 =	sshrl.u32 s18, $0x3;
	s11 =	sshrl.u32 s11, $0x3;
	s31 =	sadd.s32 $0x2580, s17  }
0xe: {  	s14 =	smax.u32 s14, $0x1;
	s17 =	sadd.s32 $0x1900, s17;
	s16 =	sadd.s32 s11, s8  }
0xf: {  	s12 =	sshrl.u32 s12, $0x3;
	s8 =	sor.u32 $0x1C03, s30;
	s19 =	sshrl.u32 s31, $0x3  }
0x10: {  	s9 =	sadd.s32 s5, s12;
	s10 =	sadd.s32 s6, s12;
	s12 =	sadd.s32 $0x190, s12  }
0x11: {  	s13 =	sadd.s32 $0xD7800, s16;
	s15 =	sadd.s32 s19, s6;
	s16 =	sadd.s32 s19, s5  }
0x12: {  	s19 =	simm.s32 $0x3;
	s11 =	sadd.s32 s5, s12;
	s12 =	sadd.s32 s6, s12  }
.LBB2_1:
0x13: {  	[spmem:s18], [sflag:s8] =	dma.local [hbm:s7], $0x310  }
0x14: {  	_ =	swait.ge [sflag:s19], $0x310  }
0x15: {  	[sflag:s19] =	ssyncset.done $0x0  }
0x16: {  	[sflag:s19] =	ssyncadd.s32 $0xFFFFFCF0  }
0x17: {  	[bflag:$0x0] =	sbarrier.arrive $0xFFFF  }
0x18: {  	[tilespmem:s3], [sflag:$0x3] =	stream.linear.gather [hbm4b:s9+s3], $0xC80, $0x38;
	[tilespmem:$0x6380] =	vst v63  }
0x19: {  	_ =	swait.ge [sflag:s19], $0xC80  }
0x1a: {  	[sflag:s19] =	ssyncset.done $0x0  }
0x1b: {  	[sflag:s19] =	ssyncadd.s32 $0xFFFFF380  }
0x1c: {  	[tilespmem:s20], [sflag:$0x3] =	stream.linear.gather [hbm4b:s10+s3], $0xC80, $0x38;
	[tilespmem:$0x6380] =	vst v63  }
0x1d: {  	_ =	swait.ge [sflag:s19], $0xC80  }
0x1e: {  	[sflag:s19] =	ssyncset.done $0x0  }
0x1f: {  	[sflag:s19] =	ssyncadd.s32 $0xFFFFF380  }
0x20: {  	[tilespmem:s21], [sflag:$0x1] =	stream.indirect.gather [hbm4b:s4+s20], $0x1, s3, s20, $0xb8;
	[tilespmem:$0x6380] =	vst v63  }
0x21: {  	_ = 	snop  }
0x22: {  	[tilespmem:s22], [sflag:$0x3] =	stream.linear.gather [hbm4b:s11+s3], $0xC80, $0x38;
	[tilespmem:$0x6380] =	vst v63  }
0x23: {  	_ =	swait.ge [sflag:s19], $0xC80  }
0x24: {  	[sflag:s19] =	ssyncset.done $0x0  }
0x25: {  	[sflag:s19] =	ssyncadd.s32 $0xFFFFF380  }
0x26: {  	[tilespmem:s23], [sflag:$0x3] =	stream.linear.gather [hbm4b:s12+s3], $0xC80, $0x38;
	[tilespmem:$0x6380] =	vst v63  }
0x27: {  	_ =	swait.ge [sflag:s19], $0xC80  }
0x28: {  	[sflag:s19] =	ssyncset.done $0x0  }
0x29: {  	[sflag:s19] =	ssyncadd.s32 $0xFFFFF380  }
0x2a: {  	[tilespmem:s24], [sflag:$0x2] =	stream.indirect.gather [hbm4b:s4+s20], $0x1, s22, s20, $0xb8;
	[tilespmem:$0x6380] =	vst v63  }
0x2b: {  	_ =	swait.ge [sflag:s25], $0xC80  }
0x2c: {  	[sflag:s25] =	ssyncset.done $0x0  }
0x2d: {  	[sflag:s25] =	ssyncadd.s32 $0xFFFFF380  }
0x2e: {  	[spmem:s1] =	stream.indirect.scatter.add.f32 [tilespmem:s21], [sflag:$0x3], $0x1, s20, s20, $0xb8;
	[tilespmem:$0x6380] =	vst v63  }
0x2f: {  	_ =	swait.ge [sflag:s19], $0xC80  }
0x30: {  	s29 =	sshrl.u32 s17, $0x3;
	[sflag:s19] =	ssyncset.done $0x0  }
0x31: {  	s30 =	sadd.s32 s5, s29;
	[sflag:s19] =	ssyncadd.s32 $0xFFFFF380  }
0x32: {  	[tilespmem:s3], [sflag:$0x3] =	stream.linear.gather [hbm4b:s30+s3], $0xC80, $0x38;
	[tilespmem:$0x6380] =	vst v63  }
0x33: {  	_ =	swait.ge [sflag:s19], $0xC80  }
0x34: {  	[sflag:s19] =	ssyncset.done $0x0  }
0x35: {  	s29 =	sadd.s32 s6, s29;
	[sflag:s19] =	ssyncadd.s32 $0xFFFFF380  }
0x36: {  	[tilespmem:s20], [sflag:$0x3] =	stream.linear.gather [hbm4b:s29+s3], $0xC80, $0x38;
	[tilespmem:$0x6380] =	vst v63  }
0x37: {  	_ =	swait.ge [sflag:s19], $0xC80  }
0x38: {  	[sflag:s19] =	ssyncset.done $0x0  }
0x39: {  	[sflag:s19] =	ssyncadd.s32 $0xFFFFF380  }
0x3a: {  	[tilespmem:s21], [sflag:$0x1] =	stream.indirect.gather [hbm4b:s4+s20], $0x1, s3, s20, $0xb8;
	[tilespmem:$0x6380] =	vst v63  }
0x3b: {  	_ =	swait.ge [sflag:s26], $0xC80  }
0x3c: {  	[sflag:s26] =	ssyncset.done $0x0  }
0x3d: {  	[sflag:s26] =	ssyncadd.s32 $0xFFFFF380  }
0x3e: {  	[spmem:s1] =	stream.indirect.scatter.add.f32 [tilespmem:s24], [sflag:$0x3], $0x1, s23, s20, $0xb8;
	[tilespmem:$0x6380] =	vst v63  }
0x3f: {  	_ =	swait.ge [sflag:s19], $0xC80  }
0x40: {  	[sflag:s19] =	ssyncset.done $0x0  }
0x41: {  	s29 =	sadd.s32 $0x0, s16;
	[sflag:s19] =	ssyncadd.s32 $0xFFFFF380  }
0x42: {  	[tilespmem:s22], [sflag:$0x3] =	stream.linear.gather [hbm4b:s29+s3], $0xC80, $0x38;
	[tilespmem:$0x6380] =	vst v63  }
0x43: {  	_ =	swait.ge [sflag:s19], $0xC80  }
0x44: {  	[sflag:s19] =	ssyncset.done $0x0  }
0x45: {  	s29 =	sadd.s32 $0x0, s15;
	[sflag:s19] =	ssyncadd.s32 $0xFFFFF380  }
0x46: {  	[tilespmem:s23], [sflag:$0x3] =	stream.linear.gather [hbm4b:s29+s3], $0xC80, $0x38;
	[tilespmem:$0x6380] =	vst v63  }
0x47: {  	_ =	swait.ge [sflag:s19], $0xC80  }
0x48: {  	[sflag:s19] =	ssyncset.done $0x0  }
0x49: {  	s30 =	sadd.s32 $0x1900, s17;
	s29 =	simm.s32 $0x320;
	[sflag:s19] =	ssyncadd.s32 $0xFFFFF380  }
.LBB2_2:
0x4a: {  	[tilespmem:s24], [sflag:$0x2] =	stream.indirect.gather [hbm4b:s4+s20], $0x1, s22, s20, $0xb8;
	[tilespmem:$0x6380] =	vst v63  }
0x4b: {  	s31 =	smov.u32 s29  }
0x4c: {  	p0 =	sne.s32 s29, $0x12C0;
	s29 =	sadd.s32 $0x320, s29;
	_ =	swait.ge [sflag:s25], $0xC80  }
0x4d: {  	[sflag:s25] =	ssyncset.done $0x0  }
0x4e: {  	[sflag:s25] =	ssyncadd.s32 $0xFFFFF380  }
0x4f: {  	[spmem:s1] =	stream.indirect.scatter.add.f32 [tilespmem:s21], [sflag:$0x3], $0x1, s20, s20, $0xb8;
	[tilespmem:$0x6380] =	vst v63  }
0x50: {  	_ =	swait.ge [sflag:s19], $0xC80  }
0x51: {  	s0 =	sshrl.u32 s30, $0x3;
	[sflag:s19] =	ssyncset.done $0x0  }
0x52: {  	s2 =	sadd.s32 s5, s0;
	[sflag:s19] =	ssyncadd.s32 $0xFFFFF380  }
0x53: {  	[tilespmem:s3], [sflag:$0x3] =	stream.linear.gather [hbm4b:s2+s3], $0xC80, $0x38;
	[tilespmem:$0x6380] =	vst v63  }
0x54: {  	_ =	swait.ge [sflag:s19], $0xC80  }
0x55: {  	[sflag:s19] =	ssyncset.done $0x0  }
0x56: {  	s0 =	sadd.s32 s6, s0;
	[sflag:s19] =	ssyncadd.s32 $0xFFFFF380  }
0x57: {  	[tilespmem:s20], [sflag:$0x3] =	stream.linear.gather [hbm4b:s0+s3], $0xC80, $0x38;
	[tilespmem:$0x6380] =	vst v63  }
0x58: {  	_ =	swait.ge [sflag:s19], $0xC80  }
0x59: {  	[sflag:s19] =	ssyncset.done $0x0  }
0x5a: {  	[sflag:s19] =	ssyncadd.s32 $0xFFFFF380  }
0x5b: {  	[tilespmem:s21], [sflag:$0x1] =	stream.indirect.gather [hbm4b:s4+s20], $0x1, s3, s20, $0xb8;
	[tilespmem:$0x6380] =	vst v63  }
0x5c: {  	_ =	swait.ge [sflag:s26], $0xC80  }
0x5d: {  	[sflag:s26] =	ssyncset.done $0x0  }
0x5e: {  	[sflag:s26] =	ssyncadd.s32 $0xFFFFF380  }
0x5f: {  	[spmem:s1] =	stream.indirect.scatter.add.f32 [tilespmem:s24], [sflag:$0x3], $0x1, s23, s20, $0xb8;
	[tilespmem:$0x6380] =	vst v63  }
0x60: {  	_ =	swait.ge [sflag:s19], $0xC80  }
0x61: {  	[sflag:s19] =	ssyncset.done $0x0  }
0x62: {  	s0 =	sadd.s32 s31, s16;
	[sflag:s19] =	ssyncadd.s32 $0xFFFFF380  }
0x63: {  	[tilespmem:s22], [sflag:$0x3] =	stream.linear.gather [hbm4b:s0+s3], $0xC80, $0x38;
	[tilespmem:$0x6380] =	vst v63  }
0x64: {  	_ =	swait.ge [sflag:s19], $0xC80  }
0x65: {  	[sflag:s19] =	ssyncset.done $0x0  }
.Ltmp0:
0x66: {  	s0 =	sadd.s32 s31, s15;
	[sflag:s19] =	ssyncadd.s32 $0xFFFFF380;
	(pc) =	sbr.rel @p0 .LBB2_2-.Ltmp0, $4  }
0x67: {  	[tilespmem:s23], [sflag:$0x3] =	stream.linear.gather [hbm4b:s0+s3], $0xC80, $0x38;
	[tilespmem:$0x6380] =	vst v63  }
0x68: {  	_ =	swait.ge [sflag:s19], $0xC80  }
0x69: {  	[sflag:s19] =	ssyncset.done $0x0  }
0x6a: {  	s30 =	sadd.s32 $0x1900, s30;
	[sflag:s19] =	ssyncadd.s32 $0xFFFFF380  }
0x6b: {  	[tilespmem:s24], [sflag:$0x2] =	stream.indirect.gather [hbm4b:s4+s20], $0x1, s22, s20, $0xb8;
	[tilespmem:$0x6380] =	vst v63  }
0x6c: {  	_ =	swait.ge [sflag:s25], $0xC80  }
0x6d: {  	[sflag:s25] =	ssyncset.done $0x0  }
0x6e: {  	[sflag:s25] =	ssyncadd.s32 $0xFFFFF380  }
0x6f: {  	[spmem:s1] =	stream.indirect.scatter.add.f32 [tilespmem:s21], [sflag:$0x3], $0x1, s20, s20, $0xb8;
	[tilespmem:$0x6380] =	vst v63  }
0x70: {  	_ =	swait.ge [sflag:s19], $0xC80  }
0x71: {  	[sflag:s19] =	ssyncset.done $0x0  }
0x72: {  	[sflag:s19] =	ssyncadd.s32 $0xFFFFF380  }
0x73: {  	_ =	swait.ge [sflag:s26], $0xC80  }
0x74: {  	[sflag:s26] =	ssyncset.done $0x0  }
0x75: {  	[sflag:s26] =	ssyncadd.s32 $0xFFFFF380  }
0x76: {  	[spmem:s1] =	stream.indirect.scatter.add.f32 [tilespmem:s24], [sflag:$0x3], $0x1, s23, s20, $0xb8;
	[tilespmem:$0x6380] =	vst v63  }
0x77: {  	_ =	swait.ge [sflag:s19], $0xC80  }
0x78: {  	s28 =	sadd.s32 $0x1, s28;
	[sflag:s19] =	ssyncset.done $0x0  }
0x79: {  	p0 =	sne.s32 s28, s14;
	[sflag:s19] =	ssyncadd.s32 $0xFFFFF380  }
.Ltmp1:
0x7a: {  	[bflag:$0x0] =	sbarrier.arrive $0xFFFF;
	(pc) =	sbr.rel @p0 .LBB2_1-.Ltmp1, $4  }
0x7b: {  	[hbm:s13], [sflag:s8] =	dma.local [spmem:s18], $0x310  }
0x7c: {  	_ =	swait.ge [sflag:s19], $0x310  }
0x7d: {  	[sflag:s19] =	ssyncset.done $0x0  }
0x7e: {  	[sflag:s19] =	ssyncadd.s32 $0xFFFFFCF0  }
0x7f: {  	_ =	sfence.sel $0x180000  }
0x80: {  	[bflag:$0x0] =	sbarrier.arrive $0xFFFF  }
0x81: {  	_ =	strace $0x9000004D  }
0x82: {  	s0 =	stileid.u32;
	[bflag:$0x2] =	sbarrier.arrive $0xFFFF  }
0x83: {  	p0 =	sne.s32 s0, $0x0;
	s0 =	rddreg [dreg:$0x2]  }
0x84: {  	s0 =	sadd.s32 @!p0 $0x100000, s0  }
0x85: {  	[sflag:s0] =	ssyncadd.tile.s32 @!p0 $0x1;
	_ =	shalt  }
.Lfunc_end2:
_tile_overlayer_lowered:
.L_overlay_start_2:
0x86: {  	(tag) =	ssettag $0x2  }
0x87: {  	s0 =	rddreg [dreg:$0x0];
	s2 =	stileid.u32  }
0x88: {  	s1 =	rddreg [dreg:$0x1];
	p0 =	sne.s32 s2, $0x0  }
0x89: {  	s3 =	rddreg [dreg:$0x2];
	[bflag:$0x3] =	sbarrier.arrive $0xFFFF;
	s2 =	simm.s32 @!p0 $0x1C03  }
0x8a: {  	[timem:s3], [sflag:s2] =	dma.local @!p0 [hbm:s0], s1  }
0x8b: {  	s0 =	simm.s32 @!p0 $0x3  }
0x8c: {  	_ =	swait.ge @!p0 [sflag:s0], s1  }
0x8d: {  	s1 =	ssub.s32 @!p0 $0x0, s1;
	[sflag:s0] =	ssyncset.done @!p0 $0x0  }
0x8e: {  	[sflag:s0] =	ssyncadd.s32 @!p0 s1  }
0x8f: {  	[bflag:$0x3] =	sbarrier.arrive $0xFFFF  }
0x90: {  	_ =	shalt  }

// kernel: kernel.27.cloned.1.call-start
scs
__scs_entry_jumppad:
0x0: {  	(pc) =	sbr.rel $0x88, $3  }
0x1: {  	(tag) =	ssettag $0x0;
	lr =	simm.s32 $0x1  }
0x2: {  	[smem:$0x3F92] =	sst lr;
	_ =	strace $0xD0000000  }
0x3: {  	_ = 	snop  }
0x4: {  	_ = 	snop  }
0x5: {  	_ = 	snop  }
0x6: {  	_ = 	snop  }
0x7: {  	_ = 	snop  }
__scs_overlays_trampoline_lowered:
0x8: {  	[smem:$0x3FA1] =	sst s0  }
0x9: {  	[smem:$0x3FA2] =	sst s1  }
0xa: {  	[smem:$0x3FA3] =	sst s2  }
0xb: {  	[smem:$0x3FA4] =	sst s3  }
0xc: {  	[smem:$0x3FA5] =	sst s4  }
0xd: {  	[smem:$0x3FA6] =	sst s5  }
0xe: {  	[smem:$0x3FA7] =	sst s6  }
0xf: {  	[smem:$0x3FA8] =	sst s7  }
0x10: {  	[smem:$0x3FA9] =	sst s8  }
0x11: {  	[smem:$0x3FAA] =	sst s9;
	s0 =	simm.s32 @!p0 $0x0  }
0x12: {  	s1 =	sld [smem:$0x3F90];
	s0 =	simm.s32 @p0 $0x1  }
0x13: {  	[smem:$0x3FAB] =	sst s0;
	s0 =	simm.s32 @!p1 $0x0  }
0x14: {  	s2 =	sld [smem:$0x3F8F];
	s0 =	simm.s32 @p1 $0x1  }
0x15: {  	[smem:$0x3FAC] =	sst s0;
	s0 =	simm.s32 @!p2 $0x0  }
0x16: {  	s3 =	sld [smem:$0x3FDB];
	s0 =	simm.s32 @p2 $0x1  }
0x17: {  	s4 =	simm.s32 $0x1BF5;
	[smem:$0x3FAE] =	sst s0  }
0x18: {  	s0 =	sld [smem:$0x3F91];
	_ =	swait.ge [sflag:s4], $0x0  }
0x19: {  	s7 =	sld [smem:$0x3F92]  }
0x1a: {  	s8 =	sadd.s32 $0xFFFFE003, lr  }
0x1b: {  	s9 =	sadd.s32 $0xFFFFFEF7, lr;
	s5 =	simm.s32 $0xFFFFFFFF;
	p2 =	slt.u32 s8, $0xFFFFF086  }
0x1c: {  	p1 =	slt.u32 s9, $0xF7A;
	s5 =	simm.s32 @!p2 $0x0  }
0x1d: {  	s5 =	simm.s32 @p1 $0x1;
	p0 =	seq.s32 s7, s2  }
0x1e: {  	s7 =	smul.u32 @!p0 $0xF7A, s2;
	p2 =	seq.s32 @!p0 s5, $0x0  }
0x1f: {  	s9 =	smul.u32 $0xF7A, s1;
	s8 =	simm.s32 @!p0 $0x1BF5;
	p2 =	por !p2, p0  }
0x20: {  	[sflag:s8] =	ssyncset.s32 @!p0 $0xFFFFF086;
	s6 =	sadd.s32 @!p0 s3, s7;
	s7 =	simm.s32 @!p0 $0x108  }
0x21: {  	s3 =	sadd.s32 s3, s9;
	s6 =	sadd.s32 @!p0 $0x88, s6;
	s7 =	simm.s32 @p2 $0x1082  }
0x22: {  	[simem:s7], [sflag:s8] =	dma.local @!p0 [hbm:s6], $0xF7A  }
0x23: {  	s9 =	sor.u32 $0xD0000000, s2;
	s6 =	simm.s32 $0x108;
	_ =	swait.ge @!p0 [sflag:s8], $0x0  }
0x24: {  	s3 =	sadd.s32 $0x88, s3;
	s6 =	simm.s32 @!p1 $0x1082;
	[sflag:s4] =	ssyncset.s32 $0xFFFFF086  }
0x25: {  	[simem:s6], [sflag:s4] =	dma.local [hbm:s3], $0xF7A  }
0x26: {  	[smem:$0x3F92] =	sst s1;
	(tag) =	ssettag s2;
	_ =	strace s9  }
0x27: {  	s1 =	sld [smem:$0x3FA2]  }
0x28: {  	s2 =	sld [smem:$0x3FA3]  }
0x29: {  	s4 =	sld [smem:$0x3FA5]  }
0x2a: {  	p0 =	seq.s32 s5, $0x0;
	s5 =	sld [smem:$0x3FA6]  }
0x2b: {  	s6 =	sld [smem:$0x3FA7]  }
0x2c: {  	s7 =	sld [smem:$0x3FA8]  }
0x2d: {  	s3 =	simm.s32 $0x108;
	s8 =	sld [smem:$0x3FA9]  }
0x2e: {  	s3 =	simm.s32 @!p0 $0x1082;
	s9 =	sld [smem:$0x3FAA]  }
0x2f: {  	lr =	sadd.s32 s0, s3;
	s0 =	sld [smem:$0x3FA1]  }
0x30: {  	s3 =	sld [smem:$0x3FA4]  }
0x31: {  	[smem:$0x3FAD] =	sst s10  }
0x32: {  	s10 =	sld [smem:$0x3FAB];
	_ =	sdelay $0x3  }
0x33: {  	p0 =	seq.s32 s10, $0x1;
	s10 =	sld [smem:$0x3FAD];
	_ =	sdelay $0x3  }
0x34: {  	[smem:$0x3FAD] =	sst s10  }
0x35: {  	s10 =	sld [smem:$0x3FAC];
	_ =	sdelay $0x3  }
0x36: {  	p1 =	seq.s32 s10, $0x1;
	s10 =	sld [smem:$0x3FAD];
	_ =	sdelay $0x3  }
0x37: {  	[smem:$0x3FAD] =	sst s10  }
0x38: {  	s10 =	sld [smem:$0x3FAE]  }
0x39: {  	_ = 	snop;
	(pc) =	sbr.ind lr, $3  }
0x3a: {  	_ = 	snop  }
0x3b: {  	_ = 	snop  }
0x3c: {  	p2 =	seq.s32 s10, $0x1;
	s10 =	sld [smem:$0x3FAD]  }
0x3d: {  	_ =	shalt  }
0x3e: {  	_ =	shalt  }
0x3f: {  	_ =	shalt  }
0x40: {  	_ =	shalt  }
0x41: {  	_ =	shalt  }
0x42: {  	_ =	shalt  }
0x43: {  	_ =	shalt  }
0x44: {  	_ =	shalt  }
0x45: {  	_ =	shalt  }
0x46: {  	_ =	shalt  }
0x47: {  	_ =	shalt  }
0x48: {  	_ =	shalt  }
0x49: {  	_ =	shalt  }
0x4a: {  	_ =	shalt  }
0x4b: {  	_ =	shalt  }
0x4c: {  	_ =	shalt  }
0x4d: {  	_ =	shalt  }
0x4e: {  	_ =	shalt  }
0x4f: {  	_ =	shalt  }
0x50: {  	_ =	shalt  }
0x51: {  	_ =	shalt  }
0x52: {  	_ =	shalt  }
0x53: {  	_ =	shalt  }
0x54: {  	_ =	shalt  }
0x55: {  	_ =	shalt  }
0x56: {  	_ =	shalt  }
0x57: {  	_ =	shalt  }
0x58: {  	_ =	shalt  }
0x59: {  	_ =	shalt  }
0x5a: {  	_ =	shalt  }
0x5b: {  	_ =	shalt  }
0x5c: {  	_ =	shalt  }
0x5d: {  	_ =	shalt  }
0x5e: {  	_ =	shalt  }
0x5f: {  	_ =	shalt  }
0x60: {  	_ =	shalt  }
0x61: {  	_ =	shalt  }
0x62: {  	_ =	shalt  }
0x63: {  	_ =	shalt  }
0x64: {  	_ =	shalt  }
0x65: {  	_ =	shalt  }
0x66: {  	_ =	shalt  }
0x67: {  	_ =	shalt  }
0x68: {  	_ =	shalt  }
0x69: {  	_ =	shalt  }
0x6a: {  	_ =	shalt  }
0x6b: {  	_ =	shalt  }
0x6c: {  	_ =	shalt  }
0x6d: {  	_ =	shalt  }
0x6e: {  	_ =	shalt  }
0x6f: {  	_ =	shalt  }
0x70: {  	_ =	shalt  }
0x71: {  	_ =	shalt  }
0x72: {  	_ =	shalt  }
0x73: {  	_ =	shalt  }
0x74: {  	_ =	shalt  }
0x75: {  	_ =	shalt  }
0x76: {  	_ =	shalt  }
0x77: {  	_ =	shalt  }
0x78: {  	_ =	shalt  }
0x79: {  	_ =	shalt  }
0x7a: {  	_ =	shalt  }
0x7b: {  	_ =	shalt  }
0x7c: {  	_ =	shalt  }
0x7d: {  	_ =	shalt  }
0x7e: {  	_ =	shalt  }
0x7f: {  	_ =	shalt  }
0x80: {  	_ =	shalt  }
0x81: {  	_ =	shalt  }
0x82: {  	_ =	shalt  }
0x83: {  	_ =	shalt  }
0x84: {  	_ =	shalt  }
0x85: {  	_ =	shalt  }
0x86: {  	_ =	shalt  }
0x87: {  	_ =	shalt  }
.Lfunc_end0:
.L_simem_size_0:
called_computation.3_lowered:
.L_overlay_start_0:
0x88: {  	s2 =	sld [smem:$0x3FD9]  }
0x89: {  	s3 =	sld [smem:$0x3FFE];
	_ =	sdelay $0x1  }
0x8a: {  	s1 =	srdreg.scid  }
0x8b: {  	s0 =	sand.u32 $0x1, s1  }
0x8c: {  	s16 =	sshll.u32 s0, $0xA;
	s2 =	sadd.s32 s3, s2  }
0x8d: {  	s2 =	sadd.s32 s2, s16  }
0x8e: {  	[smem:$0x3FB9] =	sst s2  }
0x8f: {  	_ = 	snop  }
0x90: {  	(tm) =	ssettm $0x1  }
0x91: {  	s17 =	sld [smem:$0x3FFB];
	_ =	sdelay $0x3  }
0x92: {  	_ =	strace s17  }
0x93: {  	s2 =	sld [smem:$0x3FFC];
	_ =	sdelay $0x3  }
0x94: {  	_ =	strace s2  }
0x95: {  	s2 =	sld [smem:$0x3FFD];
	_ =	sdelay $0x3  }
0x96: {  	_ =	strace s2  }
0x97: {  	_ =	strace $0x8FFFFFFF  }
0x98: {  	s18 =	sld [smem:$0x3FDB];
	_ =	sdelay $0x1  }
0x99: {  	s19 =	simm.s32 $_scs_section_size  }
0x9a: {  	s4 =	simm.s32 $_size__tile_overlayer_lowered;
	s5 =	simm.s32 $_tile_overlayer_lowered  }
0x9b: {  	s22 =	simm.s32 $0x1BFF;
	s21 =	sshll.u32 s5, $0x1;
	s2 =	sadd.s32 s19, s18  }
0x9c: {  	s6 =	simm.s32 $0x0;
	s20 =	sshll.u32 s4, $0x1;
	s4 =	sadd.s32 s21, s2  }
0x9d: {  	[timem:s6], [sflag:s22] =	dma.local [hbm:s4], s20  }
0x9e: {  	_ =	swait.ge [sflag:s22], s20  }
0x9f: {  	s3 =	ssub.s32 $0x0, s20;
	[sflag:s22] =	ssyncset.done $0x0  }
0xa0: {  	[sflag:s22] =	ssyncadd.s32 s3;
	_ =	sdelay $0x1  }
0xa1: {  	s23 =	simm.s32 $0x1B8B  }
0xa2: {  	_ =	swait.ge [sflag:s23], $0x1  }
0xa3: {  	[sflag:s23] =	ssyncset.done $0x0  }
0xa4: {  	s25 =	simm.s32 $0x1B8E;
	s24 =	sld [smem:$0x3FFE];
	[sflag:s23] =	ssyncadd.s32 $0xFFFFFFFF  }
0xa5: {  	s26 =	simm.s32 $execute0_lowered;
	[smem:$0x3FD2] =	sst s25  }
0xa6: {  	s4 =	sshll.u32 s26, $0x1;
	_ =	strace $0x8000004F;
	[dreg:$0x1] =	wrdreg $0xFFFFFFFF  }
0xa7: {  	s28 =	simm.s32 $_size_execute0_lowered;
	s2 =	sadd.s32 s2, s4;
	[dreg:$0x0] =	wrdreg $0x0  }
0xa8: {  	s4 =	sshll.u32 s28, $0x1;
	[dreg:$0x2] =	wrdreg s2  }
0xa9: {  	[dreg:$0x3] =	wrdreg s4  }
0xaa: {  	[dreg:$0x4] =	wrdreg $0xC0  }
0xab: {  	_ =	task [dreg:s6], $0x5FFFF  }
0xac: {  	[dreg:$0x1] =	wrdreg $0xFFFFFFFF  }
0xad: {  	[dreg:$0x0] =	wrdreg $0x60  }
0xae: {  	[dreg:$0x2] =	wrdreg s24  }
0xaf: {  	[dreg:$0x3] =	wrdreg $0x70800  }
0xb0: {  	[dreg:$0x4] =	wrdreg $0x9  }
0xb1: {  	_ =	task.clear_ibuf [dreg:s6], $0x5FFFF;
	_ =	strace $0x9000004F  }
0xb2: {  	s29 =	simm.s32 $0x9;
	_ =	strace $0x80000051  }
0xb3: {  	_ =	swait.ge [sflag:s29], $0x1  }
0xb4: {  	[sflag:s29] =	ssyncadd.s32 $0xFFFFFFFF  }
0xb5: {  	_ =	strace $0x90000051  }
0xb6: {  	_ =	sfence  }
0xb7: {  	s30 =	sld [smem:$0x0];
	_ =	sdelay $0x2  }
0xb8: {  	s31 =	sshll.u32 s1, $0xD;
	s1 =	sshrl.u32 s1, $0x2  }
0xb9: {  	s3 =	sand.u32 $0x4000, s31;
	s1 =	sadd.s32 s1, s30  }
0xba: {  	s0 =	sor.u32 s3, s0;
	s1 =	sshll.u32 s1, $0x11  }
0xbb: {  	s0 =	sor.u32 s1, s0  }
0xbc: {  	s0 =	sadd.s32 $0x8F2B, s0  }
0xbd: {  	[sflag:s0] =	ssyncadd.remote.s32 $0x1  }
0xbe: {  	_ =	sfence.sel $0xFFFF  }
0xbf: {  	[dreg:$0x0] =	wrdreg $0xFFFFFFFF;
	(pc) =	sbr.abs _section_cstart, $3  }
0xc0: {  	[dreg:$0x1] =	wrdreg $0xFFFFFFFF  }
0xc1: {  	_ =	task.clear_ibuf [dreg:s6], $0x2FFFF;
	_ =	strace $0x9FFFFFFF  }
0xc2: {  	(tm) =	ssettm $0x7FFFFFFF  }
0xc3: {  	_ =	shalt  }
tec
execute0_lowered:
.L_overlay_start_1:
0x0: {  	(tag) =	ssettag $0x1  }
0x1: {  	s6 =	rddreg [dreg:$0x0]  }
0x2: {  	s2 =	rddreg [dreg:$0x1]  }
0x3: {  	s0 =	rddreg [dreg:$0x2]  }
0x4: {  	s4 =	srdreg.scid;
	s1 =	stileid.u32;
	s3 =	simm.s32 $0x0  }
0x5: {  	s19 =	simm.s32 $0x640;
	s20 =	simm.s32 $0x3840;
	s21 =	simm.s32 $0x3B60  }
0x6: {  	s22 =	simm.s32 $0x3E80;
	s23 =	simm.s32 $0x1;
	s5 =	smul.u32 $0x3100, s1  }
0x7: {  	s7 =	sand.u32 $0x1, s4;
	[smem:$0x7FF] =	sst s3;
	s9 =	smul.u32 $0x62000, s1  }
0x8: {  	s4 =	sadd.s32 $0x3E7800, s6;
	s15 =	sadd.s32 $0x73800, s6;
	s10 =	smul.u32 $0x19000, s1  }
0x9: {  	s13 =	sadd.s32 $0x3B200, s6;
	s28 =	sshll.u32 s1, $0x6;
	s18 =	smul.u32 $0x3200, s1  }
0xa: {  	s8 =	smul.u32 $0x31000, s7;
	_ =	strace $0x80000050;
	s24 =	ssub.s32 $0x2, s7  }
0xb: {  	s11 =	smul.u32 $0x190000, s7;
	s7 =	sshrl.u32 s24, $0x1;
	s25 =	sshrl.u32 s9, $0x2  }
0xc: {  	s29 =	sshrl.u32 s10, $0x3;
	s8 =	sadd.s32 s5, s8;
	s5 =	sadd.s32 $0x6000, s6  }
0xd: {  	s14 =	sadd.s32 s10, s11;
	s16 =	ssub.s32 s24, s7;
	s17 =	sadd.s32 s25, s2  }
0xe: {  	s7 =	sor.u32 $0x1C03, s28;
	s24 =	simm.s32 $0x2;
	s25 =	simm.s32 $0x0  }
0xf: {  	s12 =	sadd.s32 s8, s6;
	s26 =	sshrl.u32 s14, $0x3;
	s8 =	sadd.s32 s13, s29  }
0x10: {  	s30 =	sor.u32 $0x960, s14;
	s14 =	sor.u32 $0x640, s14;
	s13 =	sadd.s32 s18, s13  }
0x11: {  	s18 =	simm.s32 $0x320;
	s6 =	sadd.s32 s15, s26;
	s10 =	sadd.s32 $0x64, s8  }
0x12: {  	s11 =	sadd.s32 $0x449800, s12;
	s12 =	smax.u32 s16, $0x1;
	s16 =	sshrl.u32 s30, $0x3  }
0x13: {  	s31 =	sshrl.u32 s14, $0x3;
	s9 =	sadd.s32 $0x64, s6;
	s14 =	sadd.s32 s16, s15  }
0x14: {  	s15 =	sadd.s32 s31, s15;
	s16 =	sshrl.u32 s17, $0x3;
	s17 =	simm.s32 $0x3  }
.LBB2_1:
0x15: {  	[spmem:s16], [sflag:s7] =	dma.local [hbm:s5], $0x3100  }
0x16: {  	_ =	swait.ge [sflag:s17], $0x3100  }
0x17: {  	[sflag:s17] =	ssyncset.done $0x0  }
0x18: {  	[sflag:s17] =	ssyncadd.s32 $0xFFFFCF00  }
0x19: {  	[bflag:$0x0] =	sbarrier.arrive $0xFFFF  }
0x1a: {  	[tilespmem:s3], [sflag:$0x3] =	stream.linear.gather [hbm4b:s6+s3], $0x320, $0x38;
	[tilespmem:$0x1F880] =	vst v63  }
0x1b: {  	_ =	swait.ge [sflag:s17], $0x320  }
0x1c: {  	[sflag:s17] =	ssyncset.done $0x0  }
0x1d: {  	[sflag:s17] =	ssyncadd.s32 $0xFFFFFCE0  }
0x1e: {  	[tilespmem:s18], [sflag:$0x3] =	stream.linear.gather [hbm4b:s8+s3], $0x320, $0x38;
	[tilespmem:$0x1F880] =	vst v63  }
0x1f: {  	_ =	swait.ge [sflag:s17], $0x320  }
0x20: {  	[sflag:s17] =	ssyncset.done $0x0  }
0x21: {  	[sflag:s17] =	ssyncadd.s32 $0xFFFFFCE0  }
0x22: {  	[tilespmem:s19], [sflag:$0x1] =	stream.indirect.gather [hbm4b:s4+s18], $0x10, s3, s18, $0xb8;
	[tilespmem:$0x1F880] =	vst v63  }
0x23: {  	_ = 	snop  }
0x24: {  	[tilespmem:s20], [sflag:$0x3] =	stream.linear.gather [hbm4b:s9+s3], $0x320, $0x38;
	[tilespmem:$0x1F880] =	vst v63  }
0x25: {  	_ =	swait.ge [sflag:s17], $0x320  }
0x26: {  	[sflag:s17] =	ssyncset.done $0x0  }
0x27: {  	[sflag:s17] =	ssyncadd.s32 $0xFFFFFCE0  }
0x28: {  	[tilespmem:s21], [sflag:$0x3] =	stream.linear.gather [hbm4b:s10+s3], $0x320, $0x38;
	[tilespmem:$0x1F880] =	vst v63  }
0x29: {  	_ =	swait.ge [sflag:s17], $0x320  }
0x2a: {  	[sflag:s17] =	ssyncset.done $0x0  }
0x2b: {  	[sflag:s17] =	ssyncadd.s32 $0xFFFFFCE0  }
0x2c: {  	[tilespmem:s22], [sflag:$0x2] =	stream.indirect.gather [hbm4b:s4+s18], $0x10, s20, s18, $0xb8;
	[tilespmem:$0x1F880] =	vst v63  }
0x2d: {  	_ =	swait.ge [sflag:s23], $0x3200  }
0x2e: {  	[sflag:s23] =	ssyncset.done $0x0  }
0x2f: {  	[sflag:s23] =	ssyncadd.s32 $0xFFFFCE00  }
0x30: {  	[spmem:s2] =	stream.indirect.scatter.add.f32 [tilespmem:s19], [sflag:$0x3], $0x10, s18, s18, $0xb8;
	[tilespmem:$0x1F880] =	vst v63  }
0x31: {  	_ =	swait.ge [sflag:s17], $0x3200  }
0x32: {  	[sflag:s17] =	ssyncset.done $0x0  }
0x33: {  	s26 =	sadd.s32 $0x0, s15;
	[sflag:s17] =	ssyncadd.s32 $0xFFFFCE00  }
0x34: {  	[tilespmem:s3], [sflag:$0x3] =	stream.linear.gather [hbm4b:s26+s3], $0x320, $0x38;
	[tilespmem:$0x1F880] =	vst v63  }
0x35: {  	_ =	swait.ge [sflag:s17], $0x320  }
0x36: {  	s30 =	sadd.s32 $0x0, s13;
	[sflag:s17] =	ssyncset.done $0x0  }
0x37: {  	s28 =	sadd.s32 $0xC8, s30;
	[sflag:s17] =	ssyncadd.s32 $0xFFFFFCE0  }
0x38: {  	[tilespmem:s18], [sflag:$0x3] =	stream.linear.gather [hbm4b:s28+s3], $0x320, $0x38;
	[tilespmem:$0x1F880] =	vst v63  }
0x39: {  	_ =	swait.ge [sflag:s17], $0x320  }
0x3a: {  	[sflag:s17] =	ssyncset.done $0x0  }
0x3b: {  	[sflag:s17] =	ssyncadd.s32 $0xFFFFFCE0  }
0x3c: {  	[tilespmem:s19], [sflag:$0x1] =	stream.indirect.gather [hbm4b:s4+s18], $0x10, s3, s18, $0xb8;
	[tilespmem:$0x1F880] =	vst v63  }
0x3d: {  	_ =	swait.ge [sflag:s24], $0x3200  }
0x3e: {  	[sflag:s24] =	ssyncset.done $0x0  }
0x3f: {  	[sflag:s24] =	ssyncadd.s32 $0xFFFFCE00  }
0x40: {  	[spmem:s2] =	stream.indirect.scatter.add.f32 [tilespmem:s22], [sflag:$0x3], $0x10, s21, s18, $0xb8;
	[tilespmem:$0x1F880] =	vst v63  }
0x41: {  	_ =	swait.ge [sflag:s17], $0x3200  }
0x42: {  	[sflag:s17] =	ssyncset.done $0x0  }
0x43: {  	s31 =	sadd.s32 $0x0, s14;
	[sflag:s17] =	ssyncadd.s32 $0xFFFFCE00  }
0x44: {  	[tilespmem:s20], [sflag:$0x3] =	stream.linear.gather [hbm4b:s31+s3], $0x320, $0x38;
	[tilespmem:$0x1F880] =	vst v63  }
0x45: {  	_ =	swait.ge [sflag:s17], $0x320  }
0x46: {  	[sflag:s17] =	ssyncset.done $0x0  }
0x47: {  	s26 =	sadd.s32 $0x12C, s30;
	[sflag:s17] =	ssyncadd.s32 $0xFFFFFCE0  }
0x48: {  	[tilespmem:s21], [sflag:$0x3] =	stream.linear.gather [hbm4b:s26+s3], $0x320, $0x38;
	[tilespmem:$0x1F880] =	vst v63  }
0x49: {  	_ =	swait.ge [sflag:s17], $0x320  }
0x4a: {  	[sflag:s17] =	ssyncset.done $0x0  }
0x4b: {  	s26 =	simm.s32 $0xC8;
	[sflag:s17] =	ssyncadd.s32 $0xFFFFFCE0  }
.LBB2_2:
0x4c: {  	[tilespmem:s22], [sflag:$0x2] =	stream.indirect.gather [hbm4b:s4+s18], $0x10, s20, s18, $0xb8;
	[tilespmem:$0x1F880] =	vst v63  }
0x4d: {  	s28 =	smov.u32 s26  }
0x4e: {  	p0 =	sne.s32 s26, $0x3070;
	s26 =	sadd.s32 $0xC8, s26;
	_ =	swait.ge [sflag:s23], $0x3200  }
0x4f: {  	[sflag:s23] =	ssyncset.done $0x0  }
0x50: {  	[sflag:s23] =	ssyncadd.s32 $0xFFFFCE00  }
0x51: {  	[spmem:s2] =	stream.indirect.scatter.add.f32 [tilespmem:s19], [sflag:$0x3], $0x10, s18, s18, $0xb8;
	[tilespmem:$0x1F880] =	vst v63  }
0x52: {  	_ =	swait.ge [sflag:s17], $0x3200  }
0x53: {  	[sflag:s17] =	ssyncset.done $0x0  }
0x54: {  	s29 =	sadd.s32 s28, s15;
	[sflag:s17] =	ssyncadd.s32 $0xFFFFCE00  }
0x55: {  	[tilespmem:s3], [sflag:$0x3] =	stream.linear.gather [hbm4b:s29+s3], $0x320, $0x38;
	[tilespmem:$0x1F880] =	vst v63  }
0x56: {  	_ =	swait.ge [sflag:s17], $0x320  }
0x57: {  	s29 =	sadd.s32 s28, s13;
	[sflag:s17] =	ssyncset.done $0x0  }
0x58: {  	s30 =	sadd.s32 $0xC8, s29;
	[sflag:s17] =	ssyncadd.s32 $0xFFFFFCE0  }
0x59: {  	[tilespmem:s18], [sflag:$0x3] =	stream.linear.gather [hbm4b:s30+s3], $0x320, $0x38;
	[tilespmem:$0x1F880] =	vst v63  }
0x5a: {  	_ =	swait.ge [sflag:s17], $0x320  }
0x5b: {  	[sflag:s17] =	ssyncset.done $0x0  }
0x5c: {  	[sflag:s17] =	ssyncadd.s32 $0xFFFFFCE0  }
0x5d: {  	[tilespmem:s19], [sflag:$0x1] =	stream.indirect.gather [hbm4b:s4+s18], $0x10, s3, s18, $0xb8;
	[tilespmem:$0x1F880] =	vst v63  }
0x5e: {  	_ =	swait.ge [sflag:s24], $0x3200  }
0x5f: {  	[sflag:s24] =	ssyncset.done $0x0  }
0x60: {  	[sflag:s24] =	ssyncadd.s32 $0xFFFFCE00  }
0x61: {  	[spmem:s2] =	stream.indirect.scatter.add.f32 [tilespmem:s22], [sflag:$0x3], $0x10, s21, s18, $0xb8;
	[tilespmem:$0x1F880] =	vst v63  }
0x62: {  	_ =	swait.ge [sflag:s17], $0x3200  }
0x63: {  	[sflag:s17] =	ssyncset.done $0x0  }
0x64: {  	s28 =	sadd.s32 s28, s14;
	[sflag:s17] =	ssyncadd.s32 $0xFFFFCE00  }
0x65: {  	[tilespmem:s20], [sflag:$0x3] =	stream.linear.gather [hbm4b:s28+s3], $0x320, $0x38;
	[tilespmem:$0x1F880] =	vst v63  }
0x66: {  	_ =	swait.ge [sflag:s17], $0x320  }
0x67: {  	[sflag:s17] =	ssyncset.done $0x0  }
.Ltmp0:
0x68: {  	s28 =	sadd.s32 $0x12C, s29;
	[sflag:s17] =	ssyncadd.s32 $0xFFFFFCE0;
	(pc) =	sbr.rel @p0 .LBB2_2-.Ltmp0, $4  }
0x69: {  	[tilespmem:s21], [sflag:$0x3] =	stream.linear.gather [hbm4b:s28+s3], $0x320, $0x38;
	[tilespmem:$0x1F880] =	vst v63  }
0x6a: {  	_ =	swait.ge [sflag:s17], $0x320  }
0x6b: {  	[sflag:s17] =	ssyncset.done $0x0  }
0x6c: {  	[sflag:s17] =	ssyncadd.s32 $0xFFFFFCE0  }
0x6d: {  	[tilespmem:s22], [sflag:$0x2] =	stream.indirect.gather [hbm4b:s4+s18], $0x10, s20, s18, $0xb8;
	[tilespmem:$0x1F880] =	vst v63  }
0x6e: {  	_ =	swait.ge [sflag:s23], $0x3200  }
0x6f: {  	[sflag:s23] =	ssyncset.done $0x0  }
0x70: {  	[sflag:s23] =	ssyncadd.s32 $0xFFFFCE00  }
0x71: {  	[spmem:s2] =	stream.indirect.scatter.add.f32 [tilespmem:s19], [sflag:$0x3], $0x10, s18, s18, $0xb8;
	[tilespmem:$0x1F880] =	vst v63  }
0x72: {  	_ =	swait.ge [sflag:s17], $0x3200  }
0x73: {  	[sflag:s17] =	ssyncset.done $0x0  }
0x74: {  	[sflag:s17] =	ssyncadd.s32 $0xFFFFCE00  }
0x75: {  	_ =	swait.ge [sflag:s24], $0x3200  }
0x76: {  	[sflag:s24] =	ssyncset.done $0x0  }
0x77: {  	[sflag:s24] =	ssyncadd.s32 $0xFFFFCE00  }
0x78: {  	[spmem:s2] =	stream.indirect.scatter.add.f32 [tilespmem:s22], [sflag:$0x3], $0x10, s21, s18, $0xb8;
	[tilespmem:$0x1F880] =	vst v63  }
0x79: {  	_ =	swait.ge [sflag:s17], $0x3200  }
0x7a: {  	s25 =	sadd.s32 $0x1, s25;
	[sflag:s17] =	ssyncset.done $0x0  }
0x7b: {  	p0 =	sne.s32 s25, s12;
	[sflag:s17] =	ssyncadd.s32 $0xFFFFCE00  }
.Ltmp1:
0x7c: {  	[bflag:$0x0] =	sbarrier.arrive $0xFFFF;
	(pc) =	sbr.rel @p0 .LBB2_1-.Ltmp1, $4  }
0x7d: {  	[hbm:s11], [sflag:s7] =	dma.local [spmem:s16], $0x3100  }
0x7e: {  	_ =	swait.ge [sflag:s17], $0x3100  }
0x7f: {  	[sflag:s17] =	ssyncset.done $0x0  }
0x80: {  	[sflag:s17] =	ssyncadd.s32 $0xFFFFCF00  }
0x81: {  	_ =	sfence.sel $0x180000  }
0x82: {  	[bflag:$0x0] =	sbarrier.arrive $0xFFFF  }
0x83: {  	p0 =	sne.s32 s1, $0x0;
	_ =	strace $0x90000050  }
0x84: {  	s0 =	sadd.s32 @!p0 $0x100000, s0;
	[bflag:$0x2] =	sbarrier.arrive $0xFFFF  }
0x85: {  	[sflag:s0] =	ssyncadd.tile.s32 @!p0 $0x1;
	_ =	shalt  }
.Lfunc_end2:
_tile_overlayer_lowered:
.L_overlay_start_2:
0x86: {  	(tag) =	ssettag $0x2  }
0x87: {  	s0 =	rddreg [dreg:$0x0];
	s2 =	stileid.u32  }
0x88: {  	s1 =	rddreg [dreg:$0x1];
	p0 =	sne.s32 s2, $0x0  }
0x89: {  	s3 =	rddreg [dreg:$0x2];
	[bflag:$0x3] =	sbarrier.arrive $0xFFFF;
	s2 =	simm.s32 @!p0 $0x1C03  }
0x8a: {  	[timem:s3], [sflag:s2] =	dma.local @!p0 [hbm:s0], s1  }
0x8b: {  	s0 =	simm.s32 @!p0 $0x3  }
0x8c: {  	_ =	swait.ge @!p0 [sflag:s0], s1  }
0x8d: {  	s1 =	ssub.s32 @!p0 $0x0, s1;
	[sflag:s0] =	ssyncset.done @!p0 $0x0  }
0x8e: {  	[sflag:s0] =	ssyncadd.s32 @!p0 s1  }
0x8f: {  	[bflag:$0x3] =	sbarrier.arrive $0xFFFF  }
0x90: {  	_ =	shalt  }

// kernel: kernel.30.cloned.1.call-start
scs
__scs_entry_jumppad:
0x0: {  	(pc) =	sbr.rel $0x88, $3  }
0x1: {  	(tag) =	ssettag $0x0;
	lr =	simm.s32 $0x1  }
0x2: {  	[smem:$0x3F92] =	sst lr;
	_ =	strace $0xD0000000  }
0x3: {  	_ = 	snop  }
0x4: {  	_ = 	snop  }
0x5: {  	_ = 	snop  }
0x6: {  	_ = 	snop  }
0x7: {  	_ = 	snop  }
__scs_overlays_trampoline_lowered:
0x8: {  	[smem:$0x3FA1] =	sst s0  }
0x9: {  	[smem:$0x3FA2] =	sst s1  }
0xa: {  	[smem:$0x3FA3] =	sst s2  }
0xb: {  	[smem:$0x3FA4] =	sst s3  }
0xc: {  	[smem:$0x3FA5] =	sst s4  }
0xd: {  	[smem:$0x3FA6] =	sst s5  }
0xe: {  	[smem:$0x3FA7] =	sst s6  }
0xf: {  	[smem:$0x3FA8] =	sst s7  }
0x10: {  	[smem:$0x3FA9] =	sst s8  }
0x11: {  	[smem:$0x3FAA] =	sst s9;
	s0 =	simm.s32 @!p0 $0x0  }
0x12: {  	s1 =	sld [smem:$0x3F90];
	s0 =	simm.s32 @p0 $0x1  }
0x13: {  	[smem:$0x3FAB] =	sst s0;
	s0 =	simm.s32 @!p1 $0x0  }
0x14: {  	s2 =	sld [smem:$0x3F8F];
	s0 =	simm.s32 @p1 $0x1  }
0x15: {  	[smem:$0x3FAC] =	sst s0;
	s0 =	simm.s32 @!p2 $0x0  }
0x16: {  	s3 =	sld [smem:$0x3FDB];
	s0 =	simm.s32 @p2 $0x1  }
0x17: {  	s4 =	simm.s32 $0x1BF5;
	[smem:$0x3FAE] =	sst s0  }
0x18: {  	s0 =	sld [smem:$0x3F91];
	_ =	swait.ge [sflag:s4], $0x0  }
0x19: {  	s7 =	sld [smem:$0x3F92]  }
0x1a: {  	s8 =	sadd.s32 $0xFFFFE003, lr  }
0x1b: {  	s9 =	sadd.s32 $0xFFFFFEF7, lr;
	s5 =	simm.s32 $0xFFFFFFFF;
	p2 =	slt.u32 s8, $0xFFFFF086  }
0x1c: {  	p1 =	slt.u32 s9, $0xF7A;
	s5 =	simm.s32 @!p2 $0x0  }
0x1d: {  	s5 =	simm.s32 @p1 $0x1;
	p0 =	seq.s32 s7, s2  }
0x1e: {  	s7 =	smul.u32 @!p0 $0xF7A, s2;
	p2 =	seq.s32 @!p0 s5, $0x0  }
0x1f: {  	s9 =	smul.u32 $0xF7A, s1;
	s8 =	simm.s32 @!p0 $0x1BF5;
	p2 =	por !p2, p0  }
0x20: {  	[sflag:s8] =	ssyncset.s32 @!p0 $0xFFFFF086;
	s6 =	sadd.s32 @!p0 s3, s7;
	s7 =	simm.s32 @!p0 $0x108  }
0x21: {  	s3 =	sadd.s32 s3, s9;
	s6 =	sadd.s32 @!p0 $0x88, s6;
	s7 =	simm.s32 @p2 $0x1082  }
0x22: {  	[simem:s7], [sflag:s8] =	dma.local @!p0 [hbm:s6], $0xF7A  }
0x23: {  	s9 =	sor.u32 $0xD0000000, s2;
	s6 =	simm.s32 $0x108;
	_ =	swait.ge @!p0 [sflag:s8], $0x0  }
0x24: {  	s3 =	sadd.s32 $0x88, s3;
	s6 =	simm.s32 @!p1 $0x1082;
	[sflag:s4] =	ssyncset.s32 $0xFFFFF086  }
0x25: {  	[simem:s6], [sflag:s4] =	dma.local [hbm:s3], $0xF7A  }
0x26: {  	[smem:$0x3F92] =	sst s1;
	(tag) =	ssettag s2;
	_ =	strace s9  }
0x27: {  	s1 =	sld [smem:$0x3FA2]  }
0x28: {  	s2 =	sld [smem:$0x3FA3]  }
0x29: {  	s4 =	sld [smem:$0x3FA5]  }
0x2a: {  	p0 =	seq.s32 s5, $0x0;
	s5 =	sld [smem:$0x3FA6]  }
0x2b: {  	s6 =	sld [smem:$0x3FA7]  }
0x2c: {  	s7 =	sld [smem:$0x3FA8]  }
0x2d: {  	s3 =	simm.s32 $0x108;
	s8 =	sld [smem:$0x3FA9]  }
0x2e: {  	s3 =	simm.s32 @!p0 $0x1082;
	s9 =	sld [smem:$0x3FAA]  }
0x2f: {  	lr =	sadd.s32 s0, s3;
	s0 =	sld [smem:$0x3FA1]  }
0x30: {  	s3 =	sld [smem:$0x3FA4]  }
0x31: {  	[smem:$0x3FAD] =	sst s10  }
0x32: {  	s10 =	sld [smem:$0x3FAB];
	_ =	sdelay $0x3  }
0x33: {  	p0 =	seq.s32 s10, $0x1;
	s10 =	sld [smem:$0x3FAD];
	_ =	sdelay $0x3  }
0x34: {  	[smem:$0x3FAD] =	sst s10  }
0x35: {  	s10 =	sld [smem:$0x3FAC];
	_ =	sdelay $0x3  }
0x36: {  	p1 =	seq.s32 s10, $0x1;
	s10 =	sld [smem:$0x3FAD];
	_ =	sdelay $0x3  }
0x37: {  	[smem:$0x3FAD] =	sst s10  }
0x38: {  	s10 =	sld [smem:$0x3FAE]  }
0x39: {  	_ = 	snop;
	(pc) =	sbr.ind lr, $3  }
0x3a: {  	_ = 	snop  }
0x3b: {  	_ = 	snop  }
0x3c: {  	p2 =	seq.s32 s10, $0x1;
	s10 =	sld [smem:$0x3FAD]  }
0x3d: {  	_ =	shalt  }
0x3e: {  	_ =	shalt  }
0x3f: {  	_ =	shalt  }
0x40: {  	_ =	shalt  }
0x41: {  	_ =	shalt  }
0x42: {  	_ =	shalt  }
0x43: {  	_ =	shalt  }
0x44: {  	_ =	shalt  }
0x45: {  	_ =	shalt  }
0x46: {  	_ =	shalt  }
0x47: {  	_ =	shalt  }
0x48: {  	_ =	shalt  }
0x49: {  	_ =	shalt  }
0x4a: {  	_ =	shalt  }
0x4b: {  	_ =	shalt  }
0x4c: {  	_ =	shalt  }
0x4d: {  	_ =	shalt  }
0x4e: {  	_ =	shalt  }
0x4f: {  	_ =	shalt  }
0x50: {  	_ =	shalt  }
0x51: {  	_ =	shalt  }
0x52: {  	_ =	shalt  }
0x53: {  	_ =	shalt  }
0x54: {  	_ =	shalt  }
0x55: {  	_ =	shalt  }
0x56: {  	_ =	shalt  }
0x57: {  	_ =	shalt  }
0x58: {  	_ =	shalt  }
0x59: {  	_ =	shalt  }
0x5a: {  	_ =	shalt  }
0x5b: {  	_ =	shalt  }
0x5c: {  	_ =	shalt  }
0x5d: {  	_ =	shalt  }
0x5e: {  	_ =	shalt  }
0x5f: {  	_ =	shalt  }
0x60: {  	_ =	shalt  }
0x61: {  	_ =	shalt  }
0x62: {  	_ =	shalt  }
0x63: {  	_ =	shalt  }
0x64: {  	_ =	shalt  }
0x65: {  	_ =	shalt  }
0x66: {  	_ =	shalt  }
0x67: {  	_ =	shalt  }
0x68: {  	_ =	shalt  }
0x69: {  	_ =	shalt  }
0x6a: {  	_ =	shalt  }
0x6b: {  	_ =	shalt  }
0x6c: {  	_ =	shalt  }
0x6d: {  	_ =	shalt  }
0x6e: {  	_ =	shalt  }
0x6f: {  	_ =	shalt  }
0x70: {  	_ =	shalt  }
0x71: {  	_ =	shalt  }
0x72: {  	_ =	shalt  }
0x73: {  	_ =	shalt  }
0x74: {  	_ =	shalt  }
0x75: {  	_ =	shalt  }
0x76: {  	_ =	shalt  }
0x77: {  	_ =	shalt  }
0x78: {  	_ =	shalt  }
0x79: {  	_ =	shalt  }
0x7a: {  	_ =	shalt  }
0x7b: {  	_ =	shalt  }
0x7c: {  	_ =	shalt  }
0x7d: {  	_ =	shalt  }
0x7e: {  	_ =	shalt  }
0x7f: {  	_ =	shalt  }
0x80: {  	_ =	shalt  }
0x81: {  	_ =	shalt  }
0x82: {  	_ =	shalt  }
0x83: {  	_ =	shalt  }
0x84: {  	_ =	shalt  }
0x85: {  	_ =	shalt  }
0x86: {  	_ =	shalt  }
0x87: {  	_ =	shalt  }
.Lfunc_end0:
.L_simem_size_0:
called_computation.4_lowered:
.L_overlay_start_0:
0x88: {  	s2 =	sld [smem:$0x3FD9]  }
0x89: {  	s3 =	sld [smem:$0x3FFE];
	_ =	sdelay $0x1  }
0x8a: {  	s1 =	srdreg.scid  }
0x8b: {  	s0 =	sand.u32 $0x1, s1  }
0x8c: {  	s16 =	sshll.u32 s0, $0xA;
	s2 =	sadd.s32 s3, s2  }
0x8d: {  	s2 =	sadd.s32 s2, s16  }
0x8e: {  	[smem:$0x3FB9] =	sst s2  }
0x8f: {  	_ = 	snop  }
0x90: {  	(tm) =	ssettm $0x1  }
0x91: {  	s17 =	sld [smem:$0x3FFB];
	_ =	sdelay $0x3  }
0x92: {  	_ =	strace s17  }
0x93: {  	s2 =	sld [smem:$0x3FFC];
	_ =	sdelay $0x3  }
0x94: {  	_ =	strace s2  }
0x95: {  	s2 =	sld [smem:$0x3FFD];
	_ =	sdelay $0x3  }
0x96: {  	_ =	strace s2  }
0x97: {  	_ =	strace $0x8FFFFFFF  }
0x98: {  	s18 =	sld [smem:$0x3FDB];
	_ =	sdelay $0x1  }
0x99: {  	s19 =	simm.s32 $_scs_section_size  }
0x9a: {  	s4 =	simm.s32 $_size__tile_overlayer_lowered;
	s5 =	simm.s32 $_tile_overlayer_lowered  }
0x9b: {  	s22 =	simm.s32 $0x1BFF;
	s21 =	sshll.u32 s5, $0x1;
	s2 =	sadd.s32 s19, s18  }
0x9c: {  	s6 =	simm.s32 $0x0;
	s20 =	sshll.u32 s4, $0x1;
	s4 =	sadd.s32 s21, s2  }
0x9d: {  	[timem:s6], [sflag:s22] =	dma.local [hbm:s4], s20  }
0x9e: {  	_ =	swait.ge [sflag:s22], s20  }
0x9f: {  	s3 =	ssub.s32 $0x0, s20;
	[sflag:s22] =	ssyncset.done $0x0  }
0xa0: {  	[sflag:s22] =	ssyncadd.s32 s3;
	_ =	sdelay $0x1  }
0xa1: {  	s23 =	simm.s32 $0x1B8B  }
0xa2: {  	_ =	swait.ge [sflag:s23], $0x1  }
0xa3: {  	[sflag:s23] =	ssyncset.done $0x0  }
0xa4: {  	s25 =	simm.s32 $0x1B8E;
	s24 =	sld [smem:$0x3FFE];
	[sflag:s23] =	ssyncadd.s32 $0xFFFFFFFF  }
0xa5: {  	s26 =	simm.s32 $execute0_lowered;
	[smem:$0x3FD2] =	sst s25  }
0xa6: {  	s4 =	sshll.u32 s26, $0x1;
	_ =	strace $0x80000052;
	[dreg:$0x1] =	wrdreg $0xFFFFFFFF  }
0xa7: {  	s28 =	simm.s32 $_size_execute0_lowered;
	s2 =	sadd.s32 s2, s4;
	[dreg:$0x0] =	wrdreg $0x0  }
0xa8: {  	s4 =	sshll.u32 s28, $0x1;
	[dreg:$0x2] =	wrdreg s2  }
0xa9: {  	[dreg:$0x3] =	wrdreg s4  }
0xaa: {  	[dreg:$0x4] =	wrdreg $0xC0  }
0xab: {  	_ =	task [dreg:s6], $0x5FFFF  }
0xac: {  	[dreg:$0x1] =	wrdreg $0xFFFFFFFF  }
0xad: {  	[dreg:$0x0] =	wrdreg $0x60  }
0xae: {  	[dreg:$0x2] =	wrdreg s24  }
0xaf: {  	[dreg:$0x3] =	wrdreg $0x4B000  }
0xb0: {  	[dreg:$0x4] =	wrdreg $0x9  }
0xb1: {  	_ =	task.clear_ibuf [dreg:s6], $0x5FFFF;
	_ =	strace $0x90000052  }
0xb2: {  	s29 =	simm.s32 $0x9;
	_ =	strace $0x80000054  }
0xb3: {  	_ =	swait.ge [sflag:s29], $0x1  }
0xb4: {  	[sflag:s29] =	ssyncadd.s32 $0xFFFFFFFF  }
0xb5: {  	_ =	strace $0x90000054  }
0xb6: {  	_ =	sfence  }
0xb7: {  	s30 =	sld [smem:$0x0];
	_ =	sdelay $0x2  }
0xb8: {  	s31 =	sshll.u32 s1, $0xD;
	s1 =	sshrl.u32 s1, $0x2  }
0xb9: {  	s3 =	sand.u32 $0x4000, s31;
	s1 =	sadd.s32 s1, s30  }
0xba: {  	s0 =	sor.u32 s3, s0;
	s1 =	sshll.u32 s1, $0x11  }
0xbb: {  	s0 =	sor.u32 s1, s0  }
0xbc: {  	s0 =	sadd.s32 $0x8F2B, s0  }
0xbd: {  	[sflag:s0] =	ssyncadd.remote.s32 $0x1  }
0xbe: {  	_ =	sfence.sel $0xFFFF  }
0xbf: {  	[dreg:$0x0] =	wrdreg $0xFFFFFFFF;
	(pc) =	sbr.abs _section_cstart, $3  }
0xc0: {  	[dreg:$0x1] =	wrdreg $0xFFFFFFFF  }
0xc1: {  	_ =	task.clear_ibuf [dreg:s6], $0x2FFFF;
	_ =	strace $0x9FFFFFFF  }
0xc2: {  	(tm) =	ssettm $0x7FFFFFFF  }
0xc3: {  	_ =	shalt  }
tec
execute0_lowered:
.L_overlay_start_1:
0x0: {  	(tag) =	ssettag $0x1  }
0x1: {  	s8 =	rddreg [dreg:$0x0]  }
0x2: {  	s1 =	rddreg [dreg:$0x1];
	s3 =	simm.s32 $0x0;
	s5 =	srdreg.scid  }
0x3: {  	s0 =	stileid.u32;
	s20 =	simm.s32 $0xC80;
	s21 =	simm.s32 $0x1900  }
0x4: {  	s22 =	simm.s32 $0x2580;
	s23 =	simm.s32 $0x3200;
	s24 =	simm.s32 $0x3E80  }
0x5: {  	s25 =	simm.s32 $0x1;
	s26 =	simm.s32 $0x2;
	s28 =	simm.s32 $0x0  }
0x6: {  	[smem:$0x7FF] =	sst s3;
	s4 =	sadd.s32 $0x6D600, s8;
	s9 =	sand.u32 $0x1, s5  }
0x7: {  	s10 =	smul.u32 $0x1880, s0;
	s5 =	sadd.s32 $0x9200, s8;
	s6 =	sadd.s32 $0x3B200, s8  }
0x8: {  	s7 =	sadd.s32 $0x6D200, s8;
	s29 =	smul.u32 $0xC800, s0;
	s30 =	sshll.u32 s0, $0x6  }
0x9: {  	_ =	strace $0x80000053;
	s11 =	smul.u32 $0x18800, s9;
	s12 =	sshll.u32 s9, $0x4  }
0xa: {  	s13 =	ssub.s32 $0x2, s9;
	s15 =	smul.u32 $0xC8000, s9;
	s12 =	sor.u32 s0, s12  }
0xb: {  	s14 =	sshrl.u32 s13, $0x1;
	s18 =	sadd.s32 s10, s1;
	s11 =	sadd.s32 s10, s11  }
0xc: {  	s12 =	smul.u32 $0xC800, s12;
	s14 =	ssub.s32 s13, s14;
	s17 =	sadd.s32 s29, s15  }
0xd: {  	s18 =	sshrl.u32 s18, $0x3;
	s11 =	sshrl.u32 s11, $0x3;
	s31 =	sadd.s32 $0x2580, s17  }
0xe: {  	s14 =	smax.u32 s14, $0x1;
	s17 =	sadd.s32 $0x1900, s17;
	s16 =	sadd.s32 s11, s8  }
0xf: {  	s12 =	sshrl.u32 s12, $0x3;
	s8 =	sor.u32 $0x1C03, s30;
	s19 =	sshrl.u32 s31, $0x3  }
0x10: {  	s9 =	sadd.s32 s5, s12;
	s10 =	sadd.s32 s6, s12;
	s12 =	sadd.s32 $0x190, s12  }
0x11: {  	s13 =	sadd.s32 $0xD7800, s16;
	s15 =	sadd.s32 s19, s6;
	s16 =	sadd.s32 s19, s5  }
0x12: {  	s19 =	simm.s32 $0x3;
	s11 =	sadd.s32 s5, s12;
	s12 =	sadd.s32 s6, s12  }
.LBB2_1:
0x13: {  	[spmem:s18], [sflag:s8] =	dma.local [hbm:s7], $0x310  }
0x14: {  	_ =	swait.ge [sflag:s19], $0x310  }
0x15: {  	[sflag:s19] =	ssyncset.done $0x0  }
0x16: {  	[sflag:s19] =	ssyncadd.s32 $0xFFFFFCF0  }
0x17: {  	[bflag:$0x0] =	sbarrier.arrive $0xFFFF  }
0x18: {  	[tilespmem:s3], [sflag:$0x3] =	stream.linear.gather [hbm4b:s9+s3], $0xC80, $0x38;
	[tilespmem:$0x6380] =	vst v63  }
0x19: {  	_ =	swait.ge [sflag:s19], $0xC80  }
0x1a: {  	[sflag:s19] =	ssyncset.done $0x0  }
0x1b: {  	[sflag:s19] =	ssyncadd.s32 $0xFFFFF380  }
0x1c: {  	[tilespmem:s20], [sflag:$0x3] =	stream.linear.gather [hbm4b:s10+s3], $0xC80, $0x38;
	[tilespmem:$0x6380] =	vst v63  }
0x1d: {  	_ =	swait.ge [sflag:s19], $0xC80  }
0x1e: {  	[sflag:s19] =	ssyncset.done $0x0  }
0x1f: {  	[sflag:s19] =	ssyncadd.s32 $0xFFFFF380  }
0x20: {  	[tilespmem:s21], [sflag:$0x1] =	stream.indirect.gather [hbm4b:s4+s20], $0x1, s3, s20, $0xb8;
	[tilespmem:$0x6380] =	vst v63  }
0x21: {  	_ = 	snop  }
0x22: {  	[tilespmem:s22], [sflag:$0x3] =	stream.linear.gather [hbm4b:s11+s3], $0xC80, $0x38;
	[tilespmem:$0x6380] =	vst v63  }
0x23: {  	_ =	swait.ge [sflag:s19], $0xC80  }
0x24: {  	[sflag:s19] =	ssyncset.done $0x0  }
0x25: {  	[sflag:s19] =	ssyncadd.s32 $0xFFFFF380  }
0x26: {  	[tilespmem:s23], [sflag:$0x3] =	stream.linear.gather [hbm4b:s12+s3], $0xC80, $0x38;
	[tilespmem:$0x6380] =	vst v63  }
0x27: {  	_ =	swait.ge [sflag:s19], $0xC80  }
0x28: {  	[sflag:s19] =	ssyncset.done $0x0  }
0x29: {  	[sflag:s19] =	ssyncadd.s32 $0xFFFFF380  }
0x2a: {  	[tilespmem:s24], [sflag:$0x2] =	stream.indirect.gather [hbm4b:s4+s20], $0x1, s22, s20, $0xb8;
	[tilespmem:$0x6380] =	vst v63  }
0x2b: {  	_ =	swait.ge [sflag:s25], $0xC80  }
0x2c: {  	[sflag:s25] =	ssyncset.done $0x0  }
0x2d: {  	[sflag:s25] =	ssyncadd.s32 $0xFFFFF380  }
0x2e: {  	[spmem:s1] =	stream.indirect.scatter.add.f32 [tilespmem:s21], [sflag:$0x3], $0x1, s20, s20, $0xb8;
	[tilespmem:$0x6380] =	vst v63  }
0x2f: {  	_ =	swait.ge [sflag:s19], $0xC80  }
0x30: {  	s29 =	sshrl.u32 s17, $0x3;
	[sflag:s19] =	ssyncset.done $0x0  }
0x31: {  	s30 =	sadd.s32 s5, s29;
	[sflag:s19] =	ssyncadd.s32 $0xFFFFF380  }
0x32: {  	[tilespmem:s3], [sflag:$0x3] =	stream.linear.gather [hbm4b:s30+s3], $0xC80, $0x38;
	[tilespmem:$0x6380] =	vst v63  }
0x33: {  	_ =	swait.ge [sflag:s19], $0xC80  }
0x34: {  	[sflag:s19] =	ssyncset.done $0x0  }
0x35: {  	s29 =	sadd.s32 s6, s29;
	[sflag:s19] =	ssyncadd.s32 $0xFFFFF380  }
0x36: {  	[tilespmem:s20], [sflag:$0x3] =	stream.linear.gather [hbm4b:s29+s3], $0xC80, $0x38;
	[tilespmem:$0x6380] =	vst v63  }
0x37: {  	_ =	swait.ge [sflag:s19], $0xC80  }
0x38: {  	[sflag:s19] =	ssyncset.done $0x0  }
0x39: {  	[sflag:s19] =	ssyncadd.s32 $0xFFFFF380  }
0x3a: {  	[tilespmem:s21], [sflag:$0x1] =	stream.indirect.gather [hbm4b:s4+s20], $0x1, s3, s20, $0xb8;
	[tilespmem:$0x6380] =	vst v63  }
0x3b: {  	_ =	swait.ge [sflag:s26], $0xC80  }
0x3c: {  	[sflag:s26] =	ssyncset.done $0x0  }
0x3d: {  	[sflag:s26] =	ssyncadd.s32 $0xFFFFF380  }
0x3e: {  	[spmem:s1] =	stream.indirect.scatter.add.f32 [tilespmem:s24], [sflag:$0x3], $0x1, s23, s20, $0xb8;
	[tilespmem:$0x6380] =	vst v63  }
0x3f: {  	_ =	swait.ge [sflag:s19], $0xC80  }
0x40: {  	[sflag:s19] =	ssyncset.done $0x0  }
0x41: {  	s29 =	sadd.s32 $0x0, s16;
	[sflag:s19] =	ssyncadd.s32 $0xFFFFF380  }
0x42: {  	[tilespmem:s22], [sflag:$0x3] =	stream.linear.gather [hbm4b:s29+s3], $0xC80, $0x38;
	[tilespmem:$0x6380] =	vst v63  }
0x43: {  	_ =	swait.ge [sflag:s19], $0xC80  }
0x44: {  	[sflag:s19] =	ssyncset.done $0x0  }
0x45: {  	s29 =	sadd.s32 $0x0, s15;
	[sflag:s19] =	ssyncadd.s32 $0xFFFFF380  }
0x46: {  	[tilespmem:s23], [sflag:$0x3] =	stream.linear.gather [hbm4b:s29+s3], $0xC80, $0x38;
	[tilespmem:$0x6380] =	vst v63  }
0x47: {  	_ =	swait.ge [sflag:s19], $0xC80  }
0x48: {  	[sflag:s19] =	ssyncset.done $0x0  }
0x49: {  	s30 =	sadd.s32 $0x1900, s17;
	s29 =	simm.s32 $0x320;
	[sflag:s19] =	ssyncadd.s32 $0xFFFFF380  }
.LBB2_2:
0x4a: {  	[tilespmem:s24], [sflag:$0x2] =	stream.indirect.gather [hbm4b:s4+s20], $0x1, s22, s20, $0xb8;
	[tilespmem:$0x6380] =	vst v63  }
0x4b: {  	s31 =	smov.u32 s29  }
0x4c: {  	p0 =	sne.s32 s29, $0x12C0;
	s29 =	sadd.s32 $0x320, s29;
	_ =	swait.ge [sflag:s25], $0xC80  }
0x4d: {  	[sflag:s25] =	ssyncset.done $0x0  }
0x4e: {  	[sflag:s25] =	ssyncadd.s32 $0xFFFFF380  }
0x4f: {  	[spmem:s1] =	stream.indirect.scatter.add.f32 [tilespmem:s21], [sflag:$0x3], $0x1, s20, s20, $0xb8;
	[tilespmem:$0x6380] =	vst v63  }
0x50: {  	_ =	swait.ge [sflag:s19], $0xC80  }
0x51: {  	s0 =	sshrl.u32 s30, $0x3;
	[sflag:s19] =	ssyncset.done $0x0  }
0x52: {  	s2 =	sadd.s32 s5, s0;
	[sflag:s19] =	ssyncadd.s32 $0xFFFFF380  }
0x53: {  	[tilespmem:s3], [sflag:$0x3] =	stream.linear.gather [hbm4b:s2+s3], $0xC80, $0x38;
	[tilespmem:$0x6380] =	vst v63  }
0x54: {  	_ =	swait.ge [sflag:s19], $0xC80  }
0x55: {  	[sflag:s19] =	ssyncset.done $0x0  }
0x56: {  	s0 =	sadd.s32 s6, s0;
	[sflag:s19] =	ssyncadd.s32 $0xFFFFF380  }
0x57: {  	[tilespmem:s20], [sflag:$0x3] =	stream.linear.gather [hbm4b:s0+s3], $0xC80, $0x38;
	[tilespmem:$0x6380] =	vst v63  }
0x58: {  	_ =	swait.ge [sflag:s19], $0xC80  }
0x59: {  	[sflag:s19] =	ssyncset.done $0x0  }
0x5a: {  	[sflag:s19] =	ssyncadd.s32 $0xFFFFF380  }
0x5b: {  	[tilespmem:s21], [sflag:$0x1] =	stream.indirect.gather [hbm4b:s4+s20], $0x1, s3, s20, $0xb8;
	[tilespmem:$0x6380] =	vst v63  }
0x5c: {  	_ =	swait.ge [sflag:s26], $0xC80  }
0x5d: {  	[sflag:s26] =	ssyncset.done $0x0  }
0x5e: {  	[sflag:s26] =	ssyncadd.s32 $0xFFFFF380  }
0x5f: {  	[spmem:s1] =	stream.indirect.scatter.add.f32 [tilespmem:s24], [sflag:$0x3], $0x1, s23, s20, $0xb8;
	[tilespmem:$0x6380] =	vst v63  }
0x60: {  	_ =	swait.ge [sflag:s19], $0xC80  }
0x61: {  	[sflag:s19] =	ssyncset.done $0x0  }
0x62: {  	s0 =	sadd.s32 s31, s16;
	[sflag:s19] =	ssyncadd.s32 $0xFFFFF380  }
0x63: {  	[tilespmem:s22], [sflag:$0x3] =	stream.linear.gather [hbm4b:s0+s3], $0xC80, $0x38;
	[tilespmem:$0x6380] =	vst v63  }
0x64: {  	_ =	swait.ge [sflag:s19], $0xC80  }
0x65: {  	[sflag:s19] =	ssyncset.done $0x0  }
.Ltmp0:
0x66: {  	s0 =	sadd.s32 s31, s15;
	[sflag:s19] =	ssyncadd.s32 $0xFFFFF380;
	(pc) =	sbr.rel @p0 .LBB2_2-.Ltmp0, $4  }
0x67: {  	[tilespmem:s23], [sflag:$0x3] =	stream.linear.gather [hbm4b:s0+s3], $0xC80, $0x38;
	[tilespmem:$0x6380] =	vst v63  }
0x68: {  	_ =	swait.ge [sflag:s19], $0xC80  }
0x69: {  	[sflag:s19] =	ssyncset.done $0x0  }
0x6a: {  	s30 =	sadd.s32 $0x1900, s30;
	[sflag:s19] =	ssyncadd.s32 $0xFFFFF380  }
0x6b: {  	[tilespmem:s24], [sflag:$0x2] =	stream.indirect.gather [hbm4b:s4+s20], $0x1, s22, s20, $0xb8;
	[tilespmem:$0x6380] =	vst v63  }
0x6c: {  	_ =	swait.ge [sflag:s25], $0xC80  }
0x6d: {  	[sflag:s25] =	ssyncset.done $0x0  }
0x6e: {  	[sflag:s25] =	ssyncadd.s32 $0xFFFFF380  }
0x6f: {  	[spmem:s1] =	stream.indirect.scatter.add.f32 [tilespmem:s21], [sflag:$0x3], $0x1, s20, s20, $0xb8;
	[tilespmem:$0x6380] =	vst v63  }
0x70: {  	_ =	swait.ge [sflag:s19], $0xC80  }
0x71: {  	[sflag:s19] =	ssyncset.done $0x0  }
0x72: {  	[sflag:s19] =	ssyncadd.s32 $0xFFFFF380  }
0x73: {  	_ =	swait.ge [sflag:s26], $0xC80  }
0x74: {  	[sflag:s26] =	ssyncset.done $0x0  }
0x75: {  	[sflag:s26] =	ssyncadd.s32 $0xFFFFF380  }
0x76: {  	[spmem:s1] =	stream.indirect.scatter.add.f32 [tilespmem:s24], [sflag:$0x3], $0x1, s23, s20, $0xb8;
	[tilespmem:$0x6380] =	vst v63  }
0x77: {  	_ =	swait.ge [sflag:s19], $0xC80  }
0x78: {  	s28 =	sadd.s32 $0x1, s28;
	[sflag:s19] =	ssyncset.done $0x0  }
0x79: {  	p0 =	sne.s32 s28, s14;
	[sflag:s19] =	ssyncadd.s32 $0xFFFFF380  }
.Ltmp1:
0x7a: {  	[bflag:$0x0] =	sbarrier.arrive $0xFFFF;
	(pc) =	sbr.rel @p0 .LBB2_1-.Ltmp1, $4  }
0x7b: {  	[hbm:s13], [sflag:s8] =	dma.local [spmem:s18], $0x310  }
0x7c: {  	_ =	swait.ge [sflag:s19], $0x310  }
0x7d: {  	[sflag:s19] =	ssyncset.done $0x0  }
0x7e: {  	[sflag:s19] =	ssyncadd.s32 $0xFFFFFCF0  }
0x7f: {  	_ =	sfence.sel $0x180000  }
0x80: {  	[bflag:$0x0] =	sbarrier.arrive $0xFFFF  }
0x81: {  	_ =	strace $0x90000053  }
0x82: {  	s0 =	stileid.u32;
	[bflag:$0x2] =	sbarrier.arrive $0xFFFF  }
0x83: {  	p0 =	sne.s32 s0, $0x0;
	s0 =	rddreg [dreg:$0x2]  }
0x84: {  	s0 =	sadd.s32 @!p0 $0x100000, s0  }
0x85: {  	[sflag:s0] =	ssyncadd.tile.s32 @!p0 $0x1;
	_ =	shalt  }
.Lfunc_end2:
_tile_overlayer_lowered:
.L_overlay_start_2:
0x86: {  	(tag) =	ssettag $0x2  }
0x87: {  	s0 =	rddreg [dreg:$0x0];
	s2 =	stileid.u32  }
0x88: {  	s1 =	rddreg [dreg:$0x1];
	p0 =	sne.s32 s2, $0x0  }
0x89: {  	s3 =	rddreg [dreg:$0x2];
	[bflag:$0x3] =	sbarrier.arrive $0xFFFF;
	s2 =	simm.s32 @!p0 $0x1C03  }
0x8a: {  	[timem:s3], [sflag:s2] =	dma.local @!p0 [hbm:s0], s1  }
0x8b: {  	s0 =	simm.s32 @!p0 $0x3  }
0x8c: {  	_ =	swait.ge @!p0 [sflag:s0], s1  }
0x8d: {  	s1 =	ssub.s32 @!p0 $0x0, s1;
	[sflag:s0] =	ssyncset.done @!p0 $0x0  }
0x8e: {  	[sflag:s0] =	ssyncadd.s32 @!p0 s1  }
0x8f: {  	[bflag:$0x3] =	sbarrier.arrive $0xFFFF  }
0x90: {  	_ =	shalt  }

// kernel: kernel.33.cloned.1.call-start
scs
__scs_entry_jumppad:
0x0: {  	(pc) =	sbr.rel $0x88, $3  }
0x1: {  	(tag) =	ssettag $0x0;
	lr =	simm.s32 $0x1  }
0x2: {  	[smem:$0x3F92] =	sst lr;
	_ =	strace $0xD0000000  }
0x3: {  	_ = 	snop  }
0x4: {  	_ = 	snop  }
0x5: {  	_ = 	snop  }
0x6: {  	_ = 	snop  }
0x7: {  	_ = 	snop  }
__scs_overlays_trampoline_lowered:
0x8: {  	[smem:$0x3FA1] =	sst s0  }
0x9: {  	[smem:$0x3FA2] =	sst s1  }
0xa: {  	[smem:$0x3FA3] =	sst s2  }
0xb: {  	[smem:$0x3FA4] =	sst s3  }
0xc: {  	[smem:$0x3FA5] =	sst s4  }
0xd: {  	[smem:$0x3FA6] =	sst s5  }
0xe: {  	[smem:$0x3FA7] =	sst s6  }
0xf: {  	[smem:$0x3FA8] =	sst s7  }
0x10: {  	[smem:$0x3FA9] =	sst s8  }
0x11: {  	[smem:$0x3FAA] =	sst s9;
	s0 =	simm.s32 @!p0 $0x0  }
0x12: {  	s1 =	sld [smem:$0x3F90];
	s0 =	simm.s32 @p0 $0x1  }
0x13: {  	[smem:$0x3FAB] =	sst s0;
	s0 =	simm.s32 @!p1 $0x0  }
0x14: {  	s2 =	sld [smem:$0x3F8F];
	s0 =	simm.s32 @p1 $0x1  }
0x15: {  	[smem:$0x3FAC] =	sst s0;
	s0 =	simm.s32 @!p2 $0x0  }
0x16: {  	s3 =	sld [smem:$0x3FDB];
	s0 =	simm.s32 @p2 $0x1  }
0x17: {  	s4 =	simm.s32 $0x1BF5;
	[smem:$0x3FAE] =	sst s0  }
0x18: {  	s0 =	sld [smem:$0x3F91];
	_ =	swait.ge [sflag:s4], $0x0  }
0x19: {  	s7 =	sld [smem:$0x3F92]  }
0x1a: {  	s8 =	sadd.s32 $0xFFFFE003, lr  }
0x1b: {  	s9 =	sadd.s32 $0xFFFFFEF7, lr;
	s5 =	simm.s32 $0xFFFFFFFF;
	p2 =	slt.u32 s8, $0xFFFFF086  }
0x1c: {  	p1 =	slt.u32 s9, $0xF7A;
	s5 =	simm.s32 @!p2 $0x0  }
0x1d: {  	s5 =	simm.s32 @p1 $0x1;
	p0 =	seq.s32 s7, s2  }
0x1e: {  	s7 =	smul.u32 @!p0 $0xF7A, s2;
	p2 =	seq.s32 @!p0 s5, $0x0  }
0x1f: {  	s9 =	smul.u32 $0xF7A, s1;
	s8 =	simm.s32 @!p0 $0x1BF5;
	p2 =	por !p2, p0  }
0x20: {  	[sflag:s8] =	ssyncset.s32 @!p0 $0xFFFFF086;
	s6 =	sadd.s32 @!p0 s3, s7;
	s7 =	simm.s32 @!p0 $0x108  }
0x21: {  	s3 =	sadd.s32 s3, s9;
	s6 =	sadd.s32 @!p0 $0x88, s6;
	s7 =	simm.s32 @p2 $0x1082  }
0x22: {  	[simem:s7], [sflag:s8] =	dma.local @!p0 [hbm:s6], $0xF7A  }
0x23: {  	s9 =	sor.u32 $0xD0000000, s2;
	s6 =	simm.s32 $0x108;
	_ =	swait.ge @!p0 [sflag:s8], $0x0  }
0x24: {  	s3 =	sadd.s32 $0x88, s3;
	s6 =	simm.s32 @!p1 $0x1082;
	[sflag:s4] =	ssyncset.s32 $0xFFFFF086  }
0x25: {  	[simem:s6], [sflag:s4] =	dma.local [hbm:s3], $0xF7A  }
0x26: {  	[smem:$0x3F92] =	sst s1;
	(tag) =	ssettag s2;
	_ =	strace s9  }
0x27: {  	s1 =	sld [smem:$0x3FA2]  }
0x28: {  	s2 =	sld [smem:$0x3FA3]  }
0x29: {  	s4 =	sld [smem:$0x3FA5]  }
0x2a: {  	p0 =	seq.s32 s5, $0x0;
	s5 =	sld [smem:$0x3FA6]  }
0x2b: {  	s6 =	sld [smem:$0x3FA7]  }
0x2c: {  	s7 =	sld [smem:$0x3FA8]  }
0x2d: {  	s3 =	simm.s32 $0x108;
	s8 =	sld [smem:$0x3FA9]  }
0x2e: {  	s3 =	simm.s32 @!p0 $0x1082;
	s9 =	sld [smem:$0x3FAA]  }
0x2f: {  	lr =	sadd.s32 s0, s3;
	s0 =	sld [smem:$0x3FA1]  }
0x30: {  	s3 =	sld [smem:$0x3FA4]  }
0x31: {  	[smem:$0x3FAD] =	sst s10  }
0x32: {  	s10 =	sld [smem:$0x3FAB];
	_ =	sdelay $0x3  }
0x33: {  	p0 =	seq.s32 s10, $0x1;
	s10 =	sld [smem:$0x3FAD];
	_ =	sdelay $0x3  }
0x34: {  	[smem:$0x3FAD] =	sst s10  }
0x35: {  	s10 =	sld [smem:$0x3FAC];
	_ =	sdelay $0x3  }
0x36: {  	p1 =	seq.s32 s10, $0x1;
	s10 =	sld [smem:$0x3FAD];
	_ =	sdelay $0x3  }
0x37: {  	[smem:$0x3FAD] =	sst s10  }
0x38: {  	s10 =	sld [smem:$0x3FAE]  }
0x39: {  	_ = 	snop;
	(pc) =	sbr.ind lr, $3  }
0x3a: {  	_ = 	snop  }
0x3b: {  	_ = 	snop  }
0x3c: {  	p2 =	seq.s32 s10, $0x1;
	s10 =	sld [smem:$0x3FAD]  }
0x3d: {  	_ =	shalt  }
0x3e: {  	_ =	shalt  }
0x3f: {  	_ =	shalt  }
0x40: {  	_ =	shalt  }
0x41: {  	_ =	shalt  }
0x42: {  	_ =	shalt  }
0x43: {  	_ =	shalt  }
0x44: {  	_ =	shalt  }
0x45: {  	_ =	shalt  }
0x46: {  	_ =	shalt  }
0x47: {  	_ =	shalt  }
0x48: {  	_ =	shalt  }
0x49: {  	_ =	shalt  }
0x4a: {  	_ =	shalt  }
0x4b: {  	_ =	shalt  }
0x4c: {  	_ =	shalt  }
0x4d: {  	_ =	shalt  }
0x4e: {  	_ =	shalt  }
0x4f: {  	_ =	shalt  }
0x50: {  	_ =	shalt  }
0x51: {  	_ =	shalt  }
0x52: {  	_ =	shalt  }
0x53: {  	_ =	shalt  }
0x54: {  	_ =	shalt  }
0x55: {  	_ =	shalt  }
0x56: {  	_ =	shalt  }
0x57: {  	_ =	shalt  }
0x58: {  	_ =	shalt  }
0x59: {  	_ =	shalt  }
0x5a: {  	_ =	shalt  }
0x5b: {  	_ =	shalt  }
0x5c: {  	_ =	shalt  }
0x5d: {  	_ =	shalt  }
0x5e: {  	_ =	shalt  }
0x5f: {  	_ =	shalt  }
0x60: {  	_ =	shalt  }
0x61: {  	_ =	shalt  }
0x62: {  	_ =	shalt  }
0x63: {  	_ =	shalt  }
0x64: {  	_ =	shalt  }
0x65: {  	_ =	shalt  }
0x66: {  	_ =	shalt  }
0x67: {  	_ =	shalt  }
0x68: {  	_ =	shalt  }
0x69: {  	_ =	shalt  }
0x6a: {  	_ =	shalt  }
0x6b: {  	_ =	shalt  }
0x6c: {  	_ =	shalt  }
0x6d: {  	_ =	shalt  }
0x6e: {  	_ =	shalt  }
0x6f: {  	_ =	shalt  }
0x70: {  	_ =	shalt  }
0x71: {  	_ =	shalt  }
0x72: {  	_ =	shalt  }
0x73: {  	_ =	shalt  }
0x74: {  	_ =	shalt  }
0x75: {  	_ =	shalt  }
0x76: {  	_ =	shalt  }
0x77: {  	_ =	shalt  }
0x78: {  	_ =	shalt  }
0x79: {  	_ =	shalt  }
0x7a: {  	_ =	shalt  }
0x7b: {  	_ =	shalt  }
0x7c: {  	_ =	shalt  }
0x7d: {  	_ =	shalt  }
0x7e: {  	_ =	shalt  }
0x7f: {  	_ =	shalt  }
0x80: {  	_ =	shalt  }
0x81: {  	_ =	shalt  }
0x82: {  	_ =	shalt  }
0x83: {  	_ =	shalt  }
0x84: {  	_ =	shalt  }
0x85: {  	_ =	shalt  }
0x86: {  	_ =	shalt  }
0x87: {  	_ =	shalt  }
.Lfunc_end0:
.L_simem_size_0:
called_computation.5_lowered:
.L_overlay_start_0:
0x88: {  	s2 =	sld [smem:$0x3FD9]  }
0x89: {  	s3 =	sld [smem:$0x3FFE];
	_ =	sdelay $0x1  }
0x8a: {  	s1 =	srdreg.scid  }
0x8b: {  	s0 =	sand.u32 $0x1, s1  }
0x8c: {  	s16 =	sshll.u32 s0, $0xA;
	s2 =	sadd.s32 s3, s2  }
0x8d: {  	s2 =	sadd.s32 s2, s16  }
0x8e: {  	[smem:$0x3FB9] =	sst s2  }
0x8f: {  	_ = 	snop  }
0x90: {  	(tm) =	ssettm $0x1  }
0x91: {  	s17 =	sld [smem:$0x3FFB];
	_ =	sdelay $0x3  }
0x92: {  	_ =	strace s17  }
0x93: {  	s2 =	sld [smem:$0x3FFC];
	_ =	sdelay $0x3  }
0x94: {  	_ =	strace s2  }
0x95: {  	s2 =	sld [smem:$0x3FFD];
	_ =	sdelay $0x3  }
0x96: {  	_ =	strace s2  }
0x97: {  	_ =	strace $0x8FFFFFFF  }
0x98: {  	s18 =	sld [smem:$0x3FDB];
	_ =	sdelay $0x1  }
0x99: {  	s19 =	simm.s32 $_scs_section_size  }
0x9a: {  	s4 =	simm.s32 $_size__tile_overlayer_lowered;
	s5 =	simm.s32 $_tile_overlayer_lowered  }
0x9b: {  	s22 =	simm.s32 $0x1BFF;
	s21 =	sshll.u32 s5, $0x1;
	s2 =	sadd.s32 s19, s18  }
0x9c: {  	s6 =	simm.s32 $0x0;
	s20 =	sshll.u32 s4, $0x1;
	s4 =	sadd.s32 s21, s2  }
0x9d: {  	[timem:s6], [sflag:s22] =	dma.local [hbm:s4], s20  }
0x9e: {  	_ =	swait.ge [sflag:s22], s20  }
0x9f: {  	s3 =	ssub.s32 $0x0, s20;
	[sflag:s22] =	ssyncset.done $0x0  }
0xa0: {  	[sflag:s22] =	ssyncadd.s32 s3;
	_ =	sdelay $0x1  }
0xa1: {  	s23 =	simm.s32 $0x1B8B  }
0xa2: {  	_ =	swait.ge [sflag:s23], $0x1  }
0xa3: {  	[sflag:s23] =	ssyncset.done $0x0  }
0xa4: {  	s25 =	simm.s32 $0x1B8E;
	s24 =	sld [smem:$0x3FFE];
	[sflag:s23] =	ssyncadd.s32 $0xFFFFFFFF  }
0xa5: {  	s26 =	simm.s32 $execute0_lowered;
	[smem:$0x3FD2] =	sst s25  }
0xa6: {  	s4 =	sshll.u32 s26, $0x1;
	_ =	strace $0x80000055;
	[dreg:$0x1] =	wrdreg $0xFFFFFFFF  }
0xa7: {  	s28 =	simm.s32 $_size_execute0_lowered;
	s2 =	sadd.s32 s2, s4;
	[dreg:$0x0] =	wrdreg $0x0  }
0xa8: {  	s4 =	sshll.u32 s28, $0x1;
	[dreg:$0x2] =	wrdreg s2  }
0xa9: {  	[dreg:$0x3] =	wrdreg s4  }
0xaa: {  	[dreg:$0x4] =	wrdreg $0xC0  }
0xab: {  	_ =	task [dreg:s6], $0x5FFFF  }
0xac: {  	[dreg:$0x1] =	wrdreg $0xFFFFFFFF  }
0xad: {  	[dreg:$0x0] =	wrdreg $0x60  }
0xae: {  	[dreg:$0x2] =	wrdreg s24  }
0xaf: {  	[dreg:$0x3] =	wrdreg $0x70800  }
0xb0: {  	[dreg:$0x4] =	wrdreg $0x9  }
0xb1: {  	_ =	task.clear_ibuf [dreg:s6], $0x5FFFF;
	_ =	strace $0x90000055  }
0xb2: {  	s29 =	simm.s32 $0x9;
	_ =	strace $0x80000057  }
0xb3: {  	_ =	swait.ge [sflag:s29], $0x1  }
0xb4: {  	[sflag:s29] =	ssyncadd.s32 $0xFFFFFFFF  }
0xb5: {  	_ =	strace $0x90000057  }
0xb6: {  	_ =	sfence  }
0xb7: {  	s30 =	sld [smem:$0x0];
	_ =	sdelay $0x2  }
0xb8: {  	s31 =	sshll.u32 s1, $0xD;
	s1 =	sshrl.u32 s1, $0x2  }
0xb9: {  	s3 =	sand.u32 $0x4000, s31;
	s1 =	sadd.s32 s1, s30  }
0xba: {  	s0 =	sor.u32 s3, s0;
	s1 =	sshll.u32 s1, $0x11  }
0xbb: {  	s0 =	sor.u32 s1, s0  }
0xbc: {  	s0 =	sadd.s32 $0x8F2B, s0  }
0xbd: {  	[sflag:s0] =	ssyncadd.remote.s32 $0x1  }
0xbe: {  	_ =	sfence.sel $0xFFFF  }
0xbf: {  	[dreg:$0x0] =	wrdreg $0xFFFFFFFF;
	(pc) =	sbr.abs _section_cstart, $3  }
0xc0: {  	[dreg:$0x1] =	wrdreg $0xFFFFFFFF  }
0xc1: {  	_ =	task.clear_ibuf [dreg:s6], $0x2FFFF;
	_ =	strace $0x9FFFFFFF  }
0xc2: {  	(tm) =	ssettm $0x7FFFFFFF  }
0xc3: {  	_ =	shalt  }
tec
execute0_lowered:
.L_overlay_start_1:
0x0: {  	(tag) =	ssettag $0x1  }
0x1: {  	s6 =	rddreg [dreg:$0x0]  }
0x2: {  	s2 =	rddreg [dreg:$0x1]  }
0x3: {  	s0 =	rddreg [dreg:$0x2]  }
0x4: {  	s4 =	srdreg.scid;
	s1 =	stileid.u32;
	s3 =	simm.s32 $0x0  }
0x5: {  	s19 =	simm.s32 $0x640;
	s20 =	simm.s32 $0x3840;
	s21 =	simm.s32 $0x3B60  }
0x6: {  	s22 =	simm.s32 $0x3E80;
	s23 =	simm.s32 $0x1;
	s5 =	smul.u32 $0x3100, s1  }
0x7: {  	s7 =	sand.u32 $0x1, s4;
	[smem:$0x7FF] =	sst s3;
	s9 =	smul.u32 $0x62000, s1  }
0x8: {  	s4 =	sadd.s32 $0x3E7800, s6;
	s15 =	sadd.s32 $0x73800, s6;
	s10 =	smul.u32 $0x19000, s1  }
0x9: {  	s13 =	sadd.s32 $0x3B200, s6;
	s28 =	sshll.u32 s1, $0x6;
	s18 =	smul.u32 $0x3200, s1  }
0xa: {  	s8 =	smul.u32 $0x31000, s7;
	_ =	strace $0x80000056;
	s24 =	ssub.s32 $0x2, s7  }
0xb: {  	s11 =	smul.u32 $0x190000, s7;
	s7 =	sshrl.u32 s24, $0x1;
	s25 =	sshrl.u32 s9, $0x2  }
0xc: {  	s29 =	sshrl.u32 s10, $0x3;
	s8 =	sadd.s32 s5, s8;
	s5 =	sadd.s32 $0x6000, s6  }
0xd: {  	s14 =	sadd.s32 s10, s11;
	s16 =	ssub.s32 s24, s7;
	s17 =	sadd.s32 s25, s2  }
0xe: {  	s7 =	sor.u32 $0x1C03, s28;
	s24 =	simm.s32 $0x2;
	s25 =	simm.s32 $0x0  }
0xf: {  	s12 =	sadd.s32 s8, s6;
	s26 =	sshrl.u32 s14, $0x3;
	s8 =	sadd.s32 s13, s29  }
0x10: {  	s30 =	sor.u32 $0x960, s14;
	s14 =	sor.u32 $0x640, s14;
	s13 =	sadd.s32 s18, s13  }
0x11: {  	s18 =	simm.s32 $0x320;
	s6 =	sadd.s32 s15, s26;
	s10 =	sadd.s32 $0x64, s8  }
0x12: {  	s11 =	sadd.s32 $0x449800, s12;
	s12 =	smax.u32 s16, $0x1;
	s16 =	sshrl.u32 s30, $0x3  }
0x13: {  	s31 =	sshrl.u32 s14, $0x3;
	s9 =	sadd.s32 $0x64, s6;
	s14 =	sadd.s32 s16, s15  }
0x14: {  	s15 =	sadd.s32 s31, s15;
	s16 =	sshrl.u32 s17, $0x3;
	s17 =	simm.s32 $0x3  }
.LBB2_1:
0x15: {  	[spmem:s16], [sflag:s7] =	dma.local [hbm:s5], $0x3100  }
0x16: {  	_ =	swait.ge [sflag:s17], $0x3100  }
0x17: {  	[sflag:s17] =	ssyncset.done $0x0  }
0x18: {  	[sflag:s17] =	ssyncadd.s32 $0xFFFFCF00  }
0x19: {  	[bflag:$0x0] =	sbarrier.arrive $0xFFFF  }
0x1a: {  	[tilespmem:s3], [sflag:$0x3] =	stream.linear.gather [hbm4b:s6+s3], $0x320, $0x38;
	[tilespmem:$0x1F880] =	vst v63  }
0x1b: {  	_ =	swait.ge [sflag:s17], $0x320  }
0x1c: {  	[sflag:s17] =	ssyncset.done $0x0  }
0x1d: {  	[sflag:s17] =	ssyncadd.s32 $0xFFFFFCE0  }
0x1e: {  	[tilespmem:s18], [sflag:$0x3] =	stream.linear.gather [hbm4b:s8+s3], $0x320, $0x38;
	[tilespmem:$0x1F880] =	vst v63  }
0x1f: {  	_ =	swait.ge [sflag:s17], $0x320  }
0x20: {  	[sflag:s17] =	ssyncset.done $0x0  }
0x21: {  	[sflag:s17] =	ssyncadd.s32 $0xFFFFFCE0  }
0x22: {  	[tilespmem:s19], [sflag:$0x1] =	stream.indirect.gather [hbm4b:s4+s18], $0x10, s3, s18, $0xb8;
	[tilespmem:$0x1F880] =	vst v63  }
0x23: {  	_ = 	snop  }
0x24: {  	[tilespmem:s20], [sflag:$0x3] =	stream.linear.gather [hbm4b:s9+s3], $0x320, $0x38;
	[tilespmem:$0x1F880] =	vst v63  }
0x25: {  	_ =	swait.ge [sflag:s17], $0x320  }
0x26: {  	[sflag:s17] =	ssyncset.done $0x0  }
0x27: {  	[sflag:s17] =	ssyncadd.s32 $0xFFFFFCE0  }
0x28: {  	[tilespmem:s21], [sflag:$0x3] =	stream.linear.gather [hbm4b:s10+s3], $0x320, $0x38;
	[tilespmem:$0x1F880] =	vst v63  }
0x29: {  	_ =	swait.ge [sflag:s17], $0x320  }
0x2a: {  	[sflag:s17] =	ssyncset.done $0x0  }
0x2b: {  	[sflag:s17] =	ssyncadd.s32 $0xFFFFFCE0  }
0x2c: {  	[tilespmem:s22], [sflag:$0x2] =	stream.indirect.gather [hbm4b:s4+s18], $0x10, s20, s18, $0xb8;
	[tilespmem:$0x1F880] =	vst v63  }
0x2d: {  	_ =	swait.ge [sflag:s23], $0x3200  }
0x2e: {  	[sflag:s23] =	ssyncset.done $0x0  }
0x2f: {  	[sflag:s23] =	ssyncadd.s32 $0xFFFFCE00  }
0x30: {  	[spmem:s2] =	stream.indirect.scatter.add.f32 [tilespmem:s19], [sflag:$0x3], $0x10, s18, s18, $0xb8;
	[tilespmem:$0x1F880] =	vst v63  }
0x31: {  	_ =	swait.ge [sflag:s17], $0x3200  }
0x32: {  	[sflag:s17] =	ssyncset.done $0x0  }
0x33: {  	s26 =	sadd.s32 $0x0, s15;
	[sflag:s17] =	ssyncadd.s32 $0xFFFFCE00  }
0x34: {  	[tilespmem:s3], [sflag:$0x3] =	stream.linear.gather [hbm4b:s26+s3], $0x320, $0x38;
	[tilespmem:$0x1F880] =	vst v63  }
0x35: {  	_ =	swait.ge [sflag:s17], $0x320  }
0x36: {  	s30 =	sadd.s32 $0x0, s13;
	[sflag:s17] =	ssyncset.done $0x0  }
0x37: {  	s28 =	sadd.s32 $0xC8, s30;
	[sflag:s17] =	ssyncadd.s32 $0xFFFFFCE0  }
0x38: {  	[tilespmem:s18], [sflag:$0x3] =	stream.linear.gather [hbm4b:s28+s3], $0x320, $0x38;
	[tilespmem:$0x1F880] =	vst v63  }
0x39: {  	_ =	swait.ge [sflag:s17], $0x320  }
0x3a: {  	[sflag:s17] =	ssyncset.done $0x0  }
0x3b: {  	[sflag:s17] =	ssyncadd.s32 $0xFFFFFCE0  }
0x3c: {  	[tilespmem:s19], [sflag:$0x1] =	stream.indirect.gather [hbm4b:s4+s18], $0x10, s3, s18, $0xb8;
	[tilespmem:$0x1F880] =	vst v63  }
0x3d: {  	_ =	swait.ge [sflag:s24], $0x3200  }
0x3e: {  	[sflag:s24] =	ssyncset.done $0x0  }
0x3f: {  	[sflag:s24] =	ssyncadd.s32 $0xFFFFCE00  }
0x40: {  	[spmem:s2] =	stream.indirect.scatter.add.f32 [tilespmem:s22], [sflag:$0x3], $0x10, s21, s18, $0xb8;
	[tilespmem:$0x1F880] =	vst v63  }
0x41: {  	_ =	swait.ge [sflag:s17], $0x3200  }
0x42: {  	[sflag:s17] =	ssyncset.done $0x0  }
0x43: {  	s31 =	sadd.s32 $0x0, s14;
	[sflag:s17] =	ssyncadd.s32 $0xFFFFCE00  }
0x44: {  	[tilespmem:s20], [sflag:$0x3] =	stream.linear.gather [hbm4b:s31+s3], $0x320, $0x38;
	[tilespmem:$0x1F880] =	vst v63  }
0x45: {  	_ =	swait.ge [sflag:s17], $0x320  }
0x46: {  	[sflag:s17] =	ssyncset.done $0x0  }
0x47: {  	s26 =	sadd.s32 $0x12C, s30;
	[sflag:s17] =	ssyncadd.s32 $0xFFFFFCE0  }
0x48: {  	[tilespmem:s21], [sflag:$0x3] =	stream.linear.gather [hbm4b:s26+s3], $0x320, $0x38;
	[tilespmem:$0x1F880] =	vst v63  }
0x49: {  	_ =	swait.ge [sflag:s17], $0x320  }
0x4a: {  	[sflag:s17] =	ssyncset.done $0x0  }
0x4b: {  	s26 =	simm.s32 $0xC8;
	[sflag:s17] =	ssyncadd.s32 $0xFFFFFCE0  }
.LBB2_2:
0x4c: {  	[tilespmem:s22], [sflag:$0x2] =	stream.indirect.gather [hbm4b:s4+s18], $0x10, s20, s18, $0xb8;
	[tilespmem:$0x1F880] =	vst v63  }
0x4d: {  	s28 =	smov.u32 s26  }
0x4e: {  	p0 =	sne.s32 s26, $0x3070;
	s26 =	sadd.s32 $0xC8, s26;
	_ =	swait.ge [sflag:s23], $0x3200  }
0x4f: {  	[sflag:s23] =	ssyncset.done $0x0  }
0x50: {  	[sflag:s23] =	ssyncadd.s32 $0xFFFFCE00  }
0x51: {  	[spmem:s2] =	stream.indirect.scatter.add.f32 [tilespmem:s19], [sflag:$0x3], $0x10, s18, s18, $0xb8;
	[tilespmem:$0x1F880] =	vst v63  }
0x52: {  	_ =	swait.ge [sflag:s17], $0x3200  }
0x53: {  	[sflag:s17] =	ssyncset.done $0x0  }
0x54: {  	s29 =	sadd.s32 s28, s15;
	[sflag:s17] =	ssyncadd.s32 $0xFFFFCE00  }
0x55: {  	[tilespmem:s3], [sflag:$0x3] =	stream.linear.gather [hbm4b:s29+s3], $0x320, $0x38;
	[tilespmem:$0x1F880] =	vst v63  }
0x56: {  	_ =	swait.ge [sflag:s17], $0x320  }
0x57: {  	s29 =	sadd.s32 s28, s13;
	[sflag:s17] =	ssyncset.done $0x0  }
0x58: {  	s30 =	sadd.s32 $0xC8, s29;
	[sflag:s17] =	ssyncadd.s32 $0xFFFFFCE0  }
0x59: {  	[tilespmem:s18], [sflag:$0x3] =	stream.linear.gather [hbm4b:s30+s3], $0x320, $0x38;
	[tilespmem:$0x1F880] =	vst v63  }
0x5a: {  	_ =	swait.ge [sflag:s17], $0x320  }
0x5b: {  	[sflag:s17] =	ssyncset.done $0x0  }
0x5c: {  	[sflag:s17] =	ssyncadd.s32 $0xFFFFFCE0  }
0x5d: {  	[tilespmem:s19], [sflag:$0x1] =	stream.indirect.gather [hbm4b:s4+s18], $0x10, s3, s18, $0xb8;
	[tilespmem:$0x1F880] =	vst v63  }
0x5e: {  	_ =	swait.ge [sflag:s24], $0x3200  }
0x5f: {  	[sflag:s24] =	ssyncset.done $0x0  }
0x60: {  	[sflag:s24] =	ssyncadd.s32 $0xFFFFCE00  }
0x61: {  	[spmem:s2] =	stream.indirect.scatter.add.f32 [tilespmem:s22], [sflag:$0x3], $0x10, s21, s18, $0xb8;
	[tilespmem:$0x1F880] =	vst v63  }
0x62: {  	_ =	swait.ge [sflag:s17], $0x3200  }
0x63: {  	[sflag:s17] =	ssyncset.done $0x0  }
0x64: {  	s28 =	sadd.s32 s28, s14;
	[sflag:s17] =	ssyncadd.s32 $0xFFFFCE00  }
0x65: {  	[tilespmem:s20], [sflag:$0x3] =	stream.linear.gather [hbm4b:s28+s3], $0x320, $0x38;
	[tilespmem:$0x1F880] =	vst v63  }
0x66: {  	_ =	swait.ge [sflag:s17], $0x320  }
0x67: {  	[sflag:s17] =	ssyncset.done $0x0  }
.Ltmp0:
0x68: {  	s28 =	sadd.s32 $0x12C, s29;
	[sflag:s17] =	ssyncadd.s32 $0xFFFFFCE0;
	(pc) =	sbr.rel @p0 .LBB2_2-.Ltmp0, $4  }
0x69: {  	[tilespmem:s21], [sflag:$0x3] =	stream.linear.gather [hbm4b:s28+s3], $0x320, $0x38;
	[tilespmem:$0x1F880] =	vst v63  }
0x6a: {  	_ =	swait.ge [sflag:s17], $0x320  }
0x6b: {  	[sflag:s17] =	ssyncset.done $0x0  }
0x6c: {  	[sflag:s17] =	ssyncadd.s32 $0xFFFFFCE0  }
0x6d: {  	[tilespmem:s22], [sflag:$0x2] =	stream.indirect.gather [hbm4b:s4+s18], $0x10, s20, s18, $0xb8;
	[tilespmem:$0x1F880] =	vst v63  }
0x6e: {  	_ =	swait.ge [sflag:s23], $0x3200  }
0x6f: {  	[sflag:s23] =	ssyncset.done $0x0  }
0x70: {  	[sflag:s23] =	ssyncadd.s32 $0xFFFFCE00  }
0x71: {  	[spmem:s2] =	stream.indirect.scatter.add.f32 [tilespmem:s19], [sflag:$0x3], $0x10, s18, s18, $0xb8;
	[tilespmem:$0x1F880] =	vst v63  }
0x72: {  	_ =	swait.ge [sflag:s17], $0x3200  }
0x73: {  	[sflag:s17] =	ssyncset.done $0x0  }
0x74: {  	[sflag:s17] =	ssyncadd.s32 $0xFFFFCE00  }
0x75: {  	_ =	swait.ge [sflag:s24], $0x3200  }
0x76: {  	[sflag:s24] =	ssyncset.done $0x0  }
0x77: {  	[sflag:s24] =	ssyncadd.s32 $0xFFFFCE00  }
0x78: {  	[spmem:s2] =	stream.indirect.scatter.add.f32 [tilespmem:s22], [sflag:$0x3], $0x10, s21, s18, $0xb8;
	[tilespmem:$0x1F880] =	vst v63  }
0x79: {  	_ =	swait.ge [sflag:s17], $0x3200  }
0x7a: {  	s25 =	sadd.s32 $0x1, s25;
	[sflag:s17] =	ssyncset.done $0x0  }
0x7b: {  	p0 =	sne.s32 s25, s12;
	[sflag:s17] =	ssyncadd.s32 $0xFFFFCE00  }
.Ltmp1:
0x7c: {  	[bflag:$0x0] =	sbarrier.arrive $0xFFFF;
	(pc) =	sbr.rel @p0 .LBB2_1-.Ltmp1, $4  }
0x7d: {  	[hbm:s11], [sflag:s7] =	dma.local [spmem:s16], $0x3100  }
0x7e: {  	_ =	swait.ge [sflag:s17], $0x3100  }
0x7f: {  	[sflag:s17] =	ssyncset.done $0x0  }
0x80: {  	[sflag:s17] =	ssyncadd.s32 $0xFFFFCF00  }
0x81: {  	_ =	sfence.sel $0x180000  }
0x82: {  	[bflag:$0x0] =	sbarrier.arrive $0xFFFF  }
0x83: {  	p0 =	sne.s32 s1, $0x0;
	_ =	strace $0x90000056  }
0x84: {  	s0 =	sadd.s32 @!p0 $0x100000, s0;
	[bflag:$0x2] =	sbarrier.arrive $0xFFFF  }
0x85: {  	[sflag:s0] =	ssyncadd.tile.s32 @!p0 $0x1;
	_ =	shalt  }
.Lfunc_end2:
_tile_overlayer_lowered:
.L_overlay_start_2:
0x86: {  	(tag) =	ssettag $0x2  }
0x87: {  	s0 =	rddreg [dreg:$0x0];
	s2 =	stileid.u32  }
0x88: {  	s1 =	rddreg [dreg:$0x1];
	p0 =	sne.s32 s2, $0x0  }
0x89: {  	s3 =	rddreg [dreg:$0x2];
	[bflag:$0x3] =	sbarrier.arrive $0xFFFF;
	s2 =	simm.s32 @!p0 $0x1C03  }
0x8a: {  	[timem:s3], [sflag:s2] =	dma.local @!p0 [hbm:s0], s1  }
0x8b: {  	s0 =	simm.s32 @!p0 $0x3  }
0x8c: {  	_ =	swait.ge @!p0 [sflag:s0], s1  }
0x8d: {  	s1 =	ssub.s32 @!p0 $0x0, s1;
	[sflag:s0] =	ssyncset.done @!p0 $0x0  }
0x8e: {  	[sflag:s0] =	ssyncadd.s32 @!p0 s1  }
0x8f: {  	[bflag:$0x3] =	sbarrier.arrive $0xFFFF  }
0x90: {  	_ =	shalt  }

</sc_bundles>
